<compile_context>
chip_gen: v7x
topology: tpu7x:2x2x1
jax: 0.10.2.dev20260603
libtpu: 0.0.44.dev20260713+nightly
codegen_flags: <defaults>
</compile_context>

<pallas_src>
import jax
import jax.numpy as jnp
import numpy as np
from jax import lax
from jax.experimental import pallas as pl
from jax.experimental.pallas import tpu as pltpu
from jax.experimental.pallas import tpu_sc as plsc

E = 256
H = 8
HD = E // H
P0, P1 = 32, 32
G = P0 * P1
M = 4
N = 8192
NTOK = M * N
HTOK = NTOK // 2
NC, NS = 2, 16
NW = NC * NS
CH = 128
CHS = 1024
RPS = HTOK // NC
F32 = jnp.float32
SCALE = np.float32(1.0 / np.sqrt(HD))


def _lat_body(latfT_ref, x0_ref, x1_ref, wq_ref, wk_ref, wv_ref, s_ref,
              e816_ref, qlat_ref, vgT_ref, ps16T_ref, cell_ref):
    sp = np.float32(1.0) / np.float32(P0 - 1)
    half = sp / np.float32(2.0)
    i0 = jnp.clip(jnp.floor((x0_ref[...] + half) / sp), 0.0, np.float32(P0 - 1))
    i1 = jnp.clip(jnp.floor((x1_ref[...] + half) / sp), 0.0, np.float32(P1 - 1))
    cell_ref[...] = (i0 * np.float32(P1) + i1).astype(jnp.int32)

    latfT = latfT_ref[...]
    q = lax.dot_general(latfT, wq_ref[...], (((0,), (0,)), ((), ())),
                        preferred_element_type=F32)
    kg = lax.dot_general(latfT, wk_ref[...], (((0,), (0,)), ((), ())),
                         preferred_element_type=F32)
    vgT_ref[...] = lax.dot_general(wv_ref[...], latfT, (((0,), (0,)), ((), ())),
                                   preferred_element_type=F32)
    qbits = lax.bitcast_convert_type(q, jnp.int32)
    qr = (qbits + 0x7FFF + ((qbits >> 16) & 1)) >> 16
    lo = qr[:, :E // 2] & 0xFFFF
    hi = qr[:, E // 2:] << 16
    qlat_ref[...] = lo | hi
    l8 = jnp.dot(q * kg, s_ref[...], preferred_element_type=F32) * SCALE
    psT = jnp.exp(l8).T
    ps16T_ref[...] = lax.dot_general(e816_ref[...], psT, (((0,), (0,)), ((), ())),
                                     preferred_element_type=F32)


def _fused_w_body(z_ref, qt_ref, wk_ref, wv_ref, s_ref, e816_ref,
                  wT_ref, p16T_ref):
    zb = z_ref[...]
    k = jnp.dot(zb, wk_ref[...], preferred_element_type=F32)
    packed = qt_ref[...]
    qa = lax.bitcast_convert_type(packed << 16, F32)
    qb = lax.bitcast_convert_type(packed & np.int32(-65536), F32)
    qk = jnp.concatenate([qa * k[:, :E // 2], qb * k[:, E // 2:]], axis=1)
    l8 = jnp.dot(qk, s_ref[...], preferred_element_type=F32) * SCALE
    pT = jnp.exp(l8).T
    vT = lax.dot_general(wv_ref[...], zb, (((0,), (1,)), ((), ())),
                         preferred_element_type=F32)
    prepT = jnp.dot(s_ref[...], pT, preferred_element_type=F32)
    wT_ref[...] = prepT * vT
    p16T_ref[...] = lax.dot_general(e816_ref[...], pT, (((0,), (0,)), ((), ())),
                                    preferred_element_type=F32)


def _final_body(numT_ref, denT_ref, ps16T_ref, vgT_ref, wo_ref, st16_ref,
                out_ref):
    ps_repT = lax.dot_general(st16_ref[...], ps16T_ref[...],
                              (((0,), (0,)), ((), ())),
                              preferred_element_type=F32)
    numerT = numT_ref[...] + ps_repT * vgT_ref[...]
    den_repT = lax.dot_general(st16_ref[...], denT_ref[...] + ps16T_ref[...],
                               (((0,), (0,)), ((), ())),
                               preferred_element_type=F32)
    attnT = numerT / den_repT
    out_ref[...] = lax.dot_general(attnT, wo_ref[...], (((0,), (0,)), ((), ())),
                                   preferred_element_type=F32)


def _mk_gather_body(tok0):
    def body(qlat_hbm, cell_hbm, out_hbm,
             idx_v0, idx_v1, rows_v0, rows_v1, stage_v, sh_tbl,
             sem_i0, sem_i1, sem_g, sem_o0, sem_o1):
        c = lax.axis_index("c")
        s = lax.axis_index("s")
        wid = s * NC + c
        per_w = HTOK // NW
        nchunks = per_w // CH
        bufs = ((idx_v0, rows_v0, sem_i0, sem_o0),
                (idx_v1, rows_v1, sem_i1, sem_o1))

        def base_of(ci):
            return wid * per_w + ci * CH

        pltpu.async_copy(cell_hbm.at[pl.ds(tok0 + base_of(0), CH)], idx_v0,
                         sem_i0)

        rs = G // NS
        pltpu.sync_copy(qlat_hbm.at[pl.ds(s * rs, rs)], stage_v)
        pltpu.sync_copy(stage_v, sh_tbl.at[pl.ds(s * rs, rs)])
        plsc.subcore_barrier()

        def pair(i, carry):
            for b in range(2):
                ci = i * 2 + b
                idx_v, rows_v, sem_i, sem_o = bufs[b]
                nidx_v, _, nsem_i, _ = bufs[1 - b]
                pltpu.make_async_copy(cell_hbm.at[pl.ds(0, CH)], idx_v,
                                      sem_i).wait()

                @pl.when(ci + 1 < nchunks)
                def _():
                    pltpu.async_copy(
                        cell_hbm.at[pl.ds(tok0 + base_of(ci + 1), CH)],
                        nidx_v, nsem_i)

                @pl.when(ci >= 2)
                def _():
                    pltpu.make_async_copy(rows_v, out_hbm.at[pl.ds(0, CH)],
                                          sem_o).wait()

                pltpu.async_copy(sh_tbl.at[idx_v], rows_v, sem_g).wait()
                pltpu.async_copy(rows_v, out_hbm.at[pl.ds(base_of(ci), CH)],
                                 sem_o)
            return carry

        lax.fori_loop(0, nchunks // 2, pair, 0)
        pltpu.make_async_copy(rows_v0, out_hbm.at[pl.ds(0, CH)], sem_o0).wait()
        pltpu.make_async_copy(rows_v1, out_hbm.at[pl.ds(0, CH)], sem_o1).wait()

    return body


def _mk_scatter_body(tok0):
    def body(wT_hbm, p16T_hbm, cell_hbm, numT_hbm, denT_hbm,
             cell_v0, cell_v1, w_v0, w_v1, acc, pbuf, sh_p, sem0, sem1):
        c = lax.axis_index("c")
        s = lax.axis_index("s")
        bufs = ((cell_v0, w_v0, sem0), (cell_v1, w_v1, sem1))
        z16 = jnp.zeros((16,), F32)

        def zero_acc():
            def zr(i, carry):
                acc[i // (G // 16), pl.ds((i % (G // 16)) * 16, 16)] = z16
                return carry

            lax.fori_loop(0, 16 * (G // 16), zr, 0)

        def accumulate(cell_v, w_v, nt):
            def tblk(t, carry):
                rows = cell_v[pl.ds(t * 16, 16)]
                vals = [w_v[j, pl.ds(t * 16, 16)] for j in range(16)]
                for j in range(16):
                    plsc.addupdate_scatter(
                        acc, [jnp.full((16,), j, jnp.int32), rows], vals[j])
                return carry

            lax.fori_loop(0, nt // 16, tblk, 0)

        def start(i, src_hbm, row0, sc_tok0, b, nt):
            cell_v, w_v, sem = bufs[b]
            base = sc_tok0 + i * CHS
            pltpu.async_copy(cell_hbm.at[pl.ds(base, nt)],
                             cell_v.at[pl.ds(0, nt)], sem)
            pltpu.async_copy(src_hbm.at[pl.ds(row0, 16),
                                        pl.ds(base - tok0, nt)],
                             w_v.at[:, pl.ds(0, nt)], sem)

        def wait_bufs(b, src_hbm, row0, nt):
            cell_v, w_v, sem = bufs[b]
            pltpu.make_async_copy(cell_hbm.at[pl.ds(0, nt)],
                                  cell_v.at[pl.ds(0, nt)], sem).wait()
            pltpu.make_async_copy(src_hbm.at[pl.ds(row0, 16), pl.ds(0, nt)],
                                  w_v.at[:, pl.ds(0, nt)], sem).wait()

        def run_pass(src_hbm, row0, sc_tok0, nchunks):
            start(0, src_hbm, row0, sc_tok0, 0, CHS)

            def pair(i, carry):
                for b in range(2):
                    ci = i * 2 + b
                    wait_bufs(b, src_hbm, row0, CHS)

                    @pl.when(ci + 1 < nchunks)
                    def _():
                        start(ci + 1, src_hbm, row0, sc_tok0, 1 - b, CHS)

                    accumulate(bufs[b][0], bufs[b][1], CHS)
                return carry

            lax.fori_loop(0, nchunks // 2, pair, 0)

        zero_acc()
        run_pass(wT_hbm, s * 16, tok0 + c * RPS, RPS // CHS)
        pltpu.sync_copy(acc, numT_hbm.at[pl.ds(s * 16, 16), pl.ds(c * G, G)])

        zero_acc()
        per_tile = RPS // NS
        start(0, p16T_hbm, 0, tok0 + c * RPS + s * per_tile, 0, per_tile)
        wait_bufs(0, p16T_hbm, 0, per_tile)
        accumulate(cell_v0, w_v0, per_tile)
        pltpu.sync_copy(acc, sh_p.at[s])
        plsc.subcore_barrier()

        cs = 128
        @pl.when(s < 8)
        def _():
            pltpu.sync_copy(sh_p.at[:, :, pl.ds(s * cs, cs)], pbuf)

            def comb(i, carry):
                h = i // (cs // 16)
                c0 = (i % (cs // 16)) * 16

                def part(j, a):
                    return a + pbuf[j, h, pl.ds(c0, 16)]

                w_v0[h, pl.ds(c0, 16)] = lax.fori_loop(0, NS, part,
                                                       jnp.zeros((16,), F32))
                return carry

            lax.fori_loop(0, 16 * (cs // 16), comb, 0)
            pltpu.sync_copy(w_v0.at[:, pl.ds(0, cs)],
                            denT_hbm.at[:, pl.ds(c * G + s * cs, cs)])

    return body


def kernel(x, z, latents, Wq, Wk, Wv, Wo):
    hid = np.arange(E) // HD
    s_mat = jnp.asarray((hid[:, None] == np.arange(H)[None, :]).astype(np.float32))
    e816 = jnp.asarray(np.eye(H, 16, dtype=np.float32))
    st16 = jnp.asarray((hid[None, :] == np.arange(16)[:, None]).astype(np.float32))

    latfT = latents.reshape(G, E).T
    qlat, vgT, ps16T, cell = pl.pallas_call(
        _lat_body,
        out_shape=(jax.ShapeDtypeStruct((G, E // 2), jnp.int32),
                   jax.ShapeDtypeStruct((E, G), F32),
                   jax.ShapeDtypeStruct((16, G), F32),
                   jax.ShapeDtypeStruct((M, N), jnp.int32)),
    )(latfT, x[..., 0], x[..., 1], Wq, Wk, Wv, s_mat, e816)
    cell_flat = cell.reshape(NTOK)

    mesh = plsc.VectorSubcoreMesh(core_axis_name="c", subcore_axis_name="s",
                                  num_cores=NC, num_subcores=NS)
    sc_params = pltpu.CompilerParams(needs_layout_passes=False)

    def gather_half(h):
        return pl.kernel(
            _mk_gather_body(h * HTOK),
            out_type=jax.ShapeDtypeStruct((HTOK, E // 2), jnp.int32),
            mesh=mesh,
            scratch_types=[
                pltpu.VMEM((CH,), jnp.int32),
                pltpu.VMEM((CH,), jnp.int32),
                pltpu.VMEM((CH, E // 2), jnp.int32),
                pltpu.VMEM((CH, E // 2), jnp.int32),
                pltpu.VMEM((G // NS, E // 2), jnp.int32),
                pltpu.VMEM_SHARED((G, E // 2), jnp.int32),
                pltpu.SemaphoreType.DMA,
                pltpu.SemaphoreType.DMA,
                pltpu.SemaphoreType.DMA,
                pltpu.SemaphoreType.DMA,
                pltpu.SemaphoreType.DMA,
            ],
        )(qlat, cell_flat)

    BT = 1024

    def fused_half(h):
        nblk = HTOK // BT
        return pl.pallas_call(
            _fused_w_body,
            grid=(nblk,),
            in_specs=[
                pl.BlockSpec((BT, E), lambda i: (i + h * nblk, 0)),
                pl.BlockSpec((BT, E // 2), lambda i: (i, 0)),
                pl.BlockSpec((E, E), lambda i: (0, 0)),
                pl.BlockSpec((E, E), lambda i: (0, 0)),
                pl.BlockSpec((E, H), lambda i: (0, 0)),
                pl.BlockSpec((H, 16), lambda i: (0, 0)),
            ],
            out_specs=(pl.BlockSpec((E, BT), lambda i: (0, i)),
                       pl.BlockSpec((16, BT), lambda i: (0, i))),
            out_shape=(jax.ShapeDtypeStruct((E, HTOK), F32),
                       jax.ShapeDtypeStruct((16, HTOK), F32)),
        )(z.reshape(NTOK, E), qt[h], Wk, Wv, s_mat, e816)

    def scatter_half(h):
        return pl.kernel(
            _mk_scatter_body(h * HTOK),
            out_type=(jax.ShapeDtypeStruct((E, 2 * G), F32),
                      jax.ShapeDtypeStruct((16, 2 * G), F32)),
            mesh=mesh,
            compiler_params=sc_params,
            scratch_types=[
                pltpu.VMEM((CHS,), jnp.int32),
                pltpu.VMEM((CHS,), jnp.int32),
                pltpu.VMEM((16, CHS), F32),
                pltpu.VMEM((16, CHS), F32),
                pltpu.VMEM((16, G), F32),
                pltpu.VMEM((NS, 16, 128), F32),
                pltpu.VMEM_SHARED((NS, 16, G), F32),
                pltpu.SemaphoreType.DMA,
                pltpu.SemaphoreType.DMA,
            ],
        )(wT[h], p16T[h], cell_flat)

    def final_half(h):
        return pl.pallas_call(
            _final_body,
            grid=(2,),
            in_specs=[
                pl.BlockSpec((E, G), lambda i: (0, i)),
                pl.BlockSpec((16, G), lambda i: (0, i)),
                pl.BlockSpec((16, G), lambda i: (0, 0)),
                pl.BlockSpec((E, G), lambda i: (0, 0)),
                pl.BlockSpec((E, E), lambda i: (0, 0)),
                pl.BlockSpec((16, E), lambda i: (0, 0)),
            ],
            out_specs=pl.BlockSpec((G, E), lambda i: (i, 0)),
            out_shape=jax.ShapeDtypeStruct((2 * G, E), F32),
        )(numT[h], denT[h], ps16T, vgT, Wo, st16)

    qt, wT, p16T, numT, denT, out = {}, {}, {}, {}, {}, {}
    for h in range(2):
        qt[h] = gather_half(h)
        wT[h], p16T[h] = fused_half(h)
        numT[h], denT[h] = scatter_half(h)
        out[h] = final_half(h)

    z_grid = jnp.concatenate([out[0], out[1]], axis=0).reshape(M, P0, P1, E)

    axes = [jnp.linspace(r[0], r[1], p, dtype=F32)
            for r, p in zip(((0.0, 1.0), (0.0, 1.0)), (P0, P1))]
    grid_pts = jnp.stack(jnp.meshgrid(*axes, indexing="ij"), axis=-1)
    x_grid = jnp.broadcast_to(grid_pts[None], (M, P0, P1, 2))
    return x_grid, z_grid

# --- scband reference (transcript-rebuilt; emitter-appended) ---
"""Pipeline reference for scband-pseudo-token-grid-encoder-86251533238894 (READ-ONLY COPY).

The authoritative reference and input builder live on the scoring server;
editing this copy changes nothing except your own understanding.
"""

import jax, jax.numpy as jnp
import numpy as np

EMBED_DIM = 256
NUM_HEADS = 8
GRID_RANGE = ((0.0, 1.0), (0.0, 1.0))
POINTS_PER_DIM = (32, 32)


def construct_grid():
    axes = [jnp.linspace(r[0], r[1], p, dtype=jnp.float32) for r, p in zip(GRID_RANGE, POINTS_PER_DIM)]
    mesh = jnp.meshgrid(*axes, indexing="ij")
    return jnp.stack(mesh, axis=-1)  # [32, 32, 2]


def nearest_gridded_neighbours(x, x_grid):
    # k=1 nearest grid point on a regular grid (matches torch floor-div impl)
    b = x.shape[0]
    grid_dims = x_grid.shape[1:-1]
    grid_shape = jnp.asarray(grid_dims, dtype=x.dtype)
    x_grid_flat = x_grid.reshape(b, -1, x_grid.shape[-1])
    gmin = x_grid_flat.min(axis=1)
    gmax = x_grid_flat.max(axis=1)
    spacing = (gmax - gmin) / (grid_shape - 1.0)
    nearest_multi = jnp.floor((x - gmin[:, None, :] + spacing[:, None, :] / 2.0) / spacing[:, None, :])
    nearest_multi = jnp.clip(nearest_multi, 0.0, grid_shape - 1.0)
    strides_np = np.flip(np.cumprod(np.concatenate(([1], np.array(grid_dims)[::-1])))[:-1]).copy()
    strides = jnp.asarray(strides_np, dtype=x.dtype)
    nearest_idx = (nearest_multi * strides).sum(-1).astype(jnp.int32)
    return nearest_idx  # [m, n]


def compute_cumcount_idx(nearest_idx):
    m, n = nearest_idx.shape
    order = jnp.argsort(nearest_idx, axis=1, stable=True)
    inverse = jnp.argsort(order, axis=1, stable=True)
    sv = jnp.take_along_axis(nearest_idx, order, axis=1)
    pos = jnp.broadcast_to(jnp.arange(n)[None, :], (m, n))
    is_new = jnp.concatenate([jnp.ones((m, 1), dtype=bool), sv[:, 1:] != sv[:, :-1]], axis=1)
    first_pos = jax.lax.cummax(jnp.where(is_new, pos, 0), axis=1)
    cum_sorted = pos - first_pos
    return jnp.take_along_axis(cum_sorted, inverse, axis=1)  # [m, n]


def mhca(xq, xkv, mask, Wq, Wk, Wv, Wo):
    B, Nq, E = xq.shape
    H = NUM_HEADS
    hd = E // H
    q = (xq @ Wq).reshape(B, Nq, H, hd).transpose(0, 2, 1, 3)
    k = (xkv @ Wk).reshape(B, xkv.shape[1], H, hd).transpose(0, 2, 1, 3)
    v = (xkv @ Wv).reshape(B, xkv.shape[1], H, hd).transpose(0, 2, 1, 3)
    logits = (q @ k.transpose(0, 1, 3, 2)) / np.sqrt(hd)
    logits = jnp.where(mask[:, None, :, :], logits, -1e30)
    attn = jax.nn.softmax(logits, axis=-1)
    out = (attn @ v).transpose(0, 2, 1, 3).reshape(B, Nq, E)
    return out @ Wo


def setup_inputs(seed: int = 0) -> dict:
    key = jax.random.key(seed)
    ks = jax.random.split(key, 8)
    m, n, dx, e = 4, 8192, 2, EMBED_DIM
    x = jax.random.uniform(ks[0], (m, n, dx), dtype=jnp.float32)
    z = jax.random.normal(ks[1], (m, n, e), dtype=jnp.float32)
    latents = jax.random.normal(ks[2], (POINTS_PER_DIM[0], POINTS_PER_DIM[1], e), dtype=jnp.float32)
    s = 1.0 / np.sqrt(e)
    Wq = jax.random.normal(ks[3], (e, e), dtype=jnp.float32) * s
    Wk = jax.random.normal(ks[4], (e, e), dtype=jnp.float32) * s
    Wv = jax.random.normal(ks[5], (e, e), dtype=jnp.float32) * s
    Wo = jax.random.normal(ks[6], (e, e), dtype=jnp.float32) * s
    return {"x": x, "z": z, "latents": latents, "Wq": Wq, "Wk": Wk, "Wv": Wv, "Wo": Wo}


def reference(x, z, latents, Wq, Wk, Wv, Wo):
    m, n, _ = x.shape
    e = z.shape[-1]
    grid = construct_grid()
    G = int(np.prod(POINTS_PER_DIM))
    x_grid = jnp.broadcast_to(grid[None], (m,) + grid.shape)
    z_grid0 = jnp.broadcast_to(latents[None], (m,) + latents.shape)

    nearest_idx = nearest_gridded_neighbours(x, x_grid)

    # each grid query attends to the off-grid tokens of its own cell plus its own grid token
    cell_ids = jnp.arange(G, dtype=nearest_idx.dtype)
    tok_mask = nearest_idx[:, None, :] == cell_ids[None, :, None]  # [m, G, n]
    grid_mask = jnp.broadcast_to(jnp.eye(G, dtype=bool)[None], (m, G, G))
    att_mask = jnp.concatenate([tok_mask, grid_mask], axis=-1)  # [m, G, n+G]

    q_in = z_grid0.reshape(m, G, e)
    kv = jnp.concatenate([z, q_in], axis=1)  # [m, n+G, e]; grid token is the final key of each cell
    out = mhca(q_in, kv, att_mask, Wq, Wk, Wv, Wo)  # [m, G, e]
    z_grid = out.reshape(m, POINTS_PER_DIM[0], POINTS_PER_DIM[1], e)
    return x_grid, z_grid

if __name__ == "__main__":
    import jax
    _d = setup_inputs()
    print(jax.jit(kernel)(*tuple(_d.values())))

</pallas_src>

<mosaic_0001>
#map = affine_map<(d0, d1) -> (0, 0)>
#map1 = affine_map<(d0, d1) -> (0)>
module attributes {stable_mosaic.version = 14 : i64} {
  func.func @body(%arg0: i32, %arg1: i32, %arg2: memref<1024x128xi32, #tpu.memory_space<hbm>>, %arg3: memref<32768xi32, #tpu.memory_space<hbm>>, %arg4: memref<16384x128xi32, #tpu.memory_space<hbm>>, %arg5: memref<128xi32, #tpu.memory_space<vmem>>, %arg6: memref<128xi32, #tpu.memory_space<vmem>>, %arg7: memref<128x128xi32, #tpu.memory_space<vmem>>, %arg8: memref<128x128xi32, #tpu.memory_space<vmem>>, %arg9: memref<64x128xi32, #tpu.memory_space<vmem>>, %arg10: memref<1024x128xi32, #tpu.memory_space<vmem_shared>>, %arg11: memref<!tpu.dma_semaphore, #tpu.memory_space<semaphore_mem>>, %arg12: memref<!tpu.dma_semaphore, #tpu.memory_space<semaphore_mem>>, %arg13: memref<!tpu.dma_semaphore, #tpu.memory_space<semaphore_mem>>, %arg14: memref<!tpu.dma_semaphore, #tpu.memory_space<semaphore_mem>>, %arg15: memref<!tpu.dma_semaphore, #tpu.memory_space<semaphore_mem>>) attributes {dimension_semantics = [#tpu.dimension_semantics<core_parallel>, #tpu.dimension_semantics<subcore_parallel>], iteration_bounds = array<i64: 2, 16>, scalar_prefetch = 0 : i64, scratch_operands = 11 : i64, tpu.core_type = #tpu.core_type<sc_vector_subcore>, window_params = [{transform_indices = #map}, {transform_indices = #map1}, {transform_indices = #map}]} {
    %mul3A = arith.constant 2 : i32
    %mul3A_0 = arith.muli %arg1, %mul3A : i32
    %add3A = arith.addi %mul3A_0, %arg0 : i32
    %mul3A_1 = arith.constant 512 : i32
    %mul3A_2 = arith.muli %add3A, %mul3A_1 : i32
    %add3A_3 = arith.constant 0 : i32
    %add3A_4 = arith.addi %mul3A_2, %add3A_3 : i32
    %add3A_5 = arith.constant 16384 : i32
    %add3A_6 = arith.addi %add3A_5, %add3A_4 : i32
    %dma_start3A = tpu.memref_slice %arg3[%add3A_6] : memref<32768xi32, #tpu.memory_space<hbm>> -> memref<128xi32, #tpu.memory_space<hbm>>
    %dma_start3A_7 = tpu.memref_slice %arg3[%add3A_6] : memref<32768xi32, #tpu.memory_space<hbm>> -> memref<128xi32, #tpu.memory_space<hbm>>
    tpu.enqueue_dma source(%dma_start3A_7 : memref<128xi32, #tpu.memory_space<hbm>>) target(%arg5 : memref<128xi32, #tpu.memory_space<vmem>>) target_semaphore(%arg11 : memref<!tpu.dma_semaphore, #tpu.memory_space<semaphore_mem>>)
    %mul3A_8 = arith.constant 64 : i32
    %mul3A_9 = arith.muli %arg1, %mul3A_8 : i32
    "tpu.region"() ({
      %run_scoped3A = tpu.sem_alloc : memref<!tpu.dma_semaphore, #tpu.memory_space<semaphore_mem>>
      %dma_start3A_28 = arith.constant 0 : i32
      %dma_start3A_29 = tpu.memref_slice %arg2[%mul3A_9, %dma_start3A_28] : memref<1024x128xi32, #tpu.memory_space<hbm>> -> memref<64x128xi32, #tpu.memory_space<hbm>>
      %dma_start3A_30 = arith.constant 0 : i32
      %dma_start3A_31 = tpu.memref_slice %arg2[%mul3A_9, %dma_start3A_30] : memref<1024x128xi32, #tpu.memory_space<hbm>> -> memref<64x128xi32, #tpu.memory_space<hbm>>
      tpu.enqueue_dma source(%dma_start3A_31 : memref<64x128xi32, #tpu.memory_space<hbm>>) target(%arg9 : memref<64x128xi32, #tpu.memory_space<vmem>>) target_semaphore(%run_scoped3A : memref<!tpu.dma_semaphore, #tpu.memory_space<semaphore_mem>>)
      %dma_wait3A_32 = arith.constant 0 : i32
      %dma_wait3A_33 = tpu.memref_slice %arg2[%mul3A_9, %dma_wait3A_32] : memref<1024x128xi32, #tpu.memory_space<hbm>> -> memref<64x128xi32, #tpu.memory_space<hbm>>
      %dma_wait3A_34 = arith.constant 0 : i32
      %dma_wait3A_35 = tpu.memref_slice %arg2[%mul3A_9, %dma_wait3A_34] : memref<1024x128xi32, #tpu.memory_space<hbm>> -> memref<64x128xi32, #tpu.memory_space<hbm>>
      tpu.wait_dma2 semaphore(%run_scoped3A : memref<!tpu.dma_semaphore, #tpu.memory_space<semaphore_mem>>) src(%dma_wait3A_35 : memref<64x128xi32, #tpu.memory_space<hbm>>) dst(%arg9 : memref<64x128xi32, #tpu.memory_space<vmem>>)
      tpu.yield
    }) : () -> ()
    %mul3A_10 = arith.constant 64 : i32
    %mul3A_11 = arith.muli %arg1, %mul3A_10 : i32
    "tpu.region"() ({
      %run_scoped3A = tpu.sem_alloc : memref<!tpu.dma_semaphore, #tpu.memory_space<semaphore_mem>>
      %dma_start3A_28 = arith.constant 0 : i32
      %dma_start3A_29 = tpu.memref_slice %arg10[%mul3A_11, %dma_start3A_28] : memref<1024x128xi32, #tpu.memory_space<vmem_shared>> -> memref<64x128xi32, #tpu.memory_space<vmem_shared>>
      %dma_start3A_30 = arith.constant 0 : i32
      %dma_start3A_31 = tpu.memref_slice %arg10[%mul3A_11, %dma_start3A_30] : memref<1024x128xi32, #tpu.memory_space<vmem_shared>> -> memref<64x128xi32, #tpu.memory_space<vmem_shared>>
      tpu.enqueue_dma source(%arg9 : memref<64x128xi32, #tpu.memory_space<vmem>>) target(%dma_start3A_31 : memref<64x128xi32, #tpu.memory_space<vmem_shared>>) target_semaphore(%run_scoped3A : memref<!tpu.dma_semaphore, #tpu.memory_space<semaphore_mem>>)
      %dma_wait3A_32 = arith.constant 0 : i32
      %dma_wait3A_33 = tpu.memref_slice %arg10[%mul3A_11, %dma_wait3A_32] : memref<1024x128xi32, #tpu.memory_space<vmem_shared>> -> memref<64x128xi32, #tpu.memory_space<vmem_shared>>
      %dma_wait3A_34 = arith.constant 0 : i32
      %dma_wait3A_35 = tpu.memref_slice %arg10[%mul3A_11, %dma_wait3A_34] : memref<1024x128xi32, #tpu.memory_space<vmem_shared>> -> memref<64x128xi32, #tpu.memory_space<vmem_shared>>
      tpu.wait_dma2 semaphore(%run_scoped3A : memref<!tpu.dma_semaphore, #tpu.memory_space<semaphore_mem>>) src(%arg9 : memref<64x128xi32, #tpu.memory_space<vmem>>) dst(%dma_wait3A_35 : memref<64x128xi32, #tpu.memory_space<vmem_shared>>)
      tpu.yield
    }) : () -> ()
    %barrier3A = arith.constant 0 : index
    tpu.barrier barrier_id(%barrier3A)
    %scan3A = arith.constant 0 : i32
    %scan3A_12 = arith.constant 0 : i32
    %scan3A_13 = arith.constant 2 : i32
    %scan3A_14 = arith.addi %scan3A_12, %scan3A_13 : i32
    %scan3A_15 = arith.constant 1 : i32
    scf.for %scan3A_28 = %scan3A_12 to %scan3A_14 step %scan3A_15  : i32 {
      %mul3A_29 = arith.constant 2 : i32
      %mul3A_30 = arith.muli %scan3A_28, %mul3A_29 : i32
      %add3A_31 = arith.constant 0 : i32
      %add3A_32 = arith.addi %mul3A_30, %add3A_31 : i32
      %dma_wait3A_33 = arith.constant 0 : i32
      %dma_wait3A_34 = tpu.memref_slice %arg3[%dma_wait3A_33] : memref<32768xi32, #tpu.memory_space<hbm>> -> memref<128xi32, #tpu.memory_space<hbm>>
      %dma_wait3A_35 = arith.constant 0 : i32
      %dma_wait3A_36 = tpu.memref_slice %arg3[%dma_wait3A_35] : memref<32768xi32, #tpu.memory_space<hbm>> -> memref<128xi32, #tpu.memory_space<hbm>>
      tpu.wait_dma2 semaphore(%arg11 : memref<!tpu.dma_semaphore, #tpu.memory_space<semaphore_mem>>) src(%dma_wait3A_36 : memref<128xi32, #tpu.memory_space<hbm>>) dst(%arg5 : memref<128xi32, #tpu.memory_space<vmem>>)
      %add3A_37 = arith.constant 1 : i32
      %add3A_38 = arith.addi %add3A_32, %add3A_37 : i32
      %lt3A = arith.constant 4 : i32
      %lt3A_39 = arith.cmpi slt, %add3A_38, %lt3A : i32
      %convert_element_type3A = arith.extui %lt3A_39 : i1 to i32
      %cond3A = arith.constant 0 : i32
      %cond3A_40 = arith.cmpi ne, %convert_element_type3A, %cond3A : i32
      scf.if %cond3A_40 {
        %add3A_95 = arith.constant 1 : i32
        %add3A_96 = arith.addi %add3A_32, %add3A_95 : i32
        %mul3A_97 = arith.constant 512 : i32
        %mul3A_98 = arith.muli %add3A, %mul3A_97 : i32
        %mul3A_99 = arith.constant 128 : i32
        %mul3A_100 = arith.muli %add3A_96, %mul3A_99 : i32
        %add3A_101 = arith.addi %mul3A_98, %mul3A_100 : i32
        %add3A_102 = arith.constant 16384 : i32
        %add3A_103 = arith.addi %add3A_102, %add3A_101 : i32
        %dma_start3A_104 = tpu.memref_slice %arg3[%add3A_103] : memref<32768xi32, #tpu.memory_space<hbm>> -> memref<128xi32, #tpu.memory_space<hbm>>
        %dma_start3A_105 = tpu.memref_slice %arg3[%add3A_103] : memref<32768xi32, #tpu.memory_space<hbm>> -> memref<128xi32, #tpu.memory_space<hbm>>
        tpu.enqueue_dma source(%dma_start3A_105 : memref<128xi32, #tpu.memory_space<hbm>>) target(%arg6 : memref<128xi32, #tpu.memory_space<vmem>>) target_semaphore(%arg12 : memref<!tpu.dma_semaphore, #tpu.memory_space<semaphore_mem>>)
      } else {
      }
      %ge3A = arith.constant 2 : i32
      %ge3A_41 = arith.cmpi sge, %add3A_32, %ge3A : i32
      %convert_element_type3A_42 = arith.extui %ge3A_41 : i1 to i32
      %cond3A_43 = arith.constant 0 : i32
      %cond3A_44 = arith.cmpi ne, %convert_element_type3A_42, %cond3A_43 : i32
      scf.if %cond3A_44 {
        %dma_wait3A_95 = arith.constant 0 : i32
        %dma_wait3A_96 = arith.constant 0 : i32
        %dma_wait3A_97 = tpu.memref_slice %arg4[%dma_wait3A_95, %dma_wait3A_96] : memref<16384x128xi32, #tpu.memory_space<hbm>> -> memref<128x128xi32, #tpu.memory_space<hbm>>
        %dma_wait3A_98 = arith.constant 0 : i32
        %dma_wait3A_99 = arith.constant 0 : i32
        %dma_wait3A_100 = tpu.memref_slice %arg4[%dma_wait3A_98, %dma_wait3A_99] : memref<16384x128xi32, #tpu.memory_space<hbm>> -> memref<128x128xi32, #tpu.memory_space<hbm>>
        tpu.wait_dma2 semaphore(%arg14 : memref<!tpu.dma_semaphore, #tpu.memory_space<semaphore_mem>>) src(%arg7 : memref<128x128xi32, #tpu.memory_space<vmem>>) dst(%dma_wait3A_100 : memref<128x128xi32, #tpu.memory_space<hbm>>)
      } else {
      }
      %dma_start3A_45 = arith.constant 0 : i32
      %dma_start3A_46 = arith.constant 0 : i32
      %dma_start3A_47 = tpu.memref_slice %arg10[%dma_start3A_45, %dma_start3A_46] : memref<1024x128xi32, #tpu.memory_space<vmem_shared>> -> memref<1024x128xi32, #tpu.memory_space<vmem_shared>>
      tpu.enqueue_indirect_dma source(%dma_start3A_47 : memref<1024x128xi32, #tpu.memory_space<vmem_shared>>) target(%arg7 : memref<128x128xi32, #tpu.memory_space<vmem>>) offsets(%arg5 : memref<128xi32, #tpu.memory_space<vmem>>) semaphore(%arg13 : memref<!tpu.dma_semaphore, #tpu.memory_space<semaphore_mem>>)
      %dma_wait3A_48 = arith.constant 0 : i32
      %dma_wait3A_49 = arith.constant 0 : i32
      %dma_wait3A_50 = tpu.memref_slice %arg10[%dma_wait3A_48, %dma_wait3A_49] : memref<1024x128xi32, #tpu.memory_space<vmem_shared>> -> memref<1024x128xi32, #tpu.memory_space<vmem_shared>>
      tpu.wait_indirect_dma semaphore(%arg13 : memref<!tpu.dma_semaphore, #tpu.memory_space<semaphore_mem>>) src(%dma_wait3A_50 : memref<1024x128xi32, #tpu.memory_space<vmem_shared>>) dst(%arg7 : memref<128x128xi32, #tpu.memory_space<vmem>>)
      %mul3A_51 = arith.constant 512 : i32
      %mul3A_52 = arith.muli %add3A, %mul3A_51 : i32
      %mul3A_53 = arith.constant 128 : i32
      %mul3A_54 = arith.muli %add3A_32, %mul3A_53 : i32
      %add3A_55 = arith.addi %mul3A_52, %mul3A_54 : i32
      %dma_start3A_56 = arith.constant 0 : i32
      %dma_start3A_57 = tpu.memref_slice %arg4[%add3A_55, %dma_start3A_56] : memref<16384x128xi32, #tpu.memory_space<hbm>> -> memref<128x128xi32, #tpu.memory_space<hbm>>
      %dma_start3A_58 = arith.constant 0 : i32
      %dma_start3A_59 = tpu.memref_slice %arg4[%add3A_55, %dma_start3A_58] : memref<16384x128xi32, #tpu.memory_space<hbm>> -> memref<128x128xi32, #tpu.memory_space<hbm>>
      tpu.enqueue_dma source(%arg7 : memref<128x128xi32, #tpu.memory_space<vmem>>) target(%dma_start3A_59 : memref<128x128xi32, #tpu.memory_space<hbm>>) target_semaphore(%arg14 : memref<!tpu.dma_semaphore, #tpu.memory_space<semaphore_mem>>)
      %mul3A_60 = arith.constant 2 : i32
      %mul3A_61 = arith.muli %scan3A_28, %mul3A_60 : i32
      %add3A_62 = arith.constant 1 : i32
      %add3A_63 = arith.addi %mul3A_61, %add3A_62 : i32
      %dma_wait3A_64 = arith.constant 0 : i32
      %dma_wait3A_65 = tpu.memref_slice %arg3[%dma_wait3A_64] : memref<32768xi32, #tpu.memory_space<hbm>> -> memref<128xi32, #tpu.memory_space<hbm>>
      %dma_wait3A_66 = arith.constant 0 : i32
      %dma_wait3A_67 = tpu.memref_slice %arg3[%dma_wait3A_66] : memref<32768xi32, #tpu.memory_space<hbm>> -> memref<128xi32, #tpu.memory_space<hbm>>
      tpu.wait_dma2 semaphore(%arg12 : memref<!tpu.dma_semaphore, #tpu.memory_space<semaphore_mem>>) src(%dma_wait3A_67 : memref<128xi32, #tpu.memory_space<hbm>>) dst(%arg6 : memref<128xi32, #tpu.memory_space<vmem>>)
      %add3A_68 = arith.constant 1 : i32
      %add3A_69 = arith.addi %add3A_63, %add3A_68 : i32
      %lt3A_70 = arith.constant 4 : i32
      %lt3A_71 = arith.cmpi slt, %add3A_69, %lt3A_70 : i32
      %convert_element_type3A_72 = arith.extui %lt3A_71 : i1 to i32
      %cond3A_73 = arith.constant 0 : i32
      %cond3A_74 = arith.cmpi ne, %convert_element_type3A_72, %cond3A_73 : i32
      scf.if %cond3A_74 {
        %add3A_95 = arith.constant 1 : i32
        %add3A_96 = arith.addi %add3A_63, %add3A_95 : i32
        %mul3A_97 = arith.constant 512 : i32
        %mul3A_98 = arith.muli %add3A, %mul3A_97 : i32
        %mul3A_99 = arith.constant 128 : i32
        %mul3A_100 = arith.muli %add3A_96, %mul3A_99 : i32
        %add3A_101 = arith.addi %mul3A_98, %mul3A_100 : i32
        %add3A_102 = arith.constant 16384 : i32
        %add3A_103 = arith.addi %add3A_102, %add3A_101 : i32
        %dma_start3A_104 = tpu.memref_slice %arg3[%add3A_103] : memref<32768xi32, #tpu.memory_space<hbm>> -> memref<128xi32, #tpu.memory_space<hbm>>
        %dma_start3A_105 = tpu.memref_slice %arg3[%add3A_103] : memref<32768xi32, #tpu.memory_space<hbm>> -> memref<128xi32, #tpu.memory_space<hbm>>
        tpu.enqueue_dma source(%dma_start3A_105 : memref<128xi32, #tpu.memory_space<hbm>>) target(%arg5 : memref<128xi32, #tpu.memory_space<vmem>>) target_semaphore(%arg11 : memref<!tpu.dma_semaphore, #tpu.memory_space<semaphore_mem>>)
      } else {
      }
      %ge3A_75 = arith.constant 2 : i32
      %ge3A_76 = arith.cmpi sge, %add3A_63, %ge3A_75 : i32
      %convert_element_type3A_77 = arith.extui %ge3A_76 : i1 to i32
      %cond3A_78 = arith.constant 0 : i32
      %cond3A_79 = arith.cmpi ne, %convert_element_type3A_77, %cond3A_78 : i32
      scf.if %cond3A_79 {
        %dma_wait3A_95 = arith.constant 0 : i32
        %dma_wait3A_96 = arith.constant 0 : i32
        %dma_wait3A_97 = tpu.memref_slice %arg4[%dma_wait3A_95, %dma_wait3A_96] : memref<16384x128xi32, #tpu.memory_space<hbm>> -> memref<128x128xi32, #tpu.memory_space<hbm>>
        %dma_wait3A_98 = arith.constant 0 : i32
        %dma_wait3A_99 = arith.constant 0 : i32
        %dma_wait3A_100 = tpu.memref_slice %arg4[%dma_wait3A_98, %dma_wait3A_99] : memref<16384x128xi32, #tpu.memory_space<hbm>> -> memref<128x128xi32, #tpu.memory_space<hbm>>
        tpu.wait_dma2 semaphore(%arg15 : memref<!tpu.dma_semaphore, #tpu.memory_space<semaphore_mem>>) src(%arg8 : memref<128x128xi32, #tpu.memory_space<vmem>>) dst(%dma_wait3A_100 : memref<128x128xi32, #tpu.memory_space<hbm>>)
      } else {
      }
      %dma_start3A_80 = arith.constant 0 : i32
      %dma_start3A_81 = arith.constant 0 : i32
      %dma_start3A_82 = tpu.memref_slice %arg10[%dma_start3A_80, %dma_start3A_81] : memref<1024x128xi32, #tpu.memory_space<vmem_shared>> -> memref<1024x128xi32, #tpu.memory_space<vmem_shared>>
      tpu.enqueue_indirect_dma source(%dma_start3A_82 : memref<1024x128xi32, #tpu.memory_space<vmem_shared>>) target(%arg8 : memref<128x128xi32, #tpu.memory_space<vmem>>) offsets(%arg6 : memref<128xi32, #tpu.memory_space<vmem>>) semaphore(%arg13 : memref<!tpu.dma_semaphore, #tpu.memory_space<semaphore_mem>>)
      %dma_wait3A_83 = arith.constant 0 : i32
      %dma_wait3A_84 = arith.constant 0 : i32
      %dma_wait3A_85 = tpu.memref_slice %arg10[%dma_wait3A_83, %dma_wait3A_84] : memref<1024x128xi32, #tpu.memory_space<vmem_shared>> -> memref<1024x128xi32, #tpu.memory_space<vmem_shared>>
      tpu.wait_indirect_dma semaphore(%arg13 : memref<!tpu.dma_semaphore, #tpu.memory_space<semaphore_mem>>) src(%dma_wait3A_85 : memref<1024x128xi32, #tpu.memory_space<vmem_shared>>) dst(%arg8 : memref<128x128xi32, #tpu.memory_space<vmem>>)
      %mul3A_86 = arith.constant 512 : i32
      %mul3A_87 = arith.muli %add3A, %mul3A_86 : i32
      %mul3A_88 = arith.constant 128 : i32
      %mul3A_89 = arith.muli %add3A_63, %mul3A_88 : i32
      %add3A_90 = arith.addi %mul3A_87, %mul3A_89 : i32
      %dma_start3A_91 = arith.constant 0 : i32
      %dma_start3A_92 = tpu.memref_slice %arg4[%add3A_90, %dma_start3A_91] : memref<16384x128xi32, #tpu.memory_space<hbm>> -> memref<128x128xi32, #tpu.memory_space<hbm>>
      %dma_start3A_93 = arith.constant 0 : i32
      %dma_start3A_94 = tpu.memref_slice %arg4[%add3A_90, %dma_start3A_93] : memref<16384x128xi32, #tpu.memory_space<hbm>> -> memref<128x128xi32, #tpu.memory_space<hbm>>
      tpu.enqueue_dma source(%arg8 : memref<128x128xi32, #tpu.memory_space<vmem>>) target(%dma_start3A_94 : memref<128x128xi32, #tpu.memory_space<hbm>>) target_semaphore(%arg15 : memref<!tpu.dma_semaphore, #tpu.memory_space<semaphore_mem>>)
    }
    %scan3A_16 = arith.constant 2 : i32
    %dma_wait3A = arith.constant 0 : i32
    %dma_wait3A_17 = arith.constant 0 : i32
    %dma_wait3A_18 = tpu.memref_slice %arg4[%dma_wait3A, %dma_wait3A_17] : memref<16384x128xi32, #tpu.memory_space<hbm>> -> memref<128x128xi32, #tpu.memory_space<hbm>>
    %dma_wait3A_19 = arith.constant 0 : i32
    %dma_wait3A_20 = arith.constant 0 : i32
    %dma_wait3A_21 = tpu.memref_slice %arg4[%dma_wait3A_19, %dma_wait3A_20] : memref<16384x128xi32, #tpu.memory_space<hbm>> -> memref<128x128xi32, #tpu.memory_space<hbm>>
    tpu.wait_dma2 semaphore(%arg14 : memref<!tpu.dma_semaphore, #tpu.memory_space<semaphore_mem>>) src(%arg7 : memref<128x128xi32, #tpu.memory_space<vmem>>) dst(%dma_wait3A_21 : memref<128x128xi32, #tpu.memory_space<hbm>>)
    %dma_wait3A_22 = arith.constant 0 : i32
    %dma_wait3A_23 = arith.constant 0 : i32
    %dma_wait3A_24 = tpu.memref_slice %arg4[%dma_wait3A_22, %dma_wait3A_23] : memref<16384x128xi32, #tpu.memory_space<hbm>> -> memref<128x128xi32, #tpu.memory_space<hbm>>
    %dma_wait3A_25 = arith.constant 0 : i32
    %dma_wait3A_26 = arith.constant 0 : i32
    %dma_wait3A_27 = tpu.memref_slice %arg4[%dma_wait3A_25, %dma_wait3A_26] : memref<16384x128xi32, #tpu.memory_space<hbm>> -> memref<128x128xi32, #tpu.memory_space<hbm>>
    tpu.wait_dma2 semaphore(%arg15 : memref<!tpu.dma_semaphore, #tpu.memory_space<semaphore_mem>>) src(%arg8 : memref<128x128xi32, #tpu.memory_space<vmem>>) dst(%dma_wait3A_27 : memref<128x128xi32, #tpu.memory_space<hbm>>)
    return
  }
}

#map = affine_map<(d0, d1) -> (0, 0)>
#map1 = affine_map<(d0, d1) -> (0)>
module attributes {stable_mosaic.version = 14 : i64} {
  func.func @body(%arg0: i32, %arg1: i32, %arg2: memref<256x16384xf32, #tpu.memory_space<hbm>>, %arg3: memref<16x16384xf32, #tpu.memory_space<hbm>>, %arg4: memref<32768xi32, #tpu.memory_space<hbm>>, %arg5: memref<256x2048xf32, #tpu.memory_space<hbm>>, %arg6: memref<16x2048xf32, #tpu.memory_space<hbm>>, %arg7: memref<1024xi32, #tpu.memory_space<vmem>>, %arg8: memref<1024xi32, #tpu.memory_space<vmem>>, %arg9: memref<16x1024xf32, #tpu.memory_space<vmem>>, %arg10: memref<16x1024xf32, #tpu.memory_space<vmem>>, %arg11: memref<16x1024xf32, #tpu.memory_space<vmem>>, %arg12: memref<16x16x128xf32, #tpu.memory_space<vmem>>, %arg13: memref<16x16x1024xf32, #tpu.memory_space<vmem_shared>>, %arg14: memref<!tpu.dma_semaphore, #tpu.memory_space<semaphore_mem>>, %arg15: memref<!tpu.dma_semaphore, #tpu.memory_space<semaphore_mem>>) attributes {dimension_semantics = [#tpu.dimension_semantics<core_parallel>, #tpu.dimension_semantics<subcore_parallel>], iteration_bounds = array<i64: 2, 16>, scalar_prefetch = 0 : i64, scratch_operands = 9 : i64, tpu.core_type = #tpu.core_type<sc_vector_subcore>, window_params = [{transform_indices = #map}, {transform_indices = #map}, {transform_indices = #map1}, {transform_indices = #map}, {transform_indices = #map}]} {
    %broadcast_in_dim3A = arith.constant 0.000000e+00 : f32
    %broadcast_in_dim3A_0 = vector.broadcast %broadcast_in_dim3A : f32 to vector<16xf32>
    %scan3A = arith.constant 0 : i32
    %scan3A_1 = arith.constant 0 : i32
    %scan3A_2 = arith.constant 1024 : i32
    %scan3A_3 = arith.addi %scan3A_1, %scan3A_2 : i32
    %scan3A_4 = arith.constant 1 : i32
    scf.for %scan3A_96 = %scan3A_1 to %scan3A_3 step %scan3A_4  : i32 {
      %jit3A = arith.constant 64 : i32
      %div3A = arith.divsi %scan3A_96, %jit3A : i32
      %sign3A = arith.constant 0 : i32
      %sign3A_97 = arith.cmpi sgt, %scan3A_96, %sign3A : i32
      %sign3A_98 = arith.extui %sign3A_97 : i1 to i32
      %sign3A_99 = arith.constant 0 : i32
      %sign3A_100 = arith.cmpi slt, %scan3A_96, %sign3A_99 : i32
      %sign3A_101 = arith.extui %sign3A_100 : i1 to i32
      %sign3A_102 = arith.subi %sign3A_98, %sign3A_101 : i32
      %sign3A_103 = arith.constant 0 : i32
      %sign3A_104 = arith.cmpi sgt, %jit3A, %sign3A_103 : i32
      %sign3A_105 = arith.extui %sign3A_104 : i1 to i32
      %sign3A_106 = arith.constant 0 : i32
      %sign3A_107 = arith.cmpi slt, %jit3A, %sign3A_106 : i32
      %sign3A_108 = arith.extui %sign3A_107 : i1 to i32
      %sign3A_109 = arith.subi %sign3A_105, %sign3A_108 : i32
      %ne3A = arith.cmpi ne, %sign3A_102, %sign3A_109 : i32
      %rem3A = arith.remsi %scan3A_96, %jit3A : i32
      %ne3A_110 = arith.constant 0 : i32
      %ne3A_111 = arith.cmpi ne, %rem3A, %ne3A_110 : i32
      %and3A = arith.andi %ne3A, %ne3A_111 : i1
      %sub3A_112 = arith.constant 1 : i32
      %sub3A_113 = arith.subi %div3A, %sub3A_112 : i32
      %select_n3A = arith.select %and3A, %sub3A_113, %div3A : i32
      %jit3A_114 = arith.constant 64 : i32
      %eq3A = arith.constant 0 : i32
      %eq3A_115 = arith.cmpi eq, %jit3A_114, %eq3A : i32
      %jit3A_116 = arith.constant 1 : i32
      %select_n3A_117 = arith.select %eq3A_115, %jit3A_116, %jit3A_114 : i32
      %rem3A_118 = arith.remsi %scan3A_96, %select_n3A_117 : i32
      %ne3A_119 = arith.constant 0 : i32
      %ne3A_120 = arith.cmpi ne, %rem3A_118, %ne3A_119 : i32
      %lt3A_121 = arith.constant 0 : i32
      %lt3A_122 = arith.cmpi slt, %rem3A_118, %lt3A_121 : i32
      %lt3A_123 = arith.constant 0 : i32
      %lt3A_124 = arith.cmpi slt, %select_n3A_117, %lt3A_123 : i32
      %ne3A_125 = arith.xori %lt3A_122, %lt3A_124 : i1
      %and3A_126 = arith.andi %ne3A_125, %ne3A_120 : i1
      %add3A_127 = arith.addi %rem3A_118, %select_n3A_117 : i32
      %select_n3A_128 = arith.select %and3A_126, %add3A_127, %rem3A_118 : i32
      %mul3A_129 = arith.constant 16 : i32
      %mul3A_130 = arith.muli %select_n3A_128, %mul3A_129 : i32
      %swap3A = arith.index_cast %select_n3A : i32 to index
      %swap3A_131 = arith.index_cast %mul3A_130 : i32 to index
      %swap3A_132 = tpu.vector_load %arg11[%swap3A, %swap3A_131] {strides = array<i32>} : memref<16x1024xf32, #tpu.memory_space<vmem>>, vector<16xf32>,
      tpu.vector_store %arg11[%swap3A, %swap3A_131], %broadcast_in_dim3A_0 {strides = array<i32>} : memref<16x1024xf32, #tpu.memory_space<vmem>>, vector<16xf32>,
    }
    %scan3A_5 = arith.constant 1024 : i32
    %mul3A = arith.constant 16 : i32
    %mul3A_6 = arith.muli %arg1, %mul3A : i32
    %mul3A_7 = arith.constant 8192 : i32
    %mul3A_8 = arith.muli %arg0, %mul3A_7 : i32
    %add3A = arith.constant 16384 : i32
    %add3A_9 = arith.addi %add3A, %mul3A_8 : i32
    %add3A_10 = arith.constant 0 : i32
    %add3A_11 = arith.addi %add3A_9, %add3A_10 : i32
    %dma_start3A = arith.constant 0 : i32
    %dma_start3A_12 = tpu.memref_slice %arg7[%dma_start3A] : memref<1024xi32, #tpu.memory_space<vmem>> -> memref<1024xi32, #tpu.memory_space<vmem>>
    %dma_start3A_13 = tpu.memref_slice %arg4[%add3A_11] : memref<32768xi32, #tpu.memory_space<hbm>> -> memref<1024xi32, #tpu.memory_space<hbm>>
    %dma_start3A_14 = arith.constant 0 : i32
    %dma_start3A_15 = tpu.memref_slice %arg7[%dma_start3A_14] : memref<1024xi32, #tpu.memory_space<vmem>> -> memref<1024xi32, #tpu.memory_space<vmem>>
    %dma_start3A_16 = tpu.memref_slice %arg4[%add3A_11] : memref<32768xi32, #tpu.memory_space<hbm>> -> memref<1024xi32, #tpu.memory_space<hbm>>
    tpu.enqueue_dma source(%dma_start3A_16 : memref<1024xi32, #tpu.memory_space<hbm>>) target(%dma_start3A_15 : memref<1024xi32, #tpu.memory_space<vmem>>) target_semaphore(%arg14 : memref<!tpu.dma_semaphore, #tpu.memory_space<semaphore_mem>>)
    %sub3A = arith.constant 16384 : i32
    %sub3A_17 = arith.subi %add3A_11, %sub3A : i32
    %dma_start3A_18 = arith.constant 0 : i32
    %dma_start3A_19 = arith.constant 0 : i32
    %dma_start3A_20 = tpu.memref_slice %arg9[%dma_start3A_18, %dma_start3A_19] : memref<16x1024xf32, #tpu.memory_space<vmem>> -> memref<16x1024xf32, #tpu.memory_space<vmem>>
    %dma_start3A_21 = tpu.memref_slice %arg2[%mul3A_6, %sub3A_17] : memref<256x16384xf32, #tpu.memory_space<hbm>> -> memref<16x1024xf32, #tpu.memory_space<hbm>>
    %dma_start3A_22 = arith.constant 0 : i32
    %dma_start3A_23 = arith.constant 0 : i32
    %dma_start3A_24 = tpu.memref_slice %arg9[%dma_start3A_22, %dma_start3A_23] : memref<16x1024xf32, #tpu.memory_space<vmem>> -> memref<16x1024xf32, #tpu.memory_space<vmem>>
    %dma_start3A_25 = tpu.memref_slice %arg2[%mul3A_6, %sub3A_17] : memref<256x16384xf32, #tpu.memory_space<hbm>> -> memref<16x1024xf32, #tpu.memory_space<hbm>>
    tpu.enqueue_dma source(%dma_start3A_25 : memref<16x1024xf32, #tpu.memory_space<hbm>>) target(%dma_start3A_24 : memref<16x1024xf32, #tpu.memory_space<vmem>>) target_semaphore(%arg14 : memref<!tpu.dma_semaphore, #tpu.memory_space<semaphore_mem>>)
    %scan3A_26 = arith.constant 0 : i32
    %scan3A_27 = arith.constant 0 : i32
    %scan3A_28 = arith.constant 4 : i32
    %scan3A_29 = arith.addi %scan3A_27, %scan3A_28 : i32
    %scan3A_30 = arith.constant 1 : i32
    scf.for %scan3A_96 = %scan3A_27 to %scan3A_29 step %scan3A_30  : i32 {
      %mul3A_97 = arith.constant 2 : i32
      %mul3A_98 = arith.muli %scan3A_96, %mul3A_97 : i32
      %add3A_99 = arith.constant 0 : i32
      %add3A_100 = arith.addi %mul3A_98, %add3A_99 : i32
      %dma_wait3A_101 = arith.constant 0 : i32
      %dma_wait3A_102 = tpu.memref_slice %arg7[%dma_wait3A_101] : memref<1024xi32, #tpu.memory_space<vmem>> -> memref<1024xi32, #tpu.memory_space<vmem>>
      %dma_wait3A_103 = arith.constant 0 : i32
      %dma_wait3A_104 = tpu.memref_slice %arg4[%dma_wait3A_103] : memref<32768xi32, #tpu.memory_space<hbm>> -> memref<1024xi32, #tpu.memory_space<hbm>>
      %dma_wait3A_105 = arith.constant 0 : i32
      %dma_wait3A_106 = tpu.memref_slice %arg7[%dma_wait3A_105] : memref<1024xi32, #tpu.memory_space<vmem>> -> memref<1024xi32, #tpu.memory_space<vmem>>
      %dma_wait3A_107 = arith.constant 0 : i32
      %dma_wait3A_108 = tpu.memref_slice %arg4[%dma_wait3A_107] : memref<32768xi32, #tpu.memory_space<hbm>> -> memref<1024xi32, #tpu.memory_space<hbm>>
      tpu.wait_dma2 semaphore(%arg14 : memref<!tpu.dma_semaphore, #tpu.memory_space<semaphore_mem>>) src(%dma_wait3A_108 : memref<1024xi32, #tpu.memory_space<hbm>>) dst(%dma_wait3A_106 : memref<1024xi32, #tpu.memory_space<vmem>>)
      %dma_wait3A_109 = arith.constant 0 : i32
      %dma_wait3A_110 = arith.constant 0 : i32
      %dma_wait3A_111 = tpu.memref_slice %arg9[%dma_wait3A_109, %dma_wait3A_110] : memref<16x1024xf32, #tpu.memory_space<vmem>> -> memref<16x1024xf32, #tpu.memory_space<vmem>>
      %dma_wait3A_112 = arith.constant 0 : i32
      %dma_wait3A_113 = tpu.memref_slice %arg2[%mul3A_6, %dma_wait3A_112] : memref<256x16384xf32, #tpu.memory_space<hbm>> -> memref<16x1024xf32, #tpu.memory_space<hbm>>
      %dma_wait3A_114 = arith.constant 0 : i32
      %dma_wait3A_115 = arith.constant 0 : i32
      %dma_wait3A_116 = tpu.memref_slice %arg9[%dma_wait3A_114, %dma_wait3A_115] : memref<16x1024xf32, #tpu.memory_space<vmem>> -> memref<16x1024xf32, #tpu.memory_space<vmem>>
      %dma_wait3A_117 = arith.constant 0 : i32
      %dma_wait3A_118 = tpu.memref_slice %arg2[%mul3A_6, %dma_wait3A_117] : memref<256x16384xf32, #tpu.memory_space<hbm>> -> memref<16x1024xf32, #tpu.memory_space<hbm>>
      tpu.wait_dma2 semaphore(%arg14 : memref<!tpu.dma_semaphore, #tpu.memory_space<semaphore_mem>>) src(%dma_wait3A_118 : memref<16x1024xf32, #tpu.memory_space<hbm>>) dst(%dma_wait3A_116 : memref<16x1024xf32, #tpu.memory_space<vmem>>)
      %add3A_119 = arith.constant 1 : i32
      %add3A_120 = arith.addi %add3A_100, %add3A_119 : i32
      %lt3A_121 = arith.constant 8 : i32
      %lt3A_122 = arith.cmpi slt, %add3A_120, %lt3A_121 : i32
      %convert_element_type3A_123 = arith.extui %lt3A_122 : i1 to i32
      %cond3A_124 = arith.constant 0 : i32
      %cond3A_125 = arith.cmpi ne, %convert_element_type3A_123, %cond3A_124 : i32
      scf.if %cond3A_125 {
        %add3A_167 = arith.constant 1 : i32
        %add3A_168 = arith.addi %add3A_100, %add3A_167 : i32
        %mul3A_169 = arith.constant 1024 : i32
        %mul3A_170 = arith.muli %add3A_168, %mul3A_169 : i32
        %add3A_171 = arith.addi %add3A_9, %mul3A_170 : i32
        %dma_start3A_172 = arith.constant 0 : i32
        %dma_start3A_173 = tpu.memref_slice %arg8[%dma_start3A_172] : memref<1024xi32, #tpu.memory_space<vmem>> -> memref<1024xi32, #tpu.memory_space<vmem>>
        %dma_start3A_174 = tpu.memref_slice %arg4[%add3A_171] : memref<32768xi32, #tpu.memory_space<hbm>> -> memref<1024xi32, #tpu.memory_space<hbm>>
        %dma_start3A_175 = arith.constant 0 : i32
        %dma_start3A_176 = tpu.memref_slice %arg8[%dma_start3A_175] : memref<1024xi32, #tpu.memory_space<vmem>> -> memref<1024xi32, #tpu.memory_space<vmem>>
        %dma_start3A_177 = tpu.memref_slice %arg4[%add3A_171] : memref<32768xi32, #tpu.memory_space<hbm>> -> memref<1024xi32, #tpu.memory_space<hbm>>
        tpu.enqueue_dma source(%dma_start3A_177 : memref<1024xi32, #tpu.memory_space<hbm>>) target(%dma_start3A_176 : memref<1024xi32, #tpu.memory_space<vmem>>) target_semaphore(%arg15 : memref<!tpu.dma_semaphore, #tpu.memory_space<semaphore_mem>>)
        %sub3A_178 = arith.constant 16384 : i32
        %sub3A_179 = arith.subi %add3A_171, %sub3A_178 : i32
        %dma_start3A_180 = arith.constant 0 : i32
        %dma_start3A_181 = arith.constant 0 : i32
        %dma_start3A_182 = tpu.memref_slice %arg10[%dma_start3A_180, %dma_start3A_181] : memref<16x1024xf32, #tpu.memory_space<vmem>> -> memref<16x1024xf32, #tpu.memory_space<vmem>>
        %dma_start3A_183 = tpu.memref_slice %arg2[%mul3A_6, %sub3A_179] : memref<256x16384xf32, #tpu.memory_space<hbm>> -> memref<16x1024xf32, #tpu.memory_space<hbm>>
        %dma_start3A_184 = arith.constant 0 : i32
        %dma_start3A_185 = arith.constant 0 : i32
        %dma_start3A_186 = tpu.memref_slice %arg10[%dma_start3A_184, %dma_start3A_185] : memref<16x1024xf32, #tpu.memory_space<vmem>> -> memref<16x1024xf32, #tpu.memory_space<vmem>>
        %dma_start3A_187 = tpu.memref_slice %arg2[%mul3A_6, %sub3A_179] : memref<256x16384xf32, #tpu.memory_space<hbm>> -> memref<16x1024xf32, #tpu.memory_space<hbm>>
        tpu.enqueue_dma source(%dma_start3A_187 : memref<16x1024xf32, #tpu.memory_space<hbm>>) target(%dma_start3A_186 : memref<16x1024xf32, #tpu.memory_space<vmem>>) target_semaphore(%arg15 : memref<!tpu.dma_semaphore, #tpu.memory_space<semaphore_mem>>)
      } else {
      }
      %scan3A_126 = arith.constant 0 : i32
      %scan3A_127 = arith.constant 0 : i32
      %scan3A_128 = arith.constant 64 : i32
      %scan3A_129 = arith.addi %scan3A_127, %scan3A_128 : i32
      %scan3A_130 = arith.constant 1 : i32
      scf.for %scan3A_167 = %scan3A_127 to %scan3A_129 step %scan3A_130  : i32 {
        %mul3A_168 = arith.constant 16 : i32
        %mul3A_169 = arith.muli %scan3A_167, %mul3A_168 : i32
        %get3A = arith.index_cast %mul3A_169 : i32 to index
        %get3A_170 = tpu.vector_load %arg7[%get3A] {strides = array<i32>} : memref<1024xi32, #tpu.memory_space<vmem>>, vector<16xi32>,
        %mul3A_171 = arith.constant 16 : i32
        %mul3A_172 = arith.muli %scan3A_167, %mul3A_171 : i32
        %get3A_173 = arith.constant 0 : i32
        %get3A_174 = arith.index_cast %get3A_173 : i32 to index
        %get3A_175 = arith.index_cast %mul3A_172 : i32 to index
        %get3A_176 = tpu.vector_load %arg9[%get3A_174, %get3A_175] {strides = array<i32>} : memref<16x1024xf32, #tpu.memory_space<vmem>>, vector<16xf32>,
        %mul3A_177 = arith.constant 16 : i32
        %mul3A_178 = arith.muli %scan3A_167, %mul3A_177 : i32
        %get3A_179 = arith.constant 1 : i32
        %get3A_180 = arith.index_cast %get3A_179 : i32 to index
        %get3A_181 = arith.index_cast %mul3A_178 : i32 to index
        %get3A_182 = tpu.vector_load %arg9[%get3A_180, %get3A_181] {strides = array<i32>} : memref<16x1024xf32, #tpu.memory_space<vmem>>, vector<16xf32>,
        %mul3A_183 = arith.constant 16 : i32
        %mul3A_184 = arith.muli %scan3A_167, %mul3A_183 : i32
        %get3A_185 = arith.constant 2 : i32
        %get3A_186 = arith.index_cast %get3A_185 : i32 to index
        %get3A_187 = arith.index_cast %mul3A_184 : i32 to index
        %get3A_188 = tpu.vector_load %arg9[%get3A_186, %get3A_187] {strides = array<i32>} : memref<16x1024xf32, #tpu.memory_space<vmem>>, vector<16xf32>,
        %mul3A_189 = arith.constant 16 : i32
        %mul3A_190 = arith.muli %scan3A_167, %mul3A_189 : i32
        %get3A_191 = arith.constant 3 : i32
        %get3A_192 = arith.index_cast %get3A_191 : i32 to index
        %get3A_193 = arith.index_cast %mul3A_190 : i32 to index
        %get3A_194 = tpu.vector_load %arg9[%get3A_192, %get3A_193] {strides = array<i32>} : memref<16x1024xf32, #tpu.memory_space<vmem>>, vector<16xf32>,
        %mul3A_195 = arith.constant 16 : i32
        %mul3A_196 = arith.muli %scan3A_167, %mul3A_195 : i32
        %get3A_197 = arith.constant 4 : i32
        %get3A_198 = arith.index_cast %get3A_197 : i32 to index
        %get3A_199 = arith.index_cast %mul3A_196 : i32 to index
        %get3A_200 = tpu.vector_load %arg9[%get3A_198, %get3A_199] {strides = array<i32>} : memref<16x1024xf32, #tpu.memory_space<vmem>>, vector<16xf32>,
        %mul3A_201 = arith.constant 16 : i32
        %mul3A_202 = arith.muli %scan3A_167, %mul3A_201 : i32
        %get3A_203 = arith.constant 5 : i32
        %get3A_204 = arith.index_cast %get3A_203 : i32 to index
        %get3A_205 = arith.index_cast %mul3A_202 : i32 to index
        %get3A_206 = tpu.vector_load %arg9[%get3A_204, %get3A_205] {strides = array<i32>} : memref<16x1024xf32, #tpu.memory_space<vmem>>, vector<16xf32>,
        %mul3A_207 = arith.constant 16 : i32
        %mul3A_208 = arith.muli %scan3A_167, %mul3A_207 : i32
        %get3A_209 = arith.constant 6 : i32
        %get3A_210 = arith.index_cast %get3A_209 : i32 to index
        %get3A_211 = arith.index_cast %mul3A_208 : i32 to index
        %get3A_212 = tpu.vector_load %arg9[%get3A_210, %get3A_211] {strides = array<i32>} : memref<16x1024xf32, #tpu.memory_space<vmem>>, vector<16xf32>,
        %mul3A_213 = arith.constant 16 : i32
        %mul3A_214 = arith.muli %scan3A_167, %mul3A_213 : i32
        %get3A_215 = arith.constant 7 : i32
        %get3A_216 = arith.index_cast %get3A_215 : i32 to index
        %get3A_217 = arith.index_cast %mul3A_214 : i32 to index
        %get3A_218 = tpu.vector_load %arg9[%get3A_216, %get3A_217] {strides = array<i32>} : memref<16x1024xf32, #tpu.memory_space<vmem>>, vector<16xf32>,
        %mul3A_219 = arith.constant 16 : i32
        %mul3A_220 = arith.muli %scan3A_167, %mul3A_219 : i32
        %get3A_221 = arith.constant 8 : i32
        %get3A_222 = arith.index_cast %get3A_221 : i32 to index
        %get3A_223 = arith.index_cast %mul3A_220 : i32 to index
        %get3A_224 = tpu.vector_load %arg9[%get3A_222, %get3A_223] {strides = array<i32>} : memref<16x1024xf32, #tpu.memory_space<vmem>>, vector<16xf32>,
        %mul3A_225 = arith.constant 16 : i32
        %mul3A_226 = arith.muli %scan3A_167, %mul3A_225 : i32
        %get3A_227 = arith.constant 9 : i32
        %get3A_228 = arith.index_cast %get3A_227 : i32 to index
        %get3A_229 = arith.index_cast %mul3A_226 : i32 to index
        %get3A_230 = tpu.vector_load %arg9[%get3A_228, %get3A_229] {strides = array<i32>} : memref<16x1024xf32, #tpu.memory_space<vmem>>, vector<16xf32>,
        %mul3A_231 = arith.constant 16 : i32
        %mul3A_232 = arith.muli %scan3A_167, %mul3A_231 : i32
        %get3A_233 = arith.constant 10 : i32
        %get3A_234 = arith.index_cast %get3A_233 : i32 to index
        %get3A_235 = arith.index_cast %mul3A_232 : i32 to index
        %get3A_236 = tpu.vector_load %arg9[%get3A_234, %get3A_235] {strides = array<i32>} : memref<16x1024xf32, #tpu.memory_space<vmem>>, vector<16xf32>,
        %mul3A_237 = arith.constant 16 : i32
        %mul3A_238 = arith.muli %scan3A_167, %mul3A_237 : i32
        %get3A_239 = arith.constant 11 : i32
        %get3A_240 = arith.index_cast %get3A_239 : i32 to index
        %get3A_241 = arith.index_cast %mul3A_238 : i32 to index
        %get3A_242 = tpu.vector_load %arg9[%get3A_240, %get3A_241] {strides = array<i32>} : memref<16x1024xf32, #tpu.memory_space<vmem>>, vector<16xf32>,
        %mul3A_243 = arith.constant 16 : i32
        %mul3A_244 = arith.muli %scan3A_167, %mul3A_243 : i32
        %get3A_245 = arith.constant 12 : i32
        %get3A_246 = arith.index_cast %get3A_245 : i32 to index
        %get3A_247 = arith.index_cast %mul3A_244 : i32 to index
        %get3A_248 = tpu.vector_load %arg9[%get3A_246, %get3A_247] {strides = array<i32>} : memref<16x1024xf32, #tpu.memory_space<vmem>>, vector<16xf32>,
        %mul3A_249 = arith.constant 16 : i32
        %mul3A_250 = arith.muli %scan3A_167, %mul3A_249 : i32
        %get3A_251 = arith.constant 13 : i32
        %get3A_252 = arith.index_cast %get3A_251 : i32 to index
        %get3A_253 = arith.index_cast %mul3A_250 : i32 to index
        %get3A_254 = tpu.vector_load %arg9[%get3A_252, %get3A_253] {strides = array<i32>} : memref<16x1024xf32, #tpu.memory_space<vmem>>, vector<16xf32>,
        %mul3A_255 = arith.constant 16 : i32
        %mul3A_256 = arith.muli %scan3A_167, %mul3A_255 : i32
        %get3A_257 = arith.constant 14 : i32
        %get3A_258 = arith.index_cast %get3A_257 : i32 to index
        %get3A_259 = arith.index_cast %mul3A_256 : i32 to index
        %get3A_260 = tpu.vector_load %arg9[%get3A_258, %get3A_259] {strides = array<i32>} : memref<16x1024xf32, #tpu.memory_space<vmem>>, vector<16xf32>,
        %mul3A_261 = arith.constant 16 : i32
        %mul3A_262 = arith.muli %scan3A_167, %mul3A_261 : i32
        %get3A_263 = arith.constant 15 : i32
        %get3A_264 = arith.index_cast %get3A_263 : i32 to index
        %get3A_265 = arith.index_cast %mul3A_262 : i32 to index
        %get3A_266 = tpu.vector_load %arg9[%get3A_264, %get3A_265] {strides = array<i32>} : memref<16x1024xf32, #tpu.memory_space<vmem>>, vector<16xf32>,
        %broadcast_in_dim3A_267 = arith.constant 0 : i32
        %broadcast_in_dim3A_268 = vector.broadcast %broadcast_in_dim3A_267 : i32 to vector<16xi32>
        tpu.vector_store_idx %arg11[%broadcast_in_dim3A_268, %get3A_170], %get3A_176 {add = true} : memref<16x1024xf32, #tpu.memory_space<vmem>>[vector<16xi32>, vector<16xi32>], vector<16xf32>,
        %broadcast_in_dim3A_269 = arith.constant 1 : i32
        %broadcast_in_dim3A_270 = vector.broadcast %broadcast_in_dim3A_269 : i32 to vector<16xi32>
        tpu.vector_store_idx %arg11[%broadcast_in_dim3A_270, %get3A_170], %get3A_182 {add = true} : memref<16x1024xf32, #tpu.memory_space<vmem>>[vector<16xi32>, vector<16xi32>], vector<16xf32>,
        %broadcast_in_dim3A_271 = arith.constant 2 : i32
        %broadcast_in_dim3A_272 = vector.broadcast %broadcast_in_dim3A_271 : i32 to vector<16xi32>
        tpu.vector_store_idx %arg11[%broadcast_in_dim3A_272, %get3A_170], %get3A_188 {add = true} : memref<16x1024xf32, #tpu.memory_space<vmem>>[vector<16xi32>, vector<16xi32>], vector<16xf32>,
        %broadcast_in_dim3A_273 = arith.constant 3 : i32
        %broadcast_in_dim3A_274 = vector.broadcast %broadcast_in_dim3A_273 : i32 to vector<16xi32>
        tpu.vector_store_idx %arg11[%broadcast_in_dim3A_274, %get3A_170], %get3A_194 {add = true} : memref<16x1024xf32, #tpu.memory_space<vmem>>[vector<16xi32>, vector<16xi32>], vector<16xf32>,
        %broadcast_in_dim3A_275 = arith.constant 4 : i32
        %broadcast_in_dim3A_276 = vector.broadcast %broadcast_in_dim3A_275 : i32 to vector<16xi32>
        tpu.vector_store_idx %arg11[%broadcast_in_dim3A_276, %get3A_170], %get3A_200 {add = true} : memref<16x1024xf32, #tpu.memory_space<vmem>>[vector<16xi32>, vector<16xi32>], vector<16xf32>,
        %broadcast_in_dim3A_277 = arith.constant 5 : i32
        %broadcast_in_dim3A_278 = vector.broadcast %broadcast_in_dim3A_277 : i32 to vector<16xi32>
        tpu.vector_store_idx %arg11[%broadcast_in_dim3A_278, %get3A_170], %get3A_206 {add = true} : memref<16x1024xf32, #tpu.memory_space<vmem>>[vector<16xi32>, vector<16xi32>], vector<16xf32>,
        %broadcast_in_dim3A_279 = arith.constant 6 : i32
        %broadcast_in_dim3A_280 = vector.broadcast %broadcast_in_dim3A_279 : i32 to vector<16xi32>
        tpu.vector_store_idx %arg11[%broadcast_in_dim3A_280, %get3A_170], %get3A_212 {add = true} : memref<16x1024xf32, #tpu.memory_space<vmem>>[vector<16xi32>, vector<16xi32>], vector<16xf32>,
        %broadcast_in_dim3A_281 = arith.constant 7 : i32
        %broadcast_in_dim3A_282 = vector.broadcast %broadcast_in_dim3A_281 : i32 to vector<16xi32>
        tpu.vector_store_idx %arg11[%broadcast_in_dim3A_282, %get3A_170], %get3A_218 {add = true} : memref<16x1024xf32, #tpu.memory_space<vmem>>[vector<16xi32>, vector<16xi32>], vector<16xf32>,
        %broadcast_in_dim3A_283 = arith.constant 8 : i32
        %broadcast_in_dim3A_284 = vector.broadcast %broadcast_in_dim3A_283 : i32 to vector<16xi32>
        tpu.vector_store_idx %arg11[%broadcast_in_dim3A_284, %get3A_170], %get3A_224 {add = true} : memref<16x1024xf32, #tpu.memory_space<vmem>>[vector<16xi32>, vector<16xi32>], vector<16xf32>,
        %broadcast_in_dim3A_285 = arith.constant 9 : i32
        %broadcast_in_dim3A_286 = vector.broadcast %broadcast_in_dim3A_285 : i32 to vector<16xi32>
        tpu.vector_store_idx %arg11[%broadcast_in_dim3A_286, %get3A_170], %get3A_230 {add = true} : memref<16x1024xf32, #tpu.memory_space<vmem>>[vector<16xi32>, vector<16xi32>], vector<16xf32>,
        %broadcast_in_dim3A_287 = arith.constant 10 : i32
        %broadcast_in_dim3A_288 = vector.broadcast %broadcast_in_dim3A_287 : i32 to vector<16xi32>
        tpu.vector_store_idx %arg11[%broadcast_in_dim3A_288, %get3A_170], %get3A_236 {add = true} : memref<16x1024xf32, #tpu.memory_space<vmem>>[vector<16xi32>, vector<16xi32>], vector<16xf32>,
        %broadcast_in_dim3A_289 = arith.constant 11 : i32
        %broadcast_in_dim3A_290 = vector.broadcast %broadcast_in_dim3A_289 : i32 to vector<16xi32>
        tpu.vector_store_idx %arg11[%broadcast_in_dim3A_290, %get3A_170], %get3A_242 {add = true} : memref<16x1024xf32, #tpu.memory_space<vmem>>[vector<16xi32>, vector<16xi32>], vector<16xf32>,
        %broadcast_in_dim3A_291 = arith.constant 12 : i32
        %broadcast_in_dim3A_292 = vector.broadcast %broadcast_in_dim3A_291 : i32 to vector<16xi32>
        tpu.vector_store_idx %arg11[%broadcast_in_dim3A_292, %get3A_170], %get3A_248 {add = true} : memref<16x1024xf32, #tpu.memory_space<vmem>>[vector<16xi32>, vector<16xi32>], vector<16xf32>,
        %broadcast_in_dim3A_293 = arith.constant 13 : i32
        %broadcast_in_dim3A_294 = vector.broadcast %broadcast_in_dim3A_293 : i32 to vector<16xi32>
        tpu.vector_store_idx %arg11[%broadcast_in_dim3A_294, %get3A_170], %get3A_254 {add = true} : memref<16x1024xf32, #tpu.memory_space<vmem>>[vector<16xi32>, vector<16xi32>], vector<16xf32>,
        %broadcast_in_dim3A_295 = arith.constant 14 : i32
        %broadcast_in_dim3A_296 = vector.broadcast %broadcast_in_dim3A_295 : i32 to vector<16xi32>
        tpu.vector_store_idx %arg11[%broadcast_in_dim3A_296, %get3A_170], %get3A_260 {add = true} : memref<16x1024xf32, #tpu.memory_space<vmem>>[vector<16xi32>, vector<16xi32>], vector<16xf32>,
        %broadcast_in_dim3A_297 = arith.constant 15 : i32
        %broadcast_in_dim3A_298 = vector.broadcast %broadcast_in_dim3A_297 : i32 to vector<16xi32>
        tpu.vector_store_idx %arg11[%broadcast_in_dim3A_298, %get3A_170], %get3A_266 {add = true} : memref<16x1024xf32, #tpu.memory_space<vmem>>[vector<16xi32>, vector<16xi32>], vector<16xf32>,
      }
      %scan3A_131 = arith.constant 64 : i32
      %mul3A_132 = arith.constant 2 : i32
      %mul3A_133 = arith.muli %scan3A_96, %mul3A_132 : i32
      %add3A_134 = arith.constant 1 : i32
      %add3A_135 = arith.addi %mul3A_133, %add3A_134 : i32
      %dma_wait3A_136 = arith.constant 0 : i32
      %dma_wait3A_137 = tpu.memref_slice %arg8[%dma_wait3A_136] : memref<1024xi32, #tpu.memory_space<vmem>> -> memref<1024xi32, #tpu.memory_space<vmem>>
      %dma_wait3A_138 = arith.constant 0 : i32
      %dma_wait3A_139 = tpu.memref_slice %arg4[%dma_wait3A_138] : memref<32768xi32, #tpu.memory_space<hbm>> -> memref<1024xi32, #tpu.memory_space<hbm>>
      %dma_wait3A_140 = arith.constant 0 : i32
      %dma_wait3A_141 = tpu.memref_slice %arg8[%dma_wait3A_140] : memref<1024xi32, #tpu.memory_space<vmem>> -> memref<1024xi32, #tpu.memory_space<vmem>>
      %dma_wait3A_142 = arith.constant 0 : i32
      %dma_wait3A_143 = tpu.memref_slice %arg4[%dma_wait3A_142] : memref<32768xi32, #tpu.memory_space<hbm>> -> memref<1024xi32, #tpu.memory_space<hbm>>
      tpu.wait_dma2 semaphore(%arg15 : memref<!tpu.dma_semaphore, #tpu.memory_space<semaphore_mem>>) src(%dma_wait3A_143 : memref<1024xi32, #tpu.memory_space<hbm>>) dst(%dma_wait3A_141 : memref<1024xi32, #tpu.memory_space<vmem>>)
      %dma_wait3A_144 = arith.constant 0 : i32
      %dma_wait3A_145 = arith.constant 0 : i32
      %dma_wait3A_146 = tpu.memref_slice %arg10[%dma_wait3A_144, %dma_wait3A_145] : memref<16x1024xf32, #tpu.memory_space<vmem>> -> memref<16x1024xf32, #tpu.memory_space<vmem>>
      %dma_wait3A_147 = arith.constant 0 : i32
      %dma_wait3A_148 = tpu.memref_slice %arg2[%mul3A_6, %dma_wait3A_147] : memref<256x16384xf32, #tpu.memory_space<hbm>> -> memref<16x1024xf32, #tpu.memory_space<hbm>>
      %dma_wait3A_149 = arith.constant 0 : i32
      %dma_wait3A_150 = arith.constant 0 : i32
      %dma_wait3A_151 = tpu.memref_slice %arg10[%dma_wait3A_149, %dma_wait3A_150] : memref<16x1024xf32, #tpu.memory_space<vmem>> -> memref<16x1024xf32, #tpu.memory_space<vmem>>
      %dma_wait3A_152 = arith.constant 0 : i32
      %dma_wait3A_153 = tpu.memref_slice %arg2[%mul3A_6, %dma_wait3A_152] : memref<256x16384xf32, #tpu.memory_space<hbm>> -> memref<16x1024xf32, #tpu.memory_space<hbm>>
      tpu.wait_dma2 semaphore(%arg15 : memref<!tpu.dma_semaphore, #tpu.memory_space<semaphore_mem>>) src(%dma_wait3A_153 : memref<16x1024xf32, #tpu.memory_space<hbm>>) dst(%dma_wait3A_151 : memref<16x1024xf32, #tpu.memory_space<vmem>>)
      %add3A_154 = arith.constant 1 : i32
      %add3A_155 = arith.addi %add3A_135, %add3A_154 : i32
      %lt3A_156 = arith.constant 8 : i32
      %lt3A_157 = arith.cmpi slt, %add3A_155, %lt3A_156 : i32
      %convert_element_type3A_158 = arith.extui %lt3A_157 : i1 to i32
      %cond3A_159 = arith.constant 0 : i32
      %cond3A_160 = arith.cmpi ne, %convert_element_type3A_158, %cond3A_159 : i32
      scf.if %cond3A_160 {
        %add3A_167 = arith.constant 1 : i32
        %add3A_168 = arith.addi %add3A_135, %add3A_167 : i32
        %mul3A_169 = arith.constant 1024 : i32
        %mul3A_170 = arith.muli %add3A_168, %mul3A_169 : i32
        %add3A_171 = arith.addi %add3A_9, %mul3A_170 : i32
        %dma_start3A_172 = arith.constant 0 : i32
        %dma_start3A_173 = tpu.memref_slice %arg7[%dma_start3A_172] : memref<1024xi32, #tpu.memory_space<vmem>> -> memref<1024xi32, #tpu.memory_space<vmem>>
        %dma_start3A_174 = tpu.memref_slice %arg4[%add3A_171] : memref<32768xi32, #tpu.memory_space<hbm>> -> memref<1024xi32, #tpu.memory_space<hbm>>
        %dma_start3A_175 = arith.constant 0 : i32
        %dma_start3A_176 = tpu.memref_slice %arg7[%dma_start3A_175] : memref<1024xi32, #tpu.memory_space<vmem>> -> memref<1024xi32, #tpu.memory_space<vmem>>
        %dma_start3A_177 = tpu.memref_slice %arg4[%add3A_171] : memref<32768xi32, #tpu.memory_space<hbm>> -> memref<1024xi32, #tpu.memory_space<hbm>>
        tpu.enqueue_dma source(%dma_start3A_177 : memref<1024xi32, #tpu.memory_space<hbm>>) target(%dma_start3A_176 : memref<1024xi32, #tpu.memory_space<vmem>>) target_semaphore(%arg14 : memref<!tpu.dma_semaphore, #tpu.memory_space<semaphore_mem>>)
        %sub3A_178 = arith.constant 16384 : i32
        %sub3A_179 = arith.subi %add3A_171, %sub3A_178 : i32
        %dma_start3A_180 = arith.constant 0 : i32
        %dma_start3A_181 = arith.constant 0 : i32
        %dma_start3A_182 = tpu.memref_slice %arg9[%dma_start3A_180, %dma_start3A_181] : memref<16x1024xf32, #tpu.memory_space<vmem>> -> memref<16x1024xf32, #tpu.memory_space<vmem>>
        %dma_start3A_183 = tpu.memref_slice %arg2[%mul3A_6, %sub3A_179] : memref<256x16384xf32, #tpu.memory_space<hbm>> -> memref<16x1024xf32, #tpu.memory_space<hbm>>
        %dma_start3A_184 = arith.constant 0 : i32
        %dma_start3A_185 = arith.constant 0 : i32
        %dma_start3A_186 = tpu.memref_slice %arg9[%dma_start3A_184, %dma_start3A_185] : memref<16x1024xf32, #tpu.memory_space<vmem>> -> memref<16x1024xf32, #tpu.memory_space<vmem>>
        %dma_start3A_187 = tpu.memref_slice %arg2[%mul3A_6, %sub3A_179] : memref<256x16384xf32, #tpu.memory_space<hbm>> -> memref<16x1024xf32, #tpu.memory_space<hbm>>
        tpu.enqueue_dma source(%dma_start3A_187 : memref<16x1024xf32, #tpu.memory_space<hbm>>) target(%dma_start3A_186 : memref<16x1024xf32, #tpu.memory_space<vmem>>) target_semaphore(%arg14 : memref<!tpu.dma_semaphore, #tpu.memory_space<semaphore_mem>>)
      } else {
      }
      %scan3A_161 = arith.constant 0 : i32
      %scan3A_162 = arith.constant 0 : i32
      %scan3A_163 = arith.constant 64 : i32
      %scan3A_164 = arith.addi %scan3A_162, %scan3A_163 : i32
      %scan3A_165 = arith.constant 1 : i32
      scf.for %scan3A_167 = %scan3A_162 to %scan3A_164 step %scan3A_165  : i32 {
        %mul3A_168 = arith.constant 16 : i32
        %mul3A_169 = arith.muli %scan3A_167, %mul3A_168 : i32
        %get3A = arith.index_cast %mul3A_169 : i32 to index
        %get3A_170 = tpu.vector_load %arg8[%get3A] {strides = array<i32>} : memref<1024xi32, #tpu.memory_space<vmem>>, vector<16xi32>,
        %mul3A_171 = arith.constant 16 : i32
        %mul3A_172 = arith.muli %scan3A_167, %mul3A_171 : i32
        %get3A_173 = arith.constant 0 : i32
        %get3A_174 = arith.index_cast %get3A_173 : i32 to index
        %get3A_175 = arith.index_cast %mul3A_172 : i32 to index
        %get3A_176 = tpu.vector_load %arg10[%get3A_174, %get3A_175] {strides = array<i32>} : memref<16x1024xf32, #tpu.memory_space<vmem>>, vector<16xf32>,
        %mul3A_177 = arith.constant 16 : i32
        %mul3A_178 = arith.muli %scan3A_167, %mul3A_177 : i32
        %get3A_179 = arith.constant 1 : i32
        %get3A_180 = arith.index_cast %get3A_179 : i32 to index
        %get3A_181 = arith.index_cast %mul3A_178 : i32 to index
        %get3A_182 = tpu.vector_load %arg10[%get3A_180, %get3A_181] {strides = array<i32>} : memref<16x1024xf32, #tpu.memory_space<vmem>>, vector<16xf32>,
        %mul3A_183 = arith.constant 16 : i32
        %mul3A_184 = arith.muli %scan3A_167, %mul3A_183 : i32
        %get3A_185 = arith.constant 2 : i32
        %get3A_186 = arith.index_cast %get3A_185 : i32 to index
        %get3A_187 = arith.index_cast %mul3A_184 : i32 to index
        %get3A_188 = tpu.vector_load %arg10[%get3A_186, %get3A_187] {strides = array<i32>} : memref<16x1024xf32, #tpu.memory_space<vmem>>, vector<16xf32>,
        %mul3A_189 = arith.constant 16 : i32
        %mul3A_190 = arith.muli %scan3A_167, %mul3A_189 : i32
        %get3A_191 = arith.constant 3 : i32
        %get3A_192 = arith.index_cast %get3A_191 : i32 to index
        %get3A_193 = arith.index_cast %mul3A_190 : i32 to index
        %get3A_194 = tpu.vector_load %arg10[%get3A_192, %get3A_193] {strides = array<i32>} : memref<16x1024xf32, #tpu.memory_space<vmem>>, vector<16xf32>,
        %mul3A_195 = arith.constant 16 : i32
        %mul3A_196 = arith.muli %scan3A_167, %mul3A_195 : i32
        %get3A_197 = arith.constant 4 : i32
        %get3A_198 = arith.index_cast %get3A_197 : i32 to index
        %get3A_199 = arith.index_cast %mul3A_196 : i32 to index
        %get3A_200 = tpu.vector_load %arg10[%get3A_198, %get3A_199] {strides = array<i32>} : memref<16x1024xf32, #tpu.memory_space<vmem>>, vector<16xf32>,
        %mul3A_201 = arith.constant 16 : i32
        %mul3A_202 = arith.muli %scan3A_167, %mul3A_201 : i32
        %get3A_203 = arith.constant 5 : i32
        %get3A_204 = arith.index_cast %get3A_203 : i32 to index
        %get3A_205 = arith.index_cast %mul3A_202 : i32 to index
        %get3A_206 = tpu.vector_load %arg10[%get3A_204, %get3A_205] {strides = array<i32>} : memref<16x1024xf32, #tpu.memory_space<vmem>>, vector<16xf32>,
        %mul3A_207 = arith.constant 16 : i32
        %mul3A_208 = arith.muli %scan3A_167, %mul3A_207 : i32
        %get3A_209 = arith.constant 6 : i32
        %get3A_210 = arith.index_cast %get3A_209 : i32 to index
        %get3A_211 = arith.index_cast %mul3A_208 : i32 to index
        %get3A_212 = tpu.vector_load %arg10[%get3A_210, %get3A_211] {strides = array<i32>} : memref<16x1024xf32, #tpu.memory_space<vmem>>, vector<16xf32>,
        %mul3A_213 = arith.constant 16 : i32
        %mul3A_214 = arith.muli %scan3A_167, %mul3A_213 : i32
        %get3A_215 = arith.constant 7 : i32
        %get3A_216 = arith.index_cast %get3A_215 : i32 to index
        %get3A_217 = arith.index_cast %mul3A_214 : i32 to index
        %get3A_218 = tpu.vector_load %arg10[%get3A_216, %get3A_217] {strides = array<i32>} : memref<16x1024xf32, #tpu.memory_space<vmem>>, vector<16xf32>,
        %mul3A_219 = arith.constant 16 : i32
        %mul3A_220 = arith.muli %scan3A_167, %mul3A_219 : i32
        %get3A_221 = arith.constant 8 : i32
        %get3A_222 = arith.index_cast %get3A_221 : i32 to index
        %get3A_223 = arith.index_cast %mul3A_220 : i32 to index
        %get3A_224 = tpu.vector_load %arg10[%get3A_222, %get3A_223] {strides = array<i32>} : memref<16x1024xf32, #tpu.memory_space<vmem>>, vector<16xf32>,
        %mul3A_225 = arith.constant 16 : i32
        %mul3A_226 = arith.muli %scan3A_167, %mul3A_225 : i32
        %get3A_227 = arith.constant 9 : i32
        %get3A_228 = arith.index_cast %get3A_227 : i32 to index
        %get3A_229 = arith.index_cast %mul3A_226 : i32 to index
        %get3A_230 = tpu.vector_load %arg10[%get3A_228, %get3A_229] {strides = array<i32>} : memref<16x1024xf32, #tpu.memory_space<vmem>>, vector<16xf32>,
        %mul3A_231 = arith.constant 16 : i32
        %mul3A_232 = arith.muli %scan3A_167, %mul3A_231 : i32
        %get3A_233 = arith.constant 10 : i32
        %get3A_234 = arith.index_cast %get3A_233 : i32 to index
        %get3A_235 = arith.index_cast %mul3A_232 : i32 to index
        %get3A_236 = tpu.vector_load %arg10[%get3A_234, %get3A_235] {strides = array<i32>} : memref<16x1024xf32, #tpu.memory_space<vmem>>, vector<16xf32>,
        %mul3A_237 = arith.constant 16 : i32
        %mul3A_238 = arith.muli %scan3A_167, %mul3A_237 : i32
        %get3A_239 = arith.constant 11 : i32
        %get3A_240 = arith.index_cast %get3A_239 : i32 to index
        %get3A_241 = arith.index_cast %mul3A_238 : i32 to index
        %get3A_242 = tpu.vector_load %arg10[%get3A_240, %get3A_241] {strides = array<i32>} : memref<16x1024xf32, #tpu.memory_space<vmem>>, vector<16xf32>,
        %mul3A_243 = arith.constant 16 : i32
        %mul3A_244 = arith.muli %scan3A_167, %mul3A_243 : i32
        %get3A_245 = arith.constant 12 : i32
        %get3A_246 = arith.index_cast %get3A_245 : i32 to index
        %get3A_247 = arith.index_cast %mul3A_244 : i32 to index
        %get3A_248 = tpu.vector_load %arg10[%get3A_246, %get3A_247] {strides = array<i32>} : memref<16x1024xf32, #tpu.memory_space<vmem>>, vector<16xf32>,
        %mul3A_249 = arith.constant 16 : i32
        %mul3A_250 = arith.muli %scan3A_167, %mul3A_249 : i32
        %get3A_251 = arith.constant 13 : i32
        %get3A_252 = arith.index_cast %get3A_251 : i32 to index
        %get3A_253 = arith.index_cast %mul3A_250 : i32 to index
        %get3A_254 = tpu.vector_load %arg10[%get3A_252, %get3A_253] {strides = array<i32>} : memref<16x1024xf32, #tpu.memory_space<vmem>>, vector<16xf32>,
        %mul3A_255 = arith.constant 16 : i32
        %mul3A_256 = arith.muli %scan3A_167, %mul3A_255 : i32
        %get3A_257 = arith.constant 14 : i32
        %get3A_258 = arith.index_cast %get3A_257 : i32 to index
        %get3A_259 = arith.index_cast %mul3A_256 : i32 to index
        %get3A_260 = tpu.vector_load %arg10[%get3A_258, %get3A_259] {strides = array<i32>} : memref<16x1024xf32, #tpu.memory_space<vmem>>, vector<16xf32>,
        %mul3A_261 = arith.constant 16 : i32
        %mul3A_262 = arith.muli %scan3A_167, %mul3A_261 : i32
        %get3A_263 = arith.constant 15 : i32
        %get3A_264 = arith.index_cast %get3A_263 : i32 to index
        %get3A_265 = arith.index_cast %mul3A_262 : i32 to index
        %get3A_266 = tpu.vector_load %arg10[%get3A_264, %get3A_265] {strides = array<i32>} : memref<16x1024xf32, #tpu.memory_space<vmem>>, vector<16xf32>,
        %broadcast_in_dim3A_267 = arith.constant 0 : i32
        %broadcast_in_dim3A_268 = vector.broadcast %broadcast_in_dim3A_267 : i32 to vector<16xi32>
        tpu.vector_store_idx %arg11[%broadcast_in_dim3A_268, %get3A_170], %get3A_176 {add = true} : memref<16x1024xf32, #tpu.memory_space<vmem>>[vector<16xi32>, vector<16xi32>], vector<16xf32>,
        %broadcast_in_dim3A_269 = arith.constant 1 : i32
        %broadcast_in_dim3A_270 = vector.broadcast %broadcast_in_dim3A_269 : i32 to vector<16xi32>
        tpu.vector_store_idx %arg11[%broadcast_in_dim3A_270, %get3A_170], %get3A_182 {add = true} : memref<16x1024xf32, #tpu.memory_space<vmem>>[vector<16xi32>, vector<16xi32>], vector<16xf32>,
        %broadcast_in_dim3A_271 = arith.constant 2 : i32
        %broadcast_in_dim3A_272 = vector.broadcast %broadcast_in_dim3A_271 : i32 to vector<16xi32>
        tpu.vector_store_idx %arg11[%broadcast_in_dim3A_272, %get3A_170], %get3A_188 {add = true} : memref<16x1024xf32, #tpu.memory_space<vmem>>[vector<16xi32>, vector<16xi32>], vector<16xf32>,
        %broadcast_in_dim3A_273 = arith.constant 3 : i32
        %broadcast_in_dim3A_274 = vector.broadcast %broadcast_in_dim3A_273 : i32 to vector<16xi32>
        tpu.vector_store_idx %arg11[%broadcast_in_dim3A_274, %get3A_170], %get3A_194 {add = true} : memref<16x1024xf32, #tpu.memory_space<vmem>>[vector<16xi32>, vector<16xi32>], vector<16xf32>,
        %broadcast_in_dim3A_275 = arith.constant 4 : i32
        %broadcast_in_dim3A_276 = vector.broadcast %broadcast_in_dim3A_275 : i32 to vector<16xi32>
        tpu.vector_store_idx %arg11[%broadcast_in_dim3A_276, %get3A_170], %get3A_200 {add = true} : memref<16x1024xf32, #tpu.memory_space<vmem>>[vector<16xi32>, vector<16xi32>], vector<16xf32>,
        %broadcast_in_dim3A_277 = arith.constant 5 : i32
        %broadcast_in_dim3A_278 = vector.broadcast %broadcast_in_dim3A_277 : i32 to vector<16xi32>
        tpu.vector_store_idx %arg11[%broadcast_in_dim3A_278, %get3A_170], %get3A_206 {add = true} : memref<16x1024xf32, #tpu.memory_space<vmem>>[vector<16xi32>, vector<16xi32>], vector<16xf32>,
        %broadcast_in_dim3A_279 = arith.constant 6 : i32
        %broadcast_in_dim3A_280 = vector.broadcast %broadcast_in_dim3A_279 : i32 to vector<16xi32>
        tpu.vector_store_idx %arg11[%broadcast_in_dim3A_280, %get3A_170], %get3A_212 {add = true} : memref<16x1024xf32, #tpu.memory_space<vmem>>[vector<16xi32>, vector<16xi32>], vector<16xf32>,
        %broadcast_in_dim3A_281 = arith.constant 7 : i32
        %broadcast_in_dim3A_282 = vector.broadcast %broadcast_in_dim3A_281 : i32 to vector<16xi32>
        tpu.vector_store_idx %arg11[%broadcast_in_dim3A_282, %get3A_170], %get3A_218 {add = true} : memref<16x1024xf32, #tpu.memory_space<vmem>>[vector<16xi32>, vector<16xi32>], vector<16xf32>,
        %broadcast_in_dim3A_283 = arith.constant 8 : i32
        %broadcast_in_dim3A_284 = vector.broadcast %broadcast_in_dim3A_283 : i32 to vector<16xi32>
        tpu.vector_store_idx %arg11[%broadcast_in_dim3A_284, %get3A_170], %get3A_224 {add = true} : memref<16x1024xf32, #tpu.memory_space<vmem>>[vector<16xi32>, vector<16xi32>], vector<16xf32>,
        %broadcast_in_dim3A_285 = arith.constant 9 : i32
        %broadcast_in_dim3A_286 = vector.broadcast %broadcast_in_dim3A_285 : i32 to vector<16xi32>
        tpu.vector_store_idx %arg11[%broadcast_in_dim3A_286, %get3A_170], %get3A_230 {add = true} : memref<16x1024xf32, #tpu.memory_space<vmem>>[vector<16xi32>, vector<16xi32>], vector<16xf32>,
        %broadcast_in_dim3A_287 = arith.constant 10 : i32
        %broadcast_in_dim3A_288 = vector.broadcast %broadcast_in_dim3A_287 : i32 to vector<16xi32>
        tpu.vector_store_idx %arg11[%broadcast_in_dim3A_288, %get3A_170], %get3A_236 {add = true} : memref<16x1024xf32, #tpu.memory_space<vmem>>[vector<16xi32>, vector<16xi32>], vector<16xf32>,
        %broadcast_in_dim3A_289 = arith.constant 11 : i32
        %broadcast_in_dim3A_290 = vector.broadcast %broadcast_in_dim3A_289 : i32 to vector<16xi32>
        tpu.vector_store_idx %arg11[%broadcast_in_dim3A_290, %get3A_170], %get3A_242 {add = true} : memref<16x1024xf32, #tpu.memory_space<vmem>>[vector<16xi32>, vector<16xi32>], vector<16xf32>,
        %broadcast_in_dim3A_291 = arith.constant 12 : i32
        %broadcast_in_dim3A_292 = vector.broadcast %broadcast_in_dim3A_291 : i32 to vector<16xi32>
        tpu.vector_store_idx %arg11[%broadcast_in_dim3A_292, %get3A_170], %get3A_248 {add = true} : memref<16x1024xf32, #tpu.memory_space<vmem>>[vector<16xi32>, vector<16xi32>], vector<16xf32>,
        %broadcast_in_dim3A_293 = arith.constant 13 : i32
        %broadcast_in_dim3A_294 = vector.broadcast %broadcast_in_dim3A_293 : i32 to vector<16xi32>
        tpu.vector_store_idx %arg11[%broadcast_in_dim3A_294, %get3A_170], %get3A_254 {add = true} : memref<16x1024xf32, #tpu.memory_space<vmem>>[vector<16xi32>, vector<16xi32>], vector<16xf32>,
        %broadcast_in_dim3A_295 = arith.constant 14 : i32
        %broadcast_in_dim3A_296 = vector.broadcast %broadcast_in_dim3A_295 : i32 to vector<16xi32>
        tpu.vector_store_idx %arg11[%broadcast_in_dim3A_296, %get3A_170], %get3A_260 {add = true} : memref<16x1024xf32, #tpu.memory_space<vmem>>[vector<16xi32>, vector<16xi32>], vector<16xf32>,
        %broadcast_in_dim3A_297 = arith.constant 15 : i32
        %broadcast_in_dim3A_298 = vector.broadcast %broadcast_in_dim3A_297 : i32 to vector<16xi32>
        tpu.vector_store_idx %arg11[%broadcast_in_dim3A_298, %get3A_170], %get3A_266 {add = true} : memref<16x1024xf32, #tpu.memory_space<vmem>>[vector<16xi32>, vector<16xi32>], vector<16xf32>,
      }
      %scan3A_166 = arith.constant 64 : i32
    }
    %scan3A_31 = arith.constant 4 : i32
    %mul3A_32 = arith.constant 16 : i32
    %mul3A_33 = arith.muli %arg1, %mul3A_32 : i32
    %mul3A_34 = arith.constant 1024 : i32
    %mul3A_35 = arith.muli %arg0, %mul3A_34 : i32
    "tpu.region"() ({
      %run_scoped3A = tpu.sem_alloc : memref<!tpu.dma_semaphore, #tpu.memory_space<semaphore_mem>>
      %dma_start3A_96 = tpu.memref_slice %arg5[%mul3A_33, %mul3A_35] : memref<256x2048xf32, #tpu.memory_space<hbm>> -> memref<16x1024xf32, #tpu.memory_space<hbm>>
      %dma_start3A_97 = tpu.memref_slice %arg5[%mul3A_33, %mul3A_35] : memref<256x2048xf32, #tpu.memory_space<hbm>> -> memref<16x1024xf32, #tpu.memory_space<hbm>>
      tpu.enqueue_dma source(%arg11 : memref<16x1024xf32, #tpu.memory_space<vmem>>) target(%dma_start3A_97 : memref<16x1024xf32, #tpu.memory_space<hbm>>) target_semaphore(%run_scoped3A : memref<!tpu.dma_semaphore, #tpu.memory_space<semaphore_mem>>)
      %dma_wait3A_98 = tpu.memref_slice %arg5[%mul3A_33, %mul3A_35] : memref<256x2048xf32, #tpu.memory_space<hbm>> -> memref<16x1024xf32, #tpu.memory_space<hbm>>
      %dma_wait3A_99 = tpu.memref_slice %arg5[%mul3A_33, %mul3A_35] : memref<256x2048xf32, #tpu.memory_space<hbm>> -> memref<16x1024xf32, #tpu.memory_space<hbm>>
      tpu.wait_dma2 semaphore(%run_scoped3A : memref<!tpu.dma_semaphore, #tpu.memory_space<semaphore_mem>>) src(%arg11 : memref<16x1024xf32, #tpu.memory_space<vmem>>) dst(%dma_wait3A_99 : memref<16x1024xf32, #tpu.memory_space<hbm>>)
      tpu.yield
    }) : () -> ()
    %scan3A_36 = arith.constant 0 : i32
    %scan3A_37 = arith.constant 0 : i32
    %scan3A_38 = arith.constant 1024 : i32
    %scan3A_39 = arith.addi %scan3A_37, %scan3A_38 : i32
    %scan3A_40 = arith.constant 1 : i32
    scf.for %scan3A_96 = %scan3A_37 to %scan3A_39 step %scan3A_40  : i32 {
      %jit3A = arith.constant 64 : i32
      %div3A = arith.divsi %scan3A_96, %jit3A : i32
      %sign3A = arith.constant 0 : i32
      %sign3A_97 = arith.cmpi sgt, %scan3A_96, %sign3A : i32
      %sign3A_98 = arith.extui %sign3A_97 : i1 to i32
      %sign3A_99 = arith.constant 0 : i32
      %sign3A_100 = arith.cmpi slt, %scan3A_96, %sign3A_99 : i32
      %sign3A_101 = arith.extui %sign3A_100 : i1 to i32
      %sign3A_102 = arith.subi %sign3A_98, %sign3A_101 : i32
      %sign3A_103 = arith.constant 0 : i32
      %sign3A_104 = arith.cmpi sgt, %jit3A, %sign3A_103 : i32
      %sign3A_105 = arith.extui %sign3A_104 : i1 to i32
      %sign3A_106 = arith.constant 0 : i32
      %sign3A_107 = arith.cmpi slt, %jit3A, %sign3A_106 : i32
      %sign3A_108 = arith.extui %sign3A_107 : i1 to i32
      %sign3A_109 = arith.subi %sign3A_105, %sign3A_108 : i32
      %ne3A = arith.cmpi ne, %sign3A_102, %sign3A_109 : i32
      %rem3A = arith.remsi %scan3A_96, %jit3A : i32
      %ne3A_110 = arith.constant 0 : i32
      %ne3A_111 = arith.cmpi ne, %rem3A, %ne3A_110 : i32
      %and3A = arith.andi %ne3A, %ne3A_111 : i1
      %sub3A_112 = arith.constant 1 : i32
      %sub3A_113 = arith.subi %div3A, %sub3A_112 : i32
      %select_n3A = arith.select %and3A, %sub3A_113, %div3A : i32
      %jit3A_114 = arith.constant 64 : i32
      %eq3A = arith.constant 0 : i32
      %eq3A_115 = arith.cmpi eq, %jit3A_114, %eq3A : i32
      %jit3A_116 = arith.constant 1 : i32
      %select_n3A_117 = arith.select %eq3A_115, %jit3A_116, %jit3A_114 : i32
      %rem3A_118 = arith.remsi %scan3A_96, %select_n3A_117 : i32
      %ne3A_119 = arith.constant 0 : i32
      %ne3A_120 = arith.cmpi ne, %rem3A_118, %ne3A_119 : i32
      %lt3A_121 = arith.constant 0 : i32
      %lt3A_122 = arith.cmpi slt, %rem3A_118, %lt3A_121 : i32
      %lt3A_123 = arith.constant 0 : i32
      %lt3A_124 = arith.cmpi slt, %select_n3A_117, %lt3A_123 : i32
      %ne3A_125 = arith.xori %lt3A_122, %lt3A_124 : i1
      %and3A_126 = arith.andi %ne3A_125, %ne3A_120 : i1
      %add3A_127 = arith.addi %rem3A_118, %select_n3A_117 : i32
      %select_n3A_128 = arith.select %and3A_126, %add3A_127, %rem3A_118 : i32
      %mul3A_129 = arith.constant 16 : i32
      %mul3A_130 = arith.muli %select_n3A_128, %mul3A_129 : i32
      %swap3A = arith.index_cast %select_n3A : i32 to index
      %swap3A_131 = arith.index_cast %mul3A_130 : i32 to index
      %swap3A_132 = tpu.vector_load %arg11[%swap3A, %swap3A_131] {strides = array<i32>} : memref<16x1024xf32, #tpu.memory_space<vmem>>, vector<16xf32>,
      tpu.vector_store %arg11[%swap3A, %swap3A_131], %broadcast_in_dim3A_0 {strides = array<i32>} : memref<16x1024xf32, #tpu.memory_space<vmem>>, vector<16xf32>,
    }
    %scan3A_41 = arith.constant 1024 : i32
    %mul3A_42 = arith.constant 8192 : i32
    %mul3A_43 = arith.muli %arg0, %mul3A_42 : i32
    %add3A_44 = arith.constant 16384 : i32
    %add3A_45 = arith.addi %add3A_44, %mul3A_43 : i32
    %mul3A_46 = arith.constant 512 : i32
    %mul3A_47 = arith.muli %arg1, %mul3A_46 : i32
    %add3A_48 = arith.addi %add3A_45, %mul3A_47 : i32
    %add3A_49 = arith.constant 0 : i32
    %add3A_50 = arith.addi %add3A_48, %add3A_49 : i32
    %dma_start3A_51 = arith.constant 0 : i32
    %dma_start3A_52 = tpu.memref_slice %arg7[%dma_start3A_51] : memref<1024xi32, #tpu.memory_space<vmem>> -> memref<512xi32, #tpu.memory_space<vmem>>
    %dma_start3A_53 = tpu.memref_slice %arg4[%add3A_50] : memref<32768xi32, #tpu.memory_space<hbm>> -> memref<512xi32, #tpu.memory_space<hbm>>
    %dma_start3A_54 = arith.constant 0 : i32
    %dma_start3A_55 = tpu.memref_slice %arg7[%dma_start3A_54] : memref<1024xi32, #tpu.memory_space<vmem>> -> memref<512xi32, #tpu.memory_space<vmem>>
    %dma_start3A_56 = tpu.memref_slice %arg4[%add3A_50] : memref<32768xi32, #tpu.memory_space<hbm>> -> memref<512xi32, #tpu.memory_space<hbm>>
    tpu.enqueue_dma source(%dma_start3A_56 : memref<512xi32, #tpu.memory_space<hbm>>) target(%dma_start3A_55 : memref<512xi32, #tpu.memory_space<vmem>>) target_semaphore(%arg14 : memref<!tpu.dma_semaphore, #tpu.memory_space<semaphore_mem>>)
    %sub3A_57 = arith.constant 16384 : i32
    %sub3A_58 = arith.subi %add3A_50, %sub3A_57 : i32
    %dma_start3A_59 = arith.constant 0 : i32
    %dma_start3A_60 = arith.constant 0 : i32
    %dma_start3A_61 = tpu.memref_slice %arg9[%dma_start3A_59, %dma_start3A_60] : memref<16x1024xf32, #tpu.memory_space<vmem>> -> memref<16x512xf32, #tpu.memory_space<vmem>>
    %dma_start3A_62 = arith.constant 0 : i32
    %dma_start3A_63 = tpu.memref_slice %arg3[%dma_start3A_62, %sub3A_58] : memref<16x16384xf32, #tpu.memory_space<hbm>> -> memref<16x512xf32, #tpu.memory_space<hbm>>
    %dma_start3A_64 = arith.constant 0 : i32
    %dma_start3A_65 = arith.constant 0 : i32
    %dma_start3A_66 = tpu.memref_slice %arg9[%dma_start3A_64, %dma_start3A_65] : memref<16x1024xf32, #tpu.memory_space<vmem>> -> memref<16x512xf32, #tpu.memory_space<vmem>>
    %dma_start3A_67 = arith.constant 0 : i32
    %dma_start3A_68 = tpu.memref_slice %arg3[%dma_start3A_67, %sub3A_58] : memref<16x16384xf32, #tpu.memory_space<hbm>> -> memref<16x512xf32, #tpu.memory_space<hbm>>
    tpu.enqueue_dma source(%dma_start3A_68 : memref<16x512xf32, #tpu.memory_space<hbm>>) target(%dma_start3A_66 : memref<16x512xf32, #tpu.memory_space<vmem>>) target_semaphore(%arg14 : memref<!tpu.dma_semaphore, #tpu.memory_space<semaphore_mem>>)
    %dma_wait3A = arith.constant 0 : i32
    %dma_wait3A_69 = tpu.memref_slice %arg7[%dma_wait3A] : memref<1024xi32, #tpu.memory_space<vmem>> -> memref<512xi32, #tpu.memory_space<vmem>>
    %dma_wait3A_70 = arith.constant 0 : i32
    %dma_wait3A_71 = tpu.memref_slice %arg4[%dma_wait3A_70] : memref<32768xi32, #tpu.memory_space<hbm>> -> memref<512xi32, #tpu.memory_space<hbm>>
    %dma_wait3A_72 = arith.constant 0 : i32
    %dma_wait3A_73 = tpu.memref_slice %arg7[%dma_wait3A_72] : memref<1024xi32, #tpu.memory_space<vmem>> -> memref<512xi32, #tpu.memory_space<vmem>>
    %dma_wait3A_74 = arith.constant 0 : i32
    %dma_wait3A_75 = tpu.memref_slice %arg4[%dma_wait3A_74] : memref<32768xi32, #tpu.memory_space<hbm>> -> memref<512xi32, #tpu.memory_space<hbm>>
    tpu.wait_dma2 semaphore(%arg14 : memref<!tpu.dma_semaphore, #tpu.memory_space<semaphore_mem>>) src(%dma_wait3A_75 : memref<512xi32, #tpu.memory_space<hbm>>) dst(%dma_wait3A_73 : memref<512xi32, #tpu.memory_space<vmem>>)
    %dma_wait3A_76 = arith.constant 0 : i32
    %dma_wait3A_77 = arith.constant 0 : i32
    %dma_wait3A_78 = tpu.memref_slice %arg9[%dma_wait3A_76, %dma_wait3A_77] : memref<16x1024xf32, #tpu.memory_space<vmem>> -> memref<16x512xf32, #tpu.memory_space<vmem>>
    %dma_wait3A_79 = arith.constant 0 : i32
    %dma_wait3A_80 = arith.constant 0 : i32
    %dma_wait3A_81 = tpu.memref_slice %arg3[%dma_wait3A_79, %dma_wait3A_80] : memref<16x16384xf32, #tpu.memory_space<hbm>> -> memref<16x512xf32, #tpu.memory_space<hbm>>
    %dma_wait3A_82 = arith.constant 0 : i32
    %dma_wait3A_83 = arith.constant 0 : i32
    %dma_wait3A_84 = tpu.memref_slice %arg9[%dma_wait3A_82, %dma_wait3A_83] : memref<16x1024xf32, #tpu.memory_space<vmem>> -> memref<16x512xf32, #tpu.memory_space<vmem>>
    %dma_wait3A_85 = arith.constant 0 : i32
    %dma_wait3A_86 = arith.constant 0 : i32
    %dma_wait3A_87 = tpu.memref_slice %arg3[%dma_wait3A_85, %dma_wait3A_86] : memref<16x16384xf32, #tpu.memory_space<hbm>> -> memref<16x512xf32, #tpu.memory_space<hbm>>
    tpu.wait_dma2 semaphore(%arg14 : memref<!tpu.dma_semaphore, #tpu.memory_space<semaphore_mem>>) src(%dma_wait3A_87 : memref<16x512xf32, #tpu.memory_space<hbm>>) dst(%dma_wait3A_84 : memref<16x512xf32, #tpu.memory_space<vmem>>)
    %scan3A_88 = arith.constant 0 : i32
    %scan3A_89 = arith.constant 0 : i32
    %scan3A_90 = arith.constant 32 : i32
    %scan3A_91 = arith.addi %scan3A_89, %scan3A_90 : i32
    %scan3A_92 = arith.constant 1 : i32
    scf.for %scan3A_96 = %scan3A_89 to %scan3A_91 step %scan3A_92  : i32 {
      %mul3A_97 = arith.constant 16 : i32
      %mul3A_98 = arith.muli %scan3A_96, %mul3A_97 : i32
      %get3A = arith.index_cast %mul3A_98 : i32 to index
      %get3A_99 = tpu.vector_load %arg7[%get3A] {strides = array<i32>} : memref<1024xi32, #tpu.memory_space<vmem>>, vector<16xi32>,
      %mul3A_100 = arith.constant 16 : i32
      %mul3A_101 = arith.muli %scan3A_96, %mul3A_100 : i32
      %get3A_102 = arith.constant 0 : i32
      %get3A_103 = arith.index_cast %get3A_102 : i32 to index
      %get3A_104 = arith.index_cast %mul3A_101 : i32 to index
      %get3A_105 = tpu.vector_load %arg9[%get3A_103, %get3A_104] {strides = array<i32>} : memref<16x1024xf32, #tpu.memory_space<vmem>>, vector<16xf32>,
      %mul3A_106 = arith.constant 16 : i32
      %mul3A_107 = arith.muli %scan3A_96, %mul3A_106 : i32
      %get3A_108 = arith.constant 1 : i32
      %get3A_109 = arith.index_cast %get3A_108 : i32 to index
      %get3A_110 = arith.index_cast %mul3A_107 : i32 to index
      %get3A_111 = tpu.vector_load %arg9[%get3A_109, %get3A_110] {strides = array<i32>} : memref<16x1024xf32, #tpu.memory_space<vmem>>, vector<16xf32>,
      %mul3A_112 = arith.constant 16 : i32
      %mul3A_113 = arith.muli %scan3A_96, %mul3A_112 : i32
      %get3A_114 = arith.constant 2 : i32
      %get3A_115 = arith.index_cast %get3A_114 : i32 to index
      %get3A_116 = arith.index_cast %mul3A_113 : i32 to index
      %get3A_117 = tpu.vector_load %arg9[%get3A_115, %get3A_116] {strides = array<i32>} : memref<16x1024xf32, #tpu.memory_space<vmem>>, vector<16xf32>,
      %mul3A_118 = arith.constant 16 : i32
      %mul3A_119 = arith.muli %scan3A_96, %mul3A_118 : i32
      %get3A_120 = arith.constant 3 : i32
      %get3A_121 = arith.index_cast %get3A_120 : i32 to index
      %get3A_122 = arith.index_cast %mul3A_119 : i32 to index
      %get3A_123 = tpu.vector_load %arg9[%get3A_121, %get3A_122] {strides = array<i32>} : memref<16x1024xf32, #tpu.memory_space<vmem>>, vector<16xf32>,
      %mul3A_124 = arith.constant 16 : i32
      %mul3A_125 = arith.muli %scan3A_96, %mul3A_124 : i32
      %get3A_126 = arith.constant 4 : i32
      %get3A_127 = arith.index_cast %get3A_126 : i32 to index
      %get3A_128 = arith.index_cast %mul3A_125 : i32 to index
      %get3A_129 = tpu.vector_load %arg9[%get3A_127, %get3A_128] {strides = array<i32>} : memref<16x1024xf32, #tpu.memory_space<vmem>>, vector<16xf32>,
      %mul3A_130 = arith.constant 16 : i32
      %mul3A_131 = arith.muli %scan3A_96, %mul3A_130 : i32
      %get3A_132 = arith.constant 5 : i32
      %get3A_133 = arith.index_cast %get3A_132 : i32 to index
      %get3A_134 = arith.index_cast %mul3A_131 : i32 to index
      %get3A_135 = tpu.vector_load %arg9[%get3A_133, %get3A_134] {strides = array<i32>} : memref<16x1024xf32, #tpu.memory_space<vmem>>, vector<16xf32>,
      %mul3A_136 = arith.constant 16 : i32
      %mul3A_137 = arith.muli %scan3A_96, %mul3A_136 : i32
      %get3A_138 = arith.constant 6 : i32
      %get3A_139 = arith.index_cast %get3A_138 : i32 to index
      %get3A_140 = arith.index_cast %mul3A_137 : i32 to index
      %get3A_141 = tpu.vector_load %arg9[%get3A_139, %get3A_140] {strides = array<i32>} : memref<16x1024xf32, #tpu.memory_space<vmem>>, vector<16xf32>,
      %mul3A_142 = arith.constant 16 : i32
      %mul3A_143 = arith.muli %scan3A_96, %mul3A_142 : i32
      %get3A_144 = arith.constant 7 : i32
      %get3A_145 = arith.index_cast %get3A_144 : i32 to index
      %get3A_146 = arith.index_cast %mul3A_143 : i32 to index
      %get3A_147 = tpu.vector_load %arg9[%get3A_145, %get3A_146] {strides = array<i32>} : memref<16x1024xf32, #tpu.memory_space<vmem>>, vector<16xf32>,
      %mul3A_148 = arith.constant 16 : i32
      %mul3A_149 = arith.muli %scan3A_96, %mul3A_148 : i32
      %get3A_150 = arith.constant 8 : i32
      %get3A_151 = arith.index_cast %get3A_150 : i32 to index
      %get3A_152 = arith.index_cast %mul3A_149 : i32 to index
      %get3A_153 = tpu.vector_load %arg9[%get3A_151, %get3A_152] {strides = array<i32>} : memref<16x1024xf32, #tpu.memory_space<vmem>>, vector<16xf32>,
      %mul3A_154 = arith.constant 16 : i32
      %mul3A_155 = arith.muli %scan3A_96, %mul3A_154 : i32
      %get3A_156 = arith.constant 9 : i32
      %get3A_157 = arith.index_cast %get3A_156 : i32 to index
      %get3A_158 = arith.index_cast %mul3A_155 : i32 to index
      %get3A_159 = tpu.vector_load %arg9[%get3A_157, %get3A_158] {strides = array<i32>} : memref<16x1024xf32, #tpu.memory_space<vmem>>, vector<16xf32>,
      %mul3A_160 = arith.constant 16 : i32
      %mul3A_161 = arith.muli %scan3A_96, %mul3A_160 : i32
      %get3A_162 = arith.constant 10 : i32
      %get3A_163 = arith.index_cast %get3A_162 : i32 to index
      %get3A_164 = arith.index_cast %mul3A_161 : i32 to index
      %get3A_165 = tpu.vector_load %arg9[%get3A_163, %get3A_164] {strides = array<i32>} : memref<16x1024xf32, #tpu.memory_space<vmem>>, vector<16xf32>,
      %mul3A_166 = arith.constant 16 : i32
      %mul3A_167 = arith.muli %scan3A_96, %mul3A_166 : i32
      %get3A_168 = arith.constant 11 : i32
      %get3A_169 = arith.index_cast %get3A_168 : i32 to index
      %get3A_170 = arith.index_cast %mul3A_167 : i32 to index
      %get3A_171 = tpu.vector_load %arg9[%get3A_169, %get3A_170] {strides = array<i32>} : memref<16x1024xf32, #tpu.memory_space<vmem>>, vector<16xf32>,
      %mul3A_172 = arith.constant 16 : i32
      %mul3A_173 = arith.muli %scan3A_96, %mul3A_172 : i32
      %get3A_174 = arith.constant 12 : i32
      %get3A_175 = arith.index_cast %get3A_174 : i32 to index
      %get3A_176 = arith.index_cast %mul3A_173 : i32 to index
      %get3A_177 = tpu.vector_load %arg9[%get3A_175, %get3A_176] {strides = array<i32>} : memref<16x1024xf32, #tpu.memory_space<vmem>>, vector<16xf32>,
      %mul3A_178 = arith.constant 16 : i32
      %mul3A_179 = arith.muli %scan3A_96, %mul3A_178 : i32
      %get3A_180 = arith.constant 13 : i32
      %get3A_181 = arith.index_cast %get3A_180 : i32 to index
      %get3A_182 = arith.index_cast %mul3A_179 : i32 to index
      %get3A_183 = tpu.vector_load %arg9[%get3A_181, %get3A_182] {strides = array<i32>} : memref<16x1024xf32, #tpu.memory_space<vmem>>, vector<16xf32>,
      %mul3A_184 = arith.constant 16 : i32
      %mul3A_185 = arith.muli %scan3A_96, %mul3A_184 : i32
      %get3A_186 = arith.constant 14 : i32
      %get3A_187 = arith.index_cast %get3A_186 : i32 to index
      %get3A_188 = arith.index_cast %mul3A_185 : i32 to index
      %get3A_189 = tpu.vector_load %arg9[%get3A_187, %get3A_188] {strides = array<i32>} : memref<16x1024xf32, #tpu.memory_space<vmem>>, vector<16xf32>,
      %mul3A_190 = arith.constant 16 : i32
      %mul3A_191 = arith.muli %scan3A_96, %mul3A_190 : i32
      %get3A_192 = arith.constant 15 : i32
      %get3A_193 = arith.index_cast %get3A_192 : i32 to index
      %get3A_194 = arith.index_cast %mul3A_191 : i32 to index
      %get3A_195 = tpu.vector_load %arg9[%get3A_193, %get3A_194] {strides = array<i32>} : memref<16x1024xf32, #tpu.memory_space<vmem>>, vector<16xf32>,
      %broadcast_in_dim3A_196 = arith.constant 0 : i32
      %broadcast_in_dim3A_197 = vector.broadcast %broadcast_in_dim3A_196 : i32 to vector<16xi32>
      tpu.vector_store_idx %arg11[%broadcast_in_dim3A_197, %get3A_99], %get3A_105 {add = true} : memref<16x1024xf32, #tpu.memory_space<vmem>>[vector<16xi32>, vector<16xi32>], vector<16xf32>,
      %broadcast_in_dim3A_198 = arith.constant 1 : i32
      %broadcast_in_dim3A_199 = vector.broadcast %broadcast_in_dim3A_198 : i32 to vector<16xi32>
      tpu.vector_store_idx %arg11[%broadcast_in_dim3A_199, %get3A_99], %get3A_111 {add = true} : memref<16x1024xf32, #tpu.memory_space<vmem>>[vector<16xi32>, vector<16xi32>], vector<16xf32>,
      %broadcast_in_dim3A_200 = arith.constant 2 : i32
      %broadcast_in_dim3A_201 = vector.broadcast %broadcast_in_dim3A_200 : i32 to vector<16xi32>
      tpu.vector_store_idx %arg11[%broadcast_in_dim3A_201, %get3A_99], %get3A_117 {add = true} : memref<16x1024xf32, #tpu.memory_space<vmem>>[vector<16xi32>, vector<16xi32>], vector<16xf32>,
      %broadcast_in_dim3A_202 = arith.constant 3 : i32
      %broadcast_in_dim3A_203 = vector.broadcast %broadcast_in_dim3A_202 : i32 to vector<16xi32>
      tpu.vector_store_idx %arg11[%broadcast_in_dim3A_203, %get3A_99], %get3A_123 {add = true} : memref<16x1024xf32, #tpu.memory_space<vmem>>[vector<16xi32>, vector<16xi32>], vector<16xf32>,
      %broadcast_in_dim3A_204 = arith.constant 4 : i32
      %broadcast_in_dim3A_205 = vector.broadcast %broadcast_in_dim3A_204 : i32 to vector<16xi32>
      tpu.vector_store_idx %arg11[%broadcast_in_dim3A_205, %get3A_99], %get3A_129 {add = true} : memref<16x1024xf32, #tpu.memory_space<vmem>>[vector<16xi32>, vector<16xi32>], vector<16xf32>,
      %broadcast_in_dim3A_206 = arith.constant 5 : i32
      %broadcast_in_dim3A_207 = vector.broadcast %broadcast_in_dim3A_206 : i32 to vector<16xi32>
      tpu.vector_store_idx %arg11[%broadcast_in_dim3A_207, %get3A_99], %get3A_135 {add = true} : memref<16x1024xf32, #tpu.memory_space<vmem>>[vector<16xi32>, vector<16xi32>], vector<16xf32>,
      %broadcast_in_dim3A_208 = arith.constant 6 : i32
      %broadcast_in_dim3A_209 = vector.broadcast %broadcast_in_dim3A_208 : i32 to vector<16xi32>
      tpu.vector_store_idx %arg11[%broadcast_in_dim3A_209, %get3A_99], %get3A_141 {add = true} : memref<16x1024xf32, #tpu.memory_space<vmem>>[vector<16xi32>, vector<16xi32>], vector<16xf32>,
      %broadcast_in_dim3A_210 = arith.constant 7 : i32
      %broadcast_in_dim3A_211 = vector.broadcast %broadcast_in_dim3A_210 : i32 to vector<16xi32>
      tpu.vector_store_idx %arg11[%broadcast_in_dim3A_211, %get3A_99], %get3A_147 {add = true} : memref<16x1024xf32, #tpu.memory_space<vmem>>[vector<16xi32>, vector<16xi32>], vector<16xf32>,
      %broadcast_in_dim3A_212 = arith.constant 8 : i32
      %broadcast_in_dim3A_213 = vector.broadcast %broadcast_in_dim3A_212 : i32 to vector<16xi32>
      tpu.vector_store_idx %arg11[%broadcast_in_dim3A_213, %get3A_99], %get3A_153 {add = true} : memref<16x1024xf32, #tpu.memory_space<vmem>>[vector<16xi32>, vector<16xi32>], vector<16xf32>,
      %broadcast_in_dim3A_214 = arith.constant 9 : i32
      %broadcast_in_dim3A_215 = vector.broadcast %broadcast_in_dim3A_214 : i32 to vector<16xi32>
      tpu.vector_store_idx %arg11[%broadcast_in_dim3A_215, %get3A_99], %get3A_159 {add = true} : memref<16x1024xf32, #tpu.memory_space<vmem>>[vector<16xi32>, vector<16xi32>], vector<16xf32>,
      %broadcast_in_dim3A_216 = arith.constant 10 : i32
      %broadcast_in_dim3A_217 = vector.broadcast %broadcast_in_dim3A_216 : i32 to vector<16xi32>
      tpu.vector_store_idx %arg11[%broadcast_in_dim3A_217, %get3A_99], %get3A_165 {add = true} : memref<16x1024xf32, #tpu.memory_space<vmem>>[vector<16xi32>, vector<16xi32>], vector<16xf32>,
      %broadcast_in_dim3A_218 = arith.constant 11 : i32
      %broadcast_in_dim3A_219 = vector.broadcast %broadcast_in_dim3A_218 : i32 to vector<16xi32>
      tpu.vector_store_idx %arg11[%broadcast_in_dim3A_219, %get3A_99], %get3A_171 {add = true} : memref<16x1024xf32, #tpu.memory_space<vmem>>[vector<16xi32>, vector<16xi32>], vector<16xf32>,
      %broadcast_in_dim3A_220 = arith.constant 12 : i32
      %broadcast_in_dim3A_221 = vector.broadcast %broadcast_in_dim3A_220 : i32 to vector<16xi32>
      tpu.vector_store_idx %arg11[%broadcast_in_dim3A_221, %get3A_99], %get3A_177 {add = true} : memref<16x1024xf32, #tpu.memory_space<vmem>>[vector<16xi32>, vector<16xi32>], vector<16xf32>,
      %broadcast_in_dim3A_222 = arith.constant 13 : i32
      %broadcast_in_dim3A_223 = vector.broadcast %broadcast_in_dim3A_222 : i32 to vector<16xi32>
      tpu.vector_store_idx %arg11[%broadcast_in_dim3A_223, %get3A_99], %get3A_183 {add = true} : memref<16x1024xf32, #tpu.memory_space<vmem>>[vector<16xi32>, vector<16xi32>], vector<16xf32>,
      %broadcast_in_dim3A_224 = arith.constant 14 : i32
      %broadcast_in_dim3A_225 = vector.broadcast %broadcast_in_dim3A_224 : i32 to vector<16xi32>
      tpu.vector_store_idx %arg11[%broadcast_in_dim3A_225, %get3A_99], %get3A_189 {add = true} : memref<16x1024xf32, #tpu.memory_space<vmem>>[vector<16xi32>, vector<16xi32>], vector<16xf32>,
      %broadcast_in_dim3A_226 = arith.constant 15 : i32
      %broadcast_in_dim3A_227 = vector.broadcast %broadcast_in_dim3A_226 : i32 to vector<16xi32>
      tpu.vector_store_idx %arg11[%broadcast_in_dim3A_227, %get3A_99], %get3A_195 {add = true} : memref<16x1024xf32, #tpu.memory_space<vmem>>[vector<16xi32>, vector<16xi32>], vector<16xf32>,
    }
    %scan3A_93 = arith.constant 32 : i32
    "tpu.region"() ({
      %run_scoped3A = tpu.sem_alloc : memref<!tpu.dma_semaphore, #tpu.memory_space<semaphore_mem>>
      %dma_start3A_96 = arith.constant 0 : i32
      %dma_start3A_97 = arith.constant 0 : i32
      %dma_start3A_98 = tpu.memref_slice %arg13[%arg1, %dma_start3A_96, %dma_start3A_97] : memref<16x16x1024xf32, #tpu.memory_space<vmem_shared>> -> memref<1x16x1024xf32, #tpu.memory_space<vmem_shared>>
      %dma_start3A_99 = tpu.memref_squeeze %dma_start3A_98 : memref<1x16x1024xf32, #tpu.memory_space<vmem_shared>> -> memref<16x1024xf32, #tpu.memory_space<vmem_shared>>
      %dma_start3A_100 = arith.constant 0 : i32
      %dma_start3A_101 = arith.constant 0 : i32
      %dma_start3A_102 = tpu.memref_slice %arg13[%arg1, %dma_start3A_100, %dma_start3A_101] : memref<16x16x1024xf32, #tpu.memory_space<vmem_shared>> -> memref<1x16x1024xf32, #tpu.memory_space<vmem_shared>>
      %dma_start3A_103 = tpu.memref_squeeze %dma_start3A_102 : memref<1x16x1024xf32, #tpu.memory_space<vmem_shared>> -> memref<16x1024xf32, #tpu.memory_space<vmem_shared>>
      tpu.enqueue_dma source(%arg11 : memref<16x1024xf32, #tpu.memory_space<vmem>>) target(%dma_start3A_103 : memref<16x1024xf32, #tpu.memory_space<vmem_shared>>) target_semaphore(%run_scoped3A : memref<!tpu.dma_semaphore, #tpu.memory_space<semaphore_mem>>)
      %dma_wait3A_104 = arith.constant 0 : i32
      %dma_wait3A_105 = arith.constant 0 : i32
      %dma_wait3A_106 = tpu.memref_slice %arg13[%arg1, %dma_wait3A_104, %dma_wait3A_105] : memref<16x16x1024xf32, #tpu.memory_space<vmem_shared>> -> memref<1x16x1024xf32, #tpu.memory_space<vmem_shared>>
      %dma_wait3A_107 = tpu.memref_squeeze %dma_wait3A_106 : memref<1x16x1024xf32, #tpu.memory_space<vmem_shared>> -> memref<16x1024xf32, #tpu.memory_space<vmem_shared>>
      %dma_wait3A_108 = arith.constant 0 : i32
      %dma_wait3A_109 = arith.constant 0 : i32
      %dma_wait3A_110 = tpu.memref_slice %arg13[%arg1, %dma_wait3A_108, %dma_wait3A_109] : memref<16x16x1024xf32, #tpu.memory_space<vmem_shared>> -> memref<1x16x1024xf32, #tpu.memory_space<vmem_shared>>
      %dma_wait3A_111 = tpu.memref_squeeze %dma_wait3A_110 : memref<1x16x1024xf32, #tpu.memory_space<vmem_shared>> -> memref<16x1024xf32, #tpu.memory_space<vmem_shared>>
      tpu.wait_dma2 semaphore(%run_scoped3A : memref<!tpu.dma_semaphore, #tpu.memory_space<semaphore_mem>>) src(%arg11 : memref<16x1024xf32, #tpu.memory_space<vmem>>) dst(%dma_wait3A_111 : memref<16x1024xf32, #tpu.memory_space<vmem_shared>>)
      tpu.yield
    }) : () -> ()
    %barrier3A = arith.constant 0 : index
    tpu.barrier barrier_id(%barrier3A)
    %lt3A = arith.constant 8 : i32
    %lt3A_94 = arith.cmpi slt, %arg1, %lt3A : i32
    %convert_element_type3A = arith.extui %lt3A_94 : i1 to i32
    %cond3A = arith.constant 0 : i32
    %cond3A_95 = arith.cmpi ne, %convert_element_type3A, %cond3A : i32
    scf.if %cond3A_95 {
      %mul3A_96 = arith.constant 128 : i32
      %mul3A_97 = arith.muli %arg1, %mul3A_96 : i32
      "tpu.region"() ({
        %run_scoped3A = tpu.sem_alloc : memref<!tpu.dma_semaphore, #tpu.memory_space<semaphore_mem>>
        %dma_start3A_109 = arith.constant 0 : i32
        %dma_start3A_110 = arith.constant 0 : i32
        %dma_start3A_111 = tpu.memref_slice %arg13[%dma_start3A_109, %dma_start3A_110, %mul3A_97] : memref<16x16x1024xf32, #tpu.memory_space<vmem_shared>> -> memref<16x16x128xf32, #tpu.memory_space<vmem_shared>>
        %dma_start3A_112 = arith.constant 0 : i32
        %dma_start3A_113 = arith.constant 0 : i32
        %dma_start3A_114 = tpu.memref_slice %arg13[%dma_start3A_112, %dma_start3A_113, %mul3A_97] : memref<16x16x1024xf32, #tpu.memory_space<vmem_shared>> -> memref<16x16x128xf32, #tpu.memory_space<vmem_shared>>
        tpu.enqueue_dma source(%dma_start3A_114 : memref<16x16x128xf32, #tpu.memory_space<vmem_shared>>) target(%arg12 : memref<16x16x128xf32, #tpu.memory_space<vmem>>) target_semaphore(%run_scoped3A : memref<!tpu.dma_semaphore, #tpu.memory_space<semaphore_mem>>)
        %dma_wait3A_115 = arith.constant 0 : i32
        %dma_wait3A_116 = arith.constant 0 : i32
        %dma_wait3A_117 = tpu.memref_slice %arg13[%dma_wait3A_115, %dma_wait3A_116, %mul3A_97] : memref<16x16x1024xf32, #tpu.memory_space<vmem_shared>> -> memref<16x16x128xf32, #tpu.memory_space<vmem_shared>>
        %dma_wait3A_118 = arith.constant 0 : i32
        %dma_wait3A_119 = arith.constant 0 : i32
        %dma_wait3A_120 = tpu.memref_slice %arg13[%dma_wait3A_118, %dma_wait3A_119, %mul3A_97] : memref<16x16x1024xf32, #tpu.memory_space<vmem_shared>> -> memref<16x16x128xf32, #tpu.memory_space<vmem_shared>>
        tpu.wait_dma2 semaphore(%run_scoped3A : memref<!tpu.dma_semaphore, #tpu.memory_space<semaphore_mem>>) src(%dma_wait3A_120 : memref<16x16x128xf32, #tpu.memory_space<vmem_shared>>) dst(%arg12 : memref<16x16x128xf32, #tpu.memory_space<vmem>>)
        tpu.yield
      }) : () -> ()
      %scan3A_98 = arith.constant 0 : i32
      %scan3A_99 = arith.constant 0 : i32
      %scan3A_100 = arith.constant 128 : i32
      %scan3A_101 = arith.addi %scan3A_99, %scan3A_100 : i32
      %scan3A_102 = arith.constant 1 : i32
      scf.for %scan3A_109 = %scan3A_99 to %scan3A_101 step %scan3A_102  : i32 {
        %jit3A = arith.constant 8 : i32
        %div3A = arith.divsi %scan3A_109, %jit3A : i32
        %sign3A = arith.constant 0 : i32
        %sign3A_110 = arith.cmpi sgt, %scan3A_109, %sign3A : i32
        %sign3A_111 = arith.extui %sign3A_110 : i1 to i32
        %sign3A_112 = arith.constant 0 : i32
        %sign3A_113 = arith.cmpi slt, %scan3A_109, %sign3A_112 : i32
        %sign3A_114 = arith.extui %sign3A_113 : i1 to i32
        %sign3A_115 = arith.subi %sign3A_111, %sign3A_114 : i32
        %sign3A_116 = arith.constant 0 : i32
        %sign3A_117 = arith.cmpi sgt, %jit3A, %sign3A_116 : i32
        %sign3A_118 = arith.extui %sign3A_117 : i1 to i32
        %sign3A_119 = arith.constant 0 : i32
        %sign3A_120 = arith.cmpi slt, %jit3A, %sign3A_119 : i32
        %sign3A_121 = arith.extui %sign3A_120 : i1 to i32
        %sign3A_122 = arith.subi %sign3A_118, %sign3A_121 : i32
        %ne3A = arith.cmpi ne, %sign3A_115, %sign3A_122 : i32
        %rem3A = arith.remsi %scan3A_109, %jit3A : i32
        %ne3A_123 = arith.constant 0 : i32
        %ne3A_124 = arith.cmpi ne, %rem3A, %ne3A_123 : i32
        %and3A = arith.andi %ne3A, %ne3A_124 : i1
        %sub3A_125 = arith.constant 1 : i32
        %sub3A_126 = arith.subi %div3A, %sub3A_125 : i32
        %select_n3A = arith.select %and3A, %sub3A_126, %div3A : i32
        %jit3A_127 = arith.constant 8 : i32
        %eq3A = arith.constant 0 : i32
        %eq3A_128 = arith.cmpi eq, %jit3A_127, %eq3A : i32
        %jit3A_129 = arith.constant 1 : i32
        %select_n3A_130 = arith.select %eq3A_128, %jit3A_129, %jit3A_127 : i32
        %rem3A_131 = arith.remsi %scan3A_109, %select_n3A_130 : i32
        %ne3A_132 = arith.constant 0 : i32
        %ne3A_133 = arith.cmpi ne, %rem3A_131, %ne3A_132 : i32
        %lt3A_134 = arith.constant 0 : i32
        %lt3A_135 = arith.cmpi slt, %rem3A_131, %lt3A_134 : i32
        %lt3A_136 = arith.constant 0 : i32
        %lt3A_137 = arith.cmpi slt, %select_n3A_130, %lt3A_136 : i32
        %ne3A_138 = arith.xori %lt3A_135, %lt3A_137 : i1
        %and3A_139 = arith.andi %ne3A_138, %ne3A_133 : i1
        %add3A_140 = arith.addi %rem3A_131, %select_n3A_130 : i32
        %select_n3A_141 = arith.select %and3A_139, %add3A_140, %rem3A_131 : i32
        %mul3A_142 = arith.constant 16 : i32
        %mul3A_143 = arith.muli %select_n3A_141, %mul3A_142 : i32
        %broadcast_in_dim3A_144 = arith.constant 0.000000e+00 : f32
        %broadcast_in_dim3A_145 = vector.broadcast %broadcast_in_dim3A_144 : f32 to vector<16xf32>
        %scan3A_146 = arith.constant 0 : i32
        %scan3A_147 = arith.constant 16 : i32
        %scan3A_148 = arith.addi %scan3A_146, %scan3A_147 : i32
        %scan3A_149 = arith.constant 1 : i32
        %scan3A_150 = scf.for %scan3A_154 = %scan3A_146 to %scan3A_148 step %scan3A_149 iter_args(%scan3A_155 = %broadcast_in_dim3A_145) -> (vector<16xf32>)  : i32 {
          %get3A = arith.index_cast %scan3A_154 : i32 to index
          %get3A_156 = arith.index_cast %select_n3A : i32 to index
          %get3A_157 = arith.index_cast %mul3A_143 : i32 to index
          %get3A_158 = tpu.vector_load %arg12[%get3A, %get3A_156, %get3A_157] {strides = array<i32>} : memref<16x16x128xf32, #tpu.memory_space<vmem>>, vector<16xf32>,
          %add3A_159 = arith.addf %scan3A_155, %get3A_158 : vector<16xf32>
          scf.yield %add3A_159 : vector<16xf32>
        }
        %scan3A_151 = arith.constant 16 : i32
        %swap3A = arith.index_cast %select_n3A : i32 to index
        %swap3A_152 = arith.index_cast %mul3A_143 : i32 to index
        %swap3A_153 = tpu.vector_load %arg9[%swap3A, %swap3A_152] {strides = array<i32>} : memref<16x1024xf32, #tpu.memory_space<vmem>>, vector<16xf32>,
        tpu.vector_store %arg9[%swap3A, %swap3A_152], %scan3A_150 {strides = array<i32>} : memref<16x1024xf32, #tpu.memory_space<vmem>>, vector<16xf32>,
      }
      %scan3A_103 = arith.constant 128 : i32
      %mul3A_104 = arith.constant 1024 : i32
      %mul3A_105 = arith.muli %arg0, %mul3A_104 : i32
      %mul3A_106 = arith.constant 128 : i32
      %mul3A_107 = arith.muli %arg1, %mul3A_106 : i32
      %add3A_108 = arith.addi %mul3A_105, %mul3A_107 : i32
      "tpu.region"() ({
        %run_scoped3A = tpu.sem_alloc : memref<!tpu.dma_semaphore, #tpu.memory_space<semaphore_mem>>
        %dma_start3A_109 = arith.constant 0 : i32
        %dma_start3A_110 = arith.constant 0 : i32
        %dma_start3A_111 = tpu.memref_slice %arg9[%dma_start3A_109, %dma_start3A_110] : memref<16x1024xf32, #tpu.memory_space<vmem>> -> memref<16x128xf32, #tpu.memory_space<vmem>>
        %dma_start3A_112 = arith.constant 0 : i32
        %dma_start3A_113 = tpu.memref_slice %arg6[%dma_start3A_112, %add3A_108] : memref<16x2048xf32, #tpu.memory_space<hbm>> -> memref<16x128xf32, #tpu.memory_space<hbm>>
        %dma_start3A_114 = arith.constant 0 : i32
        %dma_start3A_115 = tpu.memref_slice %arg6[%dma_start3A_114, %add3A_108] : memref<16x2048xf32, #tpu.memory_space<hbm>> -> memref<16x128xf32, #tpu.memory_space<hbm>>
        %dma_start3A_116 = arith.constant 0 : i32
        %dma_start3A_117 = arith.constant 0 : i32
        %dma_start3A_118 = tpu.memref_slice %arg9[%dma_start3A_116, %dma_start3A_117] : memref<16x1024xf32, #tpu.memory_space<vmem>> -> memref<16x128xf32, #tpu.memory_space<vmem>>
        tpu.enqueue_dma source(%dma_start3A_118 : memref<16x128xf32, #tpu.memory_space<vmem>>) target(%dma_start3A_115 : memref<16x128xf32, #tpu.memory_space<hbm>>) target_semaphore(%run_scoped3A : memref<!tpu.dma_semaphore, #tpu.memory_space<semaphore_mem>>)
        %dma_wait3A_119 = arith.constant 0 : i32
        %dma_wait3A_120 = arith.constant 0 : i32
        %dma_wait3A_121 = tpu.memref_slice %arg9[%dma_wait3A_119, %dma_wait3A_120] : memref<16x1024xf32, #tpu.memory_space<vmem>> -> memref<16x128xf32, #tpu.memory_space<vmem>>
        %dma_wait3A_122 = arith.constant 0 : i32
        %dma_wait3A_123 = tpu.memref_slice %arg6[%dma_wait3A_122, %add3A_108] : memref<16x2048xf32, #tpu.memory_space<hbm>> -> memref<16x128xf32, #tpu.memory_space<hbm>>
        %dma_wait3A_124 = arith.constant 0 : i32
        %dma_wait3A_125 = tpu.memref_slice %arg6[%dma_wait3A_124, %add3A_108] : memref<16x2048xf32, #tpu.memory_space<hbm>> -> memref<16x128xf32, #tpu.memory_space<hbm>>
        %dma_wait3A_126 = arith.constant 0 : i32
        %dma_wait3A_127 = arith.constant 0 : i32
        %dma_wait3A_128 = tpu.memref_slice %arg9[%dma_wait3A_126, %dma_wait3A_127] : memref<16x1024xf32, #tpu.memory_space<vmem>> -> memref<16x128xf32, #tpu.memory_space<vmem>>
        tpu.wait_dma2 semaphore(%run_scoped3A : memref<!tpu.dma_semaphore, #tpu.memory_space<semaphore_mem>>) src(%dma_wait3A_128 : memref<16x128xf32, #tpu.memory_space<vmem>>) dst(%dma_wait3A_125 : memref<16x128xf32, #tpu.memory_space<hbm>>)
        tpu.yield
      }) : () -> ()
    } else {
    }
    return
  }
}

#map = affine_map<(d0, d1) -> (0, 0)>
#map1 = affine_map<(d0, d1) -> (0)>
module attributes {stable_mosaic.version = 14 : i64} {
  func.func @body(%arg0: i32, %arg1: i32, %arg2: memref<256x16384xf32, #tpu.memory_space<hbm>>, %arg3: memref<16x16384xf32, #tpu.memory_space<hbm>>, %arg4: memref<32768xi32, #tpu.memory_space<hbm>>, %arg5: memref<256x2048xf32, #tpu.memory_space<hbm>>, %arg6: memref<16x2048xf32, #tpu.memory_space<hbm>>, %arg7: memref<1024xi32, #tpu.memory_space<vmem>>, %arg8: memref<1024xi32, #tpu.memory_space<vmem>>, %arg9: memref<16x1024xf32, #tpu.memory_space<vmem>>, %arg10: memref<16x1024xf32, #tpu.memory_space<vmem>>, %arg11: memref<16x1024xf32, #tpu.memory_space<vmem>>, %arg12: memref<16x16x128xf32, #tpu.memory_space<vmem>>, %arg13: memref<16x16x1024xf32, #tpu.memory_space<vmem_shared>>, %arg14: memref<!tpu.dma_semaphore, #tpu.memory_space<semaphore_mem>>, %arg15: memref<!tpu.dma_semaphore, #tpu.memory_space<semaphore_mem>>) attributes {dimension_semantics = [#tpu.dimension_semantics<core_parallel>, #tpu.dimension_semantics<subcore_parallel>], iteration_bounds = array<i64: 2, 16>, scalar_prefetch = 0 : i64, scratch_operands = 9 : i64, tpu.core_type = #tpu.core_type<sc_vector_subcore>, window_params = [{transform_indices = #map}, {transform_indices = #map}, {transform_indices = #map1}, {transform_indices = #map}, {transform_indices = #map}]} {
    %broadcast_in_dim3A = arith.constant 0.000000e+00 : f32
    %broadcast_in_dim3A_0 = vector.broadcast %broadcast_in_dim3A : f32 to vector<16xf32>
    %scan3A = arith.constant 0 : i32
    %scan3A_1 = arith.constant 0 : i32
    %scan3A_2 = arith.constant 1024 : i32
    %scan3A_3 = arith.addi %scan3A_1, %scan3A_2 : i32
    %scan3A_4 = arith.constant 1 : i32
    scf.for %scan3A_96 = %scan3A_1 to %scan3A_3 step %scan3A_4  : i32 {
      %jit3A = arith.constant 64 : i32
      %div3A = arith.divsi %scan3A_96, %jit3A : i32
      %sign3A = arith.constant 0 : i32
      %sign3A_97 = arith.cmpi sgt, %scan3A_96, %sign3A : i32
      %sign3A_98 = arith.extui %sign3A_97 : i1 to i32
      %sign3A_99 = arith.constant 0 : i32
      %sign3A_100 = arith.cmpi slt, %scan3A_96, %sign3A_99 : i32
      %sign3A_101 = arith.extui %sign3A_100 : i1 to i32
      %sign3A_102 = arith.subi %sign3A_98, %sign3A_101 : i32
      %sign3A_103 = arith.constant 0 : i32
      %sign3A_104 = arith.cmpi sgt, %jit3A, %sign3A_103 : i32
      %sign3A_105 = arith.extui %sign3A_104 : i1 to i32
      %sign3A_106 = arith.constant 0 : i32
      %sign3A_107 = arith.cmpi slt, %jit3A, %sign3A_106 : i32
      %sign3A_108 = arith.extui %sign3A_107 : i1 to i32
      %sign3A_109 = arith.subi %sign3A_105, %sign3A_108 : i32
      %ne3A = arith.cmpi ne, %sign3A_102, %sign3A_109 : i32
      %rem3A = arith.remsi %scan3A_96, %jit3A : i32
      %ne3A_110 = arith.constant 0 : i32
      %ne3A_111 = arith.cmpi ne, %rem3A, %ne3A_110 : i32
      %and3A = arith.andi %ne3A, %ne3A_111 : i1
      %sub3A_112 = arith.constant 1 : i32
      %sub3A_113 = arith.subi %div3A, %sub3A_112 : i32
      %select_n3A = arith.select %and3A, %sub3A_113, %div3A : i32
      %jit3A_114 = arith.constant 64 : i32
      %eq3A = arith.constant 0 : i32
      %eq3A_115 = arith.cmpi eq, %jit3A_114, %eq3A : i32
      %jit3A_116 = arith.constant 1 : i32
      %select_n3A_117 = arith.select %eq3A_115, %jit3A_116, %jit3A_114 : i32
      %rem3A_118 = arith.remsi %scan3A_96, %select_n3A_117 : i32
      %ne3A_119 = arith.constant 0 : i32
      %ne3A_120 = arith.cmpi ne, %rem3A_118, %ne3A_119 : i32
      %lt3A_121 = arith.constant 0 : i32
      %lt3A_122 = arith.cmpi slt, %rem3A_118, %lt3A_121 : i32
      %lt3A_123 = arith.constant 0 : i32
      %lt3A_124 = arith.cmpi slt, %select_n3A_117, %lt3A_123 : i32
      %ne3A_125 = arith.xori %lt3A_122, %lt3A_124 : i1
      %and3A_126 = arith.andi %ne3A_125, %ne3A_120 : i1
      %add3A_127 = arith.addi %rem3A_118, %select_n3A_117 : i32
      %select_n3A_128 = arith.select %and3A_126, %add3A_127, %rem3A_118 : i32
      %mul3A_129 = arith.constant 16 : i32
      %mul3A_130 = arith.muli %select_n3A_128, %mul3A_129 : i32
      %swap3A = arith.index_cast %select_n3A : i32 to index
      %swap3A_131 = arith.index_cast %mul3A_130 : i32 to index
      %swap3A_132 = tpu.vector_load %arg11[%swap3A, %swap3A_131] {strides = array<i32>} : memref<16x1024xf32, #tpu.memory_space<vmem>>, vector<16xf32>,
      tpu.vector_store %arg11[%swap3A, %swap3A_131], %broadcast_in_dim3A_0 {strides = array<i32>} : memref<16x1024xf32, #tpu.memory_space<vmem>>, vector<16xf32>,
    }
    %scan3A_5 = arith.constant 1024 : i32
    %mul3A = arith.constant 16 : i32
    %mul3A_6 = arith.muli %arg1, %mul3A : i32
    %mul3A_7 = arith.constant 8192 : i32
    %mul3A_8 = arith.muli %arg0, %mul3A_7 : i32
    %add3A = arith.constant 0 : i32
    %add3A_9 = arith.addi %add3A, %mul3A_8 : i32
    %add3A_10 = arith.constant 0 : i32
    %add3A_11 = arith.addi %add3A_9, %add3A_10 : i32
    %dma_start3A = arith.constant 0 : i32
    %dma_start3A_12 = tpu.memref_slice %arg7[%dma_start3A] : memref<1024xi32, #tpu.memory_space<vmem>> -> memref<1024xi32, #tpu.memory_space<vmem>>
    %dma_start3A_13 = tpu.memref_slice %arg4[%add3A_11] : memref<32768xi32, #tpu.memory_space<hbm>> -> memref<1024xi32, #tpu.memory_space<hbm>>
    %dma_start3A_14 = arith.constant 0 : i32
    %dma_start3A_15 = tpu.memref_slice %arg7[%dma_start3A_14] : memref<1024xi32, #tpu.memory_space<vmem>> -> memref<1024xi32, #tpu.memory_space<vmem>>
    %dma_start3A_16 = tpu.memref_slice %arg4[%add3A_11] : memref<32768xi32, #tpu.memory_space<hbm>> -> memref<1024xi32, #tpu.memory_space<hbm>>
    tpu.enqueue_dma source(%dma_start3A_16 : memref<1024xi32, #tpu.memory_space<hbm>>) target(%dma_start3A_15 : memref<1024xi32, #tpu.memory_space<vmem>>) target_semaphore(%arg14 : memref<!tpu.dma_semaphore, #tpu.memory_space<semaphore_mem>>)
    %sub3A = arith.constant 0 : i32
    %sub3A_17 = arith.subi %add3A_11, %sub3A : i32
    %dma_start3A_18 = arith.constant 0 : i32
    %dma_start3A_19 = arith.constant 0 : i32
    %dma_start3A_20 = tpu.memref_slice %arg9[%dma_start3A_18, %dma_start3A_19] : memref<16x1024xf32, #tpu.memory_space<vmem>> -> memref<16x1024xf32, #tpu.memory_space<vmem>>
    %dma_start3A_21 = tpu.memref_slice %arg2[%mul3A_6, %sub3A_17] : memref<256x16384xf32, #tpu.memory_space<hbm>> -> memref<16x1024xf32, #tpu.memory_space<hbm>>
    %dma_start3A_22 = arith.constant 0 : i32
    %dma_start3A_23 = arith.constant 0 : i32
    %dma_start3A_24 = tpu.memref_slice %arg9[%dma_start3A_22, %dma_start3A_23] : memref<16x1024xf32, #tpu.memory_space<vmem>> -> memref<16x1024xf32, #tpu.memory_space<vmem>>
    %dma_start3A_25 = tpu.memref_slice %arg2[%mul3A_6, %sub3A_17] : memref<256x16384xf32, #tpu.memory_space<hbm>> -> memref<16x1024xf32, #tpu.memory_space<hbm>>
    tpu.enqueue_dma source(%dma_start3A_25 : memref<16x1024xf32, #tpu.memory_space<hbm>>) target(%dma_start3A_24 : memref<16x1024xf32, #tpu.memory_space<vmem>>) target_semaphore(%arg14 : memref<!tpu.dma_semaphore, #tpu.memory_space<semaphore_mem>>)
    %scan3A_26 = arith.constant 0 : i32
    %scan3A_27 = arith.constant 0 : i32
    %scan3A_28 = arith.constant 4 : i32
    %scan3A_29 = arith.addi %scan3A_27, %scan3A_28 : i32
    %scan3A_30 = arith.constant 1 : i32
    scf.for %scan3A_96 = %scan3A_27 to %scan3A_29 step %scan3A_30  : i32 {
      %mul3A_97 = arith.constant 2 : i32
      %mul3A_98 = arith.muli %scan3A_96, %mul3A_97 : i32
      %add3A_99 = arith.constant 0 : i32
      %add3A_100 = arith.addi %mul3A_98, %add3A_99 : i32
      %dma_wait3A_101 = arith.constant 0 : i32
      %dma_wait3A_102 = tpu.memref_slice %arg7[%dma_wait3A_101] : memref<1024xi32, #tpu.memory_space<vmem>> -> memref<1024xi32, #tpu.memory_space<vmem>>
      %dma_wait3A_103 = arith.constant 0 : i32
      %dma_wait3A_104 = tpu.memref_slice %arg4[%dma_wait3A_103] : memref<32768xi32, #tpu.memory_space<hbm>> -> memref<1024xi32, #tpu.memory_space<hbm>>
      %dma_wait3A_105 = arith.constant 0 : i32
      %dma_wait3A_106 = tpu.memref_slice %arg7[%dma_wait3A_105] : memref<1024xi32, #tpu.memory_space<vmem>> -> memref<1024xi32, #tpu.memory_space<vmem>>
      %dma_wait3A_107 = arith.constant 0 : i32
      %dma_wait3A_108 = tpu.memref_slice %arg4[%dma_wait3A_107] : memref<32768xi32, #tpu.memory_space<hbm>> -> memref<1024xi32, #tpu.memory_space<hbm>>
      tpu.wait_dma2 semaphore(%arg14 : memref<!tpu.dma_semaphore, #tpu.memory_space<semaphore_mem>>) src(%dma_wait3A_108 : memref<1024xi32, #tpu.memory_space<hbm>>) dst(%dma_wait3A_106 : memref<1024xi32, #tpu.memory_space<vmem>>)
      %dma_wait3A_109 = arith.constant 0 : i32
      %dma_wait3A_110 = arith.constant 0 : i32
      %dma_wait3A_111 = tpu.memref_slice %arg9[%dma_wait3A_109, %dma_wait3A_110] : memref<16x1024xf32, #tpu.memory_space<vmem>> -> memref<16x1024xf32, #tpu.memory_space<vmem>>
      %dma_wait3A_112 = arith.constant 0 : i32
      %dma_wait3A_113 = tpu.memref_slice %arg2[%mul3A_6, %dma_wait3A_112] : memref<256x16384xf32, #tpu.memory_space<hbm>> -> memref<16x1024xf32, #tpu.memory_space<hbm>>
      %dma_wait3A_114 = arith.constant 0 : i32
      %dma_wait3A_115 = arith.constant 0 : i32
      %dma_wait3A_116 = tpu.memref_slice %arg9[%dma_wait3A_114, %dma_wait3A_115] : memref<16x1024xf32, #tpu.memory_space<vmem>> -> memref<16x1024xf32, #tpu.memory_space<vmem>>
      %dma_wait3A_117 = arith.constant 0 : i32
      %dma_wait3A_118 = tpu.memref_slice %arg2[%mul3A_6, %dma_wait3A_117] : memref<256x16384xf32, #tpu.memory_space<hbm>> -> memref<16x1024xf32, #tpu.memory_space<hbm>>
      tpu.wait_dma2 semaphore(%arg14 : memref<!tpu.dma_semaphore, #tpu.memory_space<semaphore_mem>>) src(%dma_wait3A_118 : memref<16x1024xf32, #tpu.memory_space<hbm>>) dst(%dma_wait3A_116 : memref<16x1024xf32, #tpu.memory_space<vmem>>)
      %add3A_119 = arith.constant 1 : i32
      %add3A_120 = arith.addi %add3A_100, %add3A_119 : i32
      %lt3A_121 = arith.constant 8 : i32
      %lt3A_122 = arith.cmpi slt, %add3A_120, %lt3A_121 : i32
      %convert_element_type3A_123 = arith.extui %lt3A_122 : i1 to i32
      %cond3A_124 = arith.constant 0 : i32
      %cond3A_125 = arith.cmpi ne, %convert_element_type3A_123, %cond3A_124 : i32
      scf.if %cond3A_125 {
        %add3A_167 = arith.constant 1 : i32
        %add3A_168 = arith.addi %add3A_100, %add3A_167 : i32
        %mul3A_169 = arith.constant 1024 : i32
        %mul3A_170 = arith.muli %add3A_168, %mul3A_169 : i32
        %add3A_171 = arith.addi %add3A_9, %mul3A_170 : i32
        %dma_start3A_172 = arith.constant 0 : i32
        %dma_start3A_173 = tpu.memref_slice %arg8[%dma_start3A_172] : memref<1024xi32, #tpu.memory_space<vmem>> -> memref<1024xi32, #tpu.memory_space<vmem>>
        %dma_start3A_174 = tpu.memref_slice %arg4[%add3A_171] : memref<32768xi32, #tpu.memory_space<hbm>> -> memref<1024xi32, #tpu.memory_space<hbm>>
        %dma_start3A_175 = arith.constant 0 : i32
        %dma_start3A_176 = tpu.memref_slice %arg8[%dma_start3A_175] : memref<1024xi32, #tpu.memory_space<vmem>> -> memref<1024xi32, #tpu.memory_space<vmem>>
        %dma_start3A_177 = tpu.memref_slice %arg4[%add3A_171] : memref<32768xi32, #tpu.memory_space<hbm>> -> memref<1024xi32, #tpu.memory_space<hbm>>
        tpu.enqueue_dma source(%dma_start3A_177 : memref<1024xi32, #tpu.memory_space<hbm>>) target(%dma_start3A_176 : memref<1024xi32, #tpu.memory_space<vmem>>) target_semaphore(%arg15 : memref<!tpu.dma_semaphore, #tpu.memory_space<semaphore_mem>>)
        %sub3A_178 = arith.constant 0 : i32
        %sub3A_179 = arith.subi %add3A_171, %sub3A_178 : i32
        %dma_start3A_180 = arith.constant 0 : i32
        %dma_start3A_181 = arith.constant 0 : i32
        %dma_start3A_182 = tpu.memref_slice %arg10[%dma_start3A_180, %dma_start3A_181] : memref<16x1024xf32, #tpu.memory_space<vmem>> -> memref<16x1024xf32, #tpu.memory_space<vmem>>
        %dma_start3A_183 = tpu.memref_slice %arg2[%mul3A_6, %sub3A_179] : memref<256x16384xf32, #tpu.memory_space<hbm>> -> memref<16x1024xf32, #tpu.memory_space<hbm>>
        %dma_start3A_184 = arith.constant 0 : i32
        %dma_start3A_185 = arith.constant 0 : i32
        %dma_start3A_186 = tpu.memref_slice %arg10[%dma_start3A_184, %dma_start3A_185] : memref<16x1024xf32, #tpu.memory_space<vmem>> -> memref<16x1024xf32, #tpu.memory_space<vmem>>
        %dma_start3A_187 = tpu.memref_slice %arg2[%mul3A_6, %sub3A_179] : memref<256x16384xf32, #tpu.memory_space<hbm>> -> memref<16x1024xf32, #tpu.memory_space<hbm>>
        tpu.enqueue_dma source(%dma_start3A_187 : memref<16x1024xf32, #tpu.memory_space<hbm>>) target(%dma_start3A_186 : memref<16x1024xf32, #tpu.memory_space<vmem>>) target_semaphore(%arg15 : memref<!tpu.dma_semaphore, #tpu.memory_space<semaphore_mem>>)
      } else {
      }
      %scan3A_126 = arith.constant 0 : i32
      %scan3A_127 = arith.constant 0 : i32
      %scan3A_128 = arith.constant 64 : i32
      %scan3A_129 = arith.addi %scan3A_127, %scan3A_128 : i32
      %scan3A_130 = arith.constant 1 : i32
      scf.for %scan3A_167 = %scan3A_127 to %scan3A_129 step %scan3A_130  : i32 {
        %mul3A_168 = arith.constant 16 : i32
        %mul3A_169 = arith.muli %scan3A_167, %mul3A_168 : i32
        %get3A = arith.index_cast %mul3A_169 : i32 to index
        %get3A_170 = tpu.vector_load %arg7[%get3A] {strides = array<i32>} : memref<1024xi32, #tpu.memory_space<vmem>>, vector<16xi32>,
        %mul3A_171 = arith.constant 16 : i32
        %mul3A_172 = arith.muli %scan3A_167, %mul3A_171 : i32
        %get3A_173 = arith.constant 0 : i32
        %get3A_174 = arith.index_cast %get3A_173 : i32 to index
        %get3A_175 = arith.index_cast %mul3A_172 : i32 to index
        %get3A_176 = tpu.vector_load %arg9[%get3A_174, %get3A_175] {strides = array<i32>} : memref<16x1024xf32, #tpu.memory_space<vmem>>, vector<16xf32>,
        %mul3A_177 = arith.constant 16 : i32
        %mul3A_178 = arith.muli %scan3A_167, %mul3A_177 : i32
        %get3A_179 = arith.constant 1 : i32
        %get3A_180 = arith.index_cast %get3A_179 : i32 to index
        %get3A_181 = arith.index_cast %mul3A_178 : i32 to index
        %get3A_182 = tpu.vector_load %arg9[%get3A_180, %get3A_181] {strides = array<i32>} : memref<16x1024xf32, #tpu.memory_space<vmem>>, vector<16xf32>,
        %mul3A_183 = arith.constant 16 : i32
        %mul3A_184 = arith.muli %scan3A_167, %mul3A_183 : i32
        %get3A_185 = arith.constant 2 : i32
        %get3A_186 = arith.index_cast %get3A_185 : i32 to index
        %get3A_187 = arith.index_cast %mul3A_184 : i32 to index
        %get3A_188 = tpu.vector_load %arg9[%get3A_186, %get3A_187] {strides = array<i32>} : memref<16x1024xf32, #tpu.memory_space<vmem>>, vector<16xf32>,
        %mul3A_189 = arith.constant 16 : i32
        %mul3A_190 = arith.muli %scan3A_167, %mul3A_189 : i32
        %get3A_191 = arith.constant 3 : i32
        %get3A_192 = arith.index_cast %get3A_191 : i32 to index
        %get3A_193 = arith.index_cast %mul3A_190 : i32 to index
        %get3A_194 = tpu.vector_load %arg9[%get3A_192, %get3A_193] {strides = array<i32>} : memref<16x1024xf32, #tpu.memory_space<vmem>>, vector<16xf32>,
        %mul3A_195 = arith.constant 16 : i32
        %mul3A_196 = arith.muli %scan3A_167, %mul3A_195 : i32
        %get3A_197 = arith.constant 4 : i32
        %get3A_198 = arith.index_cast %get3A_197 : i32 to index
        %get3A_199 = arith.index_cast %mul3A_196 : i32 to index
        %get3A_200 = tpu.vector_load %arg9[%get3A_198, %get3A_199] {strides = array<i32>} : memref<16x1024xf32, #tpu.memory_space<vmem>>, vector<16xf32>,
        %mul3A_201 = arith.constant 16 : i32
        %mul3A_202 = arith.muli %scan3A_167, %mul3A_201 : i32
        %get3A_203 = arith.constant 5 : i32
        %get3A_204 = arith.index_cast %get3A_203 : i32 to index
        %get3A_205 = arith.index_cast %mul3A_202 : i32 to index
        %get3A_206 = tpu.vector_load %arg9[%get3A_204, %get3A_205] {strides = array<i32>} : memref<16x1024xf32, #tpu.memory_space<vmem>>, vector<16xf32>,
        %mul3A_207 = arith.constant 16 : i32
        %mul3A_208 = arith.muli %scan3A_167, %mul3A_207 : i32
        %get3A_209 = arith.constant 6 : i32
        %get3A_210 = arith.index_cast %get3A_209 : i32 to index
        %get3A_211 = arith.index_cast %mul3A_208 : i32 to index
        %get3A_212 = tpu.vector_load %arg9[%get3A_210, %get3A_211] {strides = array<i32>} : memref<16x1024xf32, #tpu.memory_space<vmem>>, vector<16xf32>,
        %mul3A_213 = arith.constant 16 : i32
        %mul3A_214 = arith.muli %scan3A_167, %mul3A_213 : i32
        %get3A_215 = arith.constant 7 : i32
        %get3A_216 = arith.index_cast %get3A_215 : i32 to index
        %get3A_217 = arith.index_cast %mul3A_214 : i32 to index
        %get3A_218 = tpu.vector_load %arg9[%get3A_216, %get3A_217] {strides = array<i32>} : memref<16x1024xf32, #tpu.memory_space<vmem>>, vector<16xf32>,
        %mul3A_219 = arith.constant 16 : i32
        %mul3A_220 = arith.muli %scan3A_167, %mul3A_219 : i32
        %get3A_221 = arith.constant 8 : i32
        %get3A_222 = arith.index_cast %get3A_221 : i32 to index
        %get3A_223 = arith.index_cast %mul3A_220 : i32 to index
        %get3A_224 = tpu.vector_load %arg9[%get3A_222, %get3A_223] {strides = array<i32>} : memref<16x1024xf32, #tpu.memory_space<vmem>>, vector<16xf32>,
        %mul3A_225 = arith.constant 16 : i32
        %mul3A_226 = arith.muli %scan3A_167, %mul3A_225 : i32
        %get3A_227 = arith.constant 9 : i32
        %get3A_228 = arith.index_cast %get3A_227 : i32 to index
        %get3A_229 = arith.index_cast %mul3A_226 : i32 to index
        %get3A_230 = tpu.vector_load %arg9[%get3A_228, %get3A_229] {strides = array<i32>} : memref<16x1024xf32, #tpu.memory_space<vmem>>, vector<16xf32>,
        %mul3A_231 = arith.constant 16 : i32
        %mul3A_232 = arith.muli %scan3A_167, %mul3A_231 : i32
        %get3A_233 = arith.constant 10 : i32
        %get3A_234 = arith.index_cast %get3A_233 : i32 to index
        %get3A_235 = arith.index_cast %mul3A_232 : i32 to index
        %get3A_236 = tpu.vector_load %arg9[%get3A_234, %get3A_235] {strides = array<i32>} : memref<16x1024xf32, #tpu.memory_space<vmem>>, vector<16xf32>,
        %mul3A_237 = arith.constant 16 : i32
        %mul3A_238 = arith.muli %scan3A_167, %mul3A_237 : i32
        %get3A_239 = arith.constant 11 : i32
        %get3A_240 = arith.index_cast %get3A_239 : i32 to index
        %get3A_241 = arith.index_cast %mul3A_238 : i32 to index
        %get3A_242 = tpu.vector_load %arg9[%get3A_240, %get3A_241] {strides = array<i32>} : memref<16x1024xf32, #tpu.memory_space<vmem>>, vector<16xf32>,
        %mul3A_243 = arith.constant 16 : i32
        %mul3A_244 = arith.muli %scan3A_167, %mul3A_243 : i32
        %get3A_245 = arith.constant 12 : i32
        %get3A_246 = arith.index_cast %get3A_245 : i32 to index
        %get3A_247 = arith.index_cast %mul3A_244 : i32 to index
        %get3A_248 = tpu.vector_load %arg9[%get3A_246, %get3A_247] {strides = array<i32>} : memref<16x1024xf32, #tpu.memory_space<vmem>>, vector<16xf32>,
        %mul3A_249 = arith.constant 16 : i32
        %mul3A_250 = arith.muli %scan3A_167, %mul3A_249 : i32
        %get3A_251 = arith.constant 13 : i32
        %get3A_252 = arith.index_cast %get3A_251 : i32 to index
        %get3A_253 = arith.index_cast %mul3A_250 : i32 to index
        %get3A_254 = tpu.vector_load %arg9[%get3A_252, %get3A_253] {strides = array<i32>} : memref<16x1024xf32, #tpu.memory_space<vmem>>, vector<16xf32>,
        %mul3A_255 = arith.constant 16 : i32
        %mul3A_256 = arith.muli %scan3A_167, %mul3A_255 : i32
        %get3A_257 = arith.constant 14 : i32
        %get3A_258 = arith.index_cast %get3A_257 : i32 to index
        %get3A_259 = arith.index_cast %mul3A_256 : i32 to index
        %get3A_260 = tpu.vector_load %arg9[%get3A_258, %get3A_259] {strides = array<i32>} : memref<16x1024xf32, #tpu.memory_space<vmem>>, vector<16xf32>,
        %mul3A_261 = arith.constant 16 : i32
        %mul3A_262 = arith.muli %scan3A_167, %mul3A_261 : i32
        %get3A_263 = arith.constant 15 : i32
        %get3A_264 = arith.index_cast %get3A_263 : i32 to index
        %get3A_265 = arith.index_cast %mul3A_262 : i32 to index
        %get3A_266 = tpu.vector_load %arg9[%get3A_264, %get3A_265] {strides = array<i32>} : memref<16x1024xf32, #tpu.memory_space<vmem>>, vector<16xf32>,
        %broadcast_in_dim3A_267 = arith.constant 0 : i32
        %broadcast_in_dim3A_268 = vector.broadcast %broadcast_in_dim3A_267 : i32 to vector<16xi32>
        tpu.vector_store_idx %arg11[%broadcast_in_dim3A_268, %get3A_170], %get3A_176 {add = true} : memref<16x1024xf32, #tpu.memory_space<vmem>>[vector<16xi32>, vector<16xi32>], vector<16xf32>,
        %broadcast_in_dim3A_269 = arith.constant 1 : i32
        %broadcast_in_dim3A_270 = vector.broadcast %broadcast_in_dim3A_269 : i32 to vector<16xi32>
        tpu.vector_store_idx %arg11[%broadcast_in_dim3A_270, %get3A_170], %get3A_182 {add = true} : memref<16x1024xf32, #tpu.memory_space<vmem>>[vector<16xi32>, vector<16xi32>], vector<16xf32>,
        %broadcast_in_dim3A_271 = arith.constant 2 : i32
        %broadcast_in_dim3A_272 = vector.broadcast %broadcast_in_dim3A_271 : i32 to vector<16xi32>
        tpu.vector_store_idx %arg11[%broadcast_in_dim3A_272, %get3A_170], %get3A_188 {add = true} : memref<16x1024xf32, #tpu.memory_space<vmem>>[vector<16xi32>, vector<16xi32>], vector<16xf32>,
        %broadcast_in_dim3A_273 = arith.constant 3 : i32
        %broadcast_in_dim3A_274 = vector.broadcast %broadcast_in_dim3A_273 : i32 to vector<16xi32>
        tpu.vector_store_idx %arg11[%broadcast_in_dim3A_274, %get3A_170], %get3A_194 {add = true} : memref<16x1024xf32, #tpu.memory_space<vmem>>[vector<16xi32>, vector<16xi32>], vector<16xf32>,
        %broadcast_in_dim3A_275 = arith.constant 4 : i32
        %broadcast_in_dim3A_276 = vector.broadcast %broadcast_in_dim3A_275 : i32 to vector<16xi32>
        tpu.vector_store_idx %arg11[%broadcast_in_dim3A_276, %get3A_170], %get3A_200 {add = true} : memref<16x1024xf32, #tpu.memory_space<vmem>>[vector<16xi32>, vector<16xi32>], vector<16xf32>,
        %broadcast_in_dim3A_277 = arith.constant 5 : i32
        %broadcast_in_dim3A_278 = vector.broadcast %broadcast_in_dim3A_277 : i32 to vector<16xi32>
        tpu.vector_store_idx %arg11[%broadcast_in_dim3A_278, %get3A_170], %get3A_206 {add = true} : memref<16x1024xf32, #tpu.memory_space<vmem>>[vector<16xi32>, vector<16xi32>], vector<16xf32>,
        %broadcast_in_dim3A_279 = arith.constant 6 : i32
        %broadcast_in_dim3A_280 = vector.broadcast %broadcast_in_dim3A_279 : i32 to vector<16xi32>
        tpu.vector_store_idx %arg11[%broadcast_in_dim3A_280, %get3A_170], %get3A_212 {add = true} : memref<16x1024xf32, #tpu.memory_space<vmem>>[vector<16xi32>, vector<16xi32>], vector<16xf32>,
        %broadcast_in_dim3A_281 = arith.constant 7 : i32
        %broadcast_in_dim3A_282 = vector.broadcast %broadcast_in_dim3A_281 : i32 to vector<16xi32>
        tpu.vector_store_idx %arg11[%broadcast_in_dim3A_282, %get3A_170], %get3A_218 {add = true} : memref<16x1024xf32, #tpu.memory_space<vmem>>[vector<16xi32>, vector<16xi32>], vector<16xf32>,
        %broadcast_in_dim3A_283 = arith.constant 8 : i32
        %broadcast_in_dim3A_284 = vector.broadcast %broadcast_in_dim3A_283 : i32 to vector<16xi32>
        tpu.vector_store_idx %arg11[%broadcast_in_dim3A_284, %get3A_170], %get3A_224 {add = true} : memref<16x1024xf32, #tpu.memory_space<vmem>>[vector<16xi32>, vector<16xi32>], vector<16xf32>,
        %broadcast_in_dim3A_285 = arith.constant 9 : i32
        %broadcast_in_dim3A_286 = vector.broadcast %broadcast_in_dim3A_285 : i32 to vector<16xi32>
        tpu.vector_store_idx %arg11[%broadcast_in_dim3A_286, %get3A_170], %get3A_230 {add = true} : memref<16x1024xf32, #tpu.memory_space<vmem>>[vector<16xi32>, vector<16xi32>], vector<16xf32>,
        %broadcast_in_dim3A_287 = arith.constant 10 : i32
        %broadcast_in_dim3A_288 = vector.broadcast %broadcast_in_dim3A_287 : i32 to vector<16xi32>
        tpu.vector_store_idx %arg11[%broadcast_in_dim3A_288, %get3A_170], %get3A_236 {add = true} : memref<16x1024xf32, #tpu.memory_space<vmem>>[vector<16xi32>, vector<16xi32>], vector<16xf32>,
        %broadcast_in_dim3A_289 = arith.constant 11 : i32
        %broadcast_in_dim3A_290 = vector.broadcast %broadcast_in_dim3A_289 : i32 to vector<16xi32>
        tpu.vector_store_idx %arg11[%broadcast_in_dim3A_290, %get3A_170], %get3A_242 {add = true} : memref<16x1024xf32, #tpu.memory_space<vmem>>[vector<16xi32>, vector<16xi32>], vector<16xf32>,
        %broadcast_in_dim3A_291 = arith.constant 12 : i32
        %broadcast_in_dim3A_292 = vector.broadcast %broadcast_in_dim3A_291 : i32 to vector<16xi32>
        tpu.vector_store_idx %arg11[%broadcast_in_dim3A_292, %get3A_170], %get3A_248 {add = true} : memref<16x1024xf32, #tpu.memory_space<vmem>>[vector<16xi32>, vector<16xi32>], vector<16xf32>,
        %broadcast_in_dim3A_293 = arith.constant 13 : i32
        %broadcast_in_dim3A_294 = vector.broadcast %broadcast_in_dim3A_293 : i32 to vector<16xi32>
        tpu.vector_store_idx %arg11[%broadcast_in_dim3A_294, %get3A_170], %get3A_254 {add = true} : memref<16x1024xf32, #tpu.memory_space<vmem>>[vector<16xi32>, vector<16xi32>], vector<16xf32>,
        %broadcast_in_dim3A_295 = arith.constant 14 : i32
        %broadcast_in_dim3A_296 = vector.broadcast %broadcast_in_dim3A_295 : i32 to vector<16xi32>
        tpu.vector_store_idx %arg11[%broadcast_in_dim3A_296, %get3A_170], %get3A_260 {add = true} : memref<16x1024xf32, #tpu.memory_space<vmem>>[vector<16xi32>, vector<16xi32>], vector<16xf32>,
        %broadcast_in_dim3A_297 = arith.constant 15 : i32
        %broadcast_in_dim3A_298 = vector.broadcast %broadcast_in_dim3A_297 : i32 to vector<16xi32>
        tpu.vector_store_idx %arg11[%broadcast_in_dim3A_298, %get3A_170], %get3A_266 {add = true} : memref<16x1024xf32, #tpu.memory_space<vmem>>[vector<16xi32>, vector<16xi32>], vector<16xf32>,
      }
      %scan3A_131 = arith.constant 64 : i32
      %mul3A_132 = arith.constant 2 : i32
      %mul3A_133 = arith.muli %scan3A_96, %mul3A_132 : i32
      %add3A_134 = arith.constant 1 : i32
      %add3A_135 = arith.addi %mul3A_133, %add3A_134 : i32
      %dma_wait3A_136 = arith.constant 0 : i32
      %dma_wait3A_137 = tpu.memref_slice %arg8[%dma_wait3A_136] : memref<1024xi32, #tpu.memory_space<vmem>> -> memref<1024xi32, #tpu.memory_space<vmem>>
      %dma_wait3A_138 = arith.constant 0 : i32
      %dma_wait3A_139 = tpu.memref_slice %arg4[%dma_wait3A_138] : memref<32768xi32, #tpu.memory_space<hbm>> -> memref<1024xi32, #tpu.memory_space<hbm>>
      %dma_wait3A_140 = arith.constant 0 : i32
      %dma_wait3A_141 = tpu.memref_slice %arg8[%dma_wait3A_140] : memref<1024xi32, #tpu.memory_space<vmem>> -> memref<1024xi32, #tpu.memory_space<vmem>>
      %dma_wait3A_142 = arith.constant 0 : i32
      %dma_wait3A_143 = tpu.memref_slice %arg4[%dma_wait3A_142] : memref<32768xi32, #tpu.memory_space<hbm>> -> memref<1024xi32, #tpu.memory_space<hbm>>
      tpu.wait_dma2 semaphore(%arg15 : memref<!tpu.dma_semaphore, #tpu.memory_space<semaphore_mem>>) src(%dma_wait3A_143 : memref<1024xi32, #tpu.memory_space<hbm>>) dst(%dma_wait3A_141 : memref<1024xi32, #tpu.memory_space<vmem>>)
      %dma_wait3A_144 = arith.constant 0 : i32
      %dma_wait3A_145 = arith.constant 0 : i32
      %dma_wait3A_146 = tpu.memref_slice %arg10[%dma_wait3A_144, %dma_wait3A_145] : memref<16x1024xf32, #tpu.memory_space<vmem>> -> memref<16x1024xf32, #tpu.memory_space<vmem>>
      %dma_wait3A_147 = arith.constant 0 : i32
      %dma_wait3A_148 = tpu.memref_slice %arg2[%mul3A_6, %dma_wait3A_147] : memref<256x16384xf32, #tpu.memory_space<hbm>> -> memref<16x1024xf32, #tpu.memory_space<hbm>>
      %dma_wait3A_149 = arith.constant 0 : i32
      %dma_wait3A_150 = arith.constant 0 : i32
      %dma_wait3A_151 = tpu.memref_slice %arg10[%dma_wait3A_149, %dma_wait3A_150] : memref<16x1024xf32, #tpu.memory_space<vmem>> -> memref<16x1024xf32, #tpu.memory_space<vmem>>
      %dma_wait3A_152 = arith.constant 0 : i32
      %dma_wait3A_153 = tpu.memref_slice %arg2[%mul3A_6, %dma_wait3A_152] : memref<256x16384xf32, #tpu.memory_space<hbm>> -> memref<16x1024xf32, #tpu.memory_space<hbm>>
      tpu.wait_dma2 semaphore(%arg15 : memref<!tpu.dma_semaphore, #tpu.memory_space<semaphore_mem>>) src(%dma_wait3A_153 : memref<16x1024xf32, #tpu.memory_space<hbm>>) dst(%dma_wait3A_151 : memref<16x1024xf32, #tpu.memory_space<vmem>>)
      %add3A_154 = arith.constant 1 : i32
      %add3A_155 = arith.addi %add3A_135, %add3A_154 : i32
      %lt3A_156 = arith.constant 8 : i32
      %lt3A_157 = arith.cmpi slt, %add3A_155, %lt3A_156 : i32
      %convert_element_type3A_158 = arith.extui %lt3A_157 : i1 to i32
      %cond3A_159 = arith.constant 0 : i32
      %cond3A_160 = arith.cmpi ne, %convert_element_type3A_158, %cond3A_159 : i32
      scf.if %cond3A_160 {
        %add3A_167 = arith.constant 1 : i32
        %add3A_168 = arith.addi %add3A_135, %add3A_167 : i32
        %mul3A_169 = arith.constant 1024 : i32
        %mul3A_170 = arith.muli %add3A_168, %mul3A_169 : i32
        %add3A_171 = arith.addi %add3A_9, %mul3A_170 : i32
        %dma_start3A_172 = arith.constant 0 : i32
        %dma_start3A_173 = tpu.memref_slice %arg7[%dma_start3A_172] : memref<1024xi32, #tpu.memory_space<vmem>> -> memref<1024xi32, #tpu.memory_space<vmem>>
        %dma_start3A_174 = tpu.memref_slice %arg4[%add3A_171] : memref<32768xi32, #tpu.memory_space<hbm>> -> memref<1024xi32, #tpu.memory_space<hbm>>
        %dma_start3A_175 = arith.constant 0 : i32
        %dma_start3A_176 = tpu.memref_slice %arg7[%dma_start3A_175] : memref<1024xi32, #tpu.memory_space<vmem>> -> memref<1024xi32, #tpu.memory_space<vmem>>
        %dma_start3A_177 = tpu.memref_slice %arg4[%add3A_171] : memref<32768xi32, #tpu.memory_space<hbm>> -> memref<1024xi32, #tpu.memory_space<hbm>>
        tpu.enqueue_dma source(%dma_start3A_177 : memref<1024xi32, #tpu.memory_space<hbm>>) target(%dma_start3A_176 : memref<1024xi32, #tpu.memory_space<vmem>>) target_semaphore(%arg14 : memref<!tpu.dma_semaphore, #tpu.memory_space<semaphore_mem>>)
        %sub3A_178 = arith.constant 0 : i32
        %sub3A_179 = arith.subi %add3A_171, %sub3A_178 : i32
        %dma_start3A_180 = arith.constant 0 : i32
        %dma_start3A_181 = arith.constant 0 : i32
        %dma_start3A_182 = tpu.memref_slice %arg9[%dma_start3A_180, %dma_start3A_181] : memref<16x1024xf32, #tpu.memory_space<vmem>> -> memref<16x1024xf32, #tpu.memory_space<vmem>>
        %dma_start3A_183 = tpu.memref_slice %arg2[%mul3A_6, %sub3A_179] : memref<256x16384xf32, #tpu.memory_space<hbm>> -> memref<16x1024xf32, #tpu.memory_space<hbm>>
        %dma_start3A_184 = arith.constant 0 : i32
        %dma_start3A_185 = arith.constant 0 : i32
        %dma_start3A_186 = tpu.memref_slice %arg9[%dma_start3A_184, %dma_start3A_185] : memref<16x1024xf32, #tpu.memory_space<vmem>> -> memref<16x1024xf32, #tpu.memory_space<vmem>>
        %dma_start3A_187 = tpu.memref_slice %arg2[%mul3A_6, %sub3A_179] : memref<256x16384xf32, #tpu.memory_space<hbm>> -> memref<16x1024xf32, #tpu.memory_space<hbm>>
        tpu.enqueue_dma source(%dma_start3A_187 : memref<16x1024xf32, #tpu.memory_space<hbm>>) target(%dma_start3A_186 : memref<16x1024xf32, #tpu.memory_space<vmem>>) target_semaphore(%arg14 : memref<!tpu.dma_semaphore, #tpu.memory_space<semaphore_mem>>)
      } else {
      }
      %scan3A_161 = arith.constant 0 : i32
      %scan3A_162 = arith.constant 0 : i32
      %scan3A_163 = arith.constant 64 : i32
      %scan3A_164 = arith.addi %scan3A_162, %scan3A_163 : i32
      %scan3A_165 = arith.constant 1 : i32
      scf.for %scan3A_167 = %scan3A_162 to %scan3A_164 step %scan3A_165  : i32 {
        %mul3A_168 = arith.constant 16 : i32
        %mul3A_169 = arith.muli %scan3A_167, %mul3A_168 : i32
        %get3A = arith.index_cast %mul3A_169 : i32 to index
        %get3A_170 = tpu.vector_load %arg8[%get3A] {strides = array<i32>} : memref<1024xi32, #tpu.memory_space<vmem>>, vector<16xi32>,
        %mul3A_171 = arith.constant 16 : i32
        %mul3A_172 = arith.muli %scan3A_167, %mul3A_171 : i32
        %get3A_173 = arith.constant 0 : i32
        %get3A_174 = arith.index_cast %get3A_173 : i32 to index
        %get3A_175 = arith.index_cast %mul3A_172 : i32 to index
        %get3A_176 = tpu.vector_load %arg10[%get3A_174, %get3A_175] {strides = array<i32>} : memref<16x1024xf32, #tpu.memory_space<vmem>>, vector<16xf32>,
        %mul3A_177 = arith.constant 16 : i32
        %mul3A_178 = arith.muli %scan3A_167, %mul3A_177 : i32
        %get3A_179 = arith.constant 1 : i32
        %get3A_180 = arith.index_cast %get3A_179 : i32 to index
        %get3A_181 = arith.index_cast %mul3A_178 : i32 to index
        %get3A_182 = tpu.vector_load %arg10[%get3A_180, %get3A_181] {strides = array<i32>} : memref<16x1024xf32, #tpu.memory_space<vmem>>, vector<16xf32>,
        %mul3A_183 = arith.constant 16 : i32
        %mul3A_184 = arith.muli %scan3A_167, %mul3A_183 : i32
        %get3A_185 = arith.constant 2 : i32
        %get3A_186 = arith.index_cast %get3A_185 : i32 to index
        %get3A_187 = arith.index_cast %mul3A_184 : i32 to index
        %get3A_188 = tpu.vector_load %arg10[%get3A_186, %get3A_187] {strides = array<i32>} : memref<16x1024xf32, #tpu.memory_space<vmem>>, vector<16xf32>,
        %mul3A_189 = arith.constant 16 : i32
        %mul3A_190 = arith.muli %scan3A_167, %mul3A_189 : i32
        %get3A_191 = arith.constant 3 : i32
        %get3A_192 = arith.index_cast %get3A_191 : i32 to index
        %get3A_193 = arith.index_cast %mul3A_190 : i32 to index
        %get3A_194 = tpu.vector_load %arg10[%get3A_192, %get3A_193] {strides = array<i32>} : memref<16x1024xf32, #tpu.memory_space<vmem>>, vector<16xf32>,
        %mul3A_195 = arith.constant 16 : i32
        %mul3A_196 = arith.muli %scan3A_167, %mul3A_195 : i32
        %get3A_197 = arith.constant 4 : i32
        %get3A_198 = arith.index_cast %get3A_197 : i32 to index
        %get3A_199 = arith.index_cast %mul3A_196 : i32 to index
        %get3A_200 = tpu.vector_load %arg10[%get3A_198, %get3A_199] {strides = array<i32>} : memref<16x1024xf32, #tpu.memory_space<vmem>>, vector<16xf32>,
        %mul3A_201 = arith.constant 16 : i32
        %mul3A_202 = arith.muli %scan3A_167, %mul3A_201 : i32
        %get3A_203 = arith.constant 5 : i32
        %get3A_204 = arith.index_cast %get3A_203 : i32 to index
        %get3A_205 = arith.index_cast %mul3A_202 : i32 to index
        %get3A_206 = tpu.vector_load %arg10[%get3A_204, %get3A_205] {strides = array<i32>} : memref<16x1024xf32, #tpu.memory_space<vmem>>, vector<16xf32>,
        %mul3A_207 = arith.constant 16 : i32
        %mul3A_208 = arith.muli %scan3A_167, %mul3A_207 : i32
        %get3A_209 = arith.constant 6 : i32
        %get3A_210 = arith.index_cast %get3A_209 : i32 to index
        %get3A_211 = arith.index_cast %mul3A_208 : i32 to index
        %get3A_212 = tpu.vector_load %arg10[%get3A_210, %get3A_211] {strides = array<i32>} : memref<16x1024xf32, #tpu.memory_space<vmem>>, vector<16xf32>,
        %mul3A_213 = arith.constant 16 : i32
        %mul3A_214 = arith.muli %scan3A_167, %mul3A_213 : i32
        %get3A_215 = arith.constant 7 : i32
        %get3A_216 = arith.index_cast %get3A_215 : i32 to index
        %get3A_217 = arith.index_cast %mul3A_214 : i32 to index
        %get3A_218 = tpu.vector_load %arg10[%get3A_216, %get3A_217] {strides = array<i32>} : memref<16x1024xf32, #tpu.memory_space<vmem>>, vector<16xf32>,
        %mul3A_219 = arith.constant 16 : i32
        %mul3A_220 = arith.muli %scan3A_167, %mul3A_219 : i32
        %get3A_221 = arith.constant 8 : i32
        %get3A_222 = arith.index_cast %get3A_221 : i32 to index
        %get3A_223 = arith.index_cast %mul3A_220 : i32 to index
        %get3A_224 = tpu.vector_load %arg10[%get3A_222, %get3A_223] {strides = array<i32>} : memref<16x1024xf32, #tpu.memory_space<vmem>>, vector<16xf32>,
        %mul3A_225 = arith.constant 16 : i32
        %mul3A_226 = arith.muli %scan3A_167, %mul3A_225 : i32
        %get3A_227 = arith.constant 9 : i32
        %get3A_228 = arith.index_cast %get3A_227 : i32 to index
        %get3A_229 = arith.index_cast %mul3A_226 : i32 to index
        %get3A_230 = tpu.vector_load %arg10[%get3A_228, %get3A_229] {strides = array<i32>} : memref<16x1024xf32, #tpu.memory_space<vmem>>, vector<16xf32>,
        %mul3A_231 = arith.constant 16 : i32
        %mul3A_232 = arith.muli %scan3A_167, %mul3A_231 : i32
        %get3A_233 = arith.constant 10 : i32
        %get3A_234 = arith.index_cast %get3A_233 : i32 to index
        %get3A_235 = arith.index_cast %mul3A_232 : i32 to index
        %get3A_236 = tpu.vector_load %arg10[%get3A_234, %get3A_235] {strides = array<i32>} : memref<16x1024xf32, #tpu.memory_space<vmem>>, vector<16xf32>,
        %mul3A_237 = arith.constant 16 : i32
        %mul3A_238 = arith.muli %scan3A_167, %mul3A_237 : i32
        %get3A_239 = arith.constant 11 : i32
        %get3A_240 = arith.index_cast %get3A_239 : i32 to index
        %get3A_241 = arith.index_cast %mul3A_238 : i32 to index
        %get3A_242 = tpu.vector_load %arg10[%get3A_240, %get3A_241] {strides = array<i32>} : memref<16x1024xf32, #tpu.memory_space<vmem>>, vector<16xf32>,
        %mul3A_243 = arith.constant 16 : i32
        %mul3A_244 = arith.muli %scan3A_167, %mul3A_243 : i32
        %get3A_245 = arith.constant 12 : i32
        %get3A_246 = arith.index_cast %get3A_245 : i32 to index
        %get3A_247 = arith.index_cast %mul3A_244 : i32 to index
        %get3A_248 = tpu.vector_load %arg10[%get3A_246, %get3A_247] {strides = array<i32>} : memref<16x1024xf32, #tpu.memory_space<vmem>>, vector<16xf32>,
        %mul3A_249 = arith.constant 16 : i32
        %mul3A_250 = arith.muli %scan3A_167, %mul3A_249 : i32
        %get3A_251 = arith.constant 13 : i32
        %get3A_252 = arith.index_cast %get3A_251 : i32 to index
        %get3A_253 = arith.index_cast %mul3A_250 : i32 to index
        %get3A_254 = tpu.vector_load %arg10[%get3A_252, %get3A_253] {strides = array<i32>} : memref<16x1024xf32, #tpu.memory_space<vmem>>, vector<16xf32>,
        %mul3A_255 = arith.constant 16 : i32
        %mul3A_256 = arith.muli %scan3A_167, %mul3A_255 : i32
        %get3A_257 = arith.constant 14 : i32
        %get3A_258 = arith.index_cast %get3A_257 : i32 to index
        %get3A_259 = arith.index_cast %mul3A_256 : i32 to index
        %get3A_260 = tpu.vector_load %arg10[%get3A_258, %get3A_259] {strides = array<i32>} : memref<16x1024xf32, #tpu.memory_space<vmem>>, vector<16xf32>,
        %mul3A_261 = arith.constant 16 : i32
        %mul3A_262 = arith.muli %scan3A_167, %mul3A_261 : i32
        %get3A_263 = arith.constant 15 : i32
        %get3A_264 = arith.index_cast %get3A_263 : i32 to index
        %get3A_265 = arith.index_cast %mul3A_262 : i32 to index
        %get3A_266 = tpu.vector_load %arg10[%get3A_264, %get3A_265] {strides = array<i32>} : memref<16x1024xf32, #tpu.memory_space<vmem>>, vector<16xf32>,
        %broadcast_in_dim3A_267 = arith.constant 0 : i32
        %broadcast_in_dim3A_268 = vector.broadcast %broadcast_in_dim3A_267 : i32 to vector<16xi32>
        tpu.vector_store_idx %arg11[%broadcast_in_dim3A_268, %get3A_170], %get3A_176 {add = true} : memref<16x1024xf32, #tpu.memory_space<vmem>>[vector<16xi32>, vector<16xi32>], vector<16xf32>,
        %broadcast_in_dim3A_269 = arith.constant 1 : i32
        %broadcast_in_dim3A_270 = vector.broadcast %broadcast_in_dim3A_269 : i32 to vector<16xi32>
        tpu.vector_store_idx %arg11[%broadcast_in_dim3A_270, %get3A_170], %get3A_182 {add = true} : memref<16x1024xf32, #tpu.memory_space<vmem>>[vector<16xi32>, vector<16xi32>], vector<16xf32>,
        %broadcast_in_dim3A_271 = arith.constant 2 : i32
        %broadcast_in_dim3A_272 = vector.broadcast %broadcast_in_dim3A_271 : i32 to vector<16xi32>
        tpu.vector_store_idx %arg11[%broadcast_in_dim3A_272, %get3A_170], %get3A_188 {add = true} : memref<16x1024xf32, #tpu.memory_space<vmem>>[vector<16xi32>, vector<16xi32>], vector<16xf32>,
        %broadcast_in_dim3A_273 = arith.constant 3 : i32
        %broadcast_in_dim3A_274 = vector.broadcast %broadcast_in_dim3A_273 : i32 to vector<16xi32>
        tpu.vector_store_idx %arg11[%broadcast_in_dim3A_274, %get3A_170], %get3A_194 {add = true} : memref<16x1024xf32, #tpu.memory_space<vmem>>[vector<16xi32>, vector<16xi32>], vector<16xf32>,
        %broadcast_in_dim3A_275 = arith.constant 4 : i32
        %broadcast_in_dim3A_276 = vector.broadcast %broadcast_in_dim3A_275 : i32 to vector<16xi32>
        tpu.vector_store_idx %arg11[%broadcast_in_dim3A_276, %get3A_170], %get3A_200 {add = true} : memref<16x1024xf32, #tpu.memory_space<vmem>>[vector<16xi32>, vector<16xi32>], vector<16xf32>,
        %broadcast_in_dim3A_277 = arith.constant 5 : i32
        %broadcast_in_dim3A_278 = vector.broadcast %broadcast_in_dim3A_277 : i32 to vector<16xi32>
        tpu.vector_store_idx %arg11[%broadcast_in_dim3A_278, %get3A_170], %get3A_206 {add = true} : memref<16x1024xf32, #tpu.memory_space<vmem>>[vector<16xi32>, vector<16xi32>], vector<16xf32>,
        %broadcast_in_dim3A_279 = arith.constant 6 : i32
        %broadcast_in_dim3A_280 = vector.broadcast %broadcast_in_dim3A_279 : i32 to vector<16xi32>
        tpu.vector_store_idx %arg11[%broadcast_in_dim3A_280, %get3A_170], %get3A_212 {add = true} : memref<16x1024xf32, #tpu.memory_space<vmem>>[vector<16xi32>, vector<16xi32>], vector<16xf32>,
        %broadcast_in_dim3A_281 = arith.constant 7 : i32
        %broadcast_in_dim3A_282 = vector.broadcast %broadcast_in_dim3A_281 : i32 to vector<16xi32>
        tpu.vector_store_idx %arg11[%broadcast_in_dim3A_282, %get3A_170], %get3A_218 {add = true} : memref<16x1024xf32, #tpu.memory_space<vmem>>[vector<16xi32>, vector<16xi32>], vector<16xf32>,
        %broadcast_in_dim3A_283 = arith.constant 8 : i32
        %broadcast_in_dim3A_284 = vector.broadcast %broadcast_in_dim3A_283 : i32 to vector<16xi32>
        tpu.vector_store_idx %arg11[%broadcast_in_dim3A_284, %get3A_170], %get3A_224 {add = true} : memref<16x1024xf32, #tpu.memory_space<vmem>>[vector<16xi32>, vector<16xi32>], vector<16xf32>,
        %broadcast_in_dim3A_285 = arith.constant 9 : i32
        %broadcast_in_dim3A_286 = vector.broadcast %broadcast_in_dim3A_285 : i32 to vector<16xi32>
        tpu.vector_store_idx %arg11[%broadcast_in_dim3A_286, %get3A_170], %get3A_230 {add = true} : memref<16x1024xf32, #tpu.memory_space<vmem>>[vector<16xi32>, vector<16xi32>], vector<16xf32>,
        %broadcast_in_dim3A_287 = arith.constant 10 : i32
        %broadcast_in_dim3A_288 = vector.broadcast %broadcast_in_dim3A_287 : i32 to vector<16xi32>
        tpu.vector_store_idx %arg11[%broadcast_in_dim3A_288, %get3A_170], %get3A_236 {add = true} : memref<16x1024xf32, #tpu.memory_space<vmem>>[vector<16xi32>, vector<16xi32>], vector<16xf32>,
        %broadcast_in_dim3A_289 = arith.constant 11 : i32
        %broadcast_in_dim3A_290 = vector.broadcast %broadcast_in_dim3A_289 : i32 to vector<16xi32>
        tpu.vector_store_idx %arg11[%broadcast_in_dim3A_290, %get3A_170], %get3A_242 {add = true} : memref<16x1024xf32, #tpu.memory_space<vmem>>[vector<16xi32>, vector<16xi32>], vector<16xf32>,
        %broadcast_in_dim3A_291 = arith.constant 12 : i32
        %broadcast_in_dim3A_292 = vector.broadcast %broadcast_in_dim3A_291 : i32 to vector<16xi32>
        tpu.vector_store_idx %arg11[%broadcast_in_dim3A_292, %get3A_170], %get3A_248 {add = true} : memref<16x1024xf32, #tpu.memory_space<vmem>>[vector<16xi32>, vector<16xi32>], vector<16xf32>,
        %broadcast_in_dim3A_293 = arith.constant 13 : i32
        %broadcast_in_dim3A_294 = vector.broadcast %broadcast_in_dim3A_293 : i32 to vector<16xi32>
        tpu.vector_store_idx %arg11[%broadcast_in_dim3A_294, %get3A_170], %get3A_254 {add = true} : memref<16x1024xf32, #tpu.memory_space<vmem>>[vector<16xi32>, vector<16xi32>], vector<16xf32>,
        %broadcast_in_dim3A_295 = arith.constant 14 : i32
        %broadcast_in_dim3A_296 = vector.broadcast %broadcast_in_dim3A_295 : i32 to vector<16xi32>
        tpu.vector_store_idx %arg11[%broadcast_in_dim3A_296, %get3A_170], %get3A_260 {add = true} : memref<16x1024xf32, #tpu.memory_space<vmem>>[vector<16xi32>, vector<16xi32>], vector<16xf32>,
        %broadcast_in_dim3A_297 = arith.constant 15 : i32
        %broadcast_in_dim3A_298 = vector.broadcast %broadcast_in_dim3A_297 : i32 to vector<16xi32>
        tpu.vector_store_idx %arg11[%broadcast_in_dim3A_298, %get3A_170], %get3A_266 {add = true} : memref<16x1024xf32, #tpu.memory_space<vmem>>[vector<16xi32>, vector<16xi32>], vector<16xf32>,
      }
      %scan3A_166 = arith.constant 64 : i32
    }
    %scan3A_31 = arith.constant 4 : i32
    %mul3A_32 = arith.constant 16 : i32
    %mul3A_33 = arith.muli %arg1, %mul3A_32 : i32
    %mul3A_34 = arith.constant 1024 : i32
    %mul3A_35 = arith.muli %arg0, %mul3A_34 : i32
    "tpu.region"() ({
      %run_scoped3A = tpu.sem_alloc : memref<!tpu.dma_semaphore, #tpu.memory_space<semaphore_mem>>
      %dma_start3A_96 = tpu.memref_slice %arg5[%mul3A_33, %mul3A_35] : memref<256x2048xf32, #tpu.memory_space<hbm>> -> memref<16x1024xf32, #tpu.memory_space<hbm>>
      %dma_start3A_97 = tpu.memref_slice %arg5[%mul3A_33, %mul3A_35] : memref<256x2048xf32, #tpu.memory_space<hbm>> -> memref<16x1024xf32, #tpu.memory_space<hbm>>
      tpu.enqueue_dma source(%arg11 : memref<16x1024xf32, #tpu.memory_space<vmem>>) target(%dma_start3A_97 : memref<16x1024xf32, #tpu.memory_space<hbm>>) target_semaphore(%run_scoped3A : memref<!tpu.dma_semaphore, #tpu.memory_space<semaphore_mem>>)
      %dma_wait3A_98 = tpu.memref_slice %arg5[%mul3A_33, %mul3A_35] : memref<256x2048xf32, #tpu.memory_space<hbm>> -> memref<16x1024xf32, #tpu.memory_space<hbm>>
      %dma_wait3A_99 = tpu.memref_slice %arg5[%mul3A_33, %mul3A_35] : memref<256x2048xf32, #tpu.memory_space<hbm>> -> memref<16x1024xf32, #tpu.memory_space<hbm>>
      tpu.wait_dma2 semaphore(%run_scoped3A : memref<!tpu.dma_semaphore, #tpu.memory_space<semaphore_mem>>) src(%arg11 : memref<16x1024xf32, #tpu.memory_space<vmem>>) dst(%dma_wait3A_99 : memref<16x1024xf32, #tpu.memory_space<hbm>>)
      tpu.yield
    }) : () -> ()
    %scan3A_36 = arith.constant 0 : i32
    %scan3A_37 = arith.constant 0 : i32
    %scan3A_38 = arith.constant 1024 : i32
    %scan3A_39 = arith.addi %scan3A_37, %scan3A_38 : i32
    %scan3A_40 = arith.constant 1 : i32
    scf.for %scan3A_96 = %scan3A_37 to %scan3A_39 step %scan3A_40  : i32 {
      %jit3A = arith.constant 64 : i32
      %div3A = arith.divsi %scan3A_96, %jit3A : i32
      %sign3A = arith.constant 0 : i32
      %sign3A_97 = arith.cmpi sgt, %scan3A_96, %sign3A : i32
      %sign3A_98 = arith.extui %sign3A_97 : i1 to i32
      %sign3A_99 = arith.constant 0 : i32
      %sign3A_100 = arith.cmpi slt, %scan3A_96, %sign3A_99 : i32
      %sign3A_101 = arith.extui %sign3A_100 : i1 to i32
      %sign3A_102 = arith.subi %sign3A_98, %sign3A_101 : i32
      %sign3A_103 = arith.constant 0 : i32
      %sign3A_104 = arith.cmpi sgt, %jit3A, %sign3A_103 : i32
      %sign3A_105 = arith.extui %sign3A_104 : i1 to i32
      %sign3A_106 = arith.constant 0 : i32
      %sign3A_107 = arith.cmpi slt, %jit3A, %sign3A_106 : i32
      %sign3A_108 = arith.extui %sign3A_107 : i1 to i32
      %sign3A_109 = arith.subi %sign3A_105, %sign3A_108 : i32
      %ne3A = arith.cmpi ne, %sign3A_102, %sign3A_109 : i32
      %rem3A = arith.remsi %scan3A_96, %jit3A : i32
      %ne3A_110 = arith.constant 0 : i32
      %ne3A_111 = arith.cmpi ne, %rem3A, %ne3A_110 : i32
      %and3A = arith.andi %ne3A, %ne3A_111 : i1
      %sub3A_112 = arith.constant 1 : i32
      %sub3A_113 = arith.subi %div3A, %sub3A_112 : i32
      %select_n3A = arith.select %and3A, %sub3A_113, %div3A : i32
      %jit3A_114 = arith.constant 64 : i32
      %eq3A = arith.constant 0 : i32
      %eq3A_115 = arith.cmpi eq, %jit3A_114, %eq3A : i32
      %jit3A_116 = arith.constant 1 : i32
      %select_n3A_117 = arith.select %eq3A_115, %jit3A_116, %jit3A_114 : i32
      %rem3A_118 = arith.remsi %scan3A_96, %select_n3A_117 : i32
      %ne3A_119 = arith.constant 0 : i32
      %ne3A_120 = arith.cmpi ne, %rem3A_118, %ne3A_119 : i32
      %lt3A_121 = arith.constant 0 : i32
      %lt3A_122 = arith.cmpi slt, %rem3A_118, %lt3A_121 : i32
      %lt3A_123 = arith.constant 0 : i32
      %lt3A_124 = arith.cmpi slt, %select_n3A_117, %lt3A_123 : i32
      %ne3A_125 = arith.xori %lt3A_122, %lt3A_124 : i1
      %and3A_126 = arith.andi %ne3A_125, %ne3A_120 : i1
      %add3A_127 = arith.addi %rem3A_118, %select_n3A_117 : i32
      %select_n3A_128 = arith.select %and3A_126, %add3A_127, %rem3A_118 : i32
      %mul3A_129 = arith.constant 16 : i32
      %mul3A_130 = arith.muli %select_n3A_128, %mul3A_129 : i32
      %swap3A = arith.index_cast %select_n3A : i32 to index
      %swap3A_131 = arith.index_cast %mul3A_130 : i32 to index
      %swap3A_132 = tpu.vector_load %arg11[%swap3A, %swap3A_131] {strides = array<i32>} : memref<16x1024xf32, #tpu.memory_space<vmem>>, vector<16xf32>,
      tpu.vector_store %arg11[%swap3A, %swap3A_131], %broadcast_in_dim3A_0 {strides = array<i32>} : memref<16x1024xf32, #tpu.memory_space<vmem>>, vector<16xf32>,
    }
    %scan3A_41 = arith.constant 1024 : i32
    %mul3A_42 = arith.constant 8192 : i32
    %mul3A_43 = arith.muli %arg0, %mul3A_42 : i32
    %add3A_44 = arith.constant 0 : i32
    %add3A_45 = arith.addi %add3A_44, %mul3A_43 : i32
    %mul3A_46 = arith.constant 512 : i32
    %mul3A_47 = arith.muli %arg1, %mul3A_46 : i32
    %add3A_48 = arith.addi %add3A_45, %mul3A_47 : i32
    %add3A_49 = arith.constant 0 : i32
    %add3A_50 = arith.addi %add3A_48, %add3A_49 : i32
    %dma_start3A_51 = arith.constant 0 : i32
    %dma_start3A_52 = tpu.memref_slice %arg7[%dma_start3A_51] : memref<1024xi32, #tpu.memory_space<vmem>> -> memref<512xi32, #tpu.memory_space<vmem>>
    %dma_start3A_53 = tpu.memref_slice %arg4[%add3A_50] : memref<32768xi32, #tpu.memory_space<hbm>> -> memref<512xi32, #tpu.memory_space<hbm>>
    %dma_start3A_54 = arith.constant 0 : i32
    %dma_start3A_55 = tpu.memref_slice %arg7[%dma_start3A_54] : memref<1024xi32, #tpu.memory_space<vmem>> -> memref<512xi32, #tpu.memory_space<vmem>>
    %dma_start3A_56 = tpu.memref_slice %arg4[%add3A_50] : memref<32768xi32, #tpu.memory_space<hbm>> -> memref<512xi32, #tpu.memory_space<hbm>>
    tpu.enqueue_dma source(%dma_start3A_56 : memref<512xi32, #tpu.memory_space<hbm>>) target(%dma_start3A_55 : memref<512xi32, #tpu.memory_space<vmem>>) target_semaphore(%arg14 : memref<!tpu.dma_semaphore, #tpu.memory_space<semaphore_mem>>)
    %sub3A_57 = arith.constant 0 : i32
    %sub3A_58 = arith.subi %add3A_50, %sub3A_57 : i32
    %dma_start3A_59 = arith.constant 0 : i32
    %dma_start3A_60 = arith.constant 0 : i32
    %dma_start3A_61 = tpu.memref_slice %arg9[%dma_start3A_59, %dma_start3A_60] : memref<16x1024xf32, #tpu.memory_space<vmem>> -> memref<16x512xf32, #tpu.memory_space<vmem>>
    %dma_start3A_62 = arith.constant 0 : i32
    %dma_start3A_63 = tpu.memref_slice %arg3[%dma_start3A_62, %sub3A_58] : memref<16x16384xf32, #tpu.memory_space<hbm>> -> memref<16x512xf32, #tpu.memory_space<hbm>>
    %dma_start3A_64 = arith.constant 0 : i32
    %dma_start3A_65 = arith.constant 0 : i32
    %dma_start3A_66 = tpu.memref_slice %arg9[%dma_start3A_64, %dma_start3A_65] : memref<16x1024xf32, #tpu.memory_space<vmem>> -> memref<16x512xf32, #tpu.memory_space<vmem>>
    %dma_start3A_67 = arith.constant 0 : i32
    %dma_start3A_68 = tpu.memref_slice %arg3[%dma_start3A_67, %sub3A_58] : memref<16x16384xf32, #tpu.memory_space<hbm>> -> memref<16x512xf32, #tpu.memory_space<hbm>>
    tpu.enqueue_dma source(%dma_start3A_68 : memref<16x512xf32, #tpu.memory_space<hbm>>) target(%dma_start3A_66 : memref<16x512xf32, #tpu.memory_space<vmem>>) target_semaphore(%arg14 : memref<!tpu.dma_semaphore, #tpu.memory_space<semaphore_mem>>)
    %dma_wait3A = arith.constant 0 : i32
    %dma_wait3A_69 = tpu.memref_slice %arg7[%dma_wait3A] : memref<1024xi32, #tpu.memory_space<vmem>> -> memref<512xi32, #tpu.memory_space<vmem>>
    %dma_wait3A_70 = arith.constant 0 : i32
    %dma_wait3A_71 = tpu.memref_slice %arg4[%dma_wait3A_70] : memref<32768xi32, #tpu.memory_space<hbm>> -> memref<512xi32, #tpu.memory_space<hbm>>
    %dma_wait3A_72 = arith.constant 0 : i32
    %dma_wait3A_73 = tpu.memref_slice %arg7[%dma_wait3A_72] : memref<1024xi32, #tpu.memory_space<vmem>> -> memref<512xi32, #tpu.memory_space<vmem>>
    %dma_wait3A_74 = arith.constant 0 : i32
    %dma_wait3A_75 = tpu.memref_slice %arg4[%dma_wait3A_74] : memref<32768xi32, #tpu.memory_space<hbm>> -> memref<512xi32, #tpu.memory_space<hbm>>
    tpu.wait_dma2 semaphore(%arg14 : memref<!tpu.dma_semaphore, #tpu.memory_space<semaphore_mem>>) src(%dma_wait3A_75 : memref<512xi32, #tpu.memory_space<hbm>>) dst(%dma_wait3A_73 : memref<512xi32, #tpu.memory_space<vmem>>)
    %dma_wait3A_76 = arith.constant 0 : i32
    %dma_wait3A_77 = arith.constant 0 : i32
    %dma_wait3A_78 = tpu.memref_slice %arg9[%dma_wait3A_76, %dma_wait3A_77] : memref<16x1024xf32, #tpu.memory_space<vmem>> -> memref<16x512xf32, #tpu.memory_space<vmem>>
    %dma_wait3A_79 = arith.constant 0 : i32
    %dma_wait3A_80 = arith.constant 0 : i32
    %dma_wait3A_81 = tpu.memref_slice %arg3[%dma_wait3A_79, %dma_wait3A_80] : memref<16x16384xf32, #tpu.memory_space<hbm>> -> memref<16x512xf32, #tpu.memory_space<hbm>>
    %dma_wait3A_82 = arith.constant 0 : i32
    %dma_wait3A_83 = arith.constant 0 : i32
    %dma_wait3A_84 = tpu.memref_slice %arg9[%dma_wait3A_82, %dma_wait3A_83] : memref<16x1024xf32, #tpu.memory_space<vmem>> -> memref<16x512xf32, #tpu.memory_space<vmem>>
    %dma_wait3A_85 = arith.constant 0 : i32
    %dma_wait3A_86 = arith.constant 0 : i32
    %dma_wait3A_87 = tpu.memref_slice %arg3[%dma_wait3A_85, %dma_wait3A_86] : memref<16x16384xf32, #tpu.memory_space<hbm>> -> memref<16x512xf32, #tpu.memory_space<hbm>>
    tpu.wait_dma2 semaphore(%arg14 : memref<!tpu.dma_semaphore, #tpu.memory_space<semaphore_mem>>) src(%dma_wait3A_87 : memref<16x512xf32, #tpu.memory_space<hbm>>) dst(%dma_wait3A_84 : memref<16x512xf32, #tpu.memory_space<vmem>>)
    %scan3A_88 = arith.constant 0 : i32
    %scan3A_89 = arith.constant 0 : i32
    %scan3A_90 = arith.constant 32 : i32
    %scan3A_91 = arith.addi %scan3A_89, %scan3A_90 : i32
    %scan3A_92 = arith.constant 1 : i32
    scf.for %scan3A_96 = %scan3A_89 to %scan3A_91 step %scan3A_92  : i32 {
      %mul3A_97 = arith.constant 16 : i32
      %mul3A_98 = arith.muli %scan3A_96, %mul3A_97 : i32
      %get3A = arith.index_cast %mul3A_98 : i32 to index
      %get3A_99 = tpu.vector_load %arg7[%get3A] {strides = array<i32>} : memref<1024xi32, #tpu.memory_space<vmem>>, vector<16xi32>,
      %mul3A_100 = arith.constant 16 : i32
      %mul3A_101 = arith.muli %scan3A_96, %mul3A_100 : i32
      %get3A_102 = arith.constant 0 : i32
      %get3A_103 = arith.index_cast %get3A_102 : i32 to index
      %get3A_104 = arith.index_cast %mul3A_101 : i32 to index
      %get3A_105 = tpu.vector_load %arg9[%get3A_103, %get3A_104] {strides = array<i32>} : memref<16x1024xf32, #tpu.memory_space<vmem>>, vector<16xf32>,
      %mul3A_106 = arith.constant 16 : i32
      %mul3A_107 = arith.muli %scan3A_96, %mul3A_106 : i32
      %get3A_108 = arith.constant 1 : i32
      %get3A_109 = arith.index_cast %get3A_108 : i32 to index
      %get3A_110 = arith.index_cast %mul3A_107 : i32 to index
      %get3A_111 = tpu.vector_load %arg9[%get3A_109, %get3A_110] {strides = array<i32>} : memref<16x1024xf32, #tpu.memory_space<vmem>>, vector<16xf32>,
      %mul3A_112 = arith.constant 16 : i32
      %mul3A_113 = arith.muli %scan3A_96, %mul3A_112 : i32
      %get3A_114 = arith.constant 2 : i32
      %get3A_115 = arith.index_cast %get3A_114 : i32 to index
      %get3A_116 = arith.index_cast %mul3A_113 : i32 to index
      %get3A_117 = tpu.vector_load %arg9[%get3A_115, %get3A_116] {strides = array<i32>} : memref<16x1024xf32, #tpu.memory_space<vmem>>, vector<16xf32>,
      %mul3A_118 = arith.constant 16 : i32
      %mul3A_119 = arith.muli %scan3A_96, %mul3A_118 : i32
      %get3A_120 = arith.constant 3 : i32
      %get3A_121 = arith.index_cast %get3A_120 : i32 to index
      %get3A_122 = arith.index_cast %mul3A_119 : i32 to index
      %get3A_123 = tpu.vector_load %arg9[%get3A_121, %get3A_122] {strides = array<i32>} : memref<16x1024xf32, #tpu.memory_space<vmem>>, vector<16xf32>,
      %mul3A_124 = arith.constant 16 : i32
      %mul3A_125 = arith.muli %scan3A_96, %mul3A_124 : i32
      %get3A_126 = arith.constant 4 : i32
      %get3A_127 = arith.index_cast %get3A_126 : i32 to index
      %get3A_128 = arith.index_cast %mul3A_125 : i32 to index
      %get3A_129 = tpu.vector_load %arg9[%get3A_127, %get3A_128] {strides = array<i32>} : memref<16x1024xf32, #tpu.memory_space<vmem>>, vector<16xf32>,
      %mul3A_130 = arith.constant 16 : i32
      %mul3A_131 = arith.muli %scan3A_96, %mul3A_130 : i32
      %get3A_132 = arith.constant 5 : i32
      %get3A_133 = arith.index_cast %get3A_132 : i32 to index
      %get3A_134 = arith.index_cast %mul3A_131 : i32 to index
      %get3A_135 = tpu.vector_load %arg9[%get3A_133, %get3A_134] {strides = array<i32>} : memref<16x1024xf32, #tpu.memory_space<vmem>>, vector<16xf32>,
      %mul3A_136 = arith.constant 16 : i32
      %mul3A_137 = arith.muli %scan3A_96, %mul3A_136 : i32
      %get3A_138 = arith.constant 6 : i32
      %get3A_139 = arith.index_cast %get3A_138 : i32 to index
      %get3A_140 = arith.index_cast %mul3A_137 : i32 to index
      %get3A_141 = tpu.vector_load %arg9[%get3A_139, %get3A_140] {strides = array<i32>} : memref<16x1024xf32, #tpu.memory_space<vmem>>, vector<16xf32>,
      %mul3A_142 = arith.constant 16 : i32
      %mul3A_143 = arith.muli %scan3A_96, %mul3A_142 : i32
      %get3A_144 = arith.constant 7 : i32
      %get3A_145 = arith.index_cast %get3A_144 : i32 to index
      %get3A_146 = arith.index_cast %mul3A_143 : i32 to index
      %get3A_147 = tpu.vector_load %arg9[%get3A_145, %get3A_146] {strides = array<i32>} : memref<16x1024xf32, #tpu.memory_space<vmem>>, vector<16xf32>,
      %mul3A_148 = arith.constant 16 : i32
      %mul3A_149 = arith.muli %scan3A_96, %mul3A_148 : i32
      %get3A_150 = arith.constant 8 : i32
      %get3A_151 = arith.index_cast %get3A_150 : i32 to index
      %get3A_152 = arith.index_cast %mul3A_149 : i32 to index
      %get3A_153 = tpu.vector_load %arg9[%get3A_151, %get3A_152] {strides = array<i32>} : memref<16x1024xf32, #tpu.memory_space<vmem>>, vector<16xf32>,
      %mul3A_154 = arith.constant 16 : i32
      %mul3A_155 = arith.muli %scan3A_96, %mul3A_154 : i32
      %get3A_156 = arith.constant 9 : i32
      %get3A_157 = arith.index_cast %get3A_156 : i32 to index
      %get3A_158 = arith.index_cast %mul3A_155 : i32 to index
      %get3A_159 = tpu.vector_load %arg9[%get3A_157, %get3A_158] {strides = array<i32>} : memref<16x1024xf32, #tpu.memory_space<vmem>>, vector<16xf32>,
      %mul3A_160 = arith.constant 16 : i32
      %mul3A_161 = arith.muli %scan3A_96, %mul3A_160 : i32
      %get3A_162 = arith.constant 10 : i32
      %get3A_163 = arith.index_cast %get3A_162 : i32 to index
      %get3A_164 = arith.index_cast %mul3A_161 : i32 to index
      %get3A_165 = tpu.vector_load %arg9[%get3A_163, %get3A_164] {strides = array<i32>} : memref<16x1024xf32, #tpu.memory_space<vmem>>, vector<16xf32>,
      %mul3A_166 = arith.constant 16 : i32
      %mul3A_167 = arith.muli %scan3A_96, %mul3A_166 : i32
      %get3A_168 = arith.constant 11 : i32
      %get3A_169 = arith.index_cast %get3A_168 : i32 to index
      %get3A_170 = arith.index_cast %mul3A_167 : i32 to index
      %get3A_171 = tpu.vector_load %arg9[%get3A_169, %get3A_170] {strides = array<i32>} : memref<16x1024xf32, #tpu.memory_space<vmem>>, vector<16xf32>,
      %mul3A_172 = arith.constant 16 : i32
      %mul3A_173 = arith.muli %scan3A_96, %mul3A_172 : i32
      %get3A_174 = arith.constant 12 : i32
      %get3A_175 = arith.index_cast %get3A_174 : i32 to index
      %get3A_176 = arith.index_cast %mul3A_173 : i32 to index
      %get3A_177 = tpu.vector_load %arg9[%get3A_175, %get3A_176] {strides = array<i32>} : memref<16x1024xf32, #tpu.memory_space<vmem>>, vector<16xf32>,
      %mul3A_178 = arith.constant 16 : i32
      %mul3A_179 = arith.muli %scan3A_96, %mul3A_178 : i32
      %get3A_180 = arith.constant 13 : i32
      %get3A_181 = arith.index_cast %get3A_180 : i32 to index
      %get3A_182 = arith.index_cast %mul3A_179 : i32 to index
      %get3A_183 = tpu.vector_load %arg9[%get3A_181, %get3A_182] {strides = array<i32>} : memref<16x1024xf32, #tpu.memory_space<vmem>>, vector<16xf32>,
      %mul3A_184 = arith.constant 16 : i32
      %mul3A_185 = arith.muli %scan3A_96, %mul3A_184 : i32
      %get3A_186 = arith.constant 14 : i32
      %get3A_187 = arith.index_cast %get3A_186 : i32 to index
      %get3A_188 = arith.index_cast %mul3A_185 : i32 to index
      %get3A_189 = tpu.vector_load %arg9[%get3A_187, %get3A_188] {strides = array<i32>} : memref<16x1024xf32, #tpu.memory_space<vmem>>, vector<16xf32>,
      %mul3A_190 = arith.constant 16 : i32
      %mul3A_191 = arith.muli %scan3A_96, %mul3A_190 : i32
      %get3A_192 = arith.constant 15 : i32
      %get3A_193 = arith.index_cast %get3A_192 : i32 to index
      %get3A_194 = arith.index_cast %mul3A_191 : i32 to index
      %get3A_195 = tpu.vector_load %arg9[%get3A_193, %get3A_194] {strides = array<i32>} : memref<16x1024xf32, #tpu.memory_space<vmem>>, vector<16xf32>,
      %broadcast_in_dim3A_196 = arith.constant 0 : i32
      %broadcast_in_dim3A_197 = vector.broadcast %broadcast_in_dim3A_196 : i32 to vector<16xi32>
      tpu.vector_store_idx %arg11[%broadcast_in_dim3A_197, %get3A_99], %get3A_105 {add = true} : memref<16x1024xf32, #tpu.memory_space<vmem>>[vector<16xi32>, vector<16xi32>], vector<16xf32>,
      %broadcast_in_dim3A_198 = arith.constant 1 : i32
      %broadcast_in_dim3A_199 = vector.broadcast %broadcast_in_dim3A_198 : i32 to vector<16xi32>
      tpu.vector_store_idx %arg11[%broadcast_in_dim3A_199, %get3A_99], %get3A_111 {add = true} : memref<16x1024xf32, #tpu.memory_space<vmem>>[vector<16xi32>, vector<16xi32>], vector<16xf32>,
      %broadcast_in_dim3A_200 = arith.constant 2 : i32
      %broadcast_in_dim3A_201 = vector.broadcast %broadcast_in_dim3A_200 : i32 to vector<16xi32>
      tpu.vector_store_idx %arg11[%broadcast_in_dim3A_201, %get3A_99], %get3A_117 {add = true} : memref<16x1024xf32, #tpu.memory_space<vmem>>[vector<16xi32>, vector<16xi32>], vector<16xf32>,
      %broadcast_in_dim3A_202 = arith.constant 3 : i32
      %broadcast_in_dim3A_203 = vector.broadcast %broadcast_in_dim3A_202 : i32 to vector<16xi32>
      tpu.vector_store_idx %arg11[%broadcast_in_dim3A_203, %get3A_99], %get3A_123 {add = true} : memref<16x1024xf32, #tpu.memory_space<vmem>>[vector<16xi32>, vector<16xi32>], vector<16xf32>,
      %broadcast_in_dim3A_204 = arith.constant 4 : i32
      %broadcast_in_dim3A_205 = vector.broadcast %broadcast_in_dim3A_204 : i32 to vector<16xi32>
      tpu.vector_store_idx %arg11[%broadcast_in_dim3A_205, %get3A_99], %get3A_129 {add = true} : memref<16x1024xf32, #tpu.memory_space<vmem>>[vector<16xi32>, vector<16xi32>], vector<16xf32>,
      %broadcast_in_dim3A_206 = arith.constant 5 : i32
      %broadcast_in_dim3A_207 = vector.broadcast %broadcast_in_dim3A_206 : i32 to vector<16xi32>
      tpu.vector_store_idx %arg11[%broadcast_in_dim3A_207, %get3A_99], %get3A_135 {add = true} : memref<16x1024xf32, #tpu.memory_space<vmem>>[vector<16xi32>, vector<16xi32>], vector<16xf32>,
      %broadcast_in_dim3A_208 = arith.constant 6 : i32
      %broadcast_in_dim3A_209 = vector.broadcast %broadcast_in_dim3A_208 : i32 to vector<16xi32>
      tpu.vector_store_idx %arg11[%broadcast_in_dim3A_209, %get3A_99], %get3A_141 {add = true} : memref<16x1024xf32, #tpu.memory_space<vmem>>[vector<16xi32>, vector<16xi32>], vector<16xf32>,
      %broadcast_in_dim3A_210 = arith.constant 7 : i32
      %broadcast_in_dim3A_211 = vector.broadcast %broadcast_in_dim3A_210 : i32 to vector<16xi32>
      tpu.vector_store_idx %arg11[%broadcast_in_dim3A_211, %get3A_99], %get3A_147 {add = true} : memref<16x1024xf32, #tpu.memory_space<vmem>>[vector<16xi32>, vector<16xi32>], vector<16xf32>,
      %broadcast_in_dim3A_212 = arith.constant 8 : i32
      %broadcast_in_dim3A_213 = vector.broadcast %broadcast_in_dim3A_212 : i32 to vector<16xi32>
      tpu.vector_store_idx %arg11[%broadcast_in_dim3A_213, %get3A_99], %get3A_153 {add = true} : memref<16x1024xf32, #tpu.memory_space<vmem>>[vector<16xi32>, vector<16xi32>], vector<16xf32>,
      %broadcast_in_dim3A_214 = arith.constant 9 : i32
      %broadcast_in_dim3A_215 = vector.broadcast %broadcast_in_dim3A_214 : i32 to vector<16xi32>
      tpu.vector_store_idx %arg11[%broadcast_in_dim3A_215, %get3A_99], %get3A_159 {add = true} : memref<16x1024xf32, #tpu.memory_space<vmem>>[vector<16xi32>, vector<16xi32>], vector<16xf32>,
      %broadcast_in_dim3A_216 = arith.constant 10 : i32
      %broadcast_in_dim3A_217 = vector.broadcast %broadcast_in_dim3A_216 : i32 to vector<16xi32>
      tpu.vector_store_idx %arg11[%broadcast_in_dim3A_217, %get3A_99], %get3A_165 {add = true} : memref<16x1024xf32, #tpu.memory_space<vmem>>[vector<16xi32>, vector<16xi32>], vector<16xf32>,
      %broadcast_in_dim3A_218 = arith.constant 11 : i32
      %broadcast_in_dim3A_219 = vector.broadcast %broadcast_in_dim3A_218 : i32 to vector<16xi32>
      tpu.vector_store_idx %arg11[%broadcast_in_dim3A_219, %get3A_99], %get3A_171 {add = true} : memref<16x1024xf32, #tpu.memory_space<vmem>>[vector<16xi32>, vector<16xi32>], vector<16xf32>,
      %broadcast_in_dim3A_220 = arith.constant 12 : i32
      %broadcast_in_dim3A_221 = vector.broadcast %broadcast_in_dim3A_220 : i32 to vector<16xi32>
      tpu.vector_store_idx %arg11[%broadcast_in_dim3A_221, %get3A_99], %get3A_177 {add = true} : memref<16x1024xf32, #tpu.memory_space<vmem>>[vector<16xi32>, vector<16xi32>], vector<16xf32>,
      %broadcast_in_dim3A_222 = arith.constant 13 : i32
      %broadcast_in_dim3A_223 = vector.broadcast %broadcast_in_dim3A_222 : i32 to vector<16xi32>
      tpu.vector_store_idx %arg11[%broadcast_in_dim3A_223, %get3A_99], %get3A_183 {add = true} : memref<16x1024xf32, #tpu.memory_space<vmem>>[vector<16xi32>, vector<16xi32>], vector<16xf32>,
      %broadcast_in_dim3A_224 = arith.constant 14 : i32
      %broadcast_in_dim3A_225 = vector.broadcast %broadcast_in_dim3A_224 : i32 to vector<16xi32>
      tpu.vector_store_idx %arg11[%broadcast_in_dim3A_225, %get3A_99], %get3A_189 {add = true} : memref<16x1024xf32, #tpu.memory_space<vmem>>[vector<16xi32>, vector<16xi32>], vector<16xf32>,
      %broadcast_in_dim3A_226 = arith.constant 15 : i32
      %broadcast_in_dim3A_227 = vector.broadcast %broadcast_in_dim3A_226 : i32 to vector<16xi32>
      tpu.vector_store_idx %arg11[%broadcast_in_dim3A_227, %get3A_99], %get3A_195 {add = true} : memref<16x1024xf32, #tpu.memory_space<vmem>>[vector<16xi32>, vector<16xi32>], vector<16xf32>,
    }
    %scan3A_93 = arith.constant 32 : i32
    "tpu.region"() ({
      %run_scoped3A = tpu.sem_alloc : memref<!tpu.dma_semaphore, #tpu.memory_space<semaphore_mem>>
      %dma_start3A_96 = arith.constant 0 : i32
      %dma_start3A_97 = arith.constant 0 : i32
      %dma_start3A_98 = tpu.memref_slice %arg13[%arg1, %dma_start3A_96, %dma_start3A_97] : memref<16x16x1024xf32, #tpu.memory_space<vmem_shared>> -> memref<1x16x1024xf32, #tpu.memory_space<vmem_shared>>
      %dma_start3A_99 = tpu.memref_squeeze %dma_start3A_98 : memref<1x16x1024xf32, #tpu.memory_space<vmem_shared>> -> memref<16x1024xf32, #tpu.memory_space<vmem_shared>>
      %dma_start3A_100 = arith.constant 0 : i32
      %dma_start3A_101 = arith.constant 0 : i32
      %dma_start3A_102 = tpu.memref_slice %arg13[%arg1, %dma_start3A_100, %dma_start3A_101] : memref<16x16x1024xf32, #tpu.memory_space<vmem_shared>> -> memref<1x16x1024xf32, #tpu.memory_space<vmem_shared>>
      %dma_start3A_103 = tpu.memref_squeeze %dma_start3A_102 : memref<1x16x1024xf32, #tpu.memory_space<vmem_shared>> -> memref<16x1024xf32, #tpu.memory_space<vmem_shared>>
      tpu.enqueue_dma source(%arg11 : memref<16x1024xf32, #tpu.memory_space<vmem>>) target(%dma_start3A_103 : memref<16x1024xf32, #tpu.memory_space<vmem_shared>>) target_semaphore(%run_scoped3A : memref<!tpu.dma_semaphore, #tpu.memory_space<semaphore_mem>>)
      %dma_wait3A_104 = arith.constant 0 : i32
      %dma_wait3A_105 = arith.constant 0 : i32
      %dma_wait3A_106 = tpu.memref_slice %arg13[%arg1, %dma_wait3A_104, %dma_wait3A_105] : memref<16x16x1024xf32, #tpu.memory_space<vmem_shared>> -> memref<1x16x1024xf32, #tpu.memory_space<vmem_shared>>
      %dma_wait3A_107 = tpu.memref_squeeze %dma_wait3A_106 : memref<1x16x1024xf32, #tpu.memory_space<vmem_shared>> -> memref<16x1024xf32, #tpu.memory_space<vmem_shared>>
      %dma_wait3A_108 = arith.constant 0 : i32
      %dma_wait3A_109 = arith.constant 0 : i32
      %dma_wait3A_110 = tpu.memref_slice %arg13[%arg1, %dma_wait3A_108, %dma_wait3A_109] : memref<16x16x1024xf32, #tpu.memory_space<vmem_shared>> -> memref<1x16x1024xf32, #tpu.memory_space<vmem_shared>>
      %dma_wait3A_111 = tpu.memref_squeeze %dma_wait3A_110 : memref<1x16x1024xf32, #tpu.memory_space<vmem_shared>> -> memref<16x1024xf32, #tpu.memory_space<vmem_shared>>
      tpu.wait_dma2 semaphore(%run_scoped3A : memref<!tpu.dma_semaphore, #tpu.memory_space<semaphore_mem>>) src(%arg11 : memref<16x1024xf32, #tpu.memory_space<vmem>>) dst(%dma_wait3A_111 : memref<16x1024xf32, #tpu.memory_space<vmem_shared>>)
      tpu.yield
    }) : () -> ()
    %barrier3A = arith.constant 0 : index
    tpu.barrier barrier_id(%barrier3A)
    %lt3A = arith.constant 8 : i32
    %lt3A_94 = arith.cmpi slt, %arg1, %lt3A : i32
    %convert_element_type3A = arith.extui %lt3A_94 : i1 to i32
    %cond3A = arith.constant 0 : i32
    %cond3A_95 = arith.cmpi ne, %convert_element_type3A, %cond3A : i32
    scf.if %cond3A_95 {
      %mul3A_96 = arith.constant 128 : i32
      %mul3A_97 = arith.muli %arg1, %mul3A_96 : i32
      "tpu.region"() ({
        %run_scoped3A = tpu.sem_alloc : memref<!tpu.dma_semaphore, #tpu.memory_space<semaphore_mem>>
        %dma_start3A_109 = arith.constant 0 : i32
        %dma_start3A_110 = arith.constant 0 : i32
        %dma_start3A_111 = tpu.memref_slice %arg13[%dma_start3A_109, %dma_start3A_110, %mul3A_97] : memref<16x16x1024xf32, #tpu.memory_space<vmem_shared>> -> memref<16x16x128xf32, #tpu.memory_space<vmem_shared>>
        %dma_start3A_112 = arith.constant 0 : i32
        %dma_start3A_113 = arith.constant 0 : i32
        %dma_start3A_114 = tpu.memref_slice %arg13[%dma_start3A_112, %dma_start3A_113, %mul3A_97] : memref<16x16x1024xf32, #tpu.memory_space<vmem_shared>> -> memref<16x16x128xf32, #tpu.memory_space<vmem_shared>>
        tpu.enqueue_dma source(%dma_start3A_114 : memref<16x16x128xf32, #tpu.memory_space<vmem_shared>>) target(%arg12 : memref<16x16x128xf32, #tpu.memory_space<vmem>>) target_semaphore(%run_scoped3A : memref<!tpu.dma_semaphore, #tpu.memory_space<semaphore_mem>>)
        %dma_wait3A_115 = arith.constant 0 : i32
        %dma_wait3A_116 = arith.constant 0 : i32
        %dma_wait3A_117 = tpu.memref_slice %arg13[%dma_wait3A_115, %dma_wait3A_116, %mul3A_97] : memref<16x16x1024xf32, #tpu.memory_space<vmem_shared>> -> memref<16x16x128xf32, #tpu.memory_space<vmem_shared>>
        %dma_wait3A_118 = arith.constant 0 : i32
        %dma_wait3A_119 = arith.constant 0 : i32
        %dma_wait3A_120 = tpu.memref_slice %arg13[%dma_wait3A_118, %dma_wait3A_119, %mul3A_97] : memref<16x16x1024xf32, #tpu.memory_space<vmem_shared>> -> memref<16x16x128xf32, #tpu.memory_space<vmem_shared>>
        tpu.wait_dma2 semaphore(%run_scoped3A : memref<!tpu.dma_semaphore, #tpu.memory_space<semaphore_mem>>) src(%dma_wait3A_120 : memref<16x16x128xf32, #tpu.memory_space<vmem_shared>>) dst(%arg12 : memref<16x16x128xf32, #tpu.memory_space<vmem>>)
        tpu.yield
      }) : () -> ()
      %scan3A_98 = arith.constant 0 : i32
      %scan3A_99 = arith.constant 0 : i32
      %scan3A_100 = arith.constant 128 : i32
      %scan3A_101 = arith.addi %scan3A_99, %scan3A_100 : i32
      %scan3A_102 = arith.constant 1 : i32
      scf.for %scan3A_109 = %scan3A_99 to %scan3A_101 step %scan3A_102  : i32 {
        %jit3A = arith.constant 8 : i32
        %div3A = arith.divsi %scan3A_109, %jit3A : i32
        %sign3A = arith.constant 0 : i32
        %sign3A_110 = arith.cmpi sgt, %scan3A_109, %sign3A : i32
        %sign3A_111 = arith.extui %sign3A_110 : i1 to i32
        %sign3A_112 = arith.constant 0 : i32
        %sign3A_113 = arith.cmpi slt, %scan3A_109, %sign3A_112 : i32
        %sign3A_114 = arith.extui %sign3A_113 : i1 to i32
        %sign3A_115 = arith.subi %sign3A_111, %sign3A_114 : i32
        %sign3A_116 = arith.constant 0 : i32
        %sign3A_117 = arith.cmpi sgt, %jit3A, %sign3A_116 : i32
        %sign3A_118 = arith.extui %sign3A_117 : i1 to i32
        %sign3A_119 = arith.constant 0 : i32
        %sign3A_120 = arith.cmpi slt, %jit3A, %sign3A_119 : i32
        %sign3A_121 = arith.extui %sign3A_120 : i1 to i32
        %sign3A_122 = arith.subi %sign3A_118, %sign3A_121 : i32
        %ne3A = arith.cmpi ne, %sign3A_115, %sign3A_122 : i32
        %rem3A = arith.remsi %scan3A_109, %jit3A : i32
        %ne3A_123 = arith.constant 0 : i32
        %ne3A_124 = arith.cmpi ne, %rem3A, %ne3A_123 : i32
        %and3A = arith.andi %ne3A, %ne3A_124 : i1
        %sub3A_125 = arith.constant 1 : i32
        %sub3A_126 = arith.subi %div3A, %sub3A_125 : i32
        %select_n3A = arith.select %and3A, %sub3A_126, %div3A : i32
        %jit3A_127 = arith.constant 8 : i32
        %eq3A = arith.constant 0 : i32
        %eq3A_128 = arith.cmpi eq, %jit3A_127, %eq3A : i32
        %jit3A_129 = arith.constant 1 : i32
        %select_n3A_130 = arith.select %eq3A_128, %jit3A_129, %jit3A_127 : i32
        %rem3A_131 = arith.remsi %scan3A_109, %select_n3A_130 : i32
        %ne3A_132 = arith.constant 0 : i32
        %ne3A_133 = arith.cmpi ne, %rem3A_131, %ne3A_132 : i32
        %lt3A_134 = arith.constant 0 : i32
        %lt3A_135 = arith.cmpi slt, %rem3A_131, %lt3A_134 : i32
        %lt3A_136 = arith.constant 0 : i32
        %lt3A_137 = arith.cmpi slt, %select_n3A_130, %lt3A_136 : i32
        %ne3A_138 = arith.xori %lt3A_135, %lt3A_137 : i1
        %and3A_139 = arith.andi %ne3A_138, %ne3A_133 : i1
        %add3A_140 = arith.addi %rem3A_131, %select_n3A_130 : i32
        %select_n3A_141 = arith.select %and3A_139, %add3A_140, %rem3A_131 : i32
        %mul3A_142 = arith.constant 16 : i32
        %mul3A_143 = arith.muli %select_n3A_141, %mul3A_142 : i32
        %broadcast_in_dim3A_144 = arith.constant 0.000000e+00 : f32
        %broadcast_in_dim3A_145 = vector.broadcast %broadcast_in_dim3A_144 : f32 to vector<16xf32>
        %scan3A_146 = arith.constant 0 : i32
        %scan3A_147 = arith.constant 16 : i32
        %scan3A_148 = arith.addi %scan3A_146, %scan3A_147 : i32
        %scan3A_149 = arith.constant 1 : i32
        %scan3A_150 = scf.for %scan3A_154 = %scan3A_146 to %scan3A_148 step %scan3A_149 iter_args(%scan3A_155 = %broadcast_in_dim3A_145) -> (vector<16xf32>)  : i32 {
          %get3A = arith.index_cast %scan3A_154 : i32 to index
          %get3A_156 = arith.index_cast %select_n3A : i32 to index
          %get3A_157 = arith.index_cast %mul3A_143 : i32 to index
          %get3A_158 = tpu.vector_load %arg12[%get3A, %get3A_156, %get3A_157] {strides = array<i32>} : memref<16x16x128xf32, #tpu.memory_space<vmem>>, vector<16xf32>,
          %add3A_159 = arith.addf %scan3A_155, %get3A_158 : vector<16xf32>
          scf.yield %add3A_159 : vector<16xf32>
        }
        %scan3A_151 = arith.constant 16 : i32
        %swap3A = arith.index_cast %select_n3A : i32 to index
        %swap3A_152 = arith.index_cast %mul3A_143 : i32 to index
        %swap3A_153 = tpu.vector_load %arg9[%swap3A, %swap3A_152] {strides = array<i32>} : memref<16x1024xf32, #tpu.memory_space<vmem>>, vector<16xf32>,
        tpu.vector_store %arg9[%swap3A, %swap3A_152], %scan3A_150 {strides = array<i32>} : memref<16x1024xf32, #tpu.memory_space<vmem>>, vector<16xf32>,
      }
      %scan3A_103 = arith.constant 128 : i32
      %mul3A_104 = arith.constant 1024 : i32
      %mul3A_105 = arith.muli %arg0, %mul3A_104 : i32
      %mul3A_106 = arith.constant 128 : i32
      %mul3A_107 = arith.muli %arg1, %mul3A_106 : i32
      %add3A_108 = arith.addi %mul3A_105, %mul3A_107 : i32
      "tpu.region"() ({
        %run_scoped3A = tpu.sem_alloc : memref<!tpu.dma_semaphore, #tpu.memory_space<semaphore_mem>>
        %dma_start3A_109 = arith.constant 0 : i32
        %dma_start3A_110 = arith.constant 0 : i32
        %dma_start3A_111 = tpu.memref_slice %arg9[%dma_start3A_109, %dma_start3A_110] : memref<16x1024xf32, #tpu.memory_space<vmem>> -> memref<16x128xf32, #tpu.memory_space<vmem>>
        %dma_start3A_112 = arith.constant 0 : i32
        %dma_start3A_113 = tpu.memref_slice %arg6[%dma_start3A_112, %add3A_108] : memref<16x2048xf32, #tpu.memory_space<hbm>> -> memref<16x128xf32, #tpu.memory_space<hbm>>
        %dma_start3A_114 = arith.constant 0 : i32
        %dma_start3A_115 = tpu.memref_slice %arg6[%dma_start3A_114, %add3A_108] : memref<16x2048xf32, #tpu.memory_space<hbm>> -> memref<16x128xf32, #tpu.memory_space<hbm>>
        %dma_start3A_116 = arith.constant 0 : i32
        %dma_start3A_117 = arith.constant 0 : i32
        %dma_start3A_118 = tpu.memref_slice %arg9[%dma_start3A_116, %dma_start3A_117] : memref<16x1024xf32, #tpu.memory_space<vmem>> -> memref<16x128xf32, #tpu.memory_space<vmem>>
        tpu.enqueue_dma source(%dma_start3A_118 : memref<16x128xf32, #tpu.memory_space<vmem>>) target(%dma_start3A_115 : memref<16x128xf32, #tpu.memory_space<hbm>>) target_semaphore(%run_scoped3A : memref<!tpu.dma_semaphore, #tpu.memory_space<semaphore_mem>>)
        %dma_wait3A_119 = arith.constant 0 : i32
        %dma_wait3A_120 = arith.constant 0 : i32
        %dma_wait3A_121 = tpu.memref_slice %arg9[%dma_wait3A_119, %dma_wait3A_120] : memref<16x1024xf32, #tpu.memory_space<vmem>> -> memref<16x128xf32, #tpu.memory_space<vmem>>
        %dma_wait3A_122 = arith.constant 0 : i32
        %dma_wait3A_123 = tpu.memref_slice %arg6[%dma_wait3A_122, %add3A_108] : memref<16x2048xf32, #tpu.memory_space<hbm>> -> memref<16x128xf32, #tpu.memory_space<hbm>>
        %dma_wait3A_124 = arith.constant 0 : i32
        %dma_wait3A_125 = tpu.memref_slice %arg6[%dma_wait3A_124, %add3A_108] : memref<16x2048xf32, #tpu.memory_space<hbm>> -> memref<16x128xf32, #tpu.memory_space<hbm>>
        %dma_wait3A_126 = arith.constant 0 : i32
        %dma_wait3A_127 = arith.constant 0 : i32
        %dma_wait3A_128 = tpu.memref_slice %arg9[%dma_wait3A_126, %dma_wait3A_127] : memref<16x1024xf32, #tpu.memory_space<vmem>> -> memref<16x128xf32, #tpu.memory_space<vmem>>
        tpu.wait_dma2 semaphore(%run_scoped3A : memref<!tpu.dma_semaphore, #tpu.memory_space<semaphore_mem>>) src(%dma_wait3A_128 : memref<16x128xf32, #tpu.memory_space<vmem>>) dst(%dma_wait3A_125 : memref<16x128xf32, #tpu.memory_space<hbm>>)
        tpu.yield
      }) : () -> ()
    } else {
    }
    return
  }
}

#map = affine_map<(d0, d1) -> (0, 0)>
#map1 = affine_map<(d0, d1) -> (0)>
module attributes {stable_mosaic.version = 14 : i64} {
  func.func @body(%arg0: i32, %arg1: i32, %arg2: memref<1024x128xi32, #tpu.memory_space<hbm>>, %arg3: memref<32768xi32, #tpu.memory_space<hbm>>, %arg4: memref<16384x128xi32, #tpu.memory_space<hbm>>, %arg5: memref<128xi32, #tpu.memory_space<vmem>>, %arg6: memref<128xi32, #tpu.memory_space<vmem>>, %arg7: memref<128x128xi32, #tpu.memory_space<vmem>>, %arg8: memref<128x128xi32, #tpu.memory_space<vmem>>, %arg9: memref<64x128xi32, #tpu.memory_space<vmem>>, %arg10: memref<1024x128xi32, #tpu.memory_space<vmem_shared>>, %arg11: memref<!tpu.dma_semaphore, #tpu.memory_space<semaphore_mem>>, %arg12: memref<!tpu.dma_semaphore, #tpu.memory_space<semaphore_mem>>, %arg13: memref<!tpu.dma_semaphore, #tpu.memory_space<semaphore_mem>>, %arg14: memref<!tpu.dma_semaphore, #tpu.memory_space<semaphore_mem>>, %arg15: memref<!tpu.dma_semaphore, #tpu.memory_space<semaphore_mem>>) attributes {dimension_semantics = [#tpu.dimension_semantics<core_parallel>, #tpu.dimension_semantics<subcore_parallel>], iteration_bounds = array<i64: 2, 16>, scalar_prefetch = 0 : i64, scratch_operands = 11 : i64, tpu.core_type = #tpu.core_type<sc_vector_subcore>, window_params = [{transform_indices = #map}, {transform_indices = #map1}, {transform_indices = #map}]} {
    %mul3A = arith.constant 2 : i32
    %mul3A_0 = arith.muli %arg1, %mul3A : i32
    %add3A = arith.addi %mul3A_0, %arg0 : i32
    %mul3A_1 = arith.constant 512 : i32
    %mul3A_2 = arith.muli %add3A, %mul3A_1 : i32
    %add3A_3 = arith.constant 0 : i32
    %add3A_4 = arith.addi %mul3A_2, %add3A_3 : i32
    %add3A_5 = arith.constant 0 : i32
    %add3A_6 = arith.addi %add3A_5, %add3A_4 : i32
    %dma_start3A = tpu.memref_slice %arg3[%add3A_6] : memref<32768xi32, #tpu.memory_space<hbm>> -> memref<128xi32, #tpu.memory_space<hbm>>
    %dma_start3A_7 = tpu.memref_slice %arg3[%add3A_6] : memref<32768xi32, #tpu.memory_space<hbm>> -> memref<128xi32, #tpu.memory_space<hbm>>
    tpu.enqueue_dma source(%dma_start3A_7 : memref<128xi32, #tpu.memory_space<hbm>>) target(%arg5 : memref<128xi32, #tpu.memory_space<vmem>>) target_semaphore(%arg11 : memref<!tpu.dma_semaphore, #tpu.memory_space<semaphore_mem>>)
    %mul3A_8 = arith.constant 64 : i32
    %mul3A_9 = arith.muli %arg1, %mul3A_8 : i32
    "tpu.region"() ({
      %run_scoped3A = tpu.sem_alloc : memref<!tpu.dma_semaphore, #tpu.memory_space<semaphore_mem>>
      %dma_start3A_28 = arith.constant 0 : i32
      %dma_start3A_29 = tpu.memref_slice %arg2[%mul3A_9, %dma_start3A_28] : memref<1024x128xi32, #tpu.memory_space<hbm>> -> memref<64x128xi32, #tpu.memory_space<hbm>>
      %dma_start3A_30 = arith.constant 0 : i32
      %dma_start3A_31 = tpu.memref_slice %arg2[%mul3A_9, %dma_start3A_30] : memref<1024x128xi32, #tpu.memory_space<hbm>> -> memref<64x128xi32, #tpu.memory_space<hbm>>
      tpu.enqueue_dma source(%dma_start3A_31 : memref<64x128xi32, #tpu.memory_space<hbm>>) target(%arg9 : memref<64x128xi32, #tpu.memory_space<vmem>>) target_semaphore(%run_scoped3A : memref<!tpu.dma_semaphore, #tpu.memory_space<semaphore_mem>>)
      %dma_wait3A_32 = arith.constant 0 : i32
      %dma_wait3A_33 = tpu.memref_slice %arg2[%mul3A_9, %dma_wait3A_32] : memref<1024x128xi32, #tpu.memory_space<hbm>> -> memref<64x128xi32, #tpu.memory_space<hbm>>
      %dma_wait3A_34 = arith.constant 0 : i32
      %dma_wait3A_35 = tpu.memref_slice %arg2[%mul3A_9, %dma_wait3A_34] : memref<1024x128xi32, #tpu.memory_space<hbm>> -> memref<64x128xi32, #tpu.memory_space<hbm>>
      tpu.wait_dma2 semaphore(%run_scoped3A : memref<!tpu.dma_semaphore, #tpu.memory_space<semaphore_mem>>) src(%dma_wait3A_35 : memref<64x128xi32, #tpu.memory_space<hbm>>) dst(%arg9 : memref<64x128xi32, #tpu.memory_space<vmem>>)
      tpu.yield
    }) : () -> ()
    %mul3A_10 = arith.constant 64 : i32
    %mul3A_11 = arith.muli %arg1, %mul3A_10 : i32
    "tpu.region"() ({
      %run_scoped3A = tpu.sem_alloc : memref<!tpu.dma_semaphore, #tpu.memory_space<semaphore_mem>>
      %dma_start3A_28 = arith.constant 0 : i32
      %dma_start3A_29 = tpu.memref_slice %arg10[%mul3A_11, %dma_start3A_28] : memref<1024x128xi32, #tpu.memory_space<vmem_shared>> -> memref<64x128xi32, #tpu.memory_space<vmem_shared>>
      %dma_start3A_30 = arith.constant 0 : i32
      %dma_start3A_31 = tpu.memref_slice %arg10[%mul3A_11, %dma_start3A_30] : memref<1024x128xi32, #tpu.memory_space<vmem_shared>> -> memref<64x128xi32, #tpu.memory_space<vmem_shared>>
      tpu.enqueue_dma source(%arg9 : memref<64x128xi32, #tpu.memory_space<vmem>>) target(%dma_start3A_31 : memref<64x128xi32, #tpu.memory_space<vmem_shared>>) target_semaphore(%run_scoped3A : memref<!tpu.dma_semaphore, #tpu.memory_space<semaphore_mem>>)
      %dma_wait3A_32 = arith.constant 0 : i32
      %dma_wait3A_33 = tpu.memref_slice %arg10[%mul3A_11, %dma_wait3A_32] : memref<1024x128xi32, #tpu.memory_space<vmem_shared>> -> memref<64x128xi32, #tpu.memory_space<vmem_shared>>
      %dma_wait3A_34 = arith.constant 0 : i32
      %dma_wait3A_35 = tpu.memref_slice %arg10[%mul3A_11, %dma_wait3A_34] : memref<1024x128xi32, #tpu.memory_space<vmem_shared>> -> memref<64x128xi32, #tpu.memory_space<vmem_shared>>
      tpu.wait_dma2 semaphore(%run_scoped3A : memref<!tpu.dma_semaphore, #tpu.memory_space<semaphore_mem>>) src(%arg9 : memref<64x128xi32, #tpu.memory_space<vmem>>) dst(%dma_wait3A_35 : memref<64x128xi32, #tpu.memory_space<vmem_shared>>)
      tpu.yield
    }) : () -> ()
    %barrier3A = arith.constant 0 : index
    tpu.barrier barrier_id(%barrier3A)
    %scan3A = arith.constant 0 : i32
    %scan3A_12 = arith.constant 0 : i32
    %scan3A_13 = arith.constant 2 : i32
    %scan3A_14 = arith.addi %scan3A_12, %scan3A_13 : i32
    %scan3A_15 = arith.constant 1 : i32
    scf.for %scan3A_28 = %scan3A_12 to %scan3A_14 step %scan3A_15  : i32 {
      %mul3A_29 = arith.constant 2 : i32
      %mul3A_30 = arith.muli %scan3A_28, %mul3A_29 : i32
      %add3A_31 = arith.constant 0 : i32
      %add3A_32 = arith.addi %mul3A_30, %add3A_31 : i32
      %dma_wait3A_33 = arith.constant 0 : i32
      %dma_wait3A_34 = tpu.memref_slice %arg3[%dma_wait3A_33] : memref<32768xi32, #tpu.memory_space<hbm>> -> memref<128xi32, #tpu.memory_space<hbm>>
      %dma_wait3A_35 = arith.constant 0 : i32
      %dma_wait3A_36 = tpu.memref_slice %arg3[%dma_wait3A_35] : memref<32768xi32, #tpu.memory_space<hbm>> -> memref<128xi32, #tpu.memory_space<hbm>>
      tpu.wait_dma2 semaphore(%arg11 : memref<!tpu.dma_semaphore, #tpu.memory_space<semaphore_mem>>) src(%dma_wait3A_36 : memref<128xi32, #tpu.memory_space<hbm>>) dst(%arg5 : memref<128xi32, #tpu.memory_space<vmem>>)
      %add3A_37 = arith.constant 1 : i32
      %add3A_38 = arith.addi %add3A_32, %add3A_37 : i32
      %lt3A = arith.constant 4 : i32
      %lt3A_39 = arith.cmpi slt, %add3A_38, %lt3A : i32
      %convert_element_type3A = arith.extui %lt3A_39 : i1 to i32
      %cond3A = arith.constant 0 : i32
      %cond3A_40 = arith.cmpi ne, %convert_element_type3A, %cond3A : i32
      scf.if %cond3A_40 {
        %add3A_95 = arith.constant 1 : i32
        %add3A_96 = arith.addi %add3A_32, %add3A_95 : i32
        %mul3A_97 = arith.constant 512 : i32
        %mul3A_98 = arith.muli %add3A, %mul3A_97 : i32
        %mul3A_99 = arith.constant 128 : i32
        %mul3A_100 = arith.muli %add3A_96, %mul3A_99 : i32
        %add3A_101 = arith.addi %mul3A_98, %mul3A_100 : i32
        %add3A_102 = arith.constant 0 : i32
        %add3A_103 = arith.addi %add3A_102, %add3A_101 : i32
        %dma_start3A_104 = tpu.memref_slice %arg3[%add3A_103] : memref<32768xi32, #tpu.memory_space<hbm>> -> memref<128xi32, #tpu.memory_space<hbm>>
        %dma_start3A_105 = tpu.memref_slice %arg3[%add3A_103] : memref<32768xi32, #tpu.memory_space<hbm>> -> memref<128xi32, #tpu.memory_space<hbm>>
        tpu.enqueue_dma source(%dma_start3A_105 : memref<128xi32, #tpu.memory_space<hbm>>) target(%arg6 : memref<128xi32, #tpu.memory_space<vmem>>) target_semaphore(%arg12 : memref<!tpu.dma_semaphore, #tpu.memory_space<semaphore_mem>>)
      } else {
      }
      %ge3A = arith.constant 2 : i32
      %ge3A_41 = arith.cmpi sge, %add3A_32, %ge3A : i32
      %convert_element_type3A_42 = arith.extui %ge3A_41 : i1 to i32
      %cond3A_43 = arith.constant 0 : i32
      %cond3A_44 = arith.cmpi ne, %convert_element_type3A_42, %cond3A_43 : i32
      scf.if %cond3A_44 {
        %dma_wait3A_95 = arith.constant 0 : i32
        %dma_wait3A_96 = arith.constant 0 : i32
        %dma_wait3A_97 = tpu.memref_slice %arg4[%dma_wait3A_95, %dma_wait3A_96] : memref<16384x128xi32, #tpu.memory_space<hbm>> -> memref<128x128xi32, #tpu.memory_space<hbm>>
        %dma_wait3A_98 = arith.constant 0 : i32
        %dma_wait3A_99 = arith.constant 0 : i32
        %dma_wait3A_100 = tpu.memref_slice %arg4[%dma_wait3A_98, %dma_wait3A_99] : memref<16384x128xi32, #tpu.memory_space<hbm>> -> memref<128x128xi32, #tpu.memory_space<hbm>>
        tpu.wait_dma2 semaphore(%arg14 : memref<!tpu.dma_semaphore, #tpu.memory_space<semaphore_mem>>) src(%arg7 : memref<128x128xi32, #tpu.memory_space<vmem>>) dst(%dma_wait3A_100 : memref<128x128xi32, #tpu.memory_space<hbm>>)
      } else {
      }
      %dma_start3A_45 = arith.constant 0 : i32
      %dma_start3A_46 = arith.constant 0 : i32
      %dma_start3A_47 = tpu.memref_slice %arg10[%dma_start3A_45, %dma_start3A_46] : memref<1024x128xi32, #tpu.memory_space<vmem_shared>> -> memref<1024x128xi32, #tpu.memory_space<vmem_shared>>
      tpu.enqueue_indirect_dma source(%dma_start3A_47 : memref<1024x128xi32, #tpu.memory_space<vmem_shared>>) target(%arg7 : memref<128x128xi32, #tpu.memory_space<vmem>>) offsets(%arg5 : memref<128xi32, #tpu.memory_space<vmem>>) semaphore(%arg13 : memref<!tpu.dma_semaphore, #tpu.memory_space<semaphore_mem>>)
      %dma_wait3A_48 = arith.constant 0 : i32
      %dma_wait3A_49 = arith.constant 0 : i32
      %dma_wait3A_50 = tpu.memref_slice %arg10[%dma_wait3A_48, %dma_wait3A_49] : memref<1024x128xi32, #tpu.memory_space<vmem_shared>> -> memref<1024x128xi32, #tpu.memory_space<vmem_shared>>
      tpu.wait_indirect_dma semaphore(%arg13 : memref<!tpu.dma_semaphore, #tpu.memory_space<semaphore_mem>>) src(%dma_wait3A_50 : memref<1024x128xi32, #tpu.memory_space<vmem_shared>>) dst(%arg7 : memref<128x128xi32, #tpu.memory_space<vmem>>)
      %mul3A_51 = arith.constant 512 : i32
      %mul3A_52 = arith.muli %add3A, %mul3A_51 : i32
      %mul3A_53 = arith.constant 128 : i32
      %mul3A_54 = arith.muli %add3A_32, %mul3A_53 : i32
      %add3A_55 = arith.addi %mul3A_52, %mul3A_54 : i32
      %dma_start3A_56 = arith.constant 0 : i32
      %dma_start3A_57 = tpu.memref_slice %arg4[%add3A_55, %dma_start3A_56] : memref<16384x128xi32, #tpu.memory_space<hbm>> -> memref<128x128xi32, #tpu.memory_space<hbm>>
      %dma_start3A_58 = arith.constant 0 : i32
      %dma_start3A_59 = tpu.memref_slice %arg4[%add3A_55, %dma_start3A_58] : memref<16384x128xi32, #tpu.memory_space<hbm>> -> memref<128x128xi32, #tpu.memory_space<hbm>>
      tpu.enqueue_dma source(%arg7 : memref<128x128xi32, #tpu.memory_space<vmem>>) target(%dma_start3A_59 : memref<128x128xi32, #tpu.memory_space<hbm>>) target_semaphore(%arg14 : memref<!tpu.dma_semaphore, #tpu.memory_space<semaphore_mem>>)
      %mul3A_60 = arith.constant 2 : i32
      %mul3A_61 = arith.muli %scan3A_28, %mul3A_60 : i32
      %add3A_62 = arith.constant 1 : i32
      %add3A_63 = arith.addi %mul3A_61, %add3A_62 : i32
      %dma_wait3A_64 = arith.constant 0 : i32
      %dma_wait3A_65 = tpu.memref_slice %arg3[%dma_wait3A_64] : memref<32768xi32, #tpu.memory_space<hbm>> -> memref<128xi32, #tpu.memory_space<hbm>>
      %dma_wait3A_66 = arith.constant 0 : i32
      %dma_wait3A_67 = tpu.memref_slice %arg3[%dma_wait3A_66] : memref<32768xi32, #tpu.memory_space<hbm>> -> memref<128xi32, #tpu.memory_space<hbm>>
      tpu.wait_dma2 semaphore(%arg12 : memref<!tpu.dma_semaphore, #tpu.memory_space<semaphore_mem>>) src(%dma_wait3A_67 : memref<128xi32, #tpu.memory_space<hbm>>) dst(%arg6 : memref<128xi32, #tpu.memory_space<vmem>>)
      %add3A_68 = arith.constant 1 : i32
      %add3A_69 = arith.addi %add3A_63, %add3A_68 : i32
      %lt3A_70 = arith.constant 4 : i32
      %lt3A_71 = arith.cmpi slt, %add3A_69, %lt3A_70 : i32
      %convert_element_type3A_72 = arith.extui %lt3A_71 : i1 to i32
      %cond3A_73 = arith.constant 0 : i32
      %cond3A_74 = arith.cmpi ne, %convert_element_type3A_72, %cond3A_73 : i32
      scf.if %cond3A_74 {
        %add3A_95 = arith.constant 1 : i32
        %add3A_96 = arith.addi %add3A_63, %add3A_95 : i32
        %mul3A_97 = arith.constant 512 : i32
        %mul3A_98 = arith.muli %add3A, %mul3A_97 : i32
        %mul3A_99 = arith.constant 128 : i32
        %mul3A_100 = arith.muli %add3A_96, %mul3A_99 : i32
        %add3A_101 = arith.addi %mul3A_98, %mul3A_100 : i32
        %add3A_102 = arith.constant 0 : i32
        %add3A_103 = arith.addi %add3A_102, %add3A_101 : i32
        %dma_start3A_104 = tpu.memref_slice %arg3[%add3A_103] : memref<32768xi32, #tpu.memory_space<hbm>> -> memref<128xi32, #tpu.memory_space<hbm>>
        %dma_start3A_105 = tpu.memref_slice %arg3[%add3A_103] : memref<32768xi32, #tpu.memory_space<hbm>> -> memref<128xi32, #tpu.memory_space<hbm>>
        tpu.enqueue_dma source(%dma_start3A_105 : memref<128xi32, #tpu.memory_space<hbm>>) target(%arg5 : memref<128xi32, #tpu.memory_space<vmem>>) target_semaphore(%arg11 : memref<!tpu.dma_semaphore, #tpu.memory_space<semaphore_mem>>)
      } else {
      }
      %ge3A_75 = arith.constant 2 : i32
      %ge3A_76 = arith.cmpi sge, %add3A_63, %ge3A_75 : i32
      %convert_element_type3A_77 = arith.extui %ge3A_76 : i1 to i32
      %cond3A_78 = arith.constant 0 : i32
      %cond3A_79 = arith.cmpi ne, %convert_element_type3A_77, %cond3A_78 : i32
      scf.if %cond3A_79 {
        %dma_wait3A_95 = arith.constant 0 : i32
        %dma_wait3A_96 = arith.constant 0 : i32
        %dma_wait3A_97 = tpu.memref_slice %arg4[%dma_wait3A_95, %dma_wait3A_96] : memref<16384x128xi32, #tpu.memory_space<hbm>> -> memref<128x128xi32, #tpu.memory_space<hbm>>
        %dma_wait3A_98 = arith.constant 0 : i32
        %dma_wait3A_99 = arith.constant 0 : i32
        %dma_wait3A_100 = tpu.memref_slice %arg4[%dma_wait3A_98, %dma_wait3A_99] : memref<16384x128xi32, #tpu.memory_space<hbm>> -> memref<128x128xi32, #tpu.memory_space<hbm>>
        tpu.wait_dma2 semaphore(%arg15 : memref<!tpu.dma_semaphore, #tpu.memory_space<semaphore_mem>>) src(%arg8 : memref<128x128xi32, #tpu.memory_space<vmem>>) dst(%dma_wait3A_100 : memref<128x128xi32, #tpu.memory_space<hbm>>)
      } else {
      }
      %dma_start3A_80 = arith.constant 0 : i32
      %dma_start3A_81 = arith.constant 0 : i32
      %dma_start3A_82 = tpu.memref_slice %arg10[%dma_start3A_80, %dma_start3A_81] : memref<1024x128xi32, #tpu.memory_space<vmem_shared>> -> memref<1024x128xi32, #tpu.memory_space<vmem_shared>>
      tpu.enqueue_indirect_dma source(%dma_start3A_82 : memref<1024x128xi32, #tpu.memory_space<vmem_shared>>) target(%arg8 : memref<128x128xi32, #tpu.memory_space<vmem>>) offsets(%arg6 : memref<128xi32, #tpu.memory_space<vmem>>) semaphore(%arg13 : memref<!tpu.dma_semaphore, #tpu.memory_space<semaphore_mem>>)
      %dma_wait3A_83 = arith.constant 0 : i32
      %dma_wait3A_84 = arith.constant 0 : i32
      %dma_wait3A_85 = tpu.memref_slice %arg10[%dma_wait3A_83, %dma_wait3A_84] : memref<1024x128xi32, #tpu.memory_space<vmem_shared>> -> memref<1024x128xi32, #tpu.memory_space<vmem_shared>>
      tpu.wait_indirect_dma semaphore(%arg13 : memref<!tpu.dma_semaphore, #tpu.memory_space<semaphore_mem>>) src(%dma_wait3A_85 : memref<1024x128xi32, #tpu.memory_space<vmem_shared>>) dst(%arg8 : memref<128x128xi32, #tpu.memory_space<vmem>>)
      %mul3A_86 = arith.constant 512 : i32
      %mul3A_87 = arith.muli %add3A, %mul3A_86 : i32
      %mul3A_88 = arith.constant 128 : i32
      %mul3A_89 = arith.muli %add3A_63, %mul3A_88 : i32
      %add3A_90 = arith.addi %mul3A_87, %mul3A_89 : i32
      %dma_start3A_91 = arith.constant 0 : i32
      %dma_start3A_92 = tpu.memref_slice %arg4[%add3A_90, %dma_start3A_91] : memref<16384x128xi32, #tpu.memory_space<hbm>> -> memref<128x128xi32, #tpu.memory_space<hbm>>
      %dma_start3A_93 = arith.constant 0 : i32
      %dma_start3A_94 = tpu.memref_slice %arg4[%add3A_90, %dma_start3A_93] : memref<16384x128xi32, #tpu.memory_space<hbm>> -> memref<128x128xi32, #tpu.memory_space<hbm>>
      tpu.enqueue_dma source(%arg8 : memref<128x128xi32, #tpu.memory_space<vmem>>) target(%dma_start3A_94 : memref<128x128xi32, #tpu.memory_space<hbm>>) target_semaphore(%arg15 : memref<!tpu.dma_semaphore, #tpu.memory_space<semaphore_mem>>)
    }
    %scan3A_16 = arith.constant 2 : i32
    %dma_wait3A = arith.constant 0 : i32
    %dma_wait3A_17 = arith.constant 0 : i32
    %dma_wait3A_18 = tpu.memref_slice %arg4[%dma_wait3A, %dma_wait3A_17] : memref<16384x128xi32, #tpu.memory_space<hbm>> -> memref<128x128xi32, #tpu.memory_space<hbm>>
    %dma_wait3A_19 = arith.constant 0 : i32
    %dma_wait3A_20 = arith.constant 0 : i32
    %dma_wait3A_21 = tpu.memref_slice %arg4[%dma_wait3A_19, %dma_wait3A_20] : memref<16384x128xi32, #tpu.memory_space<hbm>> -> memref<128x128xi32, #tpu.memory_space<hbm>>
    tpu.wait_dma2 semaphore(%arg14 : memref<!tpu.dma_semaphore, #tpu.memory_space<semaphore_mem>>) src(%arg7 : memref<128x128xi32, #tpu.memory_space<vmem>>) dst(%dma_wait3A_21 : memref<128x128xi32, #tpu.memory_space<hbm>>)
    %dma_wait3A_22 = arith.constant 0 : i32
    %dma_wait3A_23 = arith.constant 0 : i32
    %dma_wait3A_24 = tpu.memref_slice %arg4[%dma_wait3A_22, %dma_wait3A_23] : memref<16384x128xi32, #tpu.memory_space<hbm>> -> memref<128x128xi32, #tpu.memory_space<hbm>>
    %dma_wait3A_25 = arith.constant 0 : i32
    %dma_wait3A_26 = arith.constant 0 : i32
    %dma_wait3A_27 = tpu.memref_slice %arg4[%dma_wait3A_25, %dma_wait3A_26] : memref<16384x128xi32, #tpu.memory_space<hbm>> -> memref<128x128xi32, #tpu.memory_space<hbm>>
    tpu.wait_dma2 semaphore(%arg15 : memref<!tpu.dma_semaphore, #tpu.memory_space<semaphore_mem>>) src(%arg8 : memref<128x128xi32, #tpu.memory_space<vmem>>) dst(%dma_wait3A_27 : memref<128x128xi32, #tpu.memory_space<hbm>>)
    return
  }
}

module attributes {stable_mosaic.version = 14 : i64} {
  func.func @_lat_body(%arg0: memref<256x1024xf32, #tpu.memory_space<vmem>>, %arg1: memref<4x8192xf32, #tpu.memory_space<vmem>>, %arg2: memref<4x8192xf32, #tpu.memory_space<vmem>>, %arg3: memref<256x256xf32, #tpu.memory_space<vmem>>, %arg4: memref<256x256xf32, #tpu.memory_space<vmem>>, %arg5: memref<256x256xf32, #tpu.memory_space<vmem>>, %arg6: memref<256x8xf32, #tpu.memory_space<vmem>>, %arg7: memref<8x16xf32, #tpu.memory_space<vmem>>, %arg8: memref<1024x128xi32, #tpu.memory_space<vmem>>, %arg9: memref<256x1024xf32, #tpu.memory_space<vmem>>, %arg10: memref<16x1024xf32, #tpu.memory_space<vmem>>, %arg11: memref<4x8192xi32, #tpu.memory_space<vmem>>) attributes {dimension_semantics = [], scalar_prefetch = 0 : i64, scratch_operands = 0 : i64, tpu.core_type = #tpu.core_type<tc>} {
    %get3A = arith.constant 0 : index
    %get3A_0 = arith.constant 0 : index
    %get3A_1 = vector.load %arg1[%get3A, %get3A_0] : memref<4x8192xf32, #tpu.memory_space<vmem>>, vector<4x8192xf32>
    %add3A = arith.constant 0.0161290318 : f32
    %add3A_2 = vector.broadcast %add3A : f32 to vector<4x8192xf32>
    %add3A_3 = arith.addf %get3A_1, %add3A_2 : vector<4x8192xf32>
    %div3A = arith.constant 0.0322580636 : f32
    %div3A_4 = vector.broadcast %div3A : f32 to vector<4x8192xf32>
    %div3A_5 = arith.divf %add3A_3, %div3A_4 : vector<4x8192xf32>
    %floor3A = math.floor %div3A_5 : vector<4x8192xf32>
    %jit3A = arith.constant 0.000000e+00 : f32
    %jit3A_6 = arith.constant 3.100000e+01 : f32
    %max3A = vector.broadcast %jit3A : f32 to vector<4x8192xf32>
    %max3A_7 = arith.maximumf %max3A, %floor3A : vector<4x8192xf32>
    %min3A = vector.broadcast %jit3A_6 : f32 to vector<4x8192xf32>
    %min3A_8 = arith.minimumf %min3A, %max3A_7 : vector<4x8192xf32>
    %get3A_9 = arith.constant 0 : index
    %get3A_10 = arith.constant 0 : index
    %get3A_11 = vector.load %arg2[%get3A_9, %get3A_10] : memref<4x8192xf32, #tpu.memory_space<vmem>>, vector<4x8192xf32>
    %add3A_12 = arith.constant 0.0161290318 : f32
    %add3A_13 = vector.broadcast %add3A_12 : f32 to vector<4x8192xf32>
    %add3A_14 = arith.addf %get3A_11, %add3A_13 : vector<4x8192xf32>
    %div3A_15 = arith.constant 0.0322580636 : f32
    %div3A_16 = vector.broadcast %div3A_15 : f32 to vector<4x8192xf32>
    %div3A_17 = arith.divf %add3A_14, %div3A_16 : vector<4x8192xf32>
    %floor3A_18 = math.floor %div3A_17 : vector<4x8192xf32>
    %jit3A_19 = arith.constant 0.000000e+00 : f32
    %jit3A_20 = arith.constant 3.100000e+01 : f32
    %max3A_21 = vector.broadcast %jit3A_19 : f32 to vector<4x8192xf32>
    %max3A_22 = arith.maximumf %max3A_21, %floor3A_18 : vector<4x8192xf32>
    %min3A_23 = vector.broadcast %jit3A_20 : f32 to vector<4x8192xf32>
    %min3A_24 = arith.minimumf %min3A_23, %max3A_22 : vector<4x8192xf32>
    %mul3A = arith.constant 3.200000e+01 : f32
    %mul3A_25 = vector.broadcast %mul3A : f32 to vector<4x8192xf32>
    %mul3A_26 = arith.mulf %min3A_8, %mul3A_25 : vector<4x8192xf32>
    %add3A_27 = arith.addf %mul3A_26, %min3A_24 : vector<4x8192xf32>
    %convert_element_type3A = arith.fptosi %add3A_27 : vector<4x8192xf32> to vector<4x8192xi32>
    %swap3A = arith.constant 0 : index
    %swap3A_28 = arith.constant 0 : index
    %swap3A_29 = vector.load %arg11[%swap3A, %swap3A_28] : memref<4x8192xi32, #tpu.memory_space<vmem>>, vector<4x8192xi32>
    tpu.vector_store %arg11[%swap3A, %swap3A_28], %convert_element_type3A {strides = array<i32>} : memref<4x8192xi32, #tpu.memory_space<vmem>>, vector<4x8192xi32>,
    %get3A_30 = arith.constant 0 : index
    %get3A_31 = arith.constant 0 : index
    %get3A_32 = vector.load %arg0[%get3A_30, %get3A_31] : memref<256x1024xf32, #tpu.memory_space<vmem>>, vector<256x1024xf32>
    %get3A_33 = arith.constant 0 : index
    %get3A_34 = arith.constant 0 : index
    %get3A_35 = vector.load %arg3[%get3A_33, %get3A_34] : memref<256x256xf32, #tpu.memory_space<vmem>>, vector<256x256xf32>
    %dot_general3A = arith.constant dense<0.000000e+00> : vector<1024x256xf32>
    %dot_general3A_36 = tpu.matmul %get3A_32, %get3A_35, %dot_general3A {dimension_numbers = #tpu.dot_dimension_numbers<[0], [0], [1], [1], [0, 1, 1, 1], [], []>, transpose_lhs_hint = false} : vector<256x1024xf32>, vector<256x256xf32>, vector<1024x256xf32> -> vector<1024x256xf32>
    %get3A_37 = arith.constant 0 : index
    %get3A_38 = arith.constant 0 : index
    %get3A_39 = vector.load %arg4[%get3A_37, %get3A_38] : memref<256x256xf32, #tpu.memory_space<vmem>>, vector<256x256xf32>
    %dot_general3A_40 = arith.constant dense<0.000000e+00> : vector<1024x256xf32>
    %dot_general3A_41 = tpu.matmul %get3A_32, %get3A_39, %dot_general3A_40 {dimension_numbers = #tpu.dot_dimension_numbers<[0], [0], [1], [1], [0, 1, 1, 1], [], []>, transpose_lhs_hint = false} : vector<256x1024xf32>, vector<256x256xf32>, vector<1024x256xf32> -> vector<1024x256xf32>
    %get3A_42 = arith.constant 0 : index
    %get3A_43 = arith.constant 0 : index
    %get3A_44 = vector.load %arg5[%get3A_42, %get3A_43] : memref<256x256xf32, #tpu.memory_space<vmem>>, vector<256x256xf32>
    %dot_general3A_45 = arith.constant dense<0.000000e+00> : vector<256x1024xf32>
    %dot_general3A_46 = tpu.matmul %get3A_44, %get3A_32, %dot_general3A_45 {dimension_numbers = #tpu.dot_dimension_numbers<[0], [0], [1], [1], [0, 1, 1, 1], [], []>, transpose_lhs_hint = false} : vector<256x256xf32>, vector<256x1024xf32>, vector<256x1024xf32> -> vector<256x1024xf32>
    %swap3A_47 = arith.constant 0 : index
    %swap3A_48 = arith.constant 0 : index
    %swap3A_49 = vector.load %arg9[%swap3A_47, %swap3A_48] : memref<256x1024xf32, #tpu.memory_space<vmem>>, vector<256x1024xf32>
    tpu.vector_store %arg9[%swap3A_47, %swap3A_48], %dot_general3A_46 {strides = array<i32>} : memref<256x1024xf32, #tpu.memory_space<vmem>>, vector<256x1024xf32>,
    %bitcast_convert_type3A = tpu.bitcast %dot_general3A_36 : vector<1024x256xf32> -> vector<1024x256xi32>
    %add3A_50 = arith.constant 32767 : i32
    %add3A_51 = vector.broadcast %add3A_50 : i32 to vector<1024x256xi32>
    %add3A_52 = arith.addi %bitcast_convert_type3A, %add3A_51 : vector<1024x256xi32>
    %shift_right_arithmetic3A = arith.constant 16 : i32
    %shift_right_arithmetic3A_53 = vector.broadcast %shift_right_arithmetic3A : i32 to vector<1024x256xi32>
    %shift_right_arithmetic3A_54 = arith.shrsi %bitcast_convert_type3A, %shift_right_arithmetic3A_53 : vector<1024x256xi32>
    %and3A = arith.constant 1 : i32
    %and3A_55 = vector.broadcast %and3A : i32 to vector<1024x256xi32>
    %and3A_56 = arith.andi %shift_right_arithmetic3A_54, %and3A_55 : vector<1024x256xi32>
    %add3A_57 = arith.addi %add3A_52, %and3A_56 : vector<1024x256xi32>
    %shift_right_arithmetic3A_58 = arith.constant 16 : i32
    %shift_right_arithmetic3A_59 = vector.broadcast %shift_right_arithmetic3A_58 : i32 to vector<1024x256xi32>
    %shift_right_arithmetic3A_60 = arith.shrsi %add3A_57, %shift_right_arithmetic3A_59 : vector<1024x256xi32>
    %slice3A = vector.extract_strided_slice %shift_right_arithmetic3A_60 {offsets = [0, 0], sizes = [1024, 128], strides = [1, 1]} : vector<1024x256xi32> to vector<1024x128xi32>
    %and3A_61 = arith.constant 65535 : i32
    %and3A_62 = vector.broadcast %and3A_61 : i32 to vector<1024x128xi32>
    %and3A_63 = arith.andi %slice3A, %and3A_62 : vector<1024x128xi32>
    %slice3A_64 = vector.extract_strided_slice %shift_right_arithmetic3A_60 {offsets = [0, 128], sizes = [1024, 128], strides = [1, 1]} : vector<1024x256xi32> to vector<1024x128xi32>
    %shift_left3A = arith.constant 16 : i32
    %shift_left3A_65 = vector.broadcast %shift_left3A : i32 to vector<1024x128xi32>
    %shift_left3A_66 = arith.shli %slice3A_64, %shift_left3A_65 : vector<1024x128xi32>
    %or3A = arith.ori %and3A_63, %shift_left3A_66 : vector<1024x128xi32>
    %swap3A_67 = arith.constant 0 : index
    %swap3A_68 = arith.constant 0 : index
    %swap3A_69 = vector.load %arg8[%swap3A_67, %swap3A_68] : memref<1024x128xi32, #tpu.memory_space<vmem>>, vector<1024x128xi32>
    tpu.vector_store %arg8[%swap3A_67, %swap3A_68], %or3A {strides = array<i32>} : memref<1024x128xi32, #tpu.memory_space<vmem>>, vector<1024x128xi32>,
    %mul3A_70 = arith.mulf %dot_general3A_36, %dot_general3A_41 : vector<1024x256xf32>
    %get3A_71 = arith.constant 0 : index
    %get3A_72 = arith.constant 0 : index
    %get3A_73 = vector.load %arg6[%get3A_71, %get3A_72] : memref<256x8xf32, #tpu.memory_space<vmem>>, vector<256x8xf32>
    %dot_general3A_74 = arith.constant dense<0.000000e+00> : vector<1024x8xf32>
    %dot_general3A_75 = tpu.matmul %mul3A_70, %get3A_73, %dot_general3A_74 {dimension_numbers = #tpu.dot_dimension_numbers<[1], [0], [0], [1], [0, 0, 1, 1], [], []>, transpose_lhs_hint = false} : vector<1024x256xf32>, vector<256x8xf32>, vector<1024x8xf32> -> vector<1024x8xf32>
    %mul3A_76 = arith.constant 0.176776692 : f32
    %mul3A_77 = vector.broadcast %mul3A_76 : f32 to vector<1024x8xf32>
    %mul3A_78 = arith.mulf %dot_general3A_75, %mul3A_77 : vector<1024x8xf32>
    %exp3A = math.exp %mul3A_78 : vector<1024x8xf32>
    %transpose3A = tpu.transpose %exp3A, [1, 0] : vector<1024x8xf32> -> vector<8x1024xf32>
    %get3A_79 = arith.constant 0 : index
    %get3A_80 = arith.constant 0 : index
    %get3A_81 = vector.load %arg7[%get3A_79, %get3A_80] : memref<8x16xf32, #tpu.memory_space<vmem>>, vector<8x16xf32>
    %dot_general3A_82 = arith.constant dense<0.000000e+00> : vector<16x1024xf32>
    %dot_general3A_83 = tpu.matmul %get3A_81, %transpose3A, %dot_general3A_82 {dimension_numbers = #tpu.dot_dimension_numbers<[0], [0], [1], [1], [0, 1, 1, 1], [], []>, transpose_lhs_hint = false} : vector<8x16xf32>, vector<8x1024xf32>, vector<16x1024xf32> -> vector<16x1024xf32>
    %swap3A_84 = arith.constant 0 : index
    %swap3A_85 = arith.constant 0 : index
    %swap3A_86 = vector.load %arg10[%swap3A_84, %swap3A_85] : memref<16x1024xf32, #tpu.memory_space<vmem>>, vector<16x1024xf32>
    tpu.vector_store %arg10[%swap3A_84, %swap3A_85], %dot_general3A_83 {strides = array<i32>} : memref<16x1024xf32, #tpu.memory_space<vmem>>, vector<16x1024xf32>,
    return
  }
}

module attributes {stable_mosaic.version = 14 : i64} {
  func.func @_fused_w_body(%arg0: i32, %arg1: memref<1024x256xf32, #tpu.memory_space<vmem>>, %arg2: memref<1024x128xi32, #tpu.memory_space<vmem>>, %arg3: memref<256x256xf32, #tpu.memory_space<vmem>>, %arg4: memref<256x256xf32, #tpu.memory_space<vmem>>, %arg5: memref<256x8xf32, #tpu.memory_space<vmem>>, %arg6: memref<8x16xf32, #tpu.memory_space<vmem>>, %arg7: memref<256x1024xf32, #tpu.memory_space<vmem>>, %arg8: memref<16x1024xf32, #tpu.memory_space<vmem>>) attributes {dimension_semantics = [#tpu.dimension_semantics<arbitrary>], iteration_bounds = array<i64: 16>, scalar_prefetch = 0 : i64, scratch_operands = 0 : i64, tpu.core_type = #tpu.core_type<tc>, window_params = [{transform_indices = @transform_0, window_bounds = array<i64: 1024, 256>}, {transform_indices = @transform_1, window_bounds = array<i64: 1024, 128>}, {pipeline_mode = #tpu.pipeline_mode<synchronous>, transform_indices = @transform_2, window_bounds = array<i64: 256, 256>}, {pipeline_mode = #tpu.pipeline_mode<synchronous>, transform_indices = @transform_3, window_bounds = array<i64: 256, 256>}, {pipeline_mode = #tpu.pipeline_mode<synchronous>, transform_indices = @transform_4, window_bounds = array<i64: 256, 8>}, {pipeline_mode = #tpu.pipeline_mode<synchronous>, transform_indices = @transform_5, window_bounds = array<i64: 8, 16>}, {transform_indices = @transform_6, window_bounds = array<i64: 256, 1024>}, {transform_indices = @transform_7, window_bounds = array<i64: 16, 1024>}]} {
    %get3A = arith.constant 0 : index
    %get3A_0 = arith.constant 0 : index
    %get3A_1 = vector.load %arg1[%get3A, %get3A_0] : memref<1024x256xf32, #tpu.memory_space<vmem>>, vector<1024x256xf32>
    %get3A_2 = arith.constant 0 : index
    %get3A_3 = arith.constant 0 : index
    %get3A_4 = vector.load %arg3[%get3A_2, %get3A_3] : memref<256x256xf32, #tpu.memory_space<vmem>>, vector<256x256xf32>
    %dot_general3A = arith.constant dense<0.000000e+00> : vector<1024x256xf32>
    %dot_general3A_5 = tpu.matmul %get3A_1, %get3A_4, %dot_general3A {dimension_numbers = #tpu.dot_dimension_numbers<[1], [0], [0], [1], [0, 0, 1, 1], [], []>, transpose_lhs_hint = false} : vector<1024x256xf32>, vector<256x256xf32>, vector<1024x256xf32> -> vector<1024x256xf32>
    %get3A_6 = arith.constant 0 : index
    %get3A_7 = arith.constant 0 : index
    %get3A_8 = vector.load %arg2[%get3A_6, %get3A_7] : memref<1024x128xi32, #tpu.memory_space<vmem>>, vector<1024x128xi32>
    %shift_left3A = arith.constant 16 : i32
    %shift_left3A_9 = vector.broadcast %shift_left3A : i32 to vector<1024x128xi32>
    %shift_left3A_10 = arith.shli %get3A_8, %shift_left3A_9 : vector<1024x128xi32>
    %bitcast_convert_type3A = tpu.bitcast %shift_left3A_10 : vector<1024x128xi32> -> vector<1024x128xf32>
    %and3A = arith.constant -65536 : i32
    %and3A_11 = vector.broadcast %and3A : i32 to vector<1024x128xi32>
    %and3A_12 = arith.andi %get3A_8, %and3A_11 : vector<1024x128xi32>
    %bitcast_convert_type3A_13 = tpu.bitcast %and3A_12 : vector<1024x128xi32> -> vector<1024x128xf32>
    %slice3A = vector.extract_strided_slice %dot_general3A_5 {offsets = [0, 0], sizes = [1024, 128], strides = [1, 1]} : vector<1024x256xf32> to vector<1024x128xf32>
    %mul3A = arith.mulf %bitcast_convert_type3A, %slice3A : vector<1024x128xf32>
    %slice3A_14 = vector.extract_strided_slice %dot_general3A_5 {offsets = [0, 128], sizes = [1024, 128], strides = [1, 1]} : vector<1024x256xf32> to vector<1024x128xf32>
    %mul3A_15 = arith.mulf %bitcast_convert_type3A_13, %slice3A_14 : vector<1024x128xf32>
    %concatenate3A = tpu.concatenate %mul3A, %mul3A_15 in 1 : vector<1024x128xf32>, vector<1024x128xf32> -> vector<1024x256xf32>
    %get3A_16 = arith.constant 0 : index
    %get3A_17 = arith.constant 0 : index
    %get3A_18 = vector.load %arg5[%get3A_16, %get3A_17] : memref<256x8xf32, #tpu.memory_space<vmem>>, vector<256x8xf32>
    %dot_general3A_19 = arith.constant dense<0.000000e+00> : vector<1024x8xf32>
    %dot_general3A_20 = tpu.matmul %concatenate3A, %get3A_18, %dot_general3A_19 {dimension_numbers = #tpu.dot_dimension_numbers<[1], [0], [0], [1], [0, 0, 1, 1], [], []>, transpose_lhs_hint = false} : vector<1024x256xf32>, vector<256x8xf32>, vector<1024x8xf32> -> vector<1024x8xf32>
    %mul3A_21 = arith.constant 0.176776692 : f32
    %mul3A_22 = vector.broadcast %mul3A_21 : f32 to vector<1024x8xf32>
    %mul3A_23 = arith.mulf %dot_general3A_20, %mul3A_22 : vector<1024x8xf32>
    %exp3A = math.exp %mul3A_23 : vector<1024x8xf32>
    %transpose3A = tpu.transpose %exp3A, [1, 0] : vector<1024x8xf32> -> vector<8x1024xf32>
    %get3A_24 = arith.constant 0 : index
    %get3A_25 = arith.constant 0 : index
    %get3A_26 = vector.load %arg4[%get3A_24, %get3A_25] : memref<256x256xf32, #tpu.memory_space<vmem>>, vector<256x256xf32>
    %dot_general3A_27 = arith.constant dense<0.000000e+00> : vector<256x1024xf32>
    %dot_general3A_28 = tpu.matmul %get3A_26, %get3A_1, %dot_general3A_27 {dimension_numbers = #tpu.dot_dimension_numbers<[0], [1], [1], [0], [0, 1, 1, 0], [], []>, transpose_lhs_hint = false} : vector<256x256xf32>, vector<1024x256xf32>, vector<256x1024xf32> -> vector<256x1024xf32>
    %get3A_29 = arith.constant 0 : index
    %get3A_30 = arith.constant 0 : index
    %get3A_31 = vector.load %arg5[%get3A_29, %get3A_30] : memref<256x8xf32, #tpu.memory_space<vmem>>, vector<256x8xf32>
    %dot_general3A_32 = arith.constant dense<0.000000e+00> : vector<256x1024xf32>
    %dot_general3A_33 = tpu.matmul %get3A_31, %transpose3A, %dot_general3A_32 {dimension_numbers = #tpu.dot_dimension_numbers<[1], [0], [0], [1], [0, 0, 1, 1], [], []>, transpose_lhs_hint = false} : vector<256x8xf32>, vector<8x1024xf32>, vector<256x1024xf32> -> vector<256x1024xf32>
    %mul3A_34 = arith.mulf %dot_general3A_33, %dot_general3A_28 : vector<256x1024xf32>
    %swap3A = arith.constant 0 : index
    %swap3A_35 = arith.constant 0 : index
    %swap3A_36 = vector.load %arg7[%swap3A, %swap3A_35] : memref<256x1024xf32, #tpu.memory_space<vmem>>, vector<256x1024xf32>
    tpu.vector_store %arg7[%swap3A, %swap3A_35], %mul3A_34 {strides = array<i32>} : memref<256x1024xf32, #tpu.memory_space<vmem>>, vector<256x1024xf32>,
    %get3A_37 = arith.constant 0 : index
    %get3A_38 = arith.constant 0 : index
    %get3A_39 = vector.load %arg6[%get3A_37, %get3A_38] : memref<8x16xf32, #tpu.memory_space<vmem>>, vector<8x16xf32>
    %dot_general3A_40 = arith.constant dense<0.000000e+00> : vector<16x1024xf32>
    %dot_general3A_41 = tpu.matmul %get3A_39, %transpose3A, %dot_general3A_40 {dimension_numbers = #tpu.dot_dimension_numbers<[0], [0], [1], [1], [0, 1, 1, 1], [], []>, transpose_lhs_hint = false} : vector<8x16xf32>, vector<8x1024xf32>, vector<16x1024xf32> -> vector<16x1024xf32>
    %swap3A_42 = arith.constant 0 : index
    %swap3A_43 = arith.constant 0 : index
    %swap3A_44 = vector.load %arg8[%swap3A_42, %swap3A_43] : memref<16x1024xf32, #tpu.memory_space<vmem>>, vector<16x1024xf32>
    tpu.vector_store %arg8[%swap3A_42, %swap3A_43], %dot_general3A_41 {strides = array<i32>} : memref<16x1024xf32, #tpu.memory_space<vmem>>, vector<16x1024xf32>,
    return
  }
  func.func @transform_0(%arg0: i32) -> (i32, i32) {
    %add3A = arith.constant 0 : i32
    %add3A_0 = arith.addi %arg0, %add3A : i32
    %c0_i32 = arith.constant 0 : i32
    %c0_i32_1 = arith.constant 0 : i32
    return %add3A_0, %c0_i32 : i32, i32
  }
  func.func @transform_1(%arg0: i32) -> (i32, i32) {
    %c0_i32 = arith.constant 0 : i32
    %c0_i32_0 = arith.constant 0 : i32
    return %arg0, %c0_i32 : i32, i32
  }
  func.func @transform_2(%arg0: i32) -> (i32, i32) {
    %c0_i32 = arith.constant 0 : i32
    %c0_i32_0 = arith.constant 0 : i32
    %c0_i32_1 = arith.constant 0 : i32
    return %c0_i32, %c0_i32_0 : i32, i32
  }
  func.func @transform_3(%arg0: i32) -> (i32, i32) {
    %c0_i32 = arith.constant 0 : i32
    %c0_i32_0 = arith.constant 0 : i32
    %c0_i32_1 = arith.constant 0 : i32
    return %c0_i32, %c0_i32_0 : i32, i32
  }
  func.func @transform_4(%arg0: i32) -> (i32, i32) {
    %c0_i32 = arith.constant 0 : i32
    %c0_i32_0 = arith.constant 0 : i32
    %c0_i32_1 = arith.constant 0 : i32
    return %c0_i32, %c0_i32_0 : i32, i32
  }
  func.func @transform_5(%arg0: i32) -> (i32, i32) {
    %c0_i32 = arith.constant 0 : i32
    %c0_i32_0 = arith.constant 0 : i32
    %c0_i32_1 = arith.constant 0 : i32
    return %c0_i32, %c0_i32_0 : i32, i32
  }
  func.func @transform_6(%arg0: i32) -> (i32, i32) {
    %c0_i32 = arith.constant 0 : i32
    %c0_i32_0 = arith.constant 0 : i32
    return %c0_i32, %arg0 : i32, i32
  }
  func.func @transform_7(%arg0: i32) -> (i32, i32) {
    %c0_i32 = arith.constant 0 : i32
    %c0_i32_0 = arith.constant 0 : i32
    return %c0_i32, %arg0 : i32, i32
  }
}

module attributes {stable_mosaic.version = 14 : i64} {
  func.func @_fused_w_body(%arg0: i32, %arg1: memref<1024x256xf32, #tpu.memory_space<vmem>>, %arg2: memref<1024x128xi32, #tpu.memory_space<vmem>>, %arg3: memref<256x256xf32, #tpu.memory_space<vmem>>, %arg4: memref<256x256xf32, #tpu.memory_space<vmem>>, %arg5: memref<256x8xf32, #tpu.memory_space<vmem>>, %arg6: memref<8x16xf32, #tpu.memory_space<vmem>>, %arg7: memref<256x1024xf32, #tpu.memory_space<vmem>>, %arg8: memref<16x1024xf32, #tpu.memory_space<vmem>>) attributes {dimension_semantics = [#tpu.dimension_semantics<arbitrary>], iteration_bounds = array<i64: 16>, scalar_prefetch = 0 : i64, scratch_operands = 0 : i64, tpu.core_type = #tpu.core_type<tc>, window_params = [{transform_indices = @transform_0, window_bounds = array<i64: 1024, 256>}, {transform_indices = @transform_1, window_bounds = array<i64: 1024, 128>}, {pipeline_mode = #tpu.pipeline_mode<synchronous>, transform_indices = @transform_2, window_bounds = array<i64: 256, 256>}, {pipeline_mode = #tpu.pipeline_mode<synchronous>, transform_indices = @transform_3, window_bounds = array<i64: 256, 256>}, {pipeline_mode = #tpu.pipeline_mode<synchronous>, transform_indices = @transform_4, window_bounds = array<i64: 256, 8>}, {pipeline_mode = #tpu.pipeline_mode<synchronous>, transform_indices = @transform_5, window_bounds = array<i64: 8, 16>}, {transform_indices = @transform_6, window_bounds = array<i64: 256, 1024>}, {transform_indices = @transform_7, window_bounds = array<i64: 16, 1024>}]} {
    %get3A = arith.constant 0 : index
    %get3A_0 = arith.constant 0 : index
    %get3A_1 = vector.load %arg1[%get3A, %get3A_0] : memref<1024x256xf32, #tpu.memory_space<vmem>>, vector<1024x256xf32>
    %get3A_2 = arith.constant 0 : index
    %get3A_3 = arith.constant 0 : index
    %get3A_4 = vector.load %arg3[%get3A_2, %get3A_3] : memref<256x256xf32, #tpu.memory_space<vmem>>, vector<256x256xf32>
    %dot_general3A = arith.constant dense<0.000000e+00> : vector<1024x256xf32>
    %dot_general3A_5 = tpu.matmul %get3A_1, %get3A_4, %dot_general3A {dimension_numbers = #tpu.dot_dimension_numbers<[1], [0], [0], [1], [0, 0, 1, 1], [], []>, transpose_lhs_hint = false} : vector<1024x256xf32>, vector<256x256xf32>, vector<1024x256xf32> -> vector<1024x256xf32>
    %get3A_6 = arith.constant 0 : index
    %get3A_7 = arith.constant 0 : index
    %get3A_8 = vector.load %arg2[%get3A_6, %get3A_7] : memref<1024x128xi32, #tpu.memory_space<vmem>>, vector<1024x128xi32>
    %shift_left3A = arith.constant 16 : i32
    %shift_left3A_9 = vector.broadcast %shift_left3A : i32 to vector<1024x128xi32>
    %shift_left3A_10 = arith.shli %get3A_8, %shift_left3A_9 : vector<1024x128xi32>
    %bitcast_convert_type3A = tpu.bitcast %shift_left3A_10 : vector<1024x128xi32> -> vector<1024x128xf32>
    %and3A = arith.constant -65536 : i32
    %and3A_11 = vector.broadcast %and3A : i32 to vector<1024x128xi32>
    %and3A_12 = arith.andi %get3A_8, %and3A_11 : vector<1024x128xi32>
    %bitcast_convert_type3A_13 = tpu.bitcast %and3A_12 : vector<1024x128xi32> -> vector<1024x128xf32>
    %slice3A = vector.extract_strided_slice %dot_general3A_5 {offsets = [0, 0], sizes = [1024, 128], strides = [1, 1]} : vector<1024x256xf32> to vector<1024x128xf32>
    %mul3A = arith.mulf %bitcast_convert_type3A, %slice3A : vector<1024x128xf32>
    %slice3A_14 = vector.extract_strided_slice %dot_general3A_5 {offsets = [0, 128], sizes = [1024, 128], strides = [1, 1]} : vector<1024x256xf32> to vector<1024x128xf32>
    %mul3A_15 = arith.mulf %bitcast_convert_type3A_13, %slice3A_14 : vector<1024x128xf32>
    %concatenate3A = tpu.concatenate %mul3A, %mul3A_15 in 1 : vector<1024x128xf32>, vector<1024x128xf32> -> vector<1024x256xf32>
    %get3A_16 = arith.constant 0 : index
    %get3A_17 = arith.constant 0 : index
    %get3A_18 = vector.load %arg5[%get3A_16, %get3A_17] : memref<256x8xf32, #tpu.memory_space<vmem>>, vector<256x8xf32>
    %dot_general3A_19 = arith.constant dense<0.000000e+00> : vector<1024x8xf32>
    %dot_general3A_20 = tpu.matmul %concatenate3A, %get3A_18, %dot_general3A_19 {dimension_numbers = #tpu.dot_dimension_numbers<[1], [0], [0], [1], [0, 0, 1, 1], [], []>, transpose_lhs_hint = false} : vector<1024x256xf32>, vector<256x8xf32>, vector<1024x8xf32> -> vector<1024x8xf32>
    %mul3A_21 = arith.constant 0.176776692 : f32
    %mul3A_22 = vector.broadcast %mul3A_21 : f32 to vector<1024x8xf32>
    %mul3A_23 = arith.mulf %dot_general3A_20, %mul3A_22 : vector<1024x8xf32>
    %exp3A = math.exp %mul3A_23 : vector<1024x8xf32>
    %transpose3A = tpu.transpose %exp3A, [1, 0] : vector<1024x8xf32> -> vector<8x1024xf32>
    %get3A_24 = arith.constant 0 : index
    %get3A_25 = arith.constant 0 : index
    %get3A_26 = vector.load %arg4[%get3A_24, %get3A_25] : memref<256x256xf32, #tpu.memory_space<vmem>>, vector<256x256xf32>
    %dot_general3A_27 = arith.constant dense<0.000000e+00> : vector<256x1024xf32>
    %dot_general3A_28 = tpu.matmul %get3A_26, %get3A_1, %dot_general3A_27 {dimension_numbers = #tpu.dot_dimension_numbers<[0], [1], [1], [0], [0, 1, 1, 0], [], []>, transpose_lhs_hint = false} : vector<256x256xf32>, vector<1024x256xf32>, vector<256x1024xf32> -> vector<256x1024xf32>
    %get3A_29 = arith.constant 0 : index
    %get3A_30 = arith.constant 0 : index
    %get3A_31 = vector.load %arg5[%get3A_29, %get3A_30] : memref<256x8xf32, #tpu.memory_space<vmem>>, vector<256x8xf32>
    %dot_general3A_32 = arith.constant dense<0.000000e+00> : vector<256x1024xf32>
    %dot_general3A_33 = tpu.matmul %get3A_31, %transpose3A, %dot_general3A_32 {dimension_numbers = #tpu.dot_dimension_numbers<[1], [0], [0], [1], [0, 0, 1, 1], [], []>, transpose_lhs_hint = false} : vector<256x8xf32>, vector<8x1024xf32>, vector<256x1024xf32> -> vector<256x1024xf32>
    %mul3A_34 = arith.mulf %dot_general3A_33, %dot_general3A_28 : vector<256x1024xf32>
    %swap3A = arith.constant 0 : index
    %swap3A_35 = arith.constant 0 : index
    %swap3A_36 = vector.load %arg7[%swap3A, %swap3A_35] : memref<256x1024xf32, #tpu.memory_space<vmem>>, vector<256x1024xf32>
    tpu.vector_store %arg7[%swap3A, %swap3A_35], %mul3A_34 {strides = array<i32>} : memref<256x1024xf32, #tpu.memory_space<vmem>>, vector<256x1024xf32>,
    %get3A_37 = arith.constant 0 : index
    %get3A_38 = arith.constant 0 : index
    %get3A_39 = vector.load %arg6[%get3A_37, %get3A_38] : memref<8x16xf32, #tpu.memory_space<vmem>>, vector<8x16xf32>
    %dot_general3A_40 = arith.constant dense<0.000000e+00> : vector<16x1024xf32>
    %dot_general3A_41 = tpu.matmul %get3A_39, %transpose3A, %dot_general3A_40 {dimension_numbers = #tpu.dot_dimension_numbers<[0], [0], [1], [1], [0, 1, 1, 1], [], []>, transpose_lhs_hint = false} : vector<8x16xf32>, vector<8x1024xf32>, vector<16x1024xf32> -> vector<16x1024xf32>
    %swap3A_42 = arith.constant 0 : index
    %swap3A_43 = arith.constant 0 : index
    %swap3A_44 = vector.load %arg8[%swap3A_42, %swap3A_43] : memref<16x1024xf32, #tpu.memory_space<vmem>>, vector<16x1024xf32>
    tpu.vector_store %arg8[%swap3A_42, %swap3A_43], %dot_general3A_41 {strides = array<i32>} : memref<16x1024xf32, #tpu.memory_space<vmem>>, vector<16x1024xf32>,
    return
  }
  func.func @transform_0(%arg0: i32) -> (i32, i32) {
    %add3A = arith.constant 16 : i32
    %add3A_0 = arith.addi %arg0, %add3A : i32
    %c0_i32 = arith.constant 0 : i32
    %c0_i32_1 = arith.constant 0 : i32
    return %add3A_0, %c0_i32 : i32, i32
  }
  func.func @transform_1(%arg0: i32) -> (i32, i32) {
    %c0_i32 = arith.constant 0 : i32
    %c0_i32_0 = arith.constant 0 : i32
    return %arg0, %c0_i32 : i32, i32
  }
  func.func @transform_2(%arg0: i32) -> (i32, i32) {
    %c0_i32 = arith.constant 0 : i32
    %c0_i32_0 = arith.constant 0 : i32
    %c0_i32_1 = arith.constant 0 : i32
    return %c0_i32, %c0_i32_0 : i32, i32
  }
  func.func @transform_3(%arg0: i32) -> (i32, i32) {
    %c0_i32 = arith.constant 0 : i32
    %c0_i32_0 = arith.constant 0 : i32
    %c0_i32_1 = arith.constant 0 : i32
    return %c0_i32, %c0_i32_0 : i32, i32
  }
  func.func @transform_4(%arg0: i32) -> (i32, i32) {
    %c0_i32 = arith.constant 0 : i32
    %c0_i32_0 = arith.constant 0 : i32
    %c0_i32_1 = arith.constant 0 : i32
    return %c0_i32, %c0_i32_0 : i32, i32
  }
  func.func @transform_5(%arg0: i32) -> (i32, i32) {
    %c0_i32 = arith.constant 0 : i32
    %c0_i32_0 = arith.constant 0 : i32
    %c0_i32_1 = arith.constant 0 : i32
    return %c0_i32, %c0_i32_0 : i32, i32
  }
  func.func @transform_6(%arg0: i32) -> (i32, i32) {
    %c0_i32 = arith.constant 0 : i32
    %c0_i32_0 = arith.constant 0 : i32
    return %c0_i32, %arg0 : i32, i32
  }
  func.func @transform_7(%arg0: i32) -> (i32, i32) {
    %c0_i32 = arith.constant 0 : i32
    %c0_i32_0 = arith.constant 0 : i32
    return %c0_i32, %arg0 : i32, i32
  }
}

module attributes {stable_mosaic.version = 14 : i64} {
  func.func @_final_body(%arg0: i32, %arg1: memref<256x1024xf32, #tpu.memory_space<vmem>>, %arg2: memref<16x1024xf32, #tpu.memory_space<vmem>>, %arg3: memref<16x1024xf32, #tpu.memory_space<vmem>>, %arg4: memref<256x1024xf32, #tpu.memory_space<vmem>>, %arg5: memref<256x256xf32, #tpu.memory_space<vmem>>, %arg6: memref<16x256xf32, #tpu.memory_space<vmem>>, %arg7: memref<1024x256xf32, #tpu.memory_space<vmem>>) attributes {dimension_semantics = [#tpu.dimension_semantics<arbitrary>], iteration_bounds = array<i64: 2>, scalar_prefetch = 0 : i64, scratch_operands = 0 : i64, tpu.core_type = #tpu.core_type<tc>, window_params = [{transform_indices = @transform_0, window_bounds = array<i64: 256, 1024>}, {transform_indices = @transform_1, window_bounds = array<i64: 16, 1024>}, {pipeline_mode = #tpu.pipeline_mode<synchronous>, transform_indices = @transform_2, window_bounds = array<i64: 16, 1024>}, {pipeline_mode = #tpu.pipeline_mode<synchronous>, transform_indices = @transform_3, window_bounds = array<i64: 256, 1024>}, {pipeline_mode = #tpu.pipeline_mode<synchronous>, transform_indices = @transform_4, window_bounds = array<i64: 256, 256>}, {pipeline_mode = #tpu.pipeline_mode<synchronous>, transform_indices = @transform_5, window_bounds = array<i64: 16, 256>}, {transform_indices = @transform_6, window_bounds = array<i64: 1024, 256>}]} {
    %get3A = arith.constant 0 : index
    %get3A_0 = arith.constant 0 : index
    %get3A_1 = vector.load %arg6[%get3A, %get3A_0] : memref<16x256xf32, #tpu.memory_space<vmem>>, vector<16x256xf32>
    %get3A_2 = arith.constant 0 : index
    %get3A_3 = arith.constant 0 : index
    %get3A_4 = vector.load %arg3[%get3A_2, %get3A_3] : memref<16x1024xf32, #tpu.memory_space<vmem>>, vector<16x1024xf32>
    %dot_general3A = arith.constant dense<0.000000e+00> : vector<256x1024xf32>
    %dot_general3A_5 = tpu.matmul %get3A_1, %get3A_4, %dot_general3A {dimension_numbers = #tpu.dot_dimension_numbers<[0], [0], [1], [1], [0, 1, 1, 1], [], []>, transpose_lhs_hint = false} : vector<16x256xf32>, vector<16x1024xf32>, vector<256x1024xf32> -> vector<256x1024xf32>
    %get3A_6 = arith.constant 0 : index
    %get3A_7 = arith.constant 0 : index
    %get3A_8 = vector.load %arg1[%get3A_6, %get3A_7] : memref<256x1024xf32, #tpu.memory_space<vmem>>, vector<256x1024xf32>
    %get3A_9 = arith.constant 0 : index
    %get3A_10 = arith.constant 0 : index
    %get3A_11 = vector.load %arg4[%get3A_9, %get3A_10] : memref<256x1024xf32, #tpu.memory_space<vmem>>, vector<256x1024xf32>
    %mul3A = arith.mulf %dot_general3A_5, %get3A_11 : vector<256x1024xf32>
    %add3A = arith.addf %get3A_8, %mul3A : vector<256x1024xf32>
    %get3A_12 = arith.constant 0 : index
    %get3A_13 = arith.constant 0 : index
    %get3A_14 = vector.load %arg6[%get3A_12, %get3A_13] : memref<16x256xf32, #tpu.memory_space<vmem>>, vector<16x256xf32>
    %get3A_15 = arith.constant 0 : index
    %get3A_16 = arith.constant 0 : index
    %get3A_17 = vector.load %arg2[%get3A_15, %get3A_16] : memref<16x1024xf32, #tpu.memory_space<vmem>>, vector<16x1024xf32>
    %get3A_18 = arith.constant 0 : index
    %get3A_19 = arith.constant 0 : index
    %get3A_20 = vector.load %arg3[%get3A_18, %get3A_19] : memref<16x1024xf32, #tpu.memory_space<vmem>>, vector<16x1024xf32>
    %add3A_21 = arith.addf %get3A_17, %get3A_20 : vector<16x1024xf32>
    %dot_general3A_22 = arith.constant dense<0.000000e+00> : vector<256x1024xf32>
    %dot_general3A_23 = tpu.matmul %get3A_14, %add3A_21, %dot_general3A_22 {dimension_numbers = #tpu.dot_dimension_numbers<[0], [0], [1], [1], [0, 1, 1, 1], [], []>, transpose_lhs_hint = false} : vector<16x256xf32>, vector<16x1024xf32>, vector<256x1024xf32> -> vector<256x1024xf32>
    %div3A = arith.divf %add3A, %dot_general3A_23 : vector<256x1024xf32>
    %get3A_24 = arith.constant 0 : index
    %get3A_25 = arith.constant 0 : index
    %get3A_26 = vector.load %arg5[%get3A_24, %get3A_25] : memref<256x256xf32, #tpu.memory_space<vmem>>, vector<256x256xf32>
    %dot_general3A_27 = arith.constant dense<0.000000e+00> : vector<1024x256xf32>
    %dot_general3A_28 = tpu.matmul %div3A, %get3A_26, %dot_general3A_27 {dimension_numbers = #tpu.dot_dimension_numbers<[0], [0], [1], [1], [0, 1, 1, 1], [], []>, transpose_lhs_hint = false} : vector<256x1024xf32>, vector<256x256xf32>, vector<1024x256xf32> -> vector<1024x256xf32>
    %swap3A = arith.constant 0 : index
    %swap3A_29 = arith.constant 0 : index
    %swap3A_30 = vector.load %arg7[%swap3A, %swap3A_29] : memref<1024x256xf32, #tpu.memory_space<vmem>>, vector<1024x256xf32>
    tpu.vector_store %arg7[%swap3A, %swap3A_29], %dot_general3A_28 {strides = array<i32>} : memref<1024x256xf32, #tpu.memory_space<vmem>>, vector<1024x256xf32>,
    return
  }
  func.func @transform_0(%arg0: i32) -> (i32, i32) {
    %c0_i32 = arith.constant 0 : i32
    %c0_i32_0 = arith.constant 0 : i32
    return %c0_i32, %arg0 : i32, i32
  }
  func.func @transform_1(%arg0: i32) -> (i32, i32) {
    %c0_i32 = arith.constant 0 : i32
    %c0_i32_0 = arith.constant 0 : i32
    return %c0_i32, %arg0 : i32, i32
  }
  func.func @transform_2(%arg0: i32) -> (i32, i32) {
    %c0_i32 = arith.constant 0 : i32
    %c0_i32_0 = arith.constant 0 : i32
    %c0_i32_1 = arith.constant 0 : i32
    return %c0_i32, %c0_i32_0 : i32, i32
  }
  func.func @transform_3(%arg0: i32) -> (i32, i32) {
    %c0_i32 = arith.constant 0 : i32
    %c0_i32_0 = arith.constant 0 : i32
    %c0_i32_1 = arith.constant 0 : i32
    return %c0_i32, %c0_i32_0 : i32, i32
  }
  func.func @transform_4(%arg0: i32) -> (i32, i32) {
    %c0_i32 = arith.constant 0 : i32
    %c0_i32_0 = arith.constant 0 : i32
    %c0_i32_1 = arith.constant 0 : i32
    return %c0_i32, %c0_i32_0 : i32, i32
  }
  func.func @transform_5(%arg0: i32) -> (i32, i32) {
    %c0_i32 = arith.constant 0 : i32
    %c0_i32_0 = arith.constant 0 : i32
    %c0_i32_1 = arith.constant 0 : i32
    return %c0_i32, %c0_i32_0 : i32, i32
  }
  func.func @transform_6(%arg0: i32) -> (i32, i32) {
    %c0_i32 = arith.constant 0 : i32
    %c0_i32_0 = arith.constant 0 : i32
    return %arg0, %c0_i32 : i32, i32
  }
}

</mosaic_0001>

<sc_bundles>
// kernel: kernel.11.cloned.1.call-start
scs
__scs_entry_jumppad:
0x0: {  	(pc) =	sbr.rel $0x88, $3  }
0x1: {  	(tag) =	ssettag $0x0;
	lr =	simm.s32 $0x1  }
0x2: {  	[smem:$0x3F9A] =	sst lr;
	_ =	strace $0xD0000000  }
0x3: {  	_ = 	snop  }
0x4: {  	_ = 	snop  }
0x5: {  	_ = 	snop  }
0x6: {  	_ = 	snop  }
0x7: {  	_ = 	snop  }
__scs_overlays_trampoline_lowered:
0x8: {  	[smem:$0x3FA9] =	sst s0  }
0x9: {  	[smem:$0x3FAA] =	sst s1  }
0xa: {  	[smem:$0x3FAB] =	sst s2  }
0xb: {  	[smem:$0x3FAC] =	sst s3  }
0xc: {  	[smem:$0x3FAD] =	sst s4  }
0xd: {  	[smem:$0x3FAE] =	sst s5  }
0xe: {  	[smem:$0x3FAF] =	sst s6  }
0xf: {  	[smem:$0x3FB0] =	sst s7  }
0x10: {  	[smem:$0x3FB1] =	sst s8  }
0x11: {  	[smem:$0x3FB2] =	sst s9;
	s0 =	simm.s32 @!p0 $0x0  }
0x12: {  	s1 =	sld [smem:$0x3F98];
	s0 =	simm.s32 @p0 $0x1  }
0x13: {  	[smem:$0x3FB3] =	sst s0;
	s0 =	simm.s32 @!p1 $0x0  }
0x14: {  	s2 =	sld [smem:$0x3F97];
	s0 =	simm.s32 @p1 $0x1  }
0x15: {  	[smem:$0x3FB4] =	sst s0;
	s0 =	simm.s32 @!p2 $0x0  }
0x16: {  	s3 =	sld [smem:$0x3FDB];
	s0 =	simm.s32 @p2 $0x1  }
0x17: {  	s4 =	simm.s32 $0x1BF5;
	[smem:$0x3FB6] =	sst s0  }
0x18: {  	s0 =	sld [smem:$0x3F99];
	_ =	swait.ge [sflag:s4], $0x0  }
0x19: {  	s7 =	sld [smem:$0x3F9A]  }
0x1a: {  	s8 =	sadd.s32 $0xFFFFE003, lr  }
0x1b: {  	s9 =	sadd.s32 $0xFFFFFEF7, lr;
	s5 =	simm.s32 $0xFFFFFFFF;
	p2 =	slt.u32 s8, $0xFFFFF086  }
0x1c: {  	p1 =	slt.u32 s9, $0xF7A;
	s5 =	simm.s32 @!p2 $0x0  }
0x1d: {  	s5 =	simm.s32 @p1 $0x1;
	p0 =	seq.s32 s7, s2  }
0x1e: {  	s7 =	smul.u32 @!p0 $0xF7A, s2;
	p2 =	seq.s32 @!p0 s5, $0x0  }
0x1f: {  	s9 =	smul.u32 $0xF7A, s1;
	s8 =	simm.s32 @!p0 $0x1BF5;
	p2 =	por !p2, p0  }
0x20: {  	[sflag:s8] =	ssyncset.s32 @!p0 $0xFFFFF086;
	s6 =	sadd.s32 @!p0 s3, s7;
	s7 =	simm.s32 @!p0 $0x108  }
0x21: {  	s3 =	sadd.s32 s3, s9;
	s6 =	sadd.s32 @!p0 $0x88, s6;
	s7 =	simm.s32 @p2 $0x1082  }
0x22: {  	[simem:s7], [sflag:s8] =	dma.local @!p0 [hbm:s6], $0xF7A  }
0x23: {  	s9 =	sor.u32 $0xD0000000, s2;
	s6 =	simm.s32 $0x108;
	_ =	swait.ge @!p0 [sflag:s8], $0x0  }
0x24: {  	s3 =	sadd.s32 $0x88, s3;
	s6 =	simm.s32 @!p1 $0x1082;
	[sflag:s4] =	ssyncset.s32 $0xFFFFF086  }
0x25: {  	[simem:s6], [sflag:s4] =	dma.local [hbm:s3], $0xF7A  }
0x26: {  	[smem:$0x3F9A] =	sst s1;
	(tag) =	ssettag s2;
	_ =	strace s9  }
0x27: {  	s1 =	sld [smem:$0x3FAA]  }
0x28: {  	s2 =	sld [smem:$0x3FAB]  }
0x29: {  	s4 =	sld [smem:$0x3FAD]  }
0x2a: {  	p0 =	seq.s32 s5, $0x0;
	s5 =	sld [smem:$0x3FAE]  }
0x2b: {  	s6 =	sld [smem:$0x3FAF]  }
0x2c: {  	s7 =	sld [smem:$0x3FB0]  }
0x2d: {  	s3 =	simm.s32 $0x108;
	s8 =	sld [smem:$0x3FB1]  }
0x2e: {  	s3 =	simm.s32 @!p0 $0x1082;
	s9 =	sld [smem:$0x3FB2]  }
0x2f: {  	lr =	sadd.s32 s0, s3;
	s0 =	sld [smem:$0x3FA9]  }
0x30: {  	s3 =	sld [smem:$0x3FAC]  }
0x31: {  	[smem:$0x3FB5] =	sst s10  }
0x32: {  	s10 =	sld [smem:$0x3FB3];
	_ =	sdelay $0x3  }
0x33: {  	p0 =	seq.s32 s10, $0x1;
	s10 =	sld [smem:$0x3FB5];
	_ =	sdelay $0x3  }
0x34: {  	[smem:$0x3FB5] =	sst s10  }
0x35: {  	s10 =	sld [smem:$0x3FB4];
	_ =	sdelay $0x3  }
0x36: {  	p1 =	seq.s32 s10, $0x1;
	s10 =	sld [smem:$0x3FB5];
	_ =	sdelay $0x3  }
0x37: {  	[smem:$0x3FB5] =	sst s10  }
0x38: {  	s10 =	sld [smem:$0x3FB6]  }
0x39: {  	_ = 	snop;
	(pc) =	sbr.ind lr, $3  }
0x3a: {  	_ = 	snop  }
0x3b: {  	_ = 	snop  }
0x3c: {  	p2 =	seq.s32 s10, $0x1;
	s10 =	sld [smem:$0x3FB5]  }
0x3d: {  	_ =	shalt  }
0x3e: {  	_ =	shalt  }
0x3f: {  	_ =	shalt  }
0x40: {  	_ =	shalt  }
0x41: {  	_ =	shalt  }
0x42: {  	_ =	shalt  }
0x43: {  	_ =	shalt  }
0x44: {  	_ =	shalt  }
0x45: {  	_ =	shalt  }
0x46: {  	_ =	shalt  }
0x47: {  	_ =	shalt  }
0x48: {  	_ =	shalt  }
0x49: {  	_ =	shalt  }
0x4a: {  	_ =	shalt  }
0x4b: {  	_ =	shalt  }
0x4c: {  	_ =	shalt  }
0x4d: {  	_ =	shalt  }
0x4e: {  	_ =	shalt  }
0x4f: {  	_ =	shalt  }
0x50: {  	_ =	shalt  }
0x51: {  	_ =	shalt  }
0x52: {  	_ =	shalt  }
0x53: {  	_ =	shalt  }
0x54: {  	_ =	shalt  }
0x55: {  	_ =	shalt  }
0x56: {  	_ =	shalt  }
0x57: {  	_ =	shalt  }
0x58: {  	_ =	shalt  }
0x59: {  	_ =	shalt  }
0x5a: {  	_ =	shalt  }
0x5b: {  	_ =	shalt  }
0x5c: {  	_ =	shalt  }
0x5d: {  	_ =	shalt  }
0x5e: {  	_ =	shalt  }
0x5f: {  	_ =	shalt  }
0x60: {  	_ =	shalt  }
0x61: {  	_ =	shalt  }
0x62: {  	_ =	shalt  }
0x63: {  	_ =	shalt  }
0x64: {  	_ =	shalt  }
0x65: {  	_ =	shalt  }
0x66: {  	_ =	shalt  }
0x67: {  	_ =	shalt  }
0x68: {  	_ =	shalt  }
0x69: {  	_ =	shalt  }
0x6a: {  	_ =	shalt  }
0x6b: {  	_ =	shalt  }
0x6c: {  	_ =	shalt  }
0x6d: {  	_ =	shalt  }
0x6e: {  	_ =	shalt  }
0x6f: {  	_ =	shalt  }
0x70: {  	_ =	shalt  }
0x71: {  	_ =	shalt  }
0x72: {  	_ =	shalt  }
0x73: {  	_ =	shalt  }
0x74: {  	_ =	shalt  }
0x75: {  	_ =	shalt  }
0x76: {  	_ =	shalt  }
0x77: {  	_ =	shalt  }
0x78: {  	_ =	shalt  }
0x79: {  	_ =	shalt  }
0x7a: {  	_ =	shalt  }
0x7b: {  	_ =	shalt  }
0x7c: {  	_ =	shalt  }
0x7d: {  	_ =	shalt  }
0x7e: {  	_ =	shalt  }
0x7f: {  	_ =	shalt  }
0x80: {  	_ =	shalt  }
0x81: {  	_ =	shalt  }
0x82: {  	_ =	shalt  }
0x83: {  	_ =	shalt  }
0x84: {  	_ =	shalt  }
0x85: {  	_ =	shalt  }
0x86: {  	_ =	shalt  }
0x87: {  	_ =	shalt  }
.Lfunc_end0:
.L_simem_size_0:
called_computation_lowered:
.L_overlay_start_0:
0x88: {  	s2 =	sld [smem:$0x3FD9]  }
0x89: {  	s3 =	sld [smem:$0x3FFE];
	_ =	sdelay $0x1  }
0x8a: {  	s1 =	srdreg.scid  }
0x8b: {  	s0 =	sand.u32 $0x1, s1  }
0x8c: {  	s14 =	sshll.u32 s0, $0xA;
	s2 =	sadd.s32 s3, s2  }
0x8d: {  	s2 =	sadd.s32 s2, s14  }
0x8e: {  	[smem:$0x3FC1] =	sst s2  }
0x8f: {  	_ = 	snop  }
0x90: {  	s2 =	sld [smem:$0x3FD0];
	_ =	sdelay $0x2  }
0x91: {  	s15 =	simm.s32 $0xB;
	s4 =	simm.s32 $0x10  }
0x92: {  	[smem:s4], [sflag:s15] =	dma.local [hbm:s2], $0x1  }
0x93: {  	_ =	swait.eq [sflag:s15], $0x1  }
0x94: {  	[sflag:s15] =	ssyncset.done $0x0  }
0x95: {  	s16 =	sld [smem:$0x10];
	[sflag:s15] =	ssyncadd.s32 $0xFFFFFFFF  }
0x96: {  	s17 =	sld [smem:$0x11];
	(tm) =	ssettm $0x1  }
0x97: {  	s18 =	sld [smem:$0x3FFB];
	_ =	sdelay $0x3  }
0x98: {  	_ =	strace s18  }
0x99: {  	s4 =	sld [smem:$0x3FFC];
	_ =	sdelay $0x3  }
0x9a: {  	_ =	strace s4  }
0x9b: {  	s4 =	sld [smem:$0x3FFD];
	_ =	sdelay $0x3  }
0x9c: {  	_ =	strace s4  }
0x9d: {  	_ =	strace $0x8FFFFFFF  }
0x9e: {  	s19 =	sld [smem:$0x3FDB];
	_ =	sdelay $0x1  }
0x9f: {  	s5 =	simm.s32 $_scs_section_size  }
0xa0: {  	s6 =	simm.s32 $_size__tile_overlayer_lowered;
	s7 =	simm.s32 $_tile_overlayer_lowered  }
0xa1: {  	s22 =	simm.s32 $0x1BFF;
	s21 =	sshll.u32 s7, $0x1;
	s4 =	sadd.s32 s5, s19  }
0xa2: {  	s8 =	simm.s32 $0x0;
	s20 =	sshll.u32 s6, $0x1;
	s6 =	sadd.s32 s21, s4  }
0xa3: {  	[timem:s8], [sflag:s22] =	dma.local [hbm:s6], s20  }
0xa4: {  	_ =	swait.ge [sflag:s22], s20  }
0xa5: {  	s5 =	ssub.s32 $0x0, s20;
	[sflag:s22] =	ssyncset.done $0x0  }
0xa6: {  	[sflag:s22] =	ssyncadd.s32 s5;
	_ =	sdelay $0x1  }
0xa7: {  	s23 =	simm.s32 $0x1B8B  }
0xa8: {  	_ =	swait.ge [sflag:s23], $0x1  }
0xa9: {  	[sflag:s23] =	ssyncset.done $0x0  }
0xaa: {  	s25 =	simm.s32 $0x1B8E;
	s24 =	sld [smem:$0x3FFE];
	[sflag:s23] =	ssyncadd.s32 $0xFFFFFFFF  }
0xab: {  	s26 =	simm.s32 $execute0_lowered;
	[smem:$0x3FD2] =	sst s25  }
0xac: {  	s6 =	sshll.u32 s26, $0x1;
	_ =	strace $0x80000046;
	[dreg:$0x1] =	wrdreg $0xFFFFFFFF  }
0xad: {  	s28 =	simm.s32 $_size_execute0_lowered;
	s4 =	sadd.s32 s4, s6;
	[dreg:$0x0] =	wrdreg $0x0  }
0xae: {  	s6 =	sshll.u32 s28, $0x1;
	[dreg:$0x2] =	wrdreg s4  }
0xaf: {  	[dreg:$0x3] =	wrdreg s6  }
0xb0: {  	[dreg:$0x4] =	wrdreg $0xC0  }
0xb1: {  	_ =	task [dreg:s8], $0x5FFFF  }
0xb2: {  	[dreg:$0x1] =	wrdreg $0xFFFFFFFF  }
0xb3: {  	[dreg:$0x0] =	wrdreg $0x60  }
0xb4: {  	[dreg:$0x2] =	wrdreg s17  }
0xb5: {  	[dreg:$0x3] =	wrdreg s16  }
0xb6: {  	[dreg:$0x4] =	wrdreg s24  }
0xb7: {  	[dreg:$0x5] =	wrdreg $0xA1000  }
0xb8: {  	[dreg:$0x6] =	wrdreg $0x9  }
0xb9: {  	_ =	task.clear_ibuf [dreg:s8], $0x7FFFF;
	_ =	strace $0x90000046  }
0xba: {  	s29 =	simm.s32 $0x9;
	_ =	strace $0x80000048  }
0xbb: {  	_ =	swait.ge [sflag:s29], $0x1  }
0xbc: {  	[sflag:s29] =	ssyncadd.s32 $0xFFFFFFFF  }
0xbd: {  	_ =	strace $0x90000048  }
0xbe: {  	_ =	sfence  }
0xbf: {  	s30 =	sld [smem:$0x0];
	_ =	sdelay $0x2  }
0xc0: {  	s31 =	sshll.u32 s1, $0xD;
	s1 =	sshrl.u32 s1, $0x2  }
0xc1: {  	s3 =	sand.u32 $0x4000, s31;
	s1 =	sadd.s32 s1, s30  }
0xc2: {  	s0 =	sor.u32 s3, s0;
	s1 =	sshll.u32 s1, $0x11  }
0xc3: {  	s0 =	sor.u32 s1, s0  }
0xc4: {  	s0 =	sadd.s32 $0x8F2B, s0  }
0xc5: {  	[sflag:s0] =	ssyncadd.remote.s32 $0x1  }
0xc6: {  	_ =	sfence.sel $0xFFFF  }
0xc7: {  	[dreg:$0x0] =	wrdreg $0xFFFFFFFF;
	(pc) =	sbr.abs _section_cstart, $3  }
0xc8: {  	[dreg:$0x1] =	wrdreg $0xFFFFFFFF  }
0xc9: {  	_ =	task.clear_ibuf [dreg:s8], $0x2FFFF;
	_ =	strace $0x9FFFFFFF  }
0xca: {  	(tm) =	ssettm $0x7FFFFFFF  }
0xcb: {  	_ =	shalt  }
tec
execute0_lowered:
.L_overlay_start_1:
0x0: {  	(tag) =	ssettag $0x1  }
0x1: {  	s5 =	rddreg [dreg:$0x0];
	s1 =	srdreg.scid  }
0x2: {  	s4 =	rddreg [dreg:$0x1];
	s0 =	stileid.u32;
	s23 =	sand.u32 $0x1, s1  }
0x3: {  	s14 =	rddreg [dreg:$0x2];
	s6 =	sshll.u32 s0, $0xA;
	s7 =	sshll.u32 s23, $0x9  }
0x4: {  	s2 =	rddreg [dreg:$0x3];
	s3 =	simm.s32 $0x0;
	s15 =	sor.u32 s7, s6  }
0x5: {  	[smem:$0x7FF] =	sst s3;
	s7 =	sshrl.u32 s15, $0x3  }
0x6: {  	s1 =	rddreg [dreg:$0x4];
	_ =	strace $0x80000047;
	s4 =	sadd.s32 s4, s7  }
0x7: {  	[tilespmem:s3], [sflag:$0x1] =	stream.linear.gather [hbm4b:s4+s3], $0x80, $0x38;
	[tilespmem:$0xC100] =	vst v63  }
0x8: {  	s5 =	sadd.s32 s5, s6;
	s6 =	simm.s32 $0x8100;
	s7 =	simm.s32 $0x6  }
0x9: {  	[tilespmem:s6], [sflag:$0x6] =	stream.linear.gather [hbm4b:s5+s3], $0x2000, $0x38;
	[tilespmem:$0xC100] =	vst v63  }
0xa: {  	_ =	swait.ge [sflag:s7], $0x2000  }
0xb: {  	s8 =	sshll.u32 s0, $0xD;
	[sflag:s7] =	ssyncset.done $0x0  }
0xc: {  	s8 =	sadd.s32 s8, s2;
	[sflag:s7] =	ssyncadd.s32 $0xFFFFE000  }
0xd: {  	[spmem:s8] =	stream.linear.scatter [tilespmem:s6], [sflag:$0x6], $0x2000, $0x38;
	[tilespmem:$0xC100] =	vst v63  }
0xe: {  	_ =	swait.ge [sflag:s7], $0x2000  }
0xf: {  	[sflag:s7] =	ssyncset.done $0x0  }
0x10: {  	[sflag:s7] =	ssyncadd.s32 $0xFFFFE000  }
0x11: {  	s9 =	simm.s32 $0x1;
	[bflag:$0x0] =	sbarrier.arrive $0xFFFF  }
0x12: {  	_ =	swait.ge [sflag:s9], $0x80  }
0x13: {  	[sflag:s9] =	ssyncset.done $0x0  }
0x14: {  	s11 =	simm.s32 $0x80;
	s10 =	sadd.s32 $0x10, s4;
	[sflag:s9] =	ssyncadd.s32 $0xFFFFFF80  }
0x15: {  	[tilespmem:s11], [sflag:$0x2] =	stream.linear.gather [hbm4b:s10+s3], $0x80, $0x38;
	[tilespmem:$0xC100] =	vst v63  }
0x16: {  	s12 =	simm.s32 $0x100;
	s13 =	simm.s32 $0x3  }
0x17: {  	[tilespmem:s12], [sflag:$0x3] =	stream.indirect.gather [spmem:s2], $0x80, s3, s11, $0xb8;
	[tilespmem:$0xC100] =	vst v63  }
0x18: {  	s15 =	sshll.u32 s15, $0x4;
	_ =	swait.ge [sflag:s13], $0x4000  }
0x19: {  	s24 =	sadd.s32 s15, s14;
	[sflag:s13] =	ssyncset.done $0x0  }
0x1a: {  	s15 =	simm.s32 $0x2;
	s14 =	sadd.s32 $0x4800, s24;
	[sflag:s13] =	ssyncadd.s32 $0xFFFFC000  }
0x1b: {  	[hbm4b:s14+s3] =	stream.linear.scatter [tilespmem:s12], [sflag:$0x4], $0x4000, $0x38;
	[tilespmem:$0xC100] =	vst v63  }
0x1c: {  	_ =	swait.ge [sflag:s15], $0x80  }
0x1d: {  	[sflag:s15] =	ssyncset.done $0x0  }
0x1e: {  	s16 =	sadd.s32 $0x20, s4;
	[sflag:s15] =	ssyncadd.s32 $0xFFFFFF80  }
0x1f: {  	[tilespmem:s3], [sflag:$0x1] =	stream.linear.gather [hbm4b:s16+s3], $0x80, $0x38;
	[tilespmem:$0xC100] =	vst v63  }
0x20: {  	s17 =	simm.s32 $0x4100  }
0x21: {  	[tilespmem:s17], [sflag:$0x3] =	stream.indirect.gather [spmem:s2], $0x80, s11, s11, $0xb8;
	[tilespmem:$0xC100] =	vst v63  }
0x22: {  	_ =	swait.ge [sflag:s13], $0x4000  }
0x23: {  	[sflag:s13] =	ssyncset.done $0x0  }
0x24: {  	s18 =	sadd.s32 $0x5000, s24;
	[sflag:s13] =	ssyncadd.s32 $0xFFFFC000  }
0x25: {  	[hbm4b:s18+s3] =	stream.linear.scatter [tilespmem:s17], [sflag:$0x5], $0x4000, $0x38;
	[tilespmem:$0xC100] =	vst v63  }
0x26: {  	_ =	swait.ge [sflag:s9], $0x80  }
0x27: {  	[sflag:s9] =	ssyncset.done $0x0  }
0x28: {  	s20 =	simm.s32 $0x4;
	s19 =	sadd.s32 $0x30, s4;
	[sflag:s9] =	ssyncadd.s32 $0xFFFFFF80  }
0x29: {  	[tilespmem:s11], [sflag:$0x2] =	stream.linear.gather [hbm4b:s19+s3], $0x80, $0x38;
	[tilespmem:$0xC100] =	vst v63  }
0x2a: {  	_ =	swait.ge [sflag:s20], $0x4000  }
0x2b: {  	[sflag:s20] =	ssyncset.done $0x0  }
0x2c: {  	[sflag:s20] =	ssyncadd.s32 $0xFFFFC000  }
0x2d: {  	[tilespmem:s12], [sflag:$0x3] =	stream.indirect.gather [spmem:s2], $0x80, s3, s11, $0xb8;
	[tilespmem:$0xC100] =	vst v63  }
0x2e: {  	_ =	swait.ge [sflag:s13], $0x4000  }
0x2f: {  	[sflag:s13] =	ssyncset.done $0x0  }
0x30: {  	s21 =	sadd.s32 $0x5800, s24;
	[sflag:s13] =	ssyncadd.s32 $0xFFFFC000  }
0x31: {  	[hbm4b:s21+s3] =	stream.linear.scatter [tilespmem:s12], [sflag:$0x4], $0x4000, $0x38;
	[tilespmem:$0xC100] =	vst v63  }
0x32: {  	_ =	swait.ge [sflag:s15], $0x80  }
0x33: {  	[sflag:s15] =	ssyncset.done $0x0  }
0x34: {  	s22 =	simm.s32 $0x5;
	[sflag:s15] =	ssyncadd.s32 $0xFFFFFF80  }
0x35: {  	_ =	swait.ge [sflag:s22], $0x4000  }
0x36: {  	s25 =	ssub.s32 $0x2, s23;
	[sflag:s22] =	ssyncset.done $0x0  }
0x37: {  	s31 =	sshrl.u32 s25, $0x1;
	[sflag:s22] =	ssyncadd.s32 $0xFFFFC000  }
0x38: {  	[tilespmem:s17], [sflag:$0x3] =	stream.indirect.gather [spmem:s2], $0x80, s11, s11, $0xb8;
	[tilespmem:$0xC100] =	vst v63  }
0x39: {  	s23 =	sadd.s32 $0x6000, s24;
	s24 =	ssub.s32 s25, s31;
	_ =	swait.ge [sflag:s13], $0x4000  }
0x3a: {  	s24 =	smax.u32 s24, $0x1;
	[sflag:s13] =	ssyncset.done $0x0  }
0x3b: {  	p0 =	sne.s32 s24, $0x1;
	[sflag:s13] =	ssyncadd.s32 $0xFFFFC000  }
0x3c: {  	[hbm4b:s23+s3] =	stream.linear.scatter [tilespmem:s17], [sflag:$0x5], $0x4000, $0x38;
	[tilespmem:$0xC100] =	vst v63  }
.Ltmp0:
0x3d: {  	_ =	swait.ge [sflag:s20], $0x4000;
	(pc) =	sbr.rel @!p0 .LBB2_2-.Ltmp0, $4  }
0x3e: {  	[sflag:s20] =	ssyncset.done $0x0  }
0x3f: {  	[sflag:s20] =	ssyncadd.s32 $0xFFFFC000  }
0x40: {  	_ =	swait.ge [sflag:s22], $0x4000  }
0x41: {  	s24 =	sadd.s32 $0xFFFFFFFF, s24;
	[sflag:s22] =	ssyncset.done $0x0  }
.LBB2_1:
0x42: {  	p0 =	sne.s32 s24, $0x1;
	s24 =	sadd.s32 $0xFFFFFFFF, s24;
	[sflag:s22] =	ssyncadd.s32 $0xFFFFC000  }
0x43: {  	[tilespmem:s3], [sflag:$0x1] =	stream.linear.gather [hbm4b:s4+s3], $0x80, $0x38;
	[tilespmem:$0xC100] =	vst v63  }
0x44: {  	_ = 	snop  }
0x45: {  	[tilespmem:s6], [sflag:$0x6] =	stream.linear.gather [hbm4b:s5+s3], $0x2000, $0x38;
	[tilespmem:$0xC100] =	vst v63  }
0x46: {  	_ =	swait.ge [sflag:s7], $0x2000  }
0x47: {  	[sflag:s7] =	ssyncset.done $0x0  }
0x48: {  	[sflag:s7] =	ssyncadd.s32 $0xFFFFE000  }
0x49: {  	[spmem:s8] =	stream.linear.scatter [tilespmem:s6], [sflag:$0x6], $0x2000, $0x38;
	[tilespmem:$0xC100] =	vst v63  }
0x4a: {  	_ =	swait.ge [sflag:s7], $0x2000  }
0x4b: {  	[sflag:s7] =	ssyncset.done $0x0  }
0x4c: {  	[sflag:s7] =	ssyncadd.s32 $0xFFFFE000  }
0x4d: {  	[bflag:$0x0] =	sbarrier.arrive $0xFFFF  }
0x4e: {  	_ =	swait.ge [sflag:s9], $0x80  }
0x4f: {  	[sflag:s9] =	ssyncset.done $0x0  }
0x50: {  	[sflag:s9] =	ssyncadd.s32 $0xFFFFFF80  }
0x51: {  	[tilespmem:s11], [sflag:$0x2] =	stream.linear.gather [hbm4b:s10+s3], $0x80, $0x38;
	[tilespmem:$0xC100] =	vst v63  }
0x52: {  	_ = 	snop  }
0x53: {  	[tilespmem:s12], [sflag:$0x3] =	stream.indirect.gather [spmem:s2], $0x80, s3, s11, $0xb8;
	[tilespmem:$0xC100] =	vst v63  }
0x54: {  	_ =	swait.ge [sflag:s13], $0x4000  }
0x55: {  	[sflag:s13] =	ssyncset.done $0x0  }
0x56: {  	[sflag:s13] =	ssyncadd.s32 $0xFFFFC000  }
0x57: {  	[hbm4b:s14+s3] =	stream.linear.scatter [tilespmem:s12], [sflag:$0x4], $0x4000, $0x38;
	[tilespmem:$0xC100] =	vst v63  }
0x58: {  	_ =	swait.ge [sflag:s15], $0x80  }
0x59: {  	[sflag:s15] =	ssyncset.done $0x0  }
0x5a: {  	[sflag:s15] =	ssyncadd.s32 $0xFFFFFF80  }
0x5b: {  	[tilespmem:s3], [sflag:$0x1] =	stream.linear.gather [hbm4b:s16+s3], $0x80, $0x38;
	[tilespmem:$0xC100] =	vst v63  }
0x5c: {  	_ = 	snop  }
0x5d: {  	[tilespmem:s17], [sflag:$0x3] =	stream.indirect.gather [spmem:s2], $0x80, s11, s11, $0xb8;
	[tilespmem:$0xC100] =	vst v63  }
0x5e: {  	_ =	swait.ge [sflag:s13], $0x4000  }
0x5f: {  	[sflag:s13] =	ssyncset.done $0x0  }
0x60: {  	[sflag:s13] =	ssyncadd.s32 $0xFFFFC000  }
0x61: {  	[hbm4b:s18+s3] =	stream.linear.scatter [tilespmem:s17], [sflag:$0x5], $0x4000, $0x38;
	[tilespmem:$0xC100] =	vst v63  }
0x62: {  	_ =	swait.ge [sflag:s9], $0x80  }
0x63: {  	[sflag:s9] =	ssyncset.done $0x0  }
0x64: {  	[sflag:s9] =	ssyncadd.s32 $0xFFFFFF80  }
0x65: {  	[tilespmem:s11], [sflag:$0x2] =	stream.linear.gather [hbm4b:s19+s3], $0x80, $0x38;
	[tilespmem:$0xC100] =	vst v63  }
0x66: {  	_ =	swait.ge [sflag:s20], $0x4000  }
0x67: {  	[sflag:s20] =	ssyncset.done $0x0  }
0x68: {  	[sflag:s20] =	ssyncadd.s32 $0xFFFFC000  }
0x69: {  	[tilespmem:s12], [sflag:$0x3] =	stream.indirect.gather [spmem:s2], $0x80, s3, s11, $0xb8;
	[tilespmem:$0xC100] =	vst v63  }
0x6a: {  	_ =	swait.ge [sflag:s13], $0x4000  }
0x6b: {  	[sflag:s13] =	ssyncset.done $0x0  }
0x6c: {  	[sflag:s13] =	ssyncadd.s32 $0xFFFFC000  }
0x6d: {  	[hbm4b:s21+s3] =	stream.linear.scatter [tilespmem:s12], [sflag:$0x4], $0x4000, $0x38;
	[tilespmem:$0xC100] =	vst v63  }
0x6e: {  	_ =	swait.ge [sflag:s15], $0x80  }
0x6f: {  	[sflag:s15] =	ssyncset.done $0x0  }
0x70: {  	[sflag:s15] =	ssyncadd.s32 $0xFFFFFF80  }
0x71: {  	_ =	swait.ge [sflag:s22], $0x4000  }
0x72: {  	[sflag:s22] =	ssyncset.done $0x0  }
0x73: {  	[sflag:s22] =	ssyncadd.s32 $0xFFFFC000  }
0x74: {  	[tilespmem:s17], [sflag:$0x3] =	stream.indirect.gather [spmem:s2], $0x80, s11, s11, $0xb8;
	[tilespmem:$0xC100] =	vst v63  }
0x75: {  	_ =	swait.ge [sflag:s13], $0x4000  }
0x76: {  	[sflag:s13] =	ssyncset.done $0x0  }
0x77: {  	[sflag:s13] =	ssyncadd.s32 $0xFFFFC000  }
0x78: {  	[hbm4b:s23+s3] =	stream.linear.scatter [tilespmem:s17], [sflag:$0x5], $0x4000, $0x38;
	[tilespmem:$0xC100] =	vst v63  }
.Ltmp1:
0x79: {  	_ =	swait.ge [sflag:s20], $0x4000;
	(pc) =	sbr.rel @p0 .LBB2_1-.Ltmp1, $4  }
0x7a: {  	[sflag:s20] =	ssyncset.done $0x0  }
0x7b: {  	[sflag:s20] =	ssyncadd.s32 $0xFFFFC000  }
0x7c: {  	_ =	swait.ge [sflag:s22], $0x4000  }
0x7d: {  	[sflag:s22] =	ssyncset.done $0x0  }
.LBB2_2:
0x7e: {  	[sflag:s22] =	ssyncadd.s32 $0xFFFFC000  }
0x7f: {  	_ =	sfence.sel $0x180000  }
0x80: {  	[bflag:$0x0] =	sbarrier.arrive $0xFFFF  }
0x81: {  	p0 =	sne.s32 s0, $0x0;
	_ =	strace $0x90000047  }
0x82: {  	s0 =	sadd.s32 @!p0 $0x100000, s1;
	[bflag:$0x2] =	sbarrier.arrive $0xFFFF  }
0x83: {  	[sflag:s0] =	ssyncadd.tile.s32 @!p0 $0x1;
	_ =	shalt  }
.Lfunc_end2:
_tile_overlayer_lowered:
.L_overlay_start_2:
0x84: {  	(tag) =	ssettag $0x2  }
0x85: {  	s0 =	rddreg [dreg:$0x0];
	s2 =	stileid.u32  }
0x86: {  	s1 =	rddreg [dreg:$0x1];
	p0 =	sne.s32 s2, $0x0  }
0x87: {  	s3 =	rddreg [dreg:$0x2];
	[bflag:$0x3] =	sbarrier.arrive $0xFFFF;
	s2 =	simm.s32 @!p0 $0x1C06  }
0x88: {  	[timem:s3], [sflag:s2] =	dma.local @!p0 [hbm:s0], s1  }
0x89: {  	s0 =	simm.s32 @!p0 $0x6  }
0x8a: {  	_ =	swait.ge @!p0 [sflag:s0], s1  }
0x8b: {  	s1 =	ssub.s32 @!p0 $0x0, s1;
	[sflag:s0] =	ssyncset.done @!p0 $0x0  }
0x8c: {  	[sflag:s0] =	ssyncadd.s32 @!p0 s1  }
0x8d: {  	[bflag:$0x3] =	sbarrier.arrive $0xFFFF  }
0x8e: {  	_ =	shalt  }

// kernel: kernel.14.cloned.1.call-start
scs
__scs_entry_jumppad:
0x0: {  	(pc) =	sbr.rel $0x88, $3  }
0x1: {  	(tag) =	ssettag $0x0;
	lr =	simm.s32 $0x1  }
0x2: {  	[smem:$0x3F9A] =	sst lr;
	_ =	strace $0xD0000000  }
0x3: {  	_ = 	snop  }
0x4: {  	_ = 	snop  }
0x5: {  	_ = 	snop  }
0x6: {  	_ = 	snop  }
0x7: {  	_ = 	snop  }
__scs_overlays_trampoline_lowered:
0x8: {  	[smem:$0x3FA9] =	sst s0  }
0x9: {  	[smem:$0x3FAA] =	sst s1  }
0xa: {  	[smem:$0x3FAB] =	sst s2  }
0xb: {  	[smem:$0x3FAC] =	sst s3  }
0xc: {  	[smem:$0x3FAD] =	sst s4  }
0xd: {  	[smem:$0x3FAE] =	sst s5  }
0xe: {  	[smem:$0x3FAF] =	sst s6  }
0xf: {  	[smem:$0x3FB0] =	sst s7  }
0x10: {  	[smem:$0x3FB1] =	sst s8  }
0x11: {  	[smem:$0x3FB2] =	sst s9;
	s0 =	simm.s32 @!p0 $0x0  }
0x12: {  	s1 =	sld [smem:$0x3F98];
	s0 =	simm.s32 @p0 $0x1  }
0x13: {  	[smem:$0x3FB3] =	sst s0;
	s0 =	simm.s32 @!p1 $0x0  }
0x14: {  	s2 =	sld [smem:$0x3F97];
	s0 =	simm.s32 @p1 $0x1  }
0x15: {  	[smem:$0x3FB4] =	sst s0;
	s0 =	simm.s32 @!p2 $0x0  }
0x16: {  	s3 =	sld [smem:$0x3FDB];
	s0 =	simm.s32 @p2 $0x1  }
0x17: {  	s4 =	simm.s32 $0x1BF5;
	[smem:$0x3FB6] =	sst s0  }
0x18: {  	s0 =	sld [smem:$0x3F99];
	_ =	swait.ge [sflag:s4], $0x0  }
0x19: {  	s7 =	sld [smem:$0x3F9A]  }
0x1a: {  	s8 =	sadd.s32 $0xFFFFE003, lr  }
0x1b: {  	s9 =	sadd.s32 $0xFFFFFEF7, lr;
	s5 =	simm.s32 $0xFFFFFFFF;
	p2 =	slt.u32 s8, $0xFFFFF086  }
0x1c: {  	p1 =	slt.u32 s9, $0xF7A;
	s5 =	simm.s32 @!p2 $0x0  }
0x1d: {  	s5 =	simm.s32 @p1 $0x1;
	p0 =	seq.s32 s7, s2  }
0x1e: {  	s7 =	smul.u32 @!p0 $0xF7A, s2;
	p2 =	seq.s32 @!p0 s5, $0x0  }
0x1f: {  	s9 =	smul.u32 $0xF7A, s1;
	s8 =	simm.s32 @!p0 $0x1BF5;
	p2 =	por !p2, p0  }
0x20: {  	[sflag:s8] =	ssyncset.s32 @!p0 $0xFFFFF086;
	s6 =	sadd.s32 @!p0 s3, s7;
	s7 =	simm.s32 @!p0 $0x108  }
0x21: {  	s3 =	sadd.s32 s3, s9;
	s6 =	sadd.s32 @!p0 $0x88, s6;
	s7 =	simm.s32 @p2 $0x1082  }
0x22: {  	[simem:s7], [sflag:s8] =	dma.local @!p0 [hbm:s6], $0xF7A  }
0x23: {  	s9 =	sor.u32 $0xD0000000, s2;
	s6 =	simm.s32 $0x108;
	_ =	swait.ge @!p0 [sflag:s8], $0x0  }
0x24: {  	s3 =	sadd.s32 $0x88, s3;
	s6 =	simm.s32 @!p1 $0x1082;
	[sflag:s4] =	ssyncset.s32 $0xFFFFF086  }
0x25: {  	[simem:s6], [sflag:s4] =	dma.local [hbm:s3], $0xF7A  }
0x26: {  	[smem:$0x3F9A] =	sst s1;
	(tag) =	ssettag s2;
	_ =	strace s9  }
0x27: {  	s1 =	sld [smem:$0x3FAA]  }
0x28: {  	s2 =	sld [smem:$0x3FAB]  }
0x29: {  	s4 =	sld [smem:$0x3FAD]  }
0x2a: {  	p0 =	seq.s32 s5, $0x0;
	s5 =	sld [smem:$0x3FAE]  }
0x2b: {  	s6 =	sld [smem:$0x3FAF]  }
0x2c: {  	s7 =	sld [smem:$0x3FB0]  }
0x2d: {  	s3 =	simm.s32 $0x108;
	s8 =	sld [smem:$0x3FB1]  }
0x2e: {  	s3 =	simm.s32 @!p0 $0x1082;
	s9 =	sld [smem:$0x3FB2]  }
0x2f: {  	lr =	sadd.s32 s0, s3;
	s0 =	sld [smem:$0x3FA9]  }
0x30: {  	s3 =	sld [smem:$0x3FAC]  }
0x31: {  	[smem:$0x3FB5] =	sst s10  }
0x32: {  	s10 =	sld [smem:$0x3FB3];
	_ =	sdelay $0x3  }
0x33: {  	p0 =	seq.s32 s10, $0x1;
	s10 =	sld [smem:$0x3FB5];
	_ =	sdelay $0x3  }
0x34: {  	[smem:$0x3FB5] =	sst s10  }
0x35: {  	s10 =	sld [smem:$0x3FB4];
	_ =	sdelay $0x3  }
0x36: {  	p1 =	seq.s32 s10, $0x1;
	s10 =	sld [smem:$0x3FB5];
	_ =	sdelay $0x3  }
0x37: {  	[smem:$0x3FB5] =	sst s10  }
0x38: {  	s10 =	sld [smem:$0x3FB6]  }
0x39: {  	_ = 	snop;
	(pc) =	sbr.ind lr, $3  }
0x3a: {  	_ = 	snop  }
0x3b: {  	_ = 	snop  }
0x3c: {  	p2 =	seq.s32 s10, $0x1;
	s10 =	sld [smem:$0x3FB5]  }
0x3d: {  	_ =	shalt  }
0x3e: {  	_ =	shalt  }
0x3f: {  	_ =	shalt  }
0x40: {  	_ =	shalt  }
0x41: {  	_ =	shalt  }
0x42: {  	_ =	shalt  }
0x43: {  	_ =	shalt  }
0x44: {  	_ =	shalt  }
0x45: {  	_ =	shalt  }
0x46: {  	_ =	shalt  }
0x47: {  	_ =	shalt  }
0x48: {  	_ =	shalt  }
0x49: {  	_ =	shalt  }
0x4a: {  	_ =	shalt  }
0x4b: {  	_ =	shalt  }
0x4c: {  	_ =	shalt  }
0x4d: {  	_ =	shalt  }
0x4e: {  	_ =	shalt  }
0x4f: {  	_ =	shalt  }
0x50: {  	_ =	shalt  }
0x51: {  	_ =	shalt  }
0x52: {  	_ =	shalt  }
0x53: {  	_ =	shalt  }
0x54: {  	_ =	shalt  }
0x55: {  	_ =	shalt  }
0x56: {  	_ =	shalt  }
0x57: {  	_ =	shalt  }
0x58: {  	_ =	shalt  }
0x59: {  	_ =	shalt  }
0x5a: {  	_ =	shalt  }
0x5b: {  	_ =	shalt  }
0x5c: {  	_ =	shalt  }
0x5d: {  	_ =	shalt  }
0x5e: {  	_ =	shalt  }
0x5f: {  	_ =	shalt  }
0x60: {  	_ =	shalt  }
0x61: {  	_ =	shalt  }
0x62: {  	_ =	shalt  }
0x63: {  	_ =	shalt  }
0x64: {  	_ =	shalt  }
0x65: {  	_ =	shalt  }
0x66: {  	_ =	shalt  }
0x67: {  	_ =	shalt  }
0x68: {  	_ =	shalt  }
0x69: {  	_ =	shalt  }
0x6a: {  	_ =	shalt  }
0x6b: {  	_ =	shalt  }
0x6c: {  	_ =	shalt  }
0x6d: {  	_ =	shalt  }
0x6e: {  	_ =	shalt  }
0x6f: {  	_ =	shalt  }
0x70: {  	_ =	shalt  }
0x71: {  	_ =	shalt  }
0x72: {  	_ =	shalt  }
0x73: {  	_ =	shalt  }
0x74: {  	_ =	shalt  }
0x75: {  	_ =	shalt  }
0x76: {  	_ =	shalt  }
0x77: {  	_ =	shalt  }
0x78: {  	_ =	shalt  }
0x79: {  	_ =	shalt  }
0x7a: {  	_ =	shalt  }
0x7b: {  	_ =	shalt  }
0x7c: {  	_ =	shalt  }
0x7d: {  	_ =	shalt  }
0x7e: {  	_ =	shalt  }
0x7f: {  	_ =	shalt  }
0x80: {  	_ =	shalt  }
0x81: {  	_ =	shalt  }
0x82: {  	_ =	shalt  }
0x83: {  	_ =	shalt  }
0x84: {  	_ =	shalt  }
0x85: {  	_ =	shalt  }
0x86: {  	_ =	shalt  }
0x87: {  	_ =	shalt  }
.Lfunc_end0:
.L_simem_size_0:
called_computation.1_lowered:
.L_overlay_start_0:
0x88: {  	s2 =	sld [smem:$0x3FD9]  }
0x89: {  	s3 =	sld [smem:$0x3FFE];
	_ =	sdelay $0x1  }
0x8a: {  	s1 =	srdreg.scid  }
0x8b: {  	s0 =	sand.u32 $0x1, s1  }
0x8c: {  	s15 =	sshll.u32 s0, $0xA;
	s2 =	sadd.s32 s3, s2  }
0x8d: {  	s2 =	sadd.s32 s2, s15  }
0x8e: {  	[smem:$0x3FC1] =	sst s2  }
0x8f: {  	_ = 	snop  }
0x90: {  	s2 =	sld [smem:$0x3FD0];
	_ =	sdelay $0x2  }
0x91: {  	s16 =	simm.s32 $0xB;
	s4 =	simm.s32 $0x10  }
0x92: {  	[smem:s4], [sflag:s16] =	dma.local [hbm:s2], $0x1  }
0x93: {  	_ =	swait.eq [sflag:s16], $0x1  }
0x94: {  	[sflag:s16] =	ssyncset.done $0x0  }
0x95: {  	[sflag:s16] =	ssyncadd.s32 $0xFFFFFFFF  }
0x96: {  	s17 =	sld [smem:$0x10];
	(tm) =	ssettm $0x1  }
0x97: {  	s18 =	sld [smem:$0x3FFB];
	_ =	sdelay $0x3  }
0x98: {  	_ =	strace s18  }
0x99: {  	s2 =	sld [smem:$0x3FFC];
	_ =	sdelay $0x3  }
0x9a: {  	_ =	strace s2  }
0x9b: {  	s2 =	sld [smem:$0x3FFD];
	_ =	sdelay $0x3  }
0x9c: {  	_ =	strace s2  }
0x9d: {  	_ =	strace $0x8FFFFFFF  }
0x9e: {  	s19 =	sld [smem:$0x3FDB];
	_ =	sdelay $0x1  }
0x9f: {  	s20 =	simm.s32 $_scs_section_size  }
0xa0: {  	s5 =	simm.s32 $_size__tile_overlayer_lowered;
	s6 =	simm.s32 $_tile_overlayer_lowered  }
0xa1: {  	s7 =	simm.s32 $0x1BFF;
	s21 =	sshll.u32 s6, $0x1;
	s4 =	sadd.s32 s20, s19  }
0xa2: {  	s22 =	simm.s32 $0x0;
	s5 =	sshll.u32 s5, $0x1;
	s6 =	sadd.s32 s21, s4  }
0xa3: {  	[timem:s22], [sflag:s7] =	dma.local [hbm:s6], s5  }
0xa4: {  	_ =	swait.ge [sflag:s7], s5  }
0xa5: {  	s5 =	ssub.s32 $0x0, s5;
	[sflag:s7] =	ssyncset.done $0x0  }
0xa6: {  	[sflag:s7] =	ssyncadd.s32 s5;
	_ =	sdelay $0x1  }
0xa7: {  	s23 =	simm.s32 $0x1B8B  }
0xa8: {  	_ =	swait.ge [sflag:s23], $0x1  }
0xa9: {  	[sflag:s23] =	ssyncset.done $0x0  }
0xaa: {  	[sflag:s23] =	ssyncadd.s32 $0xFFFFFFFF  }
0xab: {  	s5 =	sld [smem:$0x0]  }
0xac: {  	s6 =	sand.u32 $0xFFFFFFFE, s1  }
0xad: {  	p0 =	sne.s32 s1, s6  }
0xae: {  	s6 =	sshll.u32 @p0 s6, $0xE  }
0xaf: {  	s6 =	sadd.s32 @p0 $0x11B8D, s6;
	s7 =	sshll.u32 @p0 s5, $0x11  }
0xb0: {  	s6 =	sor.u32 @p0 s7, s6  }
0xb1: {  	[sflag:s6] =	ssyncadd.remote.s32 @p0 $0x1;
	_ =	sdelay $0x1  }
0xb2: {  	s6 =	simm.s32 @p0 $0x1B8D  }
0xb3: {  	_ =	swait.eq @p0 [sflag:s6], $0x1  }
0xb4: {  	[sflag:s6] =	ssyncadd.s32 @p0 $0xFFFFFFFF  }
0xb5: {  	s7 =	sshll.u32 @!p0 s1, $0xE  }
0xb6: {  	s7 =	sor.u32 @!p0 $0x4000, s7;
	s6 =	simm.s32 @!p0 $0x1B8D  }
0xb7: {  	s5 =	sshll.u32 @!p0 s5, $0x11;
	s7 =	sadd.s32 @!p0 $0x11B8D, s7;
	_ =	swait.eq @!p0 [sflag:s6], $0x1  }
0xb8: {  	s5 =	sor.u32 @!p0 s5, s7;
	[sflag:s6] =	ssyncadd.s32 @!p0 $0xFFFFFFFF  }
0xb9: {  	s25 =	simm.s32 $0x1B8E;
	s24 =	sld [smem:$0x3FFE];
	[sflag:s5] =	ssyncadd.remote.s32 @!p0 $0x1  }
0xba: {  	s26 =	simm.s32 $execute0_lowered;
	[smem:$0x3FD2] =	sst s25  }
0xbb: {  	s6 =	sshll.u32 s26, $0x1;
	_ =	strace $0x8000004C;
	[dreg:$0x1] =	wrdreg $0xFFFFFFFF  }
0xbc: {  	s28 =	simm.s32 $_size_execute0_lowered;
	s4 =	sadd.s32 s4, s6;
	[dreg:$0x0] =	wrdreg $0x0  }
0xbd: {  	s6 =	sshll.u32 s28, $0x1;
	[dreg:$0x2] =	wrdreg s4  }
0xbe: {  	[dreg:$0x3] =	wrdreg s6  }
0xbf: {  	[dreg:$0x4] =	wrdreg $0xC0  }
0xc0: {  	_ =	task [dreg:s22], $0x5FFFF  }
0xc1: {  	[dreg:$0x1] =	wrdreg $0xFFFFFFFF  }
0xc2: {  	[dreg:$0x0] =	wrdreg $0x60  }
0xc3: {  	[dreg:$0x2] =	wrdreg s24  }
0xc4: {  	[dreg:$0x3] =	wrdreg s17  }
0xc5: {  	[dreg:$0x4] =	wrdreg $0x148000  }
0xc6: {  	[dreg:$0x5] =	wrdreg $0x9  }
0xc7: {  	_ =	task.clear_ibuf [dreg:s22], $0x6FFFF;
	_ =	strace $0x9000004C  }
0xc8: {  	s29 =	simm.s32 $0x9;
	_ =	strace $0x8000004E  }
0xc9: {  	_ =	swait.ge [sflag:s29], $0x1  }
0xca: {  	[sflag:s29] =	ssyncadd.s32 $0xFFFFFFFF  }
0xcb: {  	_ =	strace $0x9000004E  }
0xcc: {  	_ =	sfence  }
0xcd: {  	s30 =	sld [smem:$0x0];
	_ =	sdelay $0x2  }
0xce: {  	s31 =	sshll.u32 s1, $0xD;
	s1 =	sshrl.u32 s1, $0x2  }
0xcf: {  	s4 =	sand.u32 $0x4000, s31;
	s1 =	sadd.s32 s1, s30  }
0xd0: {  	s0 =	sor.u32 s4, s0;
	s1 =	sshll.u32 s1, $0x11  }
0xd1: {  	s0 =	sor.u32 s1, s0  }
0xd2: {  	s0 =	sadd.s32 $0x8F2B, s0  }
0xd3: {  	[sflag:s0] =	ssyncadd.remote.s32 $0x1  }
0xd4: {  	_ =	sfence.sel $0xFFFF  }
0xd5: {  	[dreg:$0x0] =	wrdreg $0xFFFFFFFF;
	(pc) =	sbr.abs _section_cstart, $3  }
0xd6: {  	[dreg:$0x1] =	wrdreg $0xFFFFFFFF  }
0xd7: {  	_ =	task.clear_ibuf [dreg:s22], $0x2FFFF;
	_ =	strace $0x9FFFFFFF  }
0xd8: {  	(tm) =	ssettm $0x7FFFFFFF  }
0xd9: {  	_ =	shalt  }
tec
execute0_lowered:
.L_overlay_start_1:
0x0: {  	(tag) =	ssettag $0x1  }
0x1: {  	s0 =	rddreg [dreg:$0x0]  }
0x2: {  	s1 =	rddreg [dreg:$0x1]  }
0x3: {  	s2 =	rddreg [dreg:$0x2];
	s3 =	simm.s32 $0x0;
	s4 =	srdreg.scid  }
0x4: {  	s24 =	stileid.u32;
	s16 =	simm.s32 $0x2000;
	s17 =	simm.s32 $0x20000  }
0x5: {  	s18 =	simm.s32 $0x800;
	s19 =	simm.s32 $0x1;
	s20 =	simm.s32 $0x400  }
0x6: {  	s21 =	simm.s32 $0x4800;
	s22 =	simm.s32 $0x8800;
	s29 =	simm.s32 $0x0  }
0x7: {  	[smem:$0x7FF] =	sst s3;
	s4 =	sand.u32 $0x1, s4;
	s5 =	sshll.u32 s24, $0x9  }
0x8: {  	s6 =	sadd.s32 $0x84800, s0;
	s23 =	sshll.u32 s24, $0xA;
	s25 =	sshll.u32 s24, $0xF  }
0x9: {  	s13 =	sshll.u32 s24, $0xC;
	s31 =	sshll.u32 s24, $0xE;
	p0 =	sgt.u32 s24, $0x7  }
0xa: {  	_ =	strace $0x8000004D;
	s12 =	sshll.u32 s4, $0xD;
	s7 =	ssub.s32 $0x2, s4  }
0xb: {  	s4 =	sshll.u32 s4, $0xA;
	s8 =	sor.u32 s5, s12;
	s5 =	sadd.s32 s23, s12  }
0xc: {  	s9 =	sshrl.u32 s7, $0x1;
	s11 =	sadd.s32 s4, s0;
	s4 =	sadd.s32 s1, s4  }
0xd: {  	s26 =	sadd.s32 s6, s12;
	s6 =	sadd.s32 s6, s25;
	s15 =	sor.u32 $0x400, s12  }
0xe: {  	s23 =	simm.s32 $0x2;
	s10 =	sadd.s32 s8, s0;
	s5 =	sshrl.u32 s5, $0x3  }
0xf: {  	s14 =	ssub.s32 s7, s9;
	[dreg:$0x4] =	wrdreg s4;
	s7 =	sor.u32 $0x800, s12  }
.Ltmp0:
0x10: {  	s28 =	sadd.s32 s13, s11;
	s30 =	sshrl.u32 s8, $0x3;
	(pc) =	sbr.rel .LBB2_1-.Ltmp0, $4  }
0x11: {  	s11 =	sadd.s32 s31, s2;
	s13 =	sshrl.u32 s13, $0x2;
	s0 =	sadd.s32 s5, s0  }
0x12: {  	s5 =	sadd.s32 s25, s26;
	s8 =	sadd.s32 $0xC800, s28;
	s9 =	sadd.s32 s1, s30  }
0x13: {  	s10 =	sadd.s32 $0x4800, s10;
	s2 =	sadd.s32 s13, s2;
	s14 =	smax.u32 s14, $0x1  }
0x14: {  	v0 =	vimm.f32 $0.0e+00;
	s25 =	simm.s32 $0x3;
	[dreg:$0x5] =	wrdreg s2;
	s13 =	sadd.s32 $0x1C800, s0  }
.LBB2_17:
0x15: {  	s29 =	sadd.s32 $0x1, s29  }
0x16: {  	p1 =	sne.s32 s29, s14  }
.Ltmp1:
0x17: {  	_ = 	snop;
	(pc) =	sbr.rel @!p1 .LBB2_18-.Ltmp1, $1  }
0x18: {  	_ =	sdelay $0x3  }
.LBB2_1:
0x19: {  	s0 =	simm.s32 $0x0  }
0x1a: {  	s2 =	sand.u32 $0x1C00, s3;
	s12 =	simm.s32 $0x0;
	s0 =	sand.u32 $0x2000, s0  }
0x1b: {  	s12 =	sand.u32 $0x380, s12;
	s0 =	sor.u32 s2, s0  }
0x1c: {  	s31 =	sand.u32 $0x70, s3;
	s0 =	sor.u32 s12, s0  }
0x1d: {  	s2 =	sor.u32 s31, s0  }
0x1e: {  	s24 =	simm.s32 $0x0;
	s0 =	simm.s32 $0x1;
	[tilespmem:s2+$0x8800] =	vst v0;
	s2 =	simm.s32 $0x80  }
.LBB2_2:
0x1f: {  	s12 =	sshll.u32 s0, $0x4;
	p1 =	sne.s32 s0, $0x3FF  }
0x20: {  	s28 =	smov.u32 s0;
	s0 =	sadd.s32 $0x1, s0;
	s30 =	sand.u32 $0x1C00, s2  }
.Ltmp2:
0x21: {  	s12 =	sand.u32 $0x2000, s12;
	s28 =	sshll.u32 s28, $0x1;
	(pc) =	sbr.rel @p1 .LBB2_2-.Ltmp2, $4  }
0x22: {  	s24 =	sadd.s32 $0x10, s24;
	s28 =	sand.u32 $0x380, s28;
	s12 =	sor.u32 s30, s12  }
0x23: {  	s30 =	sand.u32 $0x70, s24;
	s12 =	sor.u32 s28, s12  }
0x24: {  	s12 =	sor.u32 s30, s12  }
0x25: {  	s2 =	sadd.s32 $0x80, s2;
	[tilespmem:s12+$0x8800] =	vst v0  }
0x26: {  	s30 =	simm.s32 $0x0;
	s0 =	rddreg [dreg:$0x4]  }
0x27: {  	[tilespmem:s30], [sflag:$0x1] =	stream.linear.gather [hbm4b:s0+s30], $0x400, $0x38;
	[tilespmem:$0x18800] =	vst v63  }
0x28: {  	s31 =	simm.s32 $0x0  }
0x29: {  	[tilespmem:s18], [sflag:$0x1] =	stream.strided.gather [hbm4b:s5+s16], $0x4000, s17, s16, $0x38;
	[tilespmem:$0x18800] =	vst v63  }
.LBB2_4:
0x2a: {  	_ =	swait.ge [sflag:s19], $0x400  }
0x2b: {  	[sflag:s19] =	ssyncset.done $0x0  }
0x2c: {  	s0 =	sshll.u32 s31, $0xB;
	[sflag:s19] =	ssyncadd.s32 $0xFFFFFC00  }
0x2d: {  	s2 =	sor.u32 s15, s0;
	_ =	swait.ge [sflag:s19], $0x4000  }
0x2e: {  	s12 =	sshrl.u32 s2, $0x3;
	[sflag:s19] =	ssyncset.done $0x0  }
0x2f: {  	s12 =	sadd.s32 s1, s12;
	[sflag:s19] =	ssyncadd.s32 $0xFFFFC000  }
0x30: {  	[tilespmem:s20], [sflag:$0x2] =	stream.linear.gather [hbm4b:s12+s30], $0x400, $0x38;
	[tilespmem:$0x18800] =	vst v63  }
0x31: {  	s26 =	sor.u32 s30, s30;
	s2 =	sadd.s32 s2, s6  }
0x32: {  	[tilespmem:s21], [sflag:$0x2] =	stream.strided.gather [hbm4b:s2+s16], $0x4000, s17, s16, $0x38;
	[tilespmem:$0x18800] =	vst v63  }
0x33: {  	s2 =	sor.u32 $0x380, s26  }
0x34: {  	s4 =	sand.u32 $0x70, s30;
	s24 =	sand.u32 $0x1C00, s30;
	v6 =	vld [tilespmem:s2+$0x800]  }
0x35: {  	s26 =	sor.u32 s4, s24;
	v4 =	vld [tilespmem:s30+$0x0]  }
0x36: {  	v1 =	vld [tilespmem:s26+$0x2B80]  }
0x37: {  	v2 =	vld [tilespmem:s26+$0x2B00]  }
0x38: {  	v3 =	vld [tilespmem:s26+$0x2A80]  }
0x39: {  	v7 =	vld [tilespmem:s26+$0xA00]  }
0x3a: {  	v8 =	vld [tilespmem:s26+$0x980]  }
0x3b: {  	v9 =	vld [tilespmem:s26+$0x900]  }
0x3c: {  	v10 =	vld [tilespmem:s26+$0x880]  }
0x3d: {  	v11 =	vld [tilespmem:s26+$0x800]  }
0x3e: {  	v12 =	vld [tilespmem:s26+$0xA80];
	v5 =	vshll.u32 v4, $0x3  }
0x3f: {  	v13 =	vld [tilespmem:s26+$0xB00];
	v4 =	vand.u32 $0x7F, v4;
	v5 =	vand.u32 $0xFFFFFC00, v5  }
0x40: {  	v16 =	vld [tilespmem:s26+$0x2800];
	v14 =	vor.u32 v4, v5  }
0x41: {  	v18 =	vld [tilespmem:s26+$0x2880];
	v15 =	vor.u32 $0x80, v14  }
0x42: {  	v20 =	vld [tilespmem:s26+$0x2900];
	v17 =	vor.u32 $0x100, v14  }
0x43: {  	v4 =	vld [tilespmem:s26+$0x2A00];
	v19 =	vor.u32 $0x180, v14  }
0x44: {  	v5 =	vld [tilespmem:s26+$0x2980];
	v21 =	vor.u32 $0x200, v14  }
0x45: {  	v22 =	vor.u32 $0x280, v14;
	[tilespmem:v14+s22+$0x0] =	vst.idx.add.f32.msk $0xffff, v11  }
0x46: {  	v11 =	vor.u32 $0x300, v14;
	[tilespmem:v15+s22+$0x0] =	vst.idx.add.f32.msk $0xffff, v10  }
0x47: {  	v10 =	vor.u32 $0x380, v14;
	[tilespmem:v17+s22+$0x0] =	vst.idx.add.f32.msk $0xffff, v9  }
0x48: {  	v9 =	vadd.s32 $0x2000, v14;
	[tilespmem:v19+s22+$0x0] =	vst.idx.add.f32.msk $0xffff, v8  }
0x49: {  	v8 =	vadd.s32 $0x2080, v14;
	[tilespmem:v21+s22+$0x0] =	vst.idx.add.f32.msk $0xffff, v7  }
0x4a: {  	[tilespmem:v22+s22+$0x0] =	vst.idx.add.f32.msk $0xffff, v12  }
0x4b: {  	v63 =	vadd.s32 $0x2100, v14;
	[tilespmem:v11+s22+$0x0] =	vst.idx.add.f32.msk $0xffff, v13  }
0x4c: {  	v7 =	vadd.s32 $0x2180, v14;
	[tilespmem:v10+s22+$0x0] =	vst.idx.add.f32.msk $0xffff, v6  }
0x4d: {  	v6 =	vadd.s32 $0x2200, v14;
	[tilespmem:v9+s22+$0x0] =	vst.idx.add.f32.msk $0xffff, v16  }
0x4e: {  	[tilespmem:v8+s22+$0x0] =	vst.idx.add.f32.msk $0xffff, v18;
	v8 =	vadd.s32 $0x2280, v14  }
0x4f: {  	v9 =	vadd.s32 $0x2300, v14  }
0x50: {  	s28 =	simm.s32 $0x0;
	s24 =	simm.s32 $0x0;
	s2 =	simm.s32 $0x10;
	v10 =	vadd.s32 $0x2380, v14;
	[tilespmem:v63+s22+$0x0] =	vst.idx.add.f32.msk $0xffff, v20  }
.LBB2_5:
0x51: {  	p1 =	sne.s32 s2, $0x3F0;
	[tilespmem:v7+s22+$0x0] =	vst.idx.add.f32.msk $0xffff, v5;
	s28 =	sadd.s32 $0x80, s28;
	s24 =	sadd.s32 $0x10, s24  }
0x52: {  	s12 =	smov.u32 s2;
	s2 =	sadd.s32 $0x10, s2;
	[tilespmem:v6+s22+$0x0] =	vst.idx.add.f32.msk $0xffff, v4  }
0x53: {  	[tilespmem:v8+s22+$0x0] =	vst.idx.add.f32.msk $0xffff, v3  }
0x54: {  	s26 =	sor.u32 s28, s12;
	[tilespmem:v9+s22+$0x0] =	vst.idx.add.f32.msk $0xffff, v2  }
0x55: {  	s26 =	sor.u32 $0x380, s26;
	[tilespmem:v10+s22+$0x0] =	vst.idx.add.f32.msk $0xffff, v1  }
0x56: {  	s12 =	sand.u32 $0x70, s12;
	s4 =	sand.u32 $0x1C00, s28;
	v8 =	vld [tilespmem:s26+$0x800]  }
0x57: {  	s4 =	sor.u32 s12, s4;
	v4 =	vld [tilespmem:s24+$0x0]  }
0x58: {  	v1 =	vld [tilespmem:s4+$0x2B80]  }
0x59: {  	v2 =	vld [tilespmem:s4+$0x2B00]  }
0x5a: {  	v3 =	vld [tilespmem:s4+$0x2A80]  }
0x5b: {  	v6 =	vld [tilespmem:s4+$0xA00]  }
0x5c: {  	v7 =	vld [tilespmem:s4+$0x980];
	v5 =	vshll.u32 v4, $0x3  }
0x5d: {  	v4 =	vand.u32 $0x7F, v4;
	v9 =	vld [tilespmem:s4+$0x900];
	v5 =	vand.u32 $0xFFFFFC00, v5  }
0x5e: {  	v10 =	vld [tilespmem:s4+$0x880];
	v11 =	vor.u32 v4, v5  }
0x5f: {  	v12 =	vld [tilespmem:s4+$0x800];
	v13 =	vor.u32 $0x80, v11  }
0x60: {  	v15 =	vor.u32 $0x100, v11;
	v14 =	vld [tilespmem:s4+$0xA80]  }
0x61: {  	v17 =	vor.u32 $0x180, v11;
	v16 =	vld [tilespmem:s4+$0xB00]  }
0x62: {  	v18 =	vor.u32 $0x200, v11;
	v4 =	vld [tilespmem:s4+$0x2A00]  }
0x63: {  	v20 =	vor.u32 $0x280, v11;
	v19 =	vld [tilespmem:s4+$0x2800]  }
0x64: {  	v22 =	vor.u32 $0x300, v11;
	v21 =	vld [tilespmem:s4+$0x2880]  }
0x65: {  	v23 =	vld [tilespmem:s4+$0x2900]  }
0x66: {  	v5 =	vld [tilespmem:s4+$0x2980]  }
0x67: {  	[tilespmem:v11+s22+$0x0] =	vst.idx.add.f32.msk $0xffff, v12  }
0x68: {  	[tilespmem:v13+s22+$0x0] =	vst.idx.add.f32.msk $0xffff, v10;
	v10 =	vor.u32 $0x380, v11  }
0x69: {  	[tilespmem:v15+s22+$0x0] =	vst.idx.add.f32.msk $0xffff, v9;
	v9 =	vadd.s32 $0x2000, v11  }
0x6a: {  	v12 =	vadd.s32 $0x2080, v11;
	[tilespmem:v17+s22+$0x0] =	vst.idx.add.f32.msk $0xffff, v7  }
0x6b: {  	v13 =	vadd.s32 $0x2100, v11;
	[tilespmem:v18+s22+$0x0] =	vst.idx.add.f32.msk $0xffff, v6  }
0x6c: {  	v7 =	vadd.s32 $0x2180, v11;
	[tilespmem:v20+s22+$0x0] =	vst.idx.add.f32.msk $0xffff, v14  }
.Ltmp3:
0x6d: {  	v6 =	vadd.s32 $0x2200, v11;
	[tilespmem:v22+s22+$0x0] =	vst.idx.add.f32.msk $0xffff, v16;
	(pc) =	sbr.rel @p1 .LBB2_5-.Ltmp3, $4  }
0x6e: {  	[tilespmem:v10+s22+$0x0] =	vst.idx.add.f32.msk $0xffff, v8;
	v8 =	vadd.s32 $0x2280, v11  }
0x6f: {  	[tilespmem:v9+s22+$0x0] =	vst.idx.add.f32.msk $0xffff, v19;
	v9 =	vadd.s32 $0x2300, v11  }
0x70: {  	v10 =	vadd.s32 $0x2380, v11;
	[tilespmem:v12+s22+$0x0] =	vst.idx.add.f32.msk $0xffff, v21  }
0x71: {  	[tilespmem:v13+s22+$0x0] =	vst.idx.add.f32.msk $0xffff, v23  }
0x72: {  	_ =	sdelay $0x3  }
0x73: {  	[tilespmem:v7+s22+$0x0] =	vst.idx.add.f32.msk $0xffff, v5  }
0x74: {  	[tilespmem:v6+s22+$0x0] =	vst.idx.add.f32.msk $0xffff, v4  }
0x75: {  	[tilespmem:v8+s22+$0x0] =	vst.idx.add.f32.msk $0xffff, v3  }
0x76: {  	[tilespmem:v9+s22+$0x0] =	vst.idx.add.f32.msk $0xffff, v2  }
0x77: {  	[tilespmem:v10+s22+$0x0] =	vst.idx.add.f32.msk $0xffff, v1  }
0x78: {  	_ =	swait.ge [sflag:s23], $0x400  }
0x79: {  	[sflag:s23] =	ssyncset.done $0x0  }
0x7a: {  	p1 =	seq.s32 s31, $0x3;
	[sflag:s23] =	ssyncadd.s32 $0xFFFFFC00  }
0x7b: {  	s0 =	sadd.s32 @!p1 s0, s7;
	_ =	swait.ge [sflag:s23], $0x4000  }
0x7c: {  	s4 =	simm.s32 @!p1 $0x0;
	s2 =	sshrl.u32 @!p1 s0, $0x3;
	[sflag:s23] =	ssyncset.done $0x0  }
0x7d: {  	s12 =	simm.s32 @!p1 $0x800;
	s2 =	sadd.s32 @!p1 s1, s2;
	[sflag:s23] =	ssyncadd.s32 $0xFFFFC000  }
0x7e: {  	[tilespmem:s4], [sflag:$0x1] =	stream.linear.gather @!p1 [hbm4b:s2+s4], $0x400, $0x38;
	[tilespmem:$0x18800] =	vst v63  }
0x7f: {  	s0 =	sadd.s32 @!p1 s0, s6;
	s2 =	simm.s32 @!p1 $0x2000;
	s4 =	simm.s32 @!p1 $0x20000  }
0x80: {  	[tilespmem:s12], [sflag:$0x1] =	stream.strided.gather @!p1 [hbm4b:s0+s2], $0x4000, s4, s2, $0x38;
	[tilespmem:$0x18800] =	vst v63  }
0x81: {  	s0 =	simm.s32 $0x0  }
0x82: {  	s2 =	simm.s32 $0x400;
	s4 =	sor.u32 s0, s0  }
0x83: {  	s26 =	sand.u32 $0x70, s0;
	s24 =	sand.u32 $0x1C00, s0;
	v4 =	vld [tilespmem:s2+$0x0];
	s12 =	sor.u32 $0x380, s4  }
0x84: {  	s26 =	sor.u32 s26, s24;
	v6 =	vld [tilespmem:s12+$0x4800]  }
0x85: {  	v1 =	vld [tilespmem:s26+$0x6B80]  }
0x86: {  	v2 =	vld [tilespmem:s26+$0x6B00]  }
0x87: {  	v3 =	vld [tilespmem:s26+$0x6A80]  }
0x88: {  	v7 =	vld [tilespmem:s26+$0x4A00]  }
0x89: {  	v8 =	vld [tilespmem:s26+$0x4980]  }
0x8a: {  	v9 =	vld [tilespmem:s26+$0x4900]  }
0x8b: {  	v10 =	vld [tilespmem:s26+$0x4880]  }
0x8c: {  	v11 =	vld [tilespmem:s26+$0x4800]  }
0x8d: {  	v12 =	vld [tilespmem:s26+$0x4A80];
	v5 =	vshll.u32 v4, $0x3  }
0x8e: {  	v13 =	vld [tilespmem:s26+$0x4B00];
	v4 =	vand.u32 $0x7F, v4;
	v5 =	vand.u32 $0xFFFFFC00, v5  }
0x8f: {  	v16 =	vld [tilespmem:s26+$0x6800];
	v14 =	vor.u32 v4, v5  }
0x90: {  	v18 =	vld [tilespmem:s26+$0x6880];
	v15 =	vor.u32 $0x80, v14  }
0x91: {  	v20 =	vld [tilespmem:s26+$0x6900];
	v17 =	vor.u32 $0x100, v14  }
0x92: {  	v4 =	vld [tilespmem:s26+$0x6A00];
	v19 =	vor.u32 $0x180, v14  }
0x93: {  	v5 =	vld [tilespmem:s26+$0x6980];
	v21 =	vor.u32 $0x200, v14  }
0x94: {  	v22 =	vor.u32 $0x280, v14;
	[tilespmem:v14+s22+$0x0] =	vst.idx.add.f32.msk $0xffff, v11  }
0x95: {  	v11 =	vor.u32 $0x300, v14;
	[tilespmem:v15+s22+$0x0] =	vst.idx.add.f32.msk $0xffff, v10  }
0x96: {  	v10 =	vor.u32 $0x380, v14;
	[tilespmem:v17+s22+$0x0] =	vst.idx.add.f32.msk $0xffff, v9  }
0x97: {  	v9 =	vadd.s32 $0x2000, v14;
	[tilespmem:v19+s22+$0x0] =	vst.idx.add.f32.msk $0xffff, v8  }
0x98: {  	[tilespmem:v21+s22+$0x0] =	vst.idx.add.f32.msk $0xffff, v7  }
0x99: {  	[tilespmem:v22+s22+$0x0] =	vst.idx.add.f32.msk $0xffff, v12  }
0x9a: {  	v8 =	vadd.s32 $0x2080, v14;
	[tilespmem:v11+s22+$0x0] =	vst.idx.add.f32.msk $0xffff, v13  }
0x9b: {  	v63 =	vadd.s32 $0x2100, v14;
	[tilespmem:v10+s22+$0x0] =	vst.idx.add.f32.msk $0xffff, v6  }
0x9c: {  	[tilespmem:v9+s22+$0x0] =	vst.idx.add.f32.msk $0xffff, v16;
	v9 =	vadd.s32 $0x2180, v14  }
0x9d: {  	v7 =	vadd.s32 $0x2200, v14  }
0x9e: {  	v10 =	vadd.s32 $0x2280, v14  }
0x9f: {  	[tilespmem:v8+s22+$0x0] =	vst.idx.add.f32.msk $0xffff, v18;
	v8 =	vadd.s32 $0x2300, v14  }
0xa0: {  	s28 =	simm.s32 $0x10;
	v6 =	vadd.s32 $0x2380, v14;
	[tilespmem:v63+s22+$0x0] =	vst.idx.add.f32.msk $0xffff, v20  }
.LBB2_7:
0xa1: {  	p1 =	sne.s32 s28, $0x3F0;
	[tilespmem:v9+s22+$0x0] =	vst.idx.add.f32.msk $0xffff, v5;
	s0 =	sadd.s32 $0x80, s0;
	s2 =	sadd.s32 $0x10, s2  }
0xa2: {  	s4 =	smov.u32 s28;
	s28 =	sadd.s32 $0x10, s28;
	[tilespmem:v7+s22+$0x0] =	vst.idx.add.f32.msk $0xffff, v4  }
0xa3: {  	[tilespmem:v10+s22+$0x0] =	vst.idx.add.f32.msk $0xffff, v3  }
0xa4: {  	s12 =	sor.u32 s0, s4;
	[tilespmem:v8+s22+$0x0] =	vst.idx.add.f32.msk $0xffff, v2  }
0xa5: {  	s12 =	sor.u32 $0x380, s12;
	[tilespmem:v6+s22+$0x0] =	vst.idx.add.f32.msk $0xffff, v1  }
0xa6: {  	s4 =	sand.u32 $0x70, s4;
	s24 =	sand.u32 $0x1C00, s0;
	v6 =	vld [tilespmem:s12+$0x4800]  }
0xa7: {  	s4 =	sor.u32 s4, s24;
	v4 =	vld [tilespmem:s2+$0x0]  }
0xa8: {  	v1 =	vld [tilespmem:s4+$0x6B80]  }
0xa9: {  	v2 =	vld [tilespmem:s4+$0x6B00]  }
0xaa: {  	v3 =	vld [tilespmem:s4+$0x6A80]  }
0xab: {  	v7 =	vld [tilespmem:s4+$0x4A00]  }
0xac: {  	v8 =	vld [tilespmem:s4+$0x4980];
	v5 =	vshll.u32 v4, $0x3  }
0xad: {  	v4 =	vand.u32 $0x7F, v4;
	v9 =	vld [tilespmem:s4+$0x4900];
	v5 =	vand.u32 $0xFFFFFC00, v5  }
0xae: {  	v10 =	vld [tilespmem:s4+$0x4880];
	v11 =	vor.u32 v4, v5  }
0xaf: {  	v12 =	vld [tilespmem:s4+$0x4800];
	v13 =	vor.u32 $0x80, v11  }
0xb0: {  	v15 =	vor.u32 $0x100, v11;
	v14 =	vld [tilespmem:s4+$0x4A80]  }
0xb1: {  	v17 =	vor.u32 $0x180, v11;
	v16 =	vld [tilespmem:s4+$0x4B00]  }
0xb2: {  	v18 =	vor.u32 $0x200, v11;
	v4 =	vld [tilespmem:s4+$0x6A00]  }
0xb3: {  	v20 =	vor.u32 $0x280, v11;
	v19 =	vld [tilespmem:s4+$0x6800]  }
0xb4: {  	v22 =	vor.u32 $0x300, v11;
	v21 =	vld [tilespmem:s4+$0x6880]  }
0xb5: {  	v23 =	vld [tilespmem:s4+$0x6900]  }
0xb6: {  	v5 =	vld [tilespmem:s4+$0x6980]  }
0xb7: {  	[tilespmem:v11+s22+$0x0] =	vst.idx.add.f32.msk $0xffff, v12  }
0xb8: {  	[tilespmem:v13+s22+$0x0] =	vst.idx.add.f32.msk $0xffff, v10;
	v10 =	vor.u32 $0x380, v11  }
0xb9: {  	v12 =	vadd.s32 $0x2000, v11;
	[tilespmem:v15+s22+$0x0] =	vst.idx.add.f32.msk $0xffff, v9  }
0xba: {  	v13 =	vadd.s32 $0x2080, v11;
	[tilespmem:v17+s22+$0x0] =	vst.idx.add.f32.msk $0xffff, v8  }
0xbb: {  	v15 =	vadd.s32 $0x2100, v11;
	[tilespmem:v18+s22+$0x0] =	vst.idx.add.f32.msk $0xffff, v7  }
0xbc: {  	v9 =	vadd.s32 $0x2180, v11;
	[tilespmem:v20+s22+$0x0] =	vst.idx.add.f32.msk $0xffff, v14  }
.Ltmp4:
0xbd: {  	v7 =	vadd.s32 $0x2200, v11;
	[tilespmem:v22+s22+$0x0] =	vst.idx.add.f32.msk $0xffff, v16;
	(pc) =	sbr.rel @p1 .LBB2_7-.Ltmp4, $4  }
0xbe: {  	[tilespmem:v10+s22+$0x0] =	vst.idx.add.f32.msk $0xffff, v6;
	v10 =	vadd.s32 $0x2280, v11  }
0xbf: {  	v8 =	vadd.s32 $0x2300, v11;
	[tilespmem:v12+s22+$0x0] =	vst.idx.add.f32.msk $0xffff, v19  }
0xc0: {  	v6 =	vadd.s32 $0x2380, v11;
	[tilespmem:v13+s22+$0x0] =	vst.idx.add.f32.msk $0xffff, v21  }
0xc1: {  	[tilespmem:v15+s22+$0x0] =	vst.idx.add.f32.msk $0xffff, v23  }
0xc2: {  	_ =	sdelay $0x1  }
0xc3: {  	s31 =	sadd.s32 $0x1, s31  }
0xc4: {  	p1 =	sne.s32 s31, $0x4  }
.Ltmp5:
0xc5: {  	[tilespmem:v9+s22+$0x0] =	vst.idx.add.f32.msk $0xffff, v5;
	(pc) =	sbr.rel @p1 .LBB2_4-.Ltmp5, $4  }
0xc6: {  	[tilespmem:v7+s22+$0x0] =	vst.idx.add.f32.msk $0xffff, v4  }
0xc7: {  	[tilespmem:v10+s22+$0x0] =	vst.idx.add.f32.msk $0xffff, v3  }
0xc8: {  	[tilespmem:v8+s22+$0x0] =	vst.idx.add.f32.msk $0xffff, v2  }
0xc9: {  	[tilespmem:v6+s22+$0x0] =	vst.idx.add.f32.msk $0xffff, v1  }
0xca: {  	s0 =	simm.s32 $0x4000  }
0xcb: {  	[hbm4b:s8+s16] =	stream.strided.scatter [tilespmem:s22], [sflag:$0x3], $0x4000, s0, s16, $0x38;
	[tilespmem:$0x18800] =	vst v63  }
0xcc: {  	s2 =	simm.s32 $0x0;
	s0 =	simm.s32 $0x0  }
0xcd: {  	s12 =	simm.s32 $0x0;
	s2 =	sand.u32 $0x2000, s2;
	s4 =	sand.u32 $0x1C00, s0  }
0xce: {  	s12 =	sand.u32 $0x380, s12;
	_ =	swait.ge [sflag:s25], $0x4000;
	s2 =	sor.u32 s4, s2  }
0xcf: {  	s31 =	sand.u32 $0x70, s0;
	[sflag:s25] =	ssyncset.done $0x0;
	s2 =	sor.u32 s12, s2  }
0xd0: {  	[sflag:s25] =	ssyncadd.s32 $0xFFFFC000;
	s4 =	sor.u32 s31, s2  }
0xd1: {  	s24 =	simm.s32 $0x80;
	s2 =	simm.s32 $0x1;
	[tilespmem:s4+$0x8800] =	vst v0  }
.LBB2_10:
0xd2: {  	s4 =	sshll.u32 s2, $0x4;
	p1 =	sne.s32 s2, $0x3FF  }
0xd3: {  	s12 =	smov.u32 s2;
	s2 =	sadd.s32 $0x1, s2;
	s26 =	sand.u32 $0x1C00, s24  }
.Ltmp6:
0xd4: {  	s4 =	sand.u32 $0x2000, s4;
	s12 =	sshll.u32 s12, $0x1;
	(pc) =	sbr.rel @p1 .LBB2_10-.Ltmp6, $4  }
0xd5: {  	s0 =	sadd.s32 $0x10, s0;
	s12 =	sand.u32 $0x380, s12;
	s4 =	sor.u32 s26, s4  }
0xd6: {  	s26 =	sand.u32 $0x70, s0;
	s4 =	sor.u32 s12, s4  }
0xd7: {  	s4 =	sor.u32 s26, s4  }
0xd8: {  	s24 =	sadd.s32 $0x80, s24;
	[tilespmem:s4+$0x8800] =	vst v0  }
0xd9: {  	s0 =	simm.s32 $0x0  }
0xda: {  	[tilespmem:s0], [sflag:$0x1] =	stream.linear.gather [hbm4b:s9+s0], $0x200, $0x38;
	[tilespmem:$0x18800] =	vst v63  }
0xdb: {  	_ = 	snop  }
0xdc: {  	[tilespmem:s18], [sflag:$0x1] =	stream.linear.gather [hbm4b:s10+s0], $0x1000, $0x38;
	[tilespmem:$0x18800] =	vst v63  }
0xdd: {  	s2 =	sadd.s32 $0x4000, s10;
	s4 =	simm.s32 $0x2800  }
0xde: {  	[tilespmem:s4], [sflag:$0x1] =	stream.linear.gather [hbm4b:s2+s0], $0x1000, $0x38;
	[tilespmem:$0x18800] =	vst v63  }
0xdf: {  	_ =	swait.ge [sflag:s19], $0x200  }
0xe0: {  	[sflag:s19] =	ssyncset.done $0x0  }
0xe1: {  	[sflag:s19] =	ssyncadd.s32 $0xFFFFFE00  }
0xe2: {  	_ =	swait.ge [sflag:s19], $0x2000  }
0xe3: {  	s28 =	sor.u32 s0, s0;
	[sflag:s19] =	ssyncset.done $0x0  }
0xe4: {  	s2 =	sor.u32 $0x380, s28;
	[sflag:s19] =	ssyncadd.s32 $0xFFFFE000  }
0xe5: {  	s30 =	sand.u32 $0x70, s0;
	s12 =	sand.u32 $0xC00, s0;
	v6 =	vld [tilespmem:s2+$0x800]  }
0xe6: {  	s31 =	sor.u32 s30, s12;
	v4 =	vld [tilespmem:s0+$0x0]  }
0xe7: {  	v1 =	vld [tilespmem:s31+$0x2B80]  }
0xe8: {  	v2 =	vld [tilespmem:s31+$0x2B00]  }
0xe9: {  	v3 =	vld [tilespmem:s31+$0x2A80]  }
0xea: {  	v7 =	vld [tilespmem:s31+$0xA00]  }
0xeb: {  	v8 =	vld [tilespmem:s31+$0x980]  }
0xec: {  	v9 =	vld [tilespmem:s31+$0x900]  }
0xed: {  	v10 =	vld [tilespmem:s31+$0x880]  }
0xee: {  	v11 =	vld [tilespmem:s31+$0x800]  }
0xef: {  	v12 =	vld [tilespmem:s31+$0xA80];
	v5 =	vshll.u32 v4, $0x3  }
0xf0: {  	v13 =	vld [tilespmem:s31+$0xB00];
	v4 =	vand.u32 $0x7F, v4;
	v5 =	vand.u32 $0xFFFFFC00, v5  }
0xf1: {  	v16 =	vld [tilespmem:s31+$0x2800];
	v14 =	vor.u32 v4, v5  }
0xf2: {  	v18 =	vld [tilespmem:s31+$0x2880];
	v15 =	vor.u32 $0x80, v14  }
0xf3: {  	v20 =	vld [tilespmem:s31+$0x2900];
	v17 =	vor.u32 $0x100, v14  }
0xf4: {  	v4 =	vld [tilespmem:s31+$0x2A00];
	v19 =	vor.u32 $0x180, v14  }
0xf5: {  	v5 =	vld [tilespmem:s31+$0x2980];
	v21 =	vor.u32 $0x200, v14  }
0xf6: {  	v22 =	vor.u32 $0x280, v14;
	[tilespmem:v14+s22+$0x0] =	vst.idx.add.f32.msk $0xffff, v11  }
0xf7: {  	v11 =	vor.u32 $0x300, v14;
	[tilespmem:v15+s22+$0x0] =	vst.idx.add.f32.msk $0xffff, v10  }
0xf8: {  	v10 =	vor.u32 $0x380, v14;
	[tilespmem:v17+s22+$0x0] =	vst.idx.add.f32.msk $0xffff, v9  }
0xf9: {  	v9 =	vadd.s32 $0x2000, v14;
	[tilespmem:v19+s22+$0x0] =	vst.idx.add.f32.msk $0xffff, v8  }
0xfa: {  	v8 =	vadd.s32 $0x2080, v14;
	[tilespmem:v21+s22+$0x0] =	vst.idx.add.f32.msk $0xffff, v7  }
0xfb: {  	[tilespmem:v22+s22+$0x0] =	vst.idx.add.f32.msk $0xffff, v12  }
0xfc: {  	v63 =	vadd.s32 $0x2100, v14;
	[tilespmem:v11+s22+$0x0] =	vst.idx.add.f32.msk $0xffff, v13  }
0xfd: {  	v7 =	vadd.s32 $0x2180, v14;
	[tilespmem:v10+s22+$0x0] =	vst.idx.add.f32.msk $0xffff, v6  }
0xfe: {  	v6 =	vadd.s32 $0x2200, v14;
	[tilespmem:v9+s22+$0x0] =	vst.idx.add.f32.msk $0xffff, v16  }
0xff: {  	[tilespmem:v8+s22+$0x0] =	vst.idx.add.f32.msk $0xffff, v18;
	v8 =	vadd.s32 $0x2280, v14  }
0x100: {  	v9 =	vadd.s32 $0x2300, v14  }
0x101: {  	s24 =	simm.s32 $0x0;
	s2 =	simm.s32 $0x10;
	v10 =	vadd.s32 $0x2380, v14;
	[tilespmem:v63+s22+$0x0] =	vst.idx.add.f32.msk $0xffff, v20  }
.LBB2_12:
0x102: {  	p1 =	sne.s32 s2, $0x1F0;
	[tilespmem:v7+s22+$0x0] =	vst.idx.add.f32.msk $0xffff, v5;
	s0 =	sadd.s32 $0x80, s0;
	s24 =	sadd.s32 $0x10, s24  }
0x103: {  	s4 =	smov.u32 s2;
	s2 =	sadd.s32 $0x10, s2;
	[tilespmem:v6+s22+$0x0] =	vst.idx.add.f32.msk $0xffff, v4  }
0x104: {  	[tilespmem:v8+s22+$0x0] =	vst.idx.add.f32.msk $0xffff, v3  }
0x105: {  	s12 =	sor.u32 s0, s4;
	[tilespmem:v9+s22+$0x0] =	vst.idx.add.f32.msk $0xffff, v2  }
0x106: {  	s12 =	sor.u32 $0x380, s12;
	[tilespmem:v10+s22+$0x0] =	vst.idx.add.f32.msk $0xffff, v1  }
0x107: {  	s4 =	sand.u32 $0x70, s4;
	s26 =	sand.u32 $0xC00, s0;
	v8 =	vld [tilespmem:s12+$0x800]  }
0x108: {  	s4 =	sor.u32 s4, s26;
	v4 =	vld [tilespmem:s24+$0x0]  }
0x109: {  	v1 =	vld [tilespmem:s4+$0x2B80]  }
0x10a: {  	v2 =	vld [tilespmem:s4+$0x2B00]  }
0x10b: {  	v3 =	vld [tilespmem:s4+$0x2A80]  }
0x10c: {  	v6 =	vld [tilespmem:s4+$0xA00]  }
0x10d: {  	v7 =	vld [tilespmem:s4+$0x980];
	v5 =	vshll.u32 v4, $0x3  }
0x10e: {  	v4 =	vand.u32 $0x7F, v4;
	v9 =	vld [tilespmem:s4+$0x900];
	v5 =	vand.u32 $0xFFFFFC00, v5  }
0x10f: {  	v10 =	vld [tilespmem:s4+$0x880];
	v11 =	vor.u32 v4, v5  }
0x110: {  	v12 =	vld [tilespmem:s4+$0x800];
	v13 =	vor.u32 $0x80, v11  }
0x111: {  	v15 =	vor.u32 $0x100, v11;
	v14 =	vld [tilespmem:s4+$0xA80]  }
0x112: {  	v17 =	vor.u32 $0x180, v11;
	v16 =	vld [tilespmem:s4+$0xB00]  }
0x113: {  	v18 =	vor.u32 $0x200, v11;
	v4 =	vld [tilespmem:s4+$0x2A00]  }
0x114: {  	v20 =	vor.u32 $0x280, v11;
	v19 =	vld [tilespmem:s4+$0x2800]  }
0x115: {  	v22 =	vor.u32 $0x300, v11;
	v21 =	vld [tilespmem:s4+$0x2880]  }
0x116: {  	v23 =	vld [tilespmem:s4+$0x2900]  }
0x117: {  	v5 =	vld [tilespmem:s4+$0x2980]  }
0x118: {  	[tilespmem:v11+s22+$0x0] =	vst.idx.add.f32.msk $0xffff, v12  }
0x119: {  	[tilespmem:v13+s22+$0x0] =	vst.idx.add.f32.msk $0xffff, v10;
	v10 =	vor.u32 $0x380, v11  }
0x11a: {  	[tilespmem:v15+s22+$0x0] =	vst.idx.add.f32.msk $0xffff, v9;
	v9 =	vadd.s32 $0x2000, v11  }
0x11b: {  	v12 =	vadd.s32 $0x2080, v11;
	[tilespmem:v17+s22+$0x0] =	vst.idx.add.f32.msk $0xffff, v7  }
0x11c: {  	v13 =	vadd.s32 $0x2100, v11;
	[tilespmem:v18+s22+$0x0] =	vst.idx.add.f32.msk $0xffff, v6  }
0x11d: {  	v7 =	vadd.s32 $0x2180, v11;
	[tilespmem:v20+s22+$0x0] =	vst.idx.add.f32.msk $0xffff, v14  }
.Ltmp7:
0x11e: {  	v6 =	vadd.s32 $0x2200, v11;
	[tilespmem:v22+s22+$0x0] =	vst.idx.add.f32.msk $0xffff, v16;
	(pc) =	sbr.rel @p1 .LBB2_12-.Ltmp7, $4  }
0x11f: {  	[tilespmem:v10+s22+$0x0] =	vst.idx.add.f32.msk $0xffff, v8;
	v8 =	vadd.s32 $0x2280, v11  }
0x120: {  	[tilespmem:v9+s22+$0x0] =	vst.idx.add.f32.msk $0xffff, v19;
	v9 =	vadd.s32 $0x2300, v11  }
0x121: {  	v10 =	vadd.s32 $0x2380, v11;
	[tilespmem:v12+s22+$0x0] =	vst.idx.add.f32.msk $0xffff, v21  }
0x122: {  	[tilespmem:v13+s22+$0x0] =	vst.idx.add.f32.msk $0xffff, v23  }
0x123: {  	_ =	sdelay $0x3  }
0x124: {  	[tilespmem:v7+s22+$0x0] =	vst.idx.add.f32.msk $0xffff, v5  }
0x125: {  	[tilespmem:v6+s22+$0x0] =	vst.idx.add.f32.msk $0xffff, v4  }
0x126: {  	[tilespmem:v8+s22+$0x0] =	vst.idx.add.f32.msk $0xffff, v3  }
0x127: {  	[tilespmem:v9+s22+$0x0] =	vst.idx.add.f32.msk $0xffff, v2  }
0x128: {  	[tilespmem:v10+s22+$0x0] =	vst.idx.add.f32.msk $0xffff, v1  }
0x129: {  	[spmem:s11] =	stream.linear.scatter [tilespmem:s22], [sflag:$0x3], $0x4000, $0x38;
	[tilespmem:$0x18800] =	vst v63  }
.Ltmp8:
0x12a: {  	_ =	swait.ge [sflag:s25], $0x4000;
	(pc) =	sbr.rel @p0 .LBB2_17-.Ltmp8, $3  }
0x12b: {  	[sflag:s25] =	ssyncset.done $0x0  }
0x12c: {  	[sflag:s25] =	ssyncadd.s32 $0xFFFFC000  }
0x12d: {  	[bflag:$0x0] =	sbarrier.arrive $0xFFFF;
	_ =	sdelay $0x1  }
0x12e: {  	s0 =	rddreg [dreg:$0x5];
	s2 =	simm.s32 $0xC800  }
0x12f: {  	[tilespmem:s2], [sflag:$0x3] =	stream.strided.gather [spmem:s0], $0x8000, s16, s20, $0x38;
	[tilespmem:$0x18800] =	vst v63  }
0x130: {  	s24 =	simm.s32 $0x0;
	s4 =	simm.s32 $0x0;
	_ =	swait.ge [sflag:s25], $0x8000  }
0x131: {  	s30 =	sand.u32 $0x70, s24;
	s26 =	sand.u32 $0x3FFFFF80, s4;
	[sflag:s25] =	ssyncset.done $0x0  }
0x132: {  	s0 =	sor.u32 s30, s26;
	[sflag:s25] =	ssyncadd.s32 $0xFFFF8000  }
0x133: {  	v1 =	vld [tilespmem:s0+$0xC800];
	_ =	sdelay $0x1  }
0x134: {  	v2 =	vld [tilespmem:s0+$0xD000];
	_ =	sdelay $0x1  }
0x135: {  	v3 =	vld [tilespmem:s0+$0xD800]  }
0x136: {  	v1 =	vadd.f32 $0.0e+00, v1  }
0x137: {  	v4 =	vld [tilespmem:s0+$0xE000]  }
0x138: {  	v1 =	vadd.f32 v2, v1  }
0x139: {  	v2 =	vld [tilespmem:s0+$0xE800]  }
0x13a: {  	v1 =	vadd.f32 v3, v1  }
0x13b: {  	v3 =	vld [tilespmem:s0+$0xF000]  }
0x13c: {  	v1 =	vadd.f32 v4, v1  }
0x13d: {  	v60 =	vld [tilespmem:s0+$0xF800]  }
0x13e: {  	s0 =	sadd.s32 $0xC800, s0;
	v1 =	vadd.f32 v2, v1  }
0x13f: {  	v2 =	vld [tilespmem:s0+$0x3800]  }
0x140: {  	v1 =	vadd.f32 v3, v1  }
0x141: {  	v3 =	vld [tilespmem:s0+$0x4000]  }
0x142: {  	v1 =	vadd.f32 v60, v1  }
0x143: {  	v61 =	vld [tilespmem:s0+$0x4800]  }
0x144: {  	v1 =	vadd.f32 v2, v1  }
0x145: {  	v2 =	vld [tilespmem:s0+$0x5000]  }
0x146: {  	v1 =	vadd.f32 v3, v1  }
0x147: {  	v3 =	vld [tilespmem:s0+$0x5800]  }
0x148: {  	v1 =	vadd.f32 v61, v1  }
0x149: {  	v62 =	vld [tilespmem:s0+$0x6000]  }
0x14a: {  	v1 =	vadd.f32 v2, v1  }
0x14b: {  	v2 =	vld [tilespmem:s0+$0x6800]  }
0x14c: {  	v1 =	vadd.f32 v3, v1  }
0x14d: {  	v3 =	vld [tilespmem:s0+$0x7000]  }
0x14e: {  	v1 =	vadd.f32 v62, v1  }
0x14f: {  	v63 =	vld [tilespmem:s0+$0x7800]  }
0x150: {  	v1 =	vadd.f32 v2, v1;
	_ =	sdelay $0x1  }
0x151: {  	s12 =	simm.s32 $0x0;
	s28 =	simm.s32 $0x2;
	s24 =	simm.s32 $0x10;
	v1 =	vadd.f32 v3, v1  }
0x152: {  	s2 =	simm.s32 $0x10;
	s12 =	sand.u32 $0x2000, s12;
	s4 =	sand.u32 $0x380, s4  }
0x153: {  	s31 =	sand.u32 $0x70, s24;
	s12 =	sor.u32 s4, s12;
	s0 =	simm.s32 $0x1;
	v1 =	vadd.f32 v63, v1  }
.LBB2_15:
0x154: {  	p1 =	sne.s32 s28, $0x7F;
	s4 =	sand.u32 $0x3FFFFF80, s2;
	s12 =	sor.u32 s30, s12  }
0x155: {  	s30 =	smov.u32 s31;
	s4 =	sor.u32 s31, s4;
	[tilespmem:s12+$0x800] =	vst v1  }
0x156: {  	v1 =	vld [tilespmem:s4+$0xC800];
	_ =	sdelay $0x1  }
0x157: {  	v2 =	vld [tilespmem:s4+$0xD000];
	_ =	sdelay $0x1  }
0x158: {  	v3 =	vld [tilespmem:s4+$0xD800]  }
0x159: {  	v1 =	vadd.f32 $0.0e+00, v1  }
0x15a: {  	v4 =	vld [tilespmem:s4+$0xE000]  }
0x15b: {  	v1 =	vadd.f32 v2, v1  }
0x15c: {  	v2 =	vld [tilespmem:s4+$0xE800]  }
0x15d: {  	v1 =	vadd.f32 v3, v1  }
0x15e: {  	v3 =	vld [tilespmem:s4+$0xF000]  }
0x15f: {  	v1 =	vadd.f32 v4, v1  }
0x160: {  	v4 =	vld [tilespmem:s4+$0xF800]  }
0x161: {  	s4 =	sadd.s32 $0xC800, s4;
	v1 =	vadd.f32 v2, v1  }
0x162: {  	v2 =	vld [tilespmem:s4+$0x3800]  }
0x163: {  	v1 =	vadd.f32 v3, v1  }
0x164: {  	v3 =	vld [tilespmem:s4+$0x4000]  }
0x165: {  	v1 =	vadd.f32 v4, v1  }
0x166: {  	v4 =	vld [tilespmem:s4+$0x4800]  }
0x167: {  	v1 =	vadd.f32 v2, v1  }
0x168: {  	v2 =	vld [tilespmem:s4+$0x5000]  }
0x169: {  	v1 =	vadd.f32 v3, v1  }
0x16a: {  	v3 =	vld [tilespmem:s4+$0x5800]  }
0x16b: {  	v1 =	vadd.f32 v4, v1  }
0x16c: {  	v4 =	vld [tilespmem:s4+$0x6000]  }
0x16d: {  	v1 =	vadd.f32 v2, v1  }
0x16e: {  	v2 =	vld [tilespmem:s4+$0x6800]  }
0x16f: {  	v1 =	vadd.f32 v3, v1  }
0x170: {  	v3 =	vld [tilespmem:s4+$0x7000]  }
0x171: {  	v1 =	vadd.f32 v4, v1  }
0x172: {  	v4 =	vld [tilespmem:s4+$0x7800]  }
.Ltmp9:
0x173: {  	v1 =	vadd.f32 v2, v1;
	(pc) =	sbr.rel @p1 .LBB2_15-.Ltmp9, $4  }
0x174: {  	_ = 	snop  }
0x175: {  	s24 =	sadd.s32 $0x10, s24;
	s4 =	sshll.u32 s0, $0x7;
	s0 =	smov.u32 s28;
	v1 =	vadd.f32 v3, v1  }
0x176: {  	s12 =	sand.u32 $0x380, s2;
	s2 =	sshll.u32 s28, $0x4;
	s4 =	sand.u32 $0x2000, s4  }
0x177: {  	s31 =	sand.u32 $0x70, s24;
	s28 =	sadd.s32 $0x1, s28;
	s12 =	sor.u32 s12, s4;
	v1 =	vadd.f32 v4, v1  }
0x178: {  	s4 =	sand.u32 $0x3FFFFF80, s2;
	s12 =	sor.u32 s30, s12  }
0x179: {  	s4 =	sor.u32 s31, s4;
	[tilespmem:s12+$0x800] =	vst v1  }
0x17a: {  	v1 =	vld [tilespmem:s4+$0xC800];
	_ =	sdelay $0x1  }
0x17b: {  	v2 =	vld [tilespmem:s4+$0xD000];
	_ =	sdelay $0x1  }
0x17c: {  	v3 =	vld [tilespmem:s4+$0xD800]  }
0x17d: {  	v1 =	vadd.f32 $0.0e+00, v1  }
0x17e: {  	v4 =	vld [tilespmem:s4+$0xE000]  }
0x17f: {  	v1 =	vadd.f32 v2, v1  }
0x180: {  	v2 =	vld [tilespmem:s4+$0xE800]  }
0x181: {  	v1 =	vadd.f32 v3, v1  }
0x182: {  	v3 =	vld [tilespmem:s4+$0xF000]  }
0x183: {  	v1 =	vadd.f32 v4, v1  }
0x184: {  	v60 =	vld [tilespmem:s4+$0xF800]  }
0x185: {  	s4 =	sadd.s32 $0xC800, s4;
	v1 =	vadd.f32 v2, v1  }
0x186: {  	v2 =	vld [tilespmem:s4+$0x3800]  }
0x187: {  	v1 =	vadd.f32 v3, v1  }
0x188: {  	v3 =	vld [tilespmem:s4+$0x4000]  }
0x189: {  	v1 =	vadd.f32 v60, v1  }
0x18a: {  	v61 =	vld [tilespmem:s4+$0x4800]  }
0x18b: {  	v1 =	vadd.f32 v2, v1  }
0x18c: {  	v2 =	vld [tilespmem:s4+$0x5000]  }
0x18d: {  	v1 =	vadd.f32 v3, v1  }
0x18e: {  	v3 =	vld [tilespmem:s4+$0x5800]  }
0x18f: {  	v1 =	vadd.f32 v61, v1  }
0x190: {  	v62 =	vld [tilespmem:s4+$0x6000]  }
0x191: {  	v1 =	vadd.f32 v2, v1  }
0x192: {  	v2 =	vld [tilespmem:s4+$0x6800]  }
0x193: {  	v1 =	vadd.f32 v3, v1  }
0x194: {  	v3 =	vld [tilespmem:s4+$0x7000]  }
0x195: {  	v1 =	vadd.f32 v62, v1  }
0x196: {  	v63 =	vld [tilespmem:s4+$0x7800]  }
0x197: {  	v1 =	vadd.f32 v2, v1;
	_ =	sdelay $0x1  }
0x198: {  	s0 =	sshll.u32 s0, $0x7;
	v1 =	vadd.f32 v3, v1  }
0x199: {  	s28 =	sand.u32 $0x380, s2;
	s0 =	sand.u32 $0x2000, s0  }
0x19a: {  	s0 =	sor.u32 s28, s0;
	v1 =	vadd.f32 v63, v1  }
0x19b: {  	s0 =	sor.u32 s31, s0  }
0x19c: {  	[tilespmem:s0+$0x800] =	vst v1  }
0x19d: {  	[hbm4b:s13+s3] =	stream.linear.scatter [tilespmem:s18], [sflag:$0x3], $0x400, $0x38;
	[tilespmem:$0x18800] =	vst v63  }
.Ltmp10:
0x19e: {  	s30 =	sadd.s32 $0x800, s13;
	s31 =	simm.s32 $0x2800;
	(pc) =	sbr.rel .LBB2_17-.Ltmp10, $4  }
0x19f: {  	[hbm4b:s30+s3] =	stream.linear.scatter [tilespmem:s31], [sflag:$0x3], $0x400, $0x38;
	[tilespmem:$0x18800] =	vst v63  }
0x1a0: {  	_ =	swait.ge [sflag:s25], $0x800  }
0x1a1: {  	[sflag:s25] =	ssyncset.done $0x0  }
0x1a2: {  	[sflag:s25] =	ssyncadd.s32 $0xFFFFF800  }
.LBB2_18:
0x1a3: {  	_ =	sfence.sel $0x180000  }
0x1a4: {  	[bflag:$0x0] =	sbarrier.arrive $0xFFFF  }
0x1a5: {  	_ =	strace $0x9000004D  }
0x1a6: {  	s0 =	stileid.u32;
	[bflag:$0x2] =	sbarrier.arrive $0xFFFF  }
0x1a7: {  	p0 =	sne.s32 s0, $0x0;
	s0 =	rddreg [dreg:$0x3]  }
0x1a8: {  	s0 =	sadd.s32 @!p0 $0x100000, s0  }
0x1a9: {  	[sflag:s0] =	ssyncadd.tile.s32 @!p0 $0x1;
	_ =	shalt  }
.Lfunc_end2:
_tile_overlayer_lowered:
.L_overlay_start_2:
0x1aa: {  	(tag) =	ssettag $0x2  }
0x1ab: {  	s0 =	rddreg [dreg:$0x0];
	s2 =	stileid.u32  }
0x1ac: {  	s1 =	rddreg [dreg:$0x1];
	p0 =	sne.s32 s2, $0x0  }
0x1ad: {  	s3 =	rddreg [dreg:$0x2];
	[bflag:$0x3] =	sbarrier.arrive $0xFFFF;
	s2 =	simm.s32 @!p0 $0x1C03  }
0x1ae: {  	[timem:s3], [sflag:s2] =	dma.local @!p0 [hbm:s0], s1  }
0x1af: {  	s0 =	simm.s32 @!p0 $0x3  }
0x1b0: {  	_ =	swait.ge @!p0 [sflag:s0], s1  }
0x1b1: {  	s1 =	ssub.s32 @!p0 $0x0, s1;
	[sflag:s0] =	ssyncset.done @!p0 $0x0  }
0x1b2: {  	[sflag:s0] =	ssyncadd.s32 @!p0 s1  }
0x1b3: {  	[bflag:$0x3] =	sbarrier.arrive $0xFFFF  }
0x1b4: {  	_ =	shalt  }

// kernel: kernel.17.cloned.1.call-start
scs
__scs_entry_jumppad:
0x0: {  	(pc) =	sbr.rel $0x88, $3  }
0x1: {  	(tag) =	ssettag $0x0;
	lr =	simm.s32 $0x1  }
0x2: {  	[smem:$0x3F9A] =	sst lr;
	_ =	strace $0xD0000000  }
0x3: {  	_ = 	snop  }
0x4: {  	_ = 	snop  }
0x5: {  	_ = 	snop  }
0x6: {  	_ = 	snop  }
0x7: {  	_ = 	snop  }
__scs_overlays_trampoline_lowered:
0x8: {  	[smem:$0x3FA9] =	sst s0  }
0x9: {  	[smem:$0x3FAA] =	sst s1  }
0xa: {  	[smem:$0x3FAB] =	sst s2  }
0xb: {  	[smem:$0x3FAC] =	sst s3  }
0xc: {  	[smem:$0x3FAD] =	sst s4  }
0xd: {  	[smem:$0x3FAE] =	sst s5  }
0xe: {  	[smem:$0x3FAF] =	sst s6  }
0xf: {  	[smem:$0x3FB0] =	sst s7  }
0x10: {  	[smem:$0x3FB1] =	sst s8  }
0x11: {  	[smem:$0x3FB2] =	sst s9;
	s0 =	simm.s32 @!p0 $0x0  }
0x12: {  	s1 =	sld [smem:$0x3F98];
	s0 =	simm.s32 @p0 $0x1  }
0x13: {  	[smem:$0x3FB3] =	sst s0;
	s0 =	simm.s32 @!p1 $0x0  }
0x14: {  	s2 =	sld [smem:$0x3F97];
	s0 =	simm.s32 @p1 $0x1  }
0x15: {  	[smem:$0x3FB4] =	sst s0;
	s0 =	simm.s32 @!p2 $0x0  }
0x16: {  	s3 =	sld [smem:$0x3FDB];
	s0 =	simm.s32 @p2 $0x1  }
0x17: {  	s4 =	simm.s32 $0x1BF5;
	[smem:$0x3FB6] =	sst s0  }
0x18: {  	s0 =	sld [smem:$0x3F99];
	_ =	swait.ge [sflag:s4], $0x0  }
0x19: {  	s7 =	sld [smem:$0x3F9A]  }
0x1a: {  	s8 =	sadd.s32 $0xFFFFE003, lr  }
0x1b: {  	s9 =	sadd.s32 $0xFFFFFEF7, lr;
	s5 =	simm.s32 $0xFFFFFFFF;
	p2 =	slt.u32 s8, $0xFFFFF086  }
0x1c: {  	p1 =	slt.u32 s9, $0xF7A;
	s5 =	simm.s32 @!p2 $0x0  }
0x1d: {  	s5 =	simm.s32 @p1 $0x1;
	p0 =	seq.s32 s7, s2  }
0x1e: {  	s7 =	smul.u32 @!p0 $0xF7A, s2;
	p2 =	seq.s32 @!p0 s5, $0x0  }
0x1f: {  	s9 =	smul.u32 $0xF7A, s1;
	s8 =	simm.s32 @!p0 $0x1BF5;
	p2 =	por !p2, p0  }
0x20: {  	[sflag:s8] =	ssyncset.s32 @!p0 $0xFFFFF086;
	s6 =	sadd.s32 @!p0 s3, s7;
	s7 =	simm.s32 @!p0 $0x108  }
0x21: {  	s3 =	sadd.s32 s3, s9;
	s6 =	sadd.s32 @!p0 $0x88, s6;
	s7 =	simm.s32 @p2 $0x1082  }
0x22: {  	[simem:s7], [sflag:s8] =	dma.local @!p0 [hbm:s6], $0xF7A  }
0x23: {  	s9 =	sor.u32 $0xD0000000, s2;
	s6 =	simm.s32 $0x108;
	_ =	swait.ge @!p0 [sflag:s8], $0x0  }
0x24: {  	s3 =	sadd.s32 $0x88, s3;
	s6 =	simm.s32 @!p1 $0x1082;
	[sflag:s4] =	ssyncset.s32 $0xFFFFF086  }
0x25: {  	[simem:s6], [sflag:s4] =	dma.local [hbm:s3], $0xF7A  }
0x26: {  	[smem:$0x3F9A] =	sst s1;
	(tag) =	ssettag s2;
	_ =	strace s9  }
0x27: {  	s1 =	sld [smem:$0x3FAA]  }
0x28: {  	s2 =	sld [smem:$0x3FAB]  }
0x29: {  	s4 =	sld [smem:$0x3FAD]  }
0x2a: {  	p0 =	seq.s32 s5, $0x0;
	s5 =	sld [smem:$0x3FAE]  }
0x2b: {  	s6 =	sld [smem:$0x3FAF]  }
0x2c: {  	s7 =	sld [smem:$0x3FB0]  }
0x2d: {  	s3 =	simm.s32 $0x108;
	s8 =	sld [smem:$0x3FB1]  }
0x2e: {  	s3 =	simm.s32 @!p0 $0x1082;
	s9 =	sld [smem:$0x3FB2]  }
0x2f: {  	lr =	sadd.s32 s0, s3;
	s0 =	sld [smem:$0x3FA9]  }
0x30: {  	s3 =	sld [smem:$0x3FAC]  }
0x31: {  	[smem:$0x3FB5] =	sst s10  }
0x32: {  	s10 =	sld [smem:$0x3FB3];
	_ =	sdelay $0x3  }
0x33: {  	p0 =	seq.s32 s10, $0x1;
	s10 =	sld [smem:$0x3FB5];
	_ =	sdelay $0x3  }
0x34: {  	[smem:$0x3FB5] =	sst s10  }
0x35: {  	s10 =	sld [smem:$0x3FB4];
	_ =	sdelay $0x3  }
0x36: {  	p1 =	seq.s32 s10, $0x1;
	s10 =	sld [smem:$0x3FB5];
	_ =	sdelay $0x3  }
0x37: {  	[smem:$0x3FB5] =	sst s10  }
0x38: {  	s10 =	sld [smem:$0x3FB6]  }
0x39: {  	_ = 	snop;
	(pc) =	sbr.ind lr, $3  }
0x3a: {  	_ = 	snop  }
0x3b: {  	_ = 	snop  }
0x3c: {  	p2 =	seq.s32 s10, $0x1;
	s10 =	sld [smem:$0x3FB5]  }
0x3d: {  	_ =	shalt  }
0x3e: {  	_ =	shalt  }
0x3f: {  	_ =	shalt  }
0x40: {  	_ =	shalt  }
0x41: {  	_ =	shalt  }
0x42: {  	_ =	shalt  }
0x43: {  	_ =	shalt  }
0x44: {  	_ =	shalt  }
0x45: {  	_ =	shalt  }
0x46: {  	_ =	shalt  }
0x47: {  	_ =	shalt  }
0x48: {  	_ =	shalt  }
0x49: {  	_ =	shalt  }
0x4a: {  	_ =	shalt  }
0x4b: {  	_ =	shalt  }
0x4c: {  	_ =	shalt  }
0x4d: {  	_ =	shalt  }
0x4e: {  	_ =	shalt  }
0x4f: {  	_ =	shalt  }
0x50: {  	_ =	shalt  }
0x51: {  	_ =	shalt  }
0x52: {  	_ =	shalt  }
0x53: {  	_ =	shalt  }
0x54: {  	_ =	shalt  }
0x55: {  	_ =	shalt  }
0x56: {  	_ =	shalt  }
0x57: {  	_ =	shalt  }
0x58: {  	_ =	shalt  }
0x59: {  	_ =	shalt  }
0x5a: {  	_ =	shalt  }
0x5b: {  	_ =	shalt  }
0x5c: {  	_ =	shalt  }
0x5d: {  	_ =	shalt  }
0x5e: {  	_ =	shalt  }
0x5f: {  	_ =	shalt  }
0x60: {  	_ =	shalt  }
0x61: {  	_ =	shalt  }
0x62: {  	_ =	shalt  }
0x63: {  	_ =	shalt  }
0x64: {  	_ =	shalt  }
0x65: {  	_ =	shalt  }
0x66: {  	_ =	shalt  }
0x67: {  	_ =	shalt  }
0x68: {  	_ =	shalt  }
0x69: {  	_ =	shalt  }
0x6a: {  	_ =	shalt  }
0x6b: {  	_ =	shalt  }
0x6c: {  	_ =	shalt  }
0x6d: {  	_ =	shalt  }
0x6e: {  	_ =	shalt  }
0x6f: {  	_ =	shalt  }
0x70: {  	_ =	shalt  }
0x71: {  	_ =	shalt  }
0x72: {  	_ =	shalt  }
0x73: {  	_ =	shalt  }
0x74: {  	_ =	shalt  }
0x75: {  	_ =	shalt  }
0x76: {  	_ =	shalt  }
0x77: {  	_ =	shalt  }
0x78: {  	_ =	shalt  }
0x79: {  	_ =	shalt  }
0x7a: {  	_ =	shalt  }
0x7b: {  	_ =	shalt  }
0x7c: {  	_ =	shalt  }
0x7d: {  	_ =	shalt  }
0x7e: {  	_ =	shalt  }
0x7f: {  	_ =	shalt  }
0x80: {  	_ =	shalt  }
0x81: {  	_ =	shalt  }
0x82: {  	_ =	shalt  }
0x83: {  	_ =	shalt  }
0x84: {  	_ =	shalt  }
0x85: {  	_ =	shalt  }
0x86: {  	_ =	shalt  }
0x87: {  	_ =	shalt  }
.Lfunc_end0:
.L_simem_size_0:
called_computation.2_lowered:
.L_overlay_start_0:
0x88: {  	s2 =	sld [smem:$0x3FD9]  }
0x89: {  	s3 =	sld [smem:$0x3FFE];
	_ =	sdelay $0x1  }
0x8a: {  	s1 =	srdreg.scid  }
0x8b: {  	s0 =	sand.u32 $0x1, s1  }
0x8c: {  	s15 =	sshll.u32 s0, $0xA;
	s2 =	sadd.s32 s3, s2  }
0x8d: {  	s2 =	sadd.s32 s2, s15  }
0x8e: {  	[smem:$0x3FC1] =	sst s2  }
0x8f: {  	_ = 	snop  }
0x90: {  	s2 =	sld [smem:$0x3FD0];
	_ =	sdelay $0x2  }
0x91: {  	s4 =	simm.s32 $0xB;
	s16 =	simm.s32 $0x10  }
0x92: {  	[smem:s16], [sflag:s4] =	dma.local [hbm:s2], $0x1  }
0x93: {  	_ =	swait.eq [sflag:s4], $0x1  }
0x94: {  	[sflag:s4] =	ssyncset.done $0x0  }
0x95: {  	s17 =	sld [smem:$0x10];
	[sflag:s4] =	ssyncadd.s32 $0xFFFFFFFF  }
0x96: {  	s18 =	sld [smem:$0x11];
	(tm) =	ssettm $0x1  }
0x97: {  	s19 =	sld [smem:$0x3FFB];
	_ =	sdelay $0x3  }
0x98: {  	_ =	strace s19  }
0x99: {  	s2 =	sld [smem:$0x3FFC];
	_ =	sdelay $0x3  }
0x9a: {  	_ =	strace s2  }
0x9b: {  	s2 =	sld [smem:$0x3FFD];
	_ =	sdelay $0x3  }
0x9c: {  	_ =	strace s2  }
0x9d: {  	_ =	strace $0x8FFFFFFF  }
0x9e: {  	s20 =	sld [smem:$0x3FDB];
	_ =	sdelay $0x1  }
0x9f: {  	s5 =	simm.s32 $_scs_section_size  }
0xa0: {  	s6 =	simm.s32 $_size__tile_overlayer_lowered;
	s7 =	simm.s32 $_tile_overlayer_lowered  }
0xa1: {  	s8 =	simm.s32 $0x1BFF;
	s21 =	sshll.u32 s7, $0x1;
	s5 =	sadd.s32 s5, s20  }
0xa2: {  	s22 =	simm.s32 $0x0;
	s6 =	sshll.u32 s6, $0x1;
	s7 =	sadd.s32 s21, s5  }
0xa3: {  	[timem:s22], [sflag:s8] =	dma.local [hbm:s7], s6  }
0xa4: {  	_ =	swait.ge [sflag:s8], s6  }
0xa5: {  	s6 =	ssub.s32 $0x0, s6;
	[sflag:s8] =	ssyncset.done $0x0  }
0xa6: {  	[sflag:s8] =	ssyncadd.s32 s6;
	_ =	sdelay $0x1  }
0xa7: {  	s23 =	simm.s32 $0x1B8B  }
0xa8: {  	_ =	swait.ge [sflag:s23], $0x1  }
0xa9: {  	[sflag:s23] =	ssyncset.done $0x0  }
0xaa: {  	[sflag:s23] =	ssyncadd.s32 $0xFFFFFFFF  }
0xab: {  	s6 =	sld [smem:$0x0]  }
0xac: {  	s7 =	sand.u32 $0xFFFFFFFE, s1  }
0xad: {  	p0 =	sne.s32 s1, s7  }
0xae: {  	s7 =	sshll.u32 @p0 s7, $0xE  }
0xaf: {  	s7 =	sadd.s32 @p0 $0x11B8D, s7;
	s8 =	sshll.u32 @p0 s6, $0x11  }
0xb0: {  	s7 =	sor.u32 @p0 s8, s7  }
0xb1: {  	[sflag:s7] =	ssyncadd.remote.s32 @p0 $0x1;
	_ =	sdelay $0x1  }
0xb2: {  	s7 =	simm.s32 @p0 $0x1B8D  }
0xb3: {  	_ =	swait.eq @p0 [sflag:s7], $0x1  }
0xb4: {  	[sflag:s7] =	ssyncadd.s32 @p0 $0xFFFFFFFF  }
0xb5: {  	s8 =	sshll.u32 @!p0 s1, $0xE  }
0xb6: {  	s8 =	sor.u32 @!p0 $0x4000, s8;
	s7 =	simm.s32 @!p0 $0x1B8D  }
0xb7: {  	s6 =	sshll.u32 @!p0 s6, $0x11;
	s8 =	sadd.s32 @!p0 $0x11B8D, s8;
	_ =	swait.eq @!p0 [sflag:s7], $0x1  }
0xb8: {  	s6 =	sor.u32 @!p0 s6, s8;
	[sflag:s7] =	ssyncadd.s32 @!p0 $0xFFFFFFFF  }
0xb9: {  	s25 =	simm.s32 $0x1B8E;
	s24 =	sld [smem:$0x3FFE];
	[sflag:s6] =	ssyncadd.remote.s32 @!p0 $0x1  }
0xba: {  	s26 =	simm.s32 $execute0_lowered;
	[smem:$0x3FD2] =	sst s25  }
0xbb: {  	s7 =	sshll.u32 s26, $0x1;
	_ =	strace $0x80000049;
	[dreg:$0x1] =	wrdreg $0xFFFFFFFF  }
0xbc: {  	s28 =	simm.s32 $_size_execute0_lowered;
	s5 =	sadd.s32 s5, s7;
	[dreg:$0x0] =	wrdreg $0x0  }
0xbd: {  	s7 =	sshll.u32 s28, $0x1;
	[dreg:$0x2] =	wrdreg s5  }
0xbe: {  	[dreg:$0x3] =	wrdreg s7  }
0xbf: {  	[dreg:$0x4] =	wrdreg $0xC0  }
0xc0: {  	_ =	task [dreg:s22], $0x5FFFF  }
0xc1: {  	[dreg:$0x1] =	wrdreg $0xFFFFFFFF  }
0xc2: {  	[dreg:$0x0] =	wrdreg $0x60  }
0xc3: {  	[dreg:$0x2] =	wrdreg s18  }
0xc4: {  	[dreg:$0x3] =	wrdreg s17  }
0xc5: {  	[dreg:$0x4] =	wrdreg s24  }
0xc6: {  	[dreg:$0x5] =	wrdreg $0xA1000  }
0xc7: {  	[dreg:$0x6] =	wrdreg $0xA  }
0xc8: {  	_ =	task.clear_ibuf [dreg:s22], $0x7FFFF;
	_ =	strace $0x90000049  }
0xc9: {  	s29 =	simm.s32 $0xA;
	_ =	strace $0x8000004B  }
0xca: {  	_ =	swait.ge [sflag:s29], $0x1  }
0xcb: {  	[sflag:s29] =	ssyncadd.s32 $0xFFFFFFFF  }
0xcc: {  	_ =	strace $0x9000004B  }
0xcd: {  	_ =	sfence  }
0xce: {  	s30 =	sld [smem:$0x0];
	_ =	sdelay $0x2  }
0xcf: {  	s31 =	sshll.u32 s1, $0xD;
	s1 =	sshrl.u32 s1, $0x2  }
0xd0: {  	s4 =	sand.u32 $0x4000, s31;
	s1 =	sadd.s32 s1, s30  }
0xd1: {  	s0 =	sor.u32 s4, s0;
	s1 =	sshll.u32 s1, $0x11  }
0xd2: {  	s0 =	sor.u32 s1, s0  }
0xd3: {  	s0 =	sadd.s32 $0x8F2B, s0  }
0xd4: {  	[sflag:s0] =	ssyncadd.remote.s32 $0x1  }
0xd5: {  	_ =	sfence.sel $0xFFFF  }
0xd6: {  	[dreg:$0x0] =	wrdreg $0xFFFFFFFF;
	(pc) =	sbr.abs _section_cstart, $3  }
0xd7: {  	[dreg:$0x1] =	wrdreg $0xFFFFFFFF  }
0xd8: {  	_ =	task.clear_ibuf [dreg:s22], $0x2FFFF;
	_ =	strace $0x9FFFFFFF  }
0xd9: {  	(tm) =	ssettm $0x7FFFFFFF  }
tec
execute0_lowered:
.L_overlay_start_1:
0x0: {  	(tag) =	ssettag $0x1  }
0x1: {  	s1 =	srdreg.scid  }
0x2: {  	s5 =	rddreg [dreg:$0x0];
	s0 =	stileid.u32;
	s23 =	sand.u32 $0x1, s1  }
0x3: {  	s4 =	rddreg [dreg:$0x1];
	s6 =	sshll.u32 s0, $0xA;
	s1 =	sshll.u32 s23, $0x9  }
0x4: {  	s14 =	rddreg [dreg:$0x2];
	s15 =	sor.u32 s1, s6  }
0x5: {  	s2 =	rddreg [dreg:$0x3];
	s3 =	simm.s32 $0x0;
	s7 =	sshrl.u32 s15, $0x3  }
0x6: {  	[smem:$0x7FF] =	sst s3;
	s19 =	sadd.s32 s7, s4  }
0x7: {  	s1 =	rddreg [dreg:$0x4];
	_ =	strace $0x8000004A;
	s4 =	sadd.s32 $0x800, s19  }
0x8: {  	[tilespmem:s3], [sflag:$0x1] =	stream.linear.gather [hbm4b:s4+s3], $0x80, $0x38;
	[tilespmem:$0xC100] =	vst v63  }
0x9: {  	s5 =	sadd.s32 s5, s6;
	s6 =	simm.s32 $0x8100;
	s7 =	simm.s32 $0x6  }
0xa: {  	[tilespmem:s6], [sflag:$0x6] =	stream.linear.gather [hbm4b:s5+s3], $0x2000, $0x38;
	[tilespmem:$0xC100] =	vst v63  }
0xb: {  	_ =	swait.ge [sflag:s7], $0x2000  }
0xc: {  	s8 =	sshll.u32 s0, $0xD;
	[sflag:s7] =	ssyncset.done $0x0  }
0xd: {  	s8 =	sadd.s32 s8, s2;
	[sflag:s7] =	ssyncadd.s32 $0xFFFFE000  }
0xe: {  	[spmem:s8] =	stream.linear.scatter [tilespmem:s6], [sflag:$0x6], $0x2000, $0x38;
	[tilespmem:$0xC100] =	vst v63  }
0xf: {  	_ =	swait.ge [sflag:s7], $0x2000  }
0x10: {  	[sflag:s7] =	ssyncset.done $0x0  }
0x11: {  	[sflag:s7] =	ssyncadd.s32 $0xFFFFE000  }
0x12: {  	s9 =	simm.s32 $0x1;
	[bflag:$0x0] =	sbarrier.arrive $0xFFFF  }
0x13: {  	_ =	swait.ge [sflag:s9], $0x80  }
0x14: {  	[sflag:s9] =	ssyncset.done $0x0  }
0x15: {  	s11 =	simm.s32 $0x80;
	s10 =	sadd.s32 $0x810, s19;
	[sflag:s9] =	ssyncadd.s32 $0xFFFFFF80  }
0x16: {  	[tilespmem:s11], [sflag:$0x2] =	stream.linear.gather [hbm4b:s10+s3], $0x80, $0x38;
	[tilespmem:$0xC100] =	vst v63  }
0x17: {  	s12 =	simm.s32 $0x100;
	s13 =	simm.s32 $0x3  }
0x18: {  	[tilespmem:s12], [sflag:$0x3] =	stream.indirect.gather [spmem:s2], $0x80, s3, s11, $0xb8;
	[tilespmem:$0xC100] =	vst v63  }
0x19: {  	s15 =	sshll.u32 s15, $0x4;
	_ =	swait.ge [sflag:s13], $0x4000  }
0x1a: {  	s24 =	sadd.s32 s15, s14;
	[sflag:s13] =	ssyncset.done $0x0  }
0x1b: {  	s15 =	simm.s32 $0x2;
	s14 =	sadd.s32 $0x44800, s24;
	[sflag:s13] =	ssyncadd.s32 $0xFFFFC000  }
0x1c: {  	[hbm4b:s14+s3] =	stream.linear.scatter [tilespmem:s12], [sflag:$0x4], $0x4000, $0x38;
	[tilespmem:$0xC100] =	vst v63  }
0x1d: {  	_ =	swait.ge [sflag:s15], $0x80  }
0x1e: {  	[sflag:s15] =	ssyncset.done $0x0  }
0x1f: {  	s16 =	sadd.s32 $0x820, s19;
	[sflag:s15] =	ssyncadd.s32 $0xFFFFFF80  }
0x20: {  	[tilespmem:s3], [sflag:$0x1] =	stream.linear.gather [hbm4b:s16+s3], $0x80, $0x38;
	[tilespmem:$0xC100] =	vst v63  }
0x21: {  	s17 =	simm.s32 $0x4100  }
0x22: {  	[tilespmem:s17], [sflag:$0x3] =	stream.indirect.gather [spmem:s2], $0x80, s11, s11, $0xb8;
	[tilespmem:$0xC100] =	vst v63  }
0x23: {  	_ =	swait.ge [sflag:s13], $0x4000  }
0x24: {  	[sflag:s13] =	ssyncset.done $0x0  }
0x25: {  	s18 =	sadd.s32 $0x45000, s24;
	[sflag:s13] =	ssyncadd.s32 $0xFFFFC000  }
0x26: {  	[hbm4b:s18+s3] =	stream.linear.scatter [tilespmem:s17], [sflag:$0x5], $0x4000, $0x38;
	[tilespmem:$0xC100] =	vst v63  }
0x27: {  	_ =	swait.ge [sflag:s9], $0x80  }
0x28: {  	[sflag:s9] =	ssyncset.done $0x0  }
0x29: {  	s20 =	simm.s32 $0x4;
	s19 =	sadd.s32 $0x830, s19;
	[sflag:s9] =	ssyncadd.s32 $0xFFFFFF80  }
0x2a: {  	[tilespmem:s11], [sflag:$0x2] =	stream.linear.gather [hbm4b:s19+s3], $0x80, $0x38;
	[tilespmem:$0xC100] =	vst v63  }
0x2b: {  	_ =	swait.ge [sflag:s20], $0x4000  }
0x2c: {  	[sflag:s20] =	ssyncset.done $0x0  }
0x2d: {  	[sflag:s20] =	ssyncadd.s32 $0xFFFFC000  }
0x2e: {  	[tilespmem:s12], [sflag:$0x3] =	stream.indirect.gather [spmem:s2], $0x80, s3, s11, $0xb8;
	[tilespmem:$0xC100] =	vst v63  }
0x2f: {  	_ =	swait.ge [sflag:s13], $0x4000  }
0x30: {  	[sflag:s13] =	ssyncset.done $0x0  }
0x31: {  	s21 =	sadd.s32 $0x45800, s24;
	[sflag:s13] =	ssyncadd.s32 $0xFFFFC000  }
0x32: {  	[hbm4b:s21+s3] =	stream.linear.scatter [tilespmem:s12], [sflag:$0x4], $0x4000, $0x38;
	[tilespmem:$0xC100] =	vst v63  }
0x33: {  	_ =	swait.ge [sflag:s15], $0x80  }
0x34: {  	[sflag:s15] =	ssyncset.done $0x0  }
0x35: {  	s22 =	simm.s32 $0x5;
	[sflag:s15] =	ssyncadd.s32 $0xFFFFFF80  }
0x36: {  	_ =	swait.ge [sflag:s22], $0x4000  }
0x37: {  	s25 =	ssub.s32 $0x2, s23;
	[sflag:s22] =	ssyncset.done $0x0  }
0x38: {  	s31 =	sshrl.u32 s25, $0x1;
	[sflag:s22] =	ssyncadd.s32 $0xFFFFC000  }
0x39: {  	[tilespmem:s17], [sflag:$0x3] =	stream.indirect.gather [spmem:s2], $0x80, s11, s11, $0xb8;
	[tilespmem:$0xC100] =	vst v63  }
0x3a: {  	s23 =	sadd.s32 $0x46000, s24;
	s24 =	ssub.s32 s25, s31;
	_ =	swait.ge [sflag:s13], $0x4000  }
0x3b: {  	s24 =	smax.u32 s24, $0x1;
	[sflag:s13] =	ssyncset.done $0x0  }
0x3c: {  	p0 =	sne.s32 s24, $0x1;
	[sflag:s13] =	ssyncadd.s32 $0xFFFFC000  }
0x3d: {  	[hbm4b:s23+s3] =	stream.linear.scatter [tilespmem:s17], [sflag:$0x5], $0x4000, $0x38;
	[tilespmem:$0xC100] =	vst v63  }
.Ltmp0:
0x3e: {  	_ =	swait.ge [sflag:s20], $0x4000;
	(pc) =	sbr.rel @!p0 .LBB2_2-.Ltmp0, $4  }
0x3f: {  	[sflag:s20] =	ssyncset.done $0x0  }
0x40: {  	[sflag:s20] =	ssyncadd.s32 $0xFFFFC000  }
0x41: {  	_ =	swait.ge [sflag:s22], $0x4000  }
0x42: {  	s24 =	sadd.s32 $0xFFFFFFFF, s24;
	[sflag:s22] =	ssyncset.done $0x0  }
.LBB2_1:
0x43: {  	p0 =	sne.s32 s24, $0x1;
	s24 =	sadd.s32 $0xFFFFFFFF, s24;
	[sflag:s22] =	ssyncadd.s32 $0xFFFFC000  }
0x44: {  	[tilespmem:s3], [sflag:$0x1] =	stream.linear.gather [hbm4b:s4+s3], $0x80, $0x38;
	[tilespmem:$0xC100] =	vst v63  }
0x45: {  	_ = 	snop  }
0x46: {  	[tilespmem:s6], [sflag:$0x6] =	stream.linear.gather [hbm4b:s5+s3], $0x2000, $0x38;
	[tilespmem:$0xC100] =	vst v63  }
0x47: {  	_ =	swait.ge [sflag:s7], $0x2000  }
0x48: {  	[sflag:s7] =	ssyncset.done $0x0  }
0x49: {  	[sflag:s7] =	ssyncadd.s32 $0xFFFFE000  }
0x4a: {  	[spmem:s8] =	stream.linear.scatter [tilespmem:s6], [sflag:$0x6], $0x2000, $0x38;
	[tilespmem:$0xC100] =	vst v63  }
0x4b: {  	_ =	swait.ge [sflag:s7], $0x2000  }
0x4c: {  	[sflag:s7] =	ssyncset.done $0x0  }
0x4d: {  	[sflag:s7] =	ssyncadd.s32 $0xFFFFE000  }
0x4e: {  	[bflag:$0x0] =	sbarrier.arrive $0xFFFF  }
0x4f: {  	_ =	swait.ge [sflag:s9], $0x80  }
0x50: {  	[sflag:s9] =	ssyncset.done $0x0  }
0x51: {  	[sflag:s9] =	ssyncadd.s32 $0xFFFFFF80  }
0x52: {  	[tilespmem:s11], [sflag:$0x2] =	stream.linear.gather [hbm4b:s10+s3], $0x80, $0x38;
	[tilespmem:$0xC100] =	vst v63  }
0x53: {  	_ = 	snop  }
0x54: {  	[tilespmem:s12], [sflag:$0x3] =	stream.indirect.gather [spmem:s2], $0x80, s3, s11, $0xb8;
	[tilespmem:$0xC100] =	vst v63  }
0x55: {  	_ =	swait.ge [sflag:s13], $0x4000  }
0x56: {  	[sflag:s13] =	ssyncset.done $0x0  }
0x57: {  	[sflag:s13] =	ssyncadd.s32 $0xFFFFC000  }
0x58: {  	[hbm4b:s14+s3] =	stream.linear.scatter [tilespmem:s12], [sflag:$0x4], $0x4000, $0x38;
	[tilespmem:$0xC100] =	vst v63  }
0x59: {  	_ =	swait.ge [sflag:s15], $0x80  }
0x5a: {  	[sflag:s15] =	ssyncset.done $0x0  }
0x5b: {  	[sflag:s15] =	ssyncadd.s32 $0xFFFFFF80  }
0x5c: {  	[tilespmem:s3], [sflag:$0x1] =	stream.linear.gather [hbm4b:s16+s3], $0x80, $0x38;
	[tilespmem:$0xC100] =	vst v63  }
0x5d: {  	_ = 	snop  }
0x5e: {  	[tilespmem:s17], [sflag:$0x3] =	stream.indirect.gather [spmem:s2], $0x80, s11, s11, $0xb8;
	[tilespmem:$0xC100] =	vst v63  }
0x5f: {  	_ =	swait.ge [sflag:s13], $0x4000  }
0x60: {  	[sflag:s13] =	ssyncset.done $0x0  }
0x61: {  	[sflag:s13] =	ssyncadd.s32 $0xFFFFC000  }
0x62: {  	[hbm4b:s18+s3] =	stream.linear.scatter [tilespmem:s17], [sflag:$0x5], $0x4000, $0x38;
	[tilespmem:$0xC100] =	vst v63  }
0x63: {  	_ =	swait.ge [sflag:s9], $0x80  }
0x64: {  	[sflag:s9] =	ssyncset.done $0x0  }
0x65: {  	[sflag:s9] =	ssyncadd.s32 $0xFFFFFF80  }
0x66: {  	[tilespmem:s11], [sflag:$0x2] =	stream.linear.gather [hbm4b:s19+s3], $0x80, $0x38;
	[tilespmem:$0xC100] =	vst v63  }
0x67: {  	_ =	swait.ge [sflag:s20], $0x4000  }
0x68: {  	[sflag:s20] =	ssyncset.done $0x0  }
0x69: {  	[sflag:s20] =	ssyncadd.s32 $0xFFFFC000  }
0x6a: {  	[tilespmem:s12], [sflag:$0x3] =	stream.indirect.gather [spmem:s2], $0x80, s3, s11, $0xb8;
	[tilespmem:$0xC100] =	vst v63  }
0x6b: {  	_ =	swait.ge [sflag:s13], $0x4000  }
0x6c: {  	[sflag:s13] =	ssyncset.done $0x0  }
0x6d: {  	[sflag:s13] =	ssyncadd.s32 $0xFFFFC000  }
0x6e: {  	[hbm4b:s21+s3] =	stream.linear.scatter [tilespmem:s12], [sflag:$0x4], $0x4000, $0x38;
	[tilespmem:$0xC100] =	vst v63  }
0x6f: {  	_ =	swait.ge [sflag:s15], $0x80  }
0x70: {  	[sflag:s15] =	ssyncset.done $0x0  }
0x71: {  	[sflag:s15] =	ssyncadd.s32 $0xFFFFFF80  }
0x72: {  	_ =	swait.ge [sflag:s22], $0x4000  }
0x73: {  	[sflag:s22] =	ssyncset.done $0x0  }
0x74: {  	[sflag:s22] =	ssyncadd.s32 $0xFFFFC000  }
0x75: {  	[tilespmem:s17], [sflag:$0x3] =	stream.indirect.gather [spmem:s2], $0x80, s11, s11, $0xb8;
	[tilespmem:$0xC100] =	vst v63  }
0x76: {  	_ =	swait.ge [sflag:s13], $0x4000  }
0x77: {  	[sflag:s13] =	ssyncset.done $0x0  }
0x78: {  	[sflag:s13] =	ssyncadd.s32 $0xFFFFC000  }
0x79: {  	[hbm4b:s23+s3] =	stream.linear.scatter [tilespmem:s17], [sflag:$0x5], $0x4000, $0x38;
	[tilespmem:$0xC100] =	vst v63  }
.Ltmp1:
0x7a: {  	_ =	swait.ge [sflag:s20], $0x4000;
	(pc) =	sbr.rel @p0 .LBB2_1-.Ltmp1, $4  }
0x7b: {  	[sflag:s20] =	ssyncset.done $0x0  }
0x7c: {  	[sflag:s20] =	ssyncadd.s32 $0xFFFFC000  }
0x7d: {  	_ =	swait.ge [sflag:s22], $0x4000  }
0x7e: {  	[sflag:s22] =	ssyncset.done $0x0  }
.LBB2_2:
0x7f: {  	[sflag:s22] =	ssyncadd.s32 $0xFFFFC000  }
0x80: {  	_ =	sfence.sel $0x180000  }
0x81: {  	[bflag:$0x0] =	sbarrier.arrive $0xFFFF  }
0x82: {  	p0 =	sne.s32 s0, $0x0;
	_ =	strace $0x9000004A  }
0x83: {  	s0 =	sadd.s32 @!p0 $0x100000, s1;
	[bflag:$0x2] =	sbarrier.arrive $0xFFFF  }
0x84: {  	[sflag:s0] =	ssyncadd.tile.s32 @!p0 $0x1;
	_ =	shalt  }
.Lfunc_end2:
_tile_overlayer_lowered:
.L_overlay_start_2:
0x85: {  	(tag) =	ssettag $0x2  }
0x86: {  	s0 =	rddreg [dreg:$0x0];
	s2 =	stileid.u32  }
0x87: {  	s1 =	rddreg [dreg:$0x1];
	p0 =	sne.s32 s2, $0x0  }
0x88: {  	s3 =	rddreg [dreg:$0x2];
	[bflag:$0x3] =	sbarrier.arrive $0xFFFF;
	s2 =	simm.s32 @!p0 $0x1C06  }
0x89: {  	[timem:s3], [sflag:s2] =	dma.local @!p0 [hbm:s0], s1  }
0x8a: {  	s0 =	simm.s32 @!p0 $0x6  }
0x8b: {  	_ =	swait.ge @!p0 [sflag:s0], s1  }
0x8c: {  	s1 =	ssub.s32 @!p0 $0x0, s1;
	[sflag:s0] =	ssyncset.done @!p0 $0x0  }
0x8d: {  	[sflag:s0] =	ssyncadd.s32 @!p0 s1  }
0x8e: {  	[bflag:$0x3] =	sbarrier.arrive $0xFFFF  }
0x8f: {  	_ =	shalt  }

// kernel: kernel.20.cloned.1.call-start
scs
__scs_entry_jumppad:
0x0: {  	(pc) =	sbr.rel $0x88, $3  }
0x1: {  	(tag) =	ssettag $0x0;
	lr =	simm.s32 $0x1  }
0x2: {  	[smem:$0x3F9A] =	sst lr;
	_ =	strace $0xD0000000  }
0x3: {  	_ = 	snop  }
0x4: {  	_ = 	snop  }
0x5: {  	_ = 	snop  }
0x6: {  	_ = 	snop  }
0x7: {  	_ = 	snop  }
__scs_overlays_trampoline_lowered:
0x8: {  	[smem:$0x3FA9] =	sst s0  }
0x9: {  	[smem:$0x3FAA] =	sst s1  }
0xa: {  	[smem:$0x3FAB] =	sst s2  }
0xb: {  	[smem:$0x3FAC] =	sst s3  }
0xc: {  	[smem:$0x3FAD] =	sst s4  }
0xd: {  	[smem:$0x3FAE] =	sst s5  }
0xe: {  	[smem:$0x3FAF] =	sst s6  }
0xf: {  	[smem:$0x3FB0] =	sst s7  }
0x10: {  	[smem:$0x3FB1] =	sst s8  }
0x11: {  	[smem:$0x3FB2] =	sst s9;
	s0 =	simm.s32 @!p0 $0x0  }
0x12: {  	s1 =	sld [smem:$0x3F98];
	s0 =	simm.s32 @p0 $0x1  }
0x13: {  	[smem:$0x3FB3] =	sst s0;
	s0 =	simm.s32 @!p1 $0x0  }
0x14: {  	s2 =	sld [smem:$0x3F97];
	s0 =	simm.s32 @p1 $0x1  }
0x15: {  	[smem:$0x3FB4] =	sst s0;
	s0 =	simm.s32 @!p2 $0x0  }
0x16: {  	s3 =	sld [smem:$0x3FDB];
	s0 =	simm.s32 @p2 $0x1  }
0x17: {  	s4 =	simm.s32 $0x1BF5;
	[smem:$0x3FB6] =	sst s0  }
0x18: {  	s0 =	sld [smem:$0x3F99];
	_ =	swait.ge [sflag:s4], $0x0  }
0x19: {  	s7 =	sld [smem:$0x3F9A]  }
0x1a: {  	s8 =	sadd.s32 $0xFFFFE003, lr  }
0x1b: {  	s9 =	sadd.s32 $0xFFFFFEF7, lr;
	s5 =	simm.s32 $0xFFFFFFFF;
	p2 =	slt.u32 s8, $0xFFFFF086  }
0x1c: {  	p1 =	slt.u32 s9, $0xF7A;
	s5 =	simm.s32 @!p2 $0x0  }
0x1d: {  	s5 =	simm.s32 @p1 $0x1;
	p0 =	seq.s32 s7, s2  }
0x1e: {  	s7 =	smul.u32 @!p0 $0xF7A, s2;
	p2 =	seq.s32 @!p0 s5, $0x0  }
0x1f: {  	s9 =	smul.u32 $0xF7A, s1;
	s8 =	simm.s32 @!p0 $0x1BF5;
	p2 =	por !p2, p0  }
0x20: {  	[sflag:s8] =	ssyncset.s32 @!p0 $0xFFFFF086;
	s6 =	sadd.s32 @!p0 s3, s7;
	s7 =	simm.s32 @!p0 $0x108  }
0x21: {  	s3 =	sadd.s32 s3, s9;
	s6 =	sadd.s32 @!p0 $0x88, s6;
	s7 =	simm.s32 @p2 $0x1082  }
0x22: {  	[simem:s7], [sflag:s8] =	dma.local @!p0 [hbm:s6], $0xF7A  }
0x23: {  	s9 =	sor.u32 $0xD0000000, s2;
	s6 =	simm.s32 $0x108;
	_ =	swait.ge @!p0 [sflag:s8], $0x0  }
0x24: {  	s3 =	sadd.s32 $0x88, s3;
	s6 =	simm.s32 @!p1 $0x1082;
	[sflag:s4] =	ssyncset.s32 $0xFFFFF086  }
0x25: {  	[simem:s6], [sflag:s4] =	dma.local [hbm:s3], $0xF7A  }
0x26: {  	[smem:$0x3F9A] =	sst s1;
	(tag) =	ssettag s2;
	_ =	strace s9  }
0x27: {  	s1 =	sld [smem:$0x3FAA]  }
0x28: {  	s2 =	sld [smem:$0x3FAB]  }
0x29: {  	s4 =	sld [smem:$0x3FAD]  }
0x2a: {  	p0 =	seq.s32 s5, $0x0;
	s5 =	sld [smem:$0x3FAE]  }
0x2b: {  	s6 =	sld [smem:$0x3FAF]  }
0x2c: {  	s7 =	sld [smem:$0x3FB0]  }
0x2d: {  	s3 =	simm.s32 $0x108;
	s8 =	sld [smem:$0x3FB1]  }
0x2e: {  	s3 =	simm.s32 @!p0 $0x1082;
	s9 =	sld [smem:$0x3FB2]  }
0x2f: {  	lr =	sadd.s32 s0, s3;
	s0 =	sld [smem:$0x3FA9]  }
0x30: {  	s3 =	sld [smem:$0x3FAC]  }
0x31: {  	[smem:$0x3FB5] =	sst s10  }
0x32: {  	s10 =	sld [smem:$0x3FB3];
	_ =	sdelay $0x3  }
0x33: {  	p0 =	seq.s32 s10, $0x1;
	s10 =	sld [smem:$0x3FB5];
	_ =	sdelay $0x3  }
0x34: {  	[smem:$0x3FB5] =	sst s10  }
0x35: {  	s10 =	sld [smem:$0x3FB4];
	_ =	sdelay $0x3  }
0x36: {  	p1 =	seq.s32 s10, $0x1;
	s10 =	sld [smem:$0x3FB5];
	_ =	sdelay $0x3  }
0x37: {  	[smem:$0x3FB5] =	sst s10  }
0x38: {  	s10 =	sld [smem:$0x3FB6]  }
0x39: {  	_ = 	snop;
	(pc) =	sbr.ind lr, $3  }
0x3a: {  	_ = 	snop  }
0x3b: {  	_ = 	snop  }
0x3c: {  	p2 =	seq.s32 s10, $0x1;
	s10 =	sld [smem:$0x3FB5]  }
0x3d: {  	_ =	shalt  }
0x3e: {  	_ =	shalt  }
0x3f: {  	_ =	shalt  }
0x40: {  	_ =	shalt  }
0x41: {  	_ =	shalt  }
0x42: {  	_ =	shalt  }
0x43: {  	_ =	shalt  }
0x44: {  	_ =	shalt  }
0x45: {  	_ =	shalt  }
0x46: {  	_ =	shalt  }
0x47: {  	_ =	shalt  }
0x48: {  	_ =	shalt  }
0x49: {  	_ =	shalt  }
0x4a: {  	_ =	shalt  }
0x4b: {  	_ =	shalt  }
0x4c: {  	_ =	shalt  }
0x4d: {  	_ =	shalt  }
0x4e: {  	_ =	shalt  }
0x4f: {  	_ =	shalt  }
0x50: {  	_ =	shalt  }
0x51: {  	_ =	shalt  }
0x52: {  	_ =	shalt  }
0x53: {  	_ =	shalt  }
0x54: {  	_ =	shalt  }
0x55: {  	_ =	shalt  }
0x56: {  	_ =	shalt  }
0x57: {  	_ =	shalt  }
0x58: {  	_ =	shalt  }
0x59: {  	_ =	shalt  }
0x5a: {  	_ =	shalt  }
0x5b: {  	_ =	shalt  }
0x5c: {  	_ =	shalt  }
0x5d: {  	_ =	shalt  }
0x5e: {  	_ =	shalt  }
0x5f: {  	_ =	shalt  }
0x60: {  	_ =	shalt  }
0x61: {  	_ =	shalt  }
0x62: {  	_ =	shalt  }
0x63: {  	_ =	shalt  }
0x64: {  	_ =	shalt  }
0x65: {  	_ =	shalt  }
0x66: {  	_ =	shalt  }
0x67: {  	_ =	shalt  }
0x68: {  	_ =	shalt  }
0x69: {  	_ =	shalt  }
0x6a: {  	_ =	shalt  }
0x6b: {  	_ =	shalt  }
0x6c: {  	_ =	shalt  }
0x6d: {  	_ =	shalt  }
0x6e: {  	_ =	shalt  }
0x6f: {  	_ =	shalt  }
0x70: {  	_ =	shalt  }
0x71: {  	_ =	shalt  }
0x72: {  	_ =	shalt  }
0x73: {  	_ =	shalt  }
0x74: {  	_ =	shalt  }
0x75: {  	_ =	shalt  }
0x76: {  	_ =	shalt  }
0x77: {  	_ =	shalt  }
0x78: {  	_ =	shalt  }
0x79: {  	_ =	shalt  }
0x7a: {  	_ =	shalt  }
0x7b: {  	_ =	shalt  }
0x7c: {  	_ =	shalt  }
0x7d: {  	_ =	shalt  }
0x7e: {  	_ =	shalt  }
0x7f: {  	_ =	shalt  }
0x80: {  	_ =	shalt  }
0x81: {  	_ =	shalt  }
0x82: {  	_ =	shalt  }
0x83: {  	_ =	shalt  }
0x84: {  	_ =	shalt  }
0x85: {  	_ =	shalt  }
0x86: {  	_ =	shalt  }
0x87: {  	_ =	shalt  }
.Lfunc_end0:
.L_simem_size_0:
called_computation.3_lowered:
.L_overlay_start_0:
0x88: {  	s2 =	sld [smem:$0x3FD9]  }
0x89: {  	s3 =	sld [smem:$0x3FFE];
	_ =	sdelay $0x1  }
0x8a: {  	s1 =	srdreg.scid  }
0x8b: {  	s0 =	sand.u32 $0x1, s1  }
0x8c: {  	s15 =	sshll.u32 s0, $0xA;
	s2 =	sadd.s32 s3, s2  }
0x8d: {  	s2 =	sadd.s32 s2, s15  }
0x8e: {  	[smem:$0x3FC1] =	sst s2  }
0x8f: {  	_ = 	snop  }
0x90: {  	s2 =	sld [smem:$0x3FD0];
	_ =	sdelay $0x2  }
0x91: {  	s4 =	simm.s32 $0xB;
	s16 =	simm.s32 $0x10  }
0x92: {  	[smem:s16], [sflag:s4] =	dma.local [hbm:s2], $0x1  }
0x93: {  	_ =	swait.eq [sflag:s4], $0x1  }
0x94: {  	[sflag:s4] =	ssyncset.done $0x0  }
0x95: {  	s17 =	sld [smem:$0x10];
	[sflag:s4] =	ssyncadd.s32 $0xFFFFFFFF  }
0x96: {  	s18 =	sld [smem:$0x11];
	(tm) =	ssettm $0x1  }
0x97: {  	s19 =	sld [smem:$0x3FFB];
	_ =	sdelay $0x3  }
0x98: {  	_ =	strace s19  }
0x99: {  	s2 =	sld [smem:$0x3FFC];
	_ =	sdelay $0x3  }
0x9a: {  	_ =	strace s2  }
0x9b: {  	s2 =	sld [smem:$0x3FFD];
	_ =	sdelay $0x3  }
0x9c: {  	_ =	strace s2  }
0x9d: {  	_ =	strace $0x8FFFFFFF  }
0x9e: {  	s20 =	sld [smem:$0x3FDB];
	_ =	sdelay $0x1  }
0x9f: {  	s5 =	simm.s32 $_scs_section_size  }
0xa0: {  	s6 =	simm.s32 $_size__tile_overlayer_lowered;
	s7 =	simm.s32 $_tile_overlayer_lowered  }
0xa1: {  	s8 =	simm.s32 $0x1BFF;
	s21 =	sshll.u32 s7, $0x1;
	s5 =	sadd.s32 s5, s20  }
0xa2: {  	s22 =	simm.s32 $0x0;
	s6 =	sshll.u32 s6, $0x1;
	s7 =	sadd.s32 s21, s5  }
0xa3: {  	[timem:s22], [sflag:s8] =	dma.local [hbm:s7], s6  }
0xa4: {  	_ =	swait.ge [sflag:s8], s6  }
0xa5: {  	s6 =	ssub.s32 $0x0, s6;
	[sflag:s8] =	ssyncset.done $0x0  }
0xa6: {  	[sflag:s8] =	ssyncadd.s32 s6;
	_ =	sdelay $0x1  }
0xa7: {  	s23 =	simm.s32 $0x1B8B  }
0xa8: {  	_ =	swait.ge [sflag:s23], $0x1  }
0xa9: {  	[sflag:s23] =	ssyncset.done $0x0  }
0xaa: {  	[sflag:s23] =	ssyncadd.s32 $0xFFFFFFFF  }
0xab: {  	s6 =	sld [smem:$0x0]  }
0xac: {  	s7 =	sand.u32 $0xFFFFFFFE, s1  }
0xad: {  	p0 =	sne.s32 s1, s7  }
0xae: {  	s7 =	sshll.u32 @p0 s7, $0xE  }
0xaf: {  	s7 =	sadd.s32 @p0 $0x11B8D, s7;
	s8 =	sshll.u32 @p0 s6, $0x11  }
0xb0: {  	s7 =	sor.u32 @p0 s8, s7  }
0xb1: {  	[sflag:s7] =	ssyncadd.remote.s32 @p0 $0x1;
	_ =	sdelay $0x1  }
0xb2: {  	s7 =	simm.s32 @p0 $0x1B8D  }
0xb3: {  	_ =	swait.eq @p0 [sflag:s7], $0x1  }
0xb4: {  	[sflag:s7] =	ssyncadd.s32 @p0 $0xFFFFFFFF  }
0xb5: {  	s8 =	sshll.u32 @!p0 s1, $0xE  }
0xb6: {  	s8 =	sor.u32 @!p0 $0x4000, s8;
	s7 =	simm.s32 @!p0 $0x1B8D  }
0xb7: {  	s6 =	sshll.u32 @!p0 s6, $0x11;
	s8 =	sadd.s32 @!p0 $0x11B8D, s8;
	_ =	swait.eq @!p0 [sflag:s7], $0x1  }
0xb8: {  	s6 =	sor.u32 @!p0 s6, s8;
	[sflag:s7] =	ssyncadd.s32 @!p0 $0xFFFFFFFF  }
0xb9: {  	s25 =	simm.s32 $0x1B8E;
	s24 =	sld [smem:$0x3FFE];
	[sflag:s6] =	ssyncadd.remote.s32 @!p0 $0x1  }
0xba: {  	s26 =	simm.s32 $execute0_lowered;
	[smem:$0x3FD2] =	sst s25  }
0xbb: {  	s7 =	sshll.u32 s26, $0x1;
	_ =	strace $0x8000004F;
	[dreg:$0x1] =	wrdreg $0xFFFFFFFF  }
0xbc: {  	s28 =	simm.s32 $_size_execute0_lowered;
	s5 =	sadd.s32 s5, s7;
	[dreg:$0x0] =	wrdreg $0x0  }
0xbd: {  	s7 =	sshll.u32 s28, $0x1;
	[dreg:$0x2] =	wrdreg s5  }
0xbe: {  	[dreg:$0x3] =	wrdreg s7  }
0xbf: {  	[dreg:$0x4] =	wrdreg $0xC0  }
0xc0: {  	_ =	task [dreg:s22], $0x5FFFF  }
0xc1: {  	[dreg:$0x1] =	wrdreg $0xFFFFFFFF  }
0xc2: {  	[dreg:$0x0] =	wrdreg $0x60  }
0xc3: {  	[dreg:$0x2] =	wrdreg s24  }
0xc4: {  	[dreg:$0x3] =	wrdreg s17  }
0xc5: {  	[dreg:$0x4] =	wrdreg s18  }
0xc6: {  	[dreg:$0x5] =	wrdreg $0x148000  }
0xc7: {  	[dreg:$0x6] =	wrdreg $0xA  }
0xc8: {  	_ =	task.clear_ibuf [dreg:s22], $0x7FFFF;
	_ =	strace $0x9000004F  }
0xc9: {  	s29 =	simm.s32 $0xA;
	_ =	strace $0x80000051  }
0xca: {  	_ =	swait.ge [sflag:s29], $0x1  }
0xcb: {  	[sflag:s29] =	ssyncadd.s32 $0xFFFFFFFF  }
0xcc: {  	_ =	strace $0x90000051  }
0xcd: {  	_ =	sfence  }
0xce: {  	s30 =	sld [smem:$0x0];
	_ =	sdelay $0x2  }
0xcf: {  	s31 =	sshll.u32 s1, $0xD;
	s1 =	sshrl.u32 s1, $0x2  }
0xd0: {  	s4 =	sand.u32 $0x4000, s31;
	s1 =	sadd.s32 s1, s30  }
0xd1: {  	s0 =	sor.u32 s4, s0;
	s1 =	sshll.u32 s1, $0x11  }
0xd2: {  	s0 =	sor.u32 s1, s0  }
0xd3: {  	s0 =	sadd.s32 $0x8F2B, s0  }
0xd4: {  	[sflag:s0] =	ssyncadd.remote.s32 $0x1  }
0xd5: {  	_ =	sfence.sel $0xFFFF  }
0xd6: {  	[dreg:$0x0] =	wrdreg $0xFFFFFFFF;
	(pc) =	sbr.abs _section_cstart, $3  }
0xd7: {  	[dreg:$0x1] =	wrdreg $0xFFFFFFFF  }
0xd8: {  	_ =	task.clear_ibuf [dreg:s22], $0x2FFFF;
	_ =	strace $0x9FFFFFFF  }
0xd9: {  	(tm) =	ssettm $0x7FFFFFFF  }
tec
execute0_lowered:
.L_overlay_start_1:
0x0: {  	(tag) =	ssettag $0x1  }
0x1: {  	s0 =	rddreg [dreg:$0x0]  }
0x2: {  	s1 =	rddreg [dreg:$0x1]  }
0x3: {  	s2 =	rddreg [dreg:$0x2]  }
0x4: {  	s13 =	rddreg [dreg:$0x3]  }
0x5: {  	s4 =	srdreg.scid;
	s3 =	simm.s32 $0x0;
	s24 =	stileid.u32  }
0x6: {  	s16 =	simm.s32 $0x2000;
	s17 =	simm.s32 $0x20000;
	s18 =	simm.s32 $0x800  }
0x7: {  	s19 =	simm.s32 $0x1;
	s20 =	simm.s32 $0x400;
	s21 =	simm.s32 $0x4800  }
0x8: {  	s22 =	simm.s32 $0x8800;
	s23 =	simm.s32 $0x2;
	s25 =	simm.s32 $0x3  }
0x9: {  	s29 =	simm.s32 $0x0;
	s9 =	sand.u32 $0x1, s4;
	[smem:$0x7FF] =	sst s3  }
0xa: {  	s5 =	sshll.u32 s24, $0xA;
	s12 =	sshll.u32 s24, $0x9;
	s14 =	sshll.u32 s24, $0xC  }
0xb: {  	s30 =	sshll.u32 s24, $0xE;
	p0 =	sgt.u32 s24, $0x7;
	s4 =	sshll.u32 s9, $0xD  }
0xc: {  	_ =	strace $0x80000050;
	s6 =	ssub.s32 $0x2, s9;
	s9 =	sshll.u32 s9, $0xA  }
0xd: {  	s11 =	sadd.s32 s4, s0;
	s5 =	sadd.s32 s5, s4;
	s4 =	sor.u32 $0x4000, s4  }
0xe: {  	s7 =	sshrl.u32 s6, $0x1;
	s2 =	sadd.s32 s2, s9;
	s5 =	sshrl.u32 s5, $0x3  }
0xf: {  	s8 =	sshrl.u32 s4, $0x3;
	s15 =	ssub.s32 s6, s7;
	s6 =	sshll.u32 s24, $0xF  }
0x10: {  	s7 =	sadd.s32 $0x104800, s11;
	s10 =	sor.u32 s12, s4;
	s9 =	sadd.s32 s14, s2  }
.Ltmp0:
0x11: {  	s28 =	sadd.s32 s12, s11;
	s14 =	sshrl.u32 s14, $0x2;
	(pc) =	sbr.rel .LBB2_1-.Ltmp0, $4  }
0x12: {  	s12 =	sadd.s32 s30, s13;
	s0 =	sadd.s32 s5, s0;
	s26 =	sadd.s32 s1, s8  }
0x13: {  	s8 =	sadd.s32 s6, s7;
	s10 =	sshrl.u32 s10, $0x3;
	s11 =	sadd.s32 $0x1D800, s28  }
0x14: {  	s31 =	sadd.s32 s14, s13;
	s15 =	smax.u32 s15, $0x1;
	[dreg:$0x5] =	wrdreg s26  }
0x15: {  	v0 =	vimm.f32 $0.0e+00;
	s10 =	sadd.s32 s1, s10;
	[dreg:$0x6] =	wrdreg s31;
	s14 =	sadd.s32 $0x25800, s0  }
.LBB2_17:
0x16: {  	s29 =	sadd.s32 $0x1, s29  }
0x17: {  	p1 =	sne.s32 s29, s15  }
.Ltmp1:
0x18: {  	_ = 	snop;
	(pc) =	sbr.rel @!p1 .LBB2_18-.Ltmp1, $1  }
0x19: {  	_ =	sdelay $0x3  }
.LBB2_1:
0x1a: {  	s0 =	simm.s32 $0x0  }
0x1b: {  	s2 =	sand.u32 $0x1C00, s3;
	s13 =	simm.s32 $0x0;
	s0 =	sand.u32 $0x2000, s0  }
0x1c: {  	s13 =	sand.u32 $0x380, s13;
	s0 =	sor.u32 s2, s0  }
0x1d: {  	s31 =	sand.u32 $0x70, s3;
	s0 =	sor.u32 s13, s0  }
0x1e: {  	s2 =	sor.u32 s31, s0  }
0x1f: {  	s24 =	simm.s32 $0x0;
	s0 =	simm.s32 $0x1;
	[tilespmem:s2+$0x8800] =	vst v0;
	s2 =	simm.s32 $0x80  }
.LBB2_2:
0x20: {  	s13 =	sshll.u32 s0, $0x4;
	p1 =	sne.s32 s0, $0x3FF  }
0x21: {  	s28 =	smov.u32 s0;
	s0 =	sadd.s32 $0x1, s0;
	s30 =	sand.u32 $0x1C00, s2  }
.Ltmp2:
0x22: {  	s13 =	sand.u32 $0x2000, s13;
	s28 =	sshll.u32 s28, $0x1;
	(pc) =	sbr.rel @p1 .LBB2_2-.Ltmp2, $4  }
0x23: {  	s24 =	sadd.s32 $0x10, s24;
	s28 =	sand.u32 $0x380, s28;
	s13 =	sor.u32 s30, s13  }
0x24: {  	s30 =	sand.u32 $0x70, s24;
	s13 =	sor.u32 s28, s13  }
0x25: {  	s13 =	sor.u32 s30, s13  }
0x26: {  	s2 =	sadd.s32 $0x80, s2;
	[tilespmem:s13+$0x8800] =	vst v0  }
0x27: {  	s30 =	simm.s32 $0x0;
	s0 =	rddreg [dreg:$0x5]  }
0x28: {  	[tilespmem:s30], [sflag:$0x1] =	stream.linear.gather [hbm4b:s0+s30], $0x400, $0x38;
	[tilespmem:$0x18800] =	vst v63  }
0x29: {  	s31 =	simm.s32 $0x0  }
0x2a: {  	[tilespmem:s18], [sflag:$0x1] =	stream.strided.gather [hbm4b:s8+s16], $0x4000, s17, s16, $0x38;
	[tilespmem:$0x18800] =	vst v63  }
.LBB2_4:
0x2b: {  	_ =	swait.ge [sflag:s19], $0x400  }
0x2c: {  	s0 =	sshll.u32 s31, $0xB;
	[sflag:s19] =	ssyncset.done $0x0  }
0x2d: {  	s2 =	sor.u32 $0x400, s0;
	[sflag:s19] =	ssyncadd.s32 $0xFFFFFC00  }
0x2e: {  	s13 =	sor.u32 s4, s2;
	_ =	swait.ge [sflag:s19], $0x4000  }
0x2f: {  	s13 =	sshrl.u32 s13, $0x3;
	[sflag:s19] =	ssyncset.done $0x0  }
0x30: {  	s2 =	sor.u32 s2, s6;
	s13 =	sadd.s32 s1, s13;
	[sflag:s19] =	ssyncadd.s32 $0xFFFFC000  }
0x31: {  	[tilespmem:s20], [sflag:$0x2] =	stream.linear.gather [hbm4b:s13+s30], $0x400, $0x38;
	[tilespmem:$0x18800] =	vst v63  }
0x32: {  	s26 =	sor.u32 s30, s30;
	s2 =	sadd.s32 s2, s7  }
0x33: {  	[tilespmem:s21], [sflag:$0x2] =	stream.strided.gather [hbm4b:s2+s16], $0x4000, s17, s16, $0x38;
	[tilespmem:$0x18800] =	vst v63  }
0x34: {  	s2 =	sor.u32 $0x380, s26  }
0x35: {  	s5 =	sand.u32 $0x70, s30;
	s24 =	sand.u32 $0x1C00, s30;
	v6 =	vld [tilespmem:s2+$0x800]  }
0x36: {  	s26 =	sor.u32 s5, s24;
	v4 =	vld [tilespmem:s30+$0x0]  }
0x37: {  	v1 =	vld [tilespmem:s26+$0x2B80]  }
0x38: {  	v2 =	vld [tilespmem:s26+$0x2B00]  }
0x39: {  	v3 =	vld [tilespmem:s26+$0x2A80]  }
0x3a: {  	v7 =	vld [tilespmem:s26+$0xA00]  }
0x3b: {  	v8 =	vld [tilespmem:s26+$0x980]  }
0x3c: {  	v9 =	vld [tilespmem:s26+$0x900]  }
0x3d: {  	v10 =	vld [tilespmem:s26+$0x880]  }
0x3e: {  	v11 =	vld [tilespmem:s26+$0x800]  }
0x3f: {  	v12 =	vld [tilespmem:s26+$0xA80];
	v5 =	vshll.u32 v4, $0x3  }
0x40: {  	v13 =	vld [tilespmem:s26+$0xB00];
	v4 =	vand.u32 $0x7F, v4;
	v5 =	vand.u32 $0xFFFFFC00, v5  }
0x41: {  	v16 =	vld [tilespmem:s26+$0x2800];
	v14 =	vor.u32 v4, v5  }
0x42: {  	v18 =	vld [tilespmem:s26+$0x2880];
	v15 =	vor.u32 $0x80, v14  }
0x43: {  	v20 =	vld [tilespmem:s26+$0x2900];
	v17 =	vor.u32 $0x100, v14  }
0x44: {  	v4 =	vld [tilespmem:s26+$0x2A00];
	v19 =	vor.u32 $0x180, v14  }
0x45: {  	v5 =	vld [tilespmem:s26+$0x2980];
	v21 =	vor.u32 $0x200, v14  }
0x46: {  	v22 =	vor.u32 $0x280, v14;
	[tilespmem:v14+s22+$0x0] =	vst.idx.add.f32.msk $0xffff, v11  }
0x47: {  	v11 =	vor.u32 $0x300, v14;
	[tilespmem:v15+s22+$0x0] =	vst.idx.add.f32.msk $0xffff, v10  }
0x48: {  	v10 =	vor.u32 $0x380, v14;
	[tilespmem:v17+s22+$0x0] =	vst.idx.add.f32.msk $0xffff, v9  }
0x49: {  	v9 =	vadd.s32 $0x2000, v14;
	[tilespmem:v19+s22+$0x0] =	vst.idx.add.f32.msk $0xffff, v8  }
0x4a: {  	v8 =	vadd.s32 $0x2080, v14;
	[tilespmem:v21+s22+$0x0] =	vst.idx.add.f32.msk $0xffff, v7  }
0x4b: {  	[tilespmem:v22+s22+$0x0] =	vst.idx.add.f32.msk $0xffff, v12  }
0x4c: {  	v63 =	vadd.s32 $0x2100, v14;
	[tilespmem:v11+s22+$0x0] =	vst.idx.add.f32.msk $0xffff, v13  }
0x4d: {  	v7 =	vadd.s32 $0x2180, v14;
	[tilespmem:v10+s22+$0x0] =	vst.idx.add.f32.msk $0xffff, v6  }
0x4e: {  	v6 =	vadd.s32 $0x2200, v14;
	[tilespmem:v9+s22+$0x0] =	vst.idx.add.f32.msk $0xffff, v16  }
0x4f: {  	[tilespmem:v8+s22+$0x0] =	vst.idx.add.f32.msk $0xffff, v18;
	v8 =	vadd.s32 $0x2280, v14  }
0x50: {  	v9 =	vadd.s32 $0x2300, v14  }
0x51: {  	s28 =	simm.s32 $0x0;
	s24 =	simm.s32 $0x0;
	s2 =	simm.s32 $0x10;
	v10 =	vadd.s32 $0x2380, v14;
	[tilespmem:v63+s22+$0x0] =	vst.idx.add.f32.msk $0xffff, v20  }
.LBB2_5:
0x52: {  	p1 =	sne.s32 s2, $0x3F0;
	[tilespmem:v7+s22+$0x0] =	vst.idx.add.f32.msk $0xffff, v5;
	s28 =	sadd.s32 $0x80, s28;
	s24 =	sadd.s32 $0x10, s24  }
0x53: {  	s13 =	smov.u32 s2;
	s2 =	sadd.s32 $0x10, s2;
	[tilespmem:v6+s22+$0x0] =	vst.idx.add.f32.msk $0xffff, v4  }
0x54: {  	[tilespmem:v8+s22+$0x0] =	vst.idx.add.f32.msk $0xffff, v3  }
0x55: {  	s26 =	sor.u32 s28, s13;
	[tilespmem:v9+s22+$0x0] =	vst.idx.add.f32.msk $0xffff, v2  }
0x56: {  	s26 =	sor.u32 $0x380, s26;
	[tilespmem:v10+s22+$0x0] =	vst.idx.add.f32.msk $0xffff, v1  }
0x57: {  	s13 =	sand.u32 $0x70, s13;
	s5 =	sand.u32 $0x1C00, s28;
	v8 =	vld [tilespmem:s26+$0x800]  }
0x58: {  	s5 =	sor.u32 s13, s5;
	v4 =	vld [tilespmem:s24+$0x0]  }
0x59: {  	v1 =	vld [tilespmem:s5+$0x2B80]  }
0x5a: {  	v2 =	vld [tilespmem:s5+$0x2B00]  }
0x5b: {  	v3 =	vld [tilespmem:s5+$0x2A80]  }
0x5c: {  	v6 =	vld [tilespmem:s5+$0xA00]  }
0x5d: {  	v7 =	vld [tilespmem:s5+$0x980];
	v5 =	vshll.u32 v4, $0x3  }
0x5e: {  	v4 =	vand.u32 $0x7F, v4;
	v9 =	vld [tilespmem:s5+$0x900];
	v5 =	vand.u32 $0xFFFFFC00, v5  }
0x5f: {  	v10 =	vld [tilespmem:s5+$0x880];
	v11 =	vor.u32 v4, v5  }
0x60: {  	v12 =	vld [tilespmem:s5+$0x800];
	v13 =	vor.u32 $0x80, v11  }
0x61: {  	v15 =	vor.u32 $0x100, v11;
	v14 =	vld [tilespmem:s5+$0xA80]  }
0x62: {  	v17 =	vor.u32 $0x180, v11;
	v16 =	vld [tilespmem:s5+$0xB00]  }
0x63: {  	v18 =	vor.u32 $0x200, v11;
	v4 =	vld [tilespmem:s5+$0x2A00]  }
0x64: {  	v20 =	vor.u32 $0x280, v11;
	v19 =	vld [tilespmem:s5+$0x2800]  }
0x65: {  	v22 =	vor.u32 $0x300, v11;
	v21 =	vld [tilespmem:s5+$0x2880]  }
0x66: {  	v23 =	vld [tilespmem:s5+$0x2900]  }
0x67: {  	v5 =	vld [tilespmem:s5+$0x2980]  }
0x68: {  	[tilespmem:v11+s22+$0x0] =	vst.idx.add.f32.msk $0xffff, v12  }
0x69: {  	[tilespmem:v13+s22+$0x0] =	vst.idx.add.f32.msk $0xffff, v10;
	v10 =	vor.u32 $0x380, v11  }
0x6a: {  	[tilespmem:v15+s22+$0x0] =	vst.idx.add.f32.msk $0xffff, v9;
	v9 =	vadd.s32 $0x2000, v11  }
0x6b: {  	v12 =	vadd.s32 $0x2080, v11;
	[tilespmem:v17+s22+$0x0] =	vst.idx.add.f32.msk $0xffff, v7  }
0x6c: {  	v13 =	vadd.s32 $0x2100, v11;
	[tilespmem:v18+s22+$0x0] =	vst.idx.add.f32.msk $0xffff, v6  }
0x6d: {  	v7 =	vadd.s32 $0x2180, v11;
	[tilespmem:v20+s22+$0x0] =	vst.idx.add.f32.msk $0xffff, v14  }
.Ltmp3:
0x6e: {  	v6 =	vadd.s32 $0x2200, v11;
	[tilespmem:v22+s22+$0x0] =	vst.idx.add.f32.msk $0xffff, v16;
	(pc) =	sbr.rel @p1 .LBB2_5-.Ltmp3, $4  }
0x6f: {  	[tilespmem:v10+s22+$0x0] =	vst.idx.add.f32.msk $0xffff, v8;
	v8 =	vadd.s32 $0x2280, v11  }
0x70: {  	[tilespmem:v9+s22+$0x0] =	vst.idx.add.f32.msk $0xffff, v19;
	v9 =	vadd.s32 $0x2300, v11  }
0x71: {  	v10 =	vadd.s32 $0x2380, v11;
	[tilespmem:v12+s22+$0x0] =	vst.idx.add.f32.msk $0xffff, v21  }
0x72: {  	[tilespmem:v13+s22+$0x0] =	vst.idx.add.f32.msk $0xffff, v23  }
0x73: {  	_ =	sdelay $0x3  }
0x74: {  	[tilespmem:v7+s22+$0x0] =	vst.idx.add.f32.msk $0xffff, v5  }
0x75: {  	[tilespmem:v6+s22+$0x0] =	vst.idx.add.f32.msk $0xffff, v4  }
0x76: {  	[tilespmem:v8+s22+$0x0] =	vst.idx.add.f32.msk $0xffff, v3  }
0x77: {  	[tilespmem:v9+s22+$0x0] =	vst.idx.add.f32.msk $0xffff, v2  }
0x78: {  	[tilespmem:v10+s22+$0x0] =	vst.idx.add.f32.msk $0xffff, v1  }
0x79: {  	_ =	swait.ge [sflag:s23], $0x400  }
0x7a: {  	p1 =	seq.s32 s31, $0x3;
	[sflag:s23] =	ssyncset.done $0x0  }
0x7b: {  	s0 =	sadd.s32 @!p1 $0x800, s0;
	[sflag:s23] =	ssyncadd.s32 $0xFFFFFC00  }
0x7c: {  	s2 =	sadd.s32 @!p1 s4, s0;
	_ =	swait.ge [sflag:s23], $0x4000  }
0x7d: {  	s5 =	simm.s32 @!p1 $0x0;
	s2 =	sshrl.u32 @!p1 s2, $0x3;
	[sflag:s23] =	ssyncset.done $0x0  }
0x7e: {  	s13 =	simm.s32 @!p1 $0x800;
	s2 =	sadd.s32 @!p1 s1, s2;
	[sflag:s23] =	ssyncadd.s32 $0xFFFFC000  }
0x7f: {  	[tilespmem:s5], [sflag:$0x1] =	stream.linear.gather @!p1 [hbm4b:s2+s5], $0x400, $0x38;
	[tilespmem:$0x18800] =	vst v63  }
0x80: {  	s0 =	sadd.s32 @!p1 s0, s8;
	s2 =	simm.s32 @!p1 $0x2000;
	s5 =	simm.s32 @!p1 $0x20000  }
0x81: {  	[tilespmem:s13], [sflag:$0x1] =	stream.strided.gather @!p1 [hbm4b:s0+s2], $0x4000, s5, s2, $0x38;
	[tilespmem:$0x18800] =	vst v63  }
0x82: {  	s0 =	simm.s32 $0x0  }
0x83: {  	s2 =	simm.s32 $0x400;
	s5 =	sor.u32 s0, s0  }
0x84: {  	s26 =	sand.u32 $0x70, s0;
	s24 =	sand.u32 $0x1C00, s0;
	v4 =	vld [tilespmem:s2+$0x0];
	s13 =	sor.u32 $0x380, s5  }
0x85: {  	s26 =	sor.u32 s26, s24;
	v6 =	vld [tilespmem:s13+$0x4800]  }
0x86: {  	v1 =	vld [tilespmem:s26+$0x6B80]  }
0x87: {  	v2 =	vld [tilespmem:s26+$0x6B00]  }
0x88: {  	v3 =	vld [tilespmem:s26+$0x6A80]  }
0x89: {  	v7 =	vld [tilespmem:s26+$0x4A00]  }
0x8a: {  	v8 =	vld [tilespmem:s26+$0x4980]  }
0x8b: {  	v9 =	vld [tilespmem:s26+$0x4900]  }
0x8c: {  	v10 =	vld [tilespmem:s26+$0x4880]  }
0x8d: {  	v11 =	vld [tilespmem:s26+$0x4800]  }
0x8e: {  	v12 =	vld [tilespmem:s26+$0x4A80];
	v5 =	vshll.u32 v4, $0x3  }
0x8f: {  	v13 =	vld [tilespmem:s26+$0x4B00];
	v4 =	vand.u32 $0x7F, v4;
	v5 =	vand.u32 $0xFFFFFC00, v5  }
0x90: {  	v16 =	vld [tilespmem:s26+$0x6800];
	v14 =	vor.u32 v4, v5  }
0x91: {  	v18 =	vld [tilespmem:s26+$0x6880];
	v15 =	vor.u32 $0x80, v14  }
0x92: {  	v20 =	vld [tilespmem:s26+$0x6900];
	v17 =	vor.u32 $0x100, v14  }
0x93: {  	v4 =	vld [tilespmem:s26+$0x6A00];
	v19 =	vor.u32 $0x180, v14  }
0x94: {  	v5 =	vld [tilespmem:s26+$0x6980];
	v21 =	vor.u32 $0x200, v14  }
0x95: {  	v22 =	vor.u32 $0x280, v14;
	[tilespmem:v14+s22+$0x0] =	vst.idx.add.f32.msk $0xffff, v11  }
0x96: {  	v11 =	vor.u32 $0x300, v14;
	[tilespmem:v15+s22+$0x0] =	vst.idx.add.f32.msk $0xffff, v10  }
0x97: {  	v10 =	vor.u32 $0x380, v14;
	[tilespmem:v17+s22+$0x0] =	vst.idx.add.f32.msk $0xffff, v9  }
0x98: {  	v9 =	vadd.s32 $0x2000, v14;
	[tilespmem:v19+s22+$0x0] =	vst.idx.add.f32.msk $0xffff, v8  }
0x99: {  	[tilespmem:v21+s22+$0x0] =	vst.idx.add.f32.msk $0xffff, v7  }
0x9a: {  	[tilespmem:v22+s22+$0x0] =	vst.idx.add.f32.msk $0xffff, v12  }
0x9b: {  	v8 =	vadd.s32 $0x2080, v14;
	[tilespmem:v11+s22+$0x0] =	vst.idx.add.f32.msk $0xffff, v13  }
0x9c: {  	v63 =	vadd.s32 $0x2100, v14;
	[tilespmem:v10+s22+$0x0] =	vst.idx.add.f32.msk $0xffff, v6  }
0x9d: {  	[tilespmem:v9+s22+$0x0] =	vst.idx.add.f32.msk $0xffff, v16;
	v9 =	vadd.s32 $0x2180, v14  }
0x9e: {  	v7 =	vadd.s32 $0x2200, v14  }
0x9f: {  	v10 =	vadd.s32 $0x2280, v14  }
0xa0: {  	[tilespmem:v8+s22+$0x0] =	vst.idx.add.f32.msk $0xffff, v18;
	v8 =	vadd.s32 $0x2300, v14  }
0xa1: {  	s28 =	simm.s32 $0x10;
	v6 =	vadd.s32 $0x2380, v14;
	[tilespmem:v63+s22+$0x0] =	vst.idx.add.f32.msk $0xffff, v20  }
.LBB2_7:
0xa2: {  	p1 =	sne.s32 s28, $0x3F0;
	[tilespmem:v9+s22+$0x0] =	vst.idx.add.f32.msk $0xffff, v5;
	s0 =	sadd.s32 $0x80, s0;
	s2 =	sadd.s32 $0x10, s2  }
0xa3: {  	s5 =	smov.u32 s28;
	s28 =	sadd.s32 $0x10, s28;
	[tilespmem:v7+s22+$0x0] =	vst.idx.add.f32.msk $0xffff, v4  }
0xa4: {  	[tilespmem:v10+s22+$0x0] =	vst.idx.add.f32.msk $0xffff, v3  }
0xa5: {  	s13 =	sor.u32 s0, s5;
	[tilespmem:v8+s22+$0x0] =	vst.idx.add.f32.msk $0xffff, v2  }
0xa6: {  	s13 =	sor.u32 $0x380, s13;
	[tilespmem:v6+s22+$0x0] =	vst.idx.add.f32.msk $0xffff, v1  }
0xa7: {  	s5 =	sand.u32 $0x70, s5;
	s24 =	sand.u32 $0x1C00, s0;
	v6 =	vld [tilespmem:s13+$0x4800]  }
0xa8: {  	s5 =	sor.u32 s5, s24;
	v4 =	vld [tilespmem:s2+$0x0]  }
0xa9: {  	v1 =	vld [tilespmem:s5+$0x6B80]  }
0xaa: {  	v2 =	vld [tilespmem:s5+$0x6B00]  }
0xab: {  	v3 =	vld [tilespmem:s5+$0x6A80]  }
0xac: {  	v7 =	vld [tilespmem:s5+$0x4A00]  }
0xad: {  	v8 =	vld [tilespmem:s5+$0x4980];
	v5 =	vshll.u32 v4, $0x3  }
0xae: {  	v4 =	vand.u32 $0x7F, v4;
	v9 =	vld [tilespmem:s5+$0x4900];
	v5 =	vand.u32 $0xFFFFFC00, v5  }
0xaf: {  	v10 =	vld [tilespmem:s5+$0x4880];
	v11 =	vor.u32 v4, v5  }
0xb0: {  	v12 =	vld [tilespmem:s5+$0x4800];
	v13 =	vor.u32 $0x80, v11  }
0xb1: {  	v15 =	vor.u32 $0x100, v11;
	v14 =	vld [tilespmem:s5+$0x4A80]  }
0xb2: {  	v17 =	vor.u32 $0x180, v11;
	v16 =	vld [tilespmem:s5+$0x4B00]  }
0xb3: {  	v18 =	vor.u32 $0x200, v11;
	v4 =	vld [tilespmem:s5+$0x6A00]  }
0xb4: {  	v20 =	vor.u32 $0x280, v11;
	v19 =	vld [tilespmem:s5+$0x6800]  }
0xb5: {  	v22 =	vor.u32 $0x300, v11;
	v21 =	vld [tilespmem:s5+$0x6880]  }
0xb6: {  	v23 =	vld [tilespmem:s5+$0x6900]  }
0xb7: {  	v5 =	vld [tilespmem:s5+$0x6980]  }
0xb8: {  	[tilespmem:v11+s22+$0x0] =	vst.idx.add.f32.msk $0xffff, v12  }
0xb9: {  	[tilespmem:v13+s22+$0x0] =	vst.idx.add.f32.msk $0xffff, v10;
	v10 =	vor.u32 $0x380, v11  }
0xba: {  	v12 =	vadd.s32 $0x2000, v11;
	[tilespmem:v15+s22+$0x0] =	vst.idx.add.f32.msk $0xffff, v9  }
0xbb: {  	v13 =	vadd.s32 $0x2080, v11;
	[tilespmem:v17+s22+$0x0] =	vst.idx.add.f32.msk $0xffff, v8  }
0xbc: {  	v15 =	vadd.s32 $0x2100, v11;
	[tilespmem:v18+s22+$0x0] =	vst.idx.add.f32.msk $0xffff, v7  }
0xbd: {  	v9 =	vadd.s32 $0x2180, v11;
	[tilespmem:v20+s22+$0x0] =	vst.idx.add.f32.msk $0xffff, v14  }
.Ltmp4:
0xbe: {  	v7 =	vadd.s32 $0x2200, v11;
	[tilespmem:v22+s22+$0x0] =	vst.idx.add.f32.msk $0xffff, v16;
	(pc) =	sbr.rel @p1 .LBB2_7-.Ltmp4, $4  }
0xbf: {  	[tilespmem:v10+s22+$0x0] =	vst.idx.add.f32.msk $0xffff, v6;
	v10 =	vadd.s32 $0x2280, v11  }
0xc0: {  	v8 =	vadd.s32 $0x2300, v11;
	[tilespmem:v12+s22+$0x0] =	vst.idx.add.f32.msk $0xffff, v19  }
0xc1: {  	v6 =	vadd.s32 $0x2380, v11;
	[tilespmem:v13+s22+$0x0] =	vst.idx.add.f32.msk $0xffff, v21  }
0xc2: {  	[tilespmem:v15+s22+$0x0] =	vst.idx.add.f32.msk $0xffff, v23  }
0xc3: {  	_ =	sdelay $0x1  }
0xc4: {  	s31 =	sadd.s32 $0x1, s31  }
0xc5: {  	p1 =	sne.s32 s31, $0x4  }
.Ltmp5:
0xc6: {  	[tilespmem:v9+s22+$0x0] =	vst.idx.add.f32.msk $0xffff, v5;
	(pc) =	sbr.rel @p1 .LBB2_4-.Ltmp5, $4  }
0xc7: {  	[tilespmem:v7+s22+$0x0] =	vst.idx.add.f32.msk $0xffff, v4  }
0xc8: {  	[tilespmem:v10+s22+$0x0] =	vst.idx.add.f32.msk $0xffff, v3  }
0xc9: {  	[tilespmem:v8+s22+$0x0] =	vst.idx.add.f32.msk $0xffff, v2  }
0xca: {  	[tilespmem:v6+s22+$0x0] =	vst.idx.add.f32.msk $0xffff, v1  }
0xcb: {  	s0 =	simm.s32 $0x4000  }
0xcc: {  	[hbm4b:s9+s16] =	stream.strided.scatter [tilespmem:s22], [sflag:$0x3], $0x4000, s0, s16, $0x38;
	[tilespmem:$0x18800] =	vst v63  }
0xcd: {  	s2 =	simm.s32 $0x0;
	s0 =	simm.s32 $0x0  }
0xce: {  	s13 =	simm.s32 $0x0;
	s2 =	sand.u32 $0x2000, s2;
	s5 =	sand.u32 $0x1C00, s0  }
0xcf: {  	s13 =	sand.u32 $0x380, s13;
	_ =	swait.ge [sflag:s25], $0x4000;
	s2 =	sor.u32 s5, s2  }
0xd0: {  	s31 =	sand.u32 $0x70, s0;
	[sflag:s25] =	ssyncset.done $0x0;
	s2 =	sor.u32 s13, s2  }
0xd1: {  	[sflag:s25] =	ssyncadd.s32 $0xFFFFC000;
	s5 =	sor.u32 s31, s2  }
0xd2: {  	s24 =	simm.s32 $0x80;
	s2 =	simm.s32 $0x1;
	[tilespmem:s5+$0x8800] =	vst v0  }
.LBB2_10:
0xd3: {  	s5 =	sshll.u32 s2, $0x4;
	p1 =	sne.s32 s2, $0x3FF  }
0xd4: {  	s13 =	smov.u32 s2;
	s2 =	sadd.s32 $0x1, s2;
	s26 =	sand.u32 $0x1C00, s24  }
.Ltmp6:
0xd5: {  	s5 =	sand.u32 $0x2000, s5;
	s13 =	sshll.u32 s13, $0x1;
	(pc) =	sbr.rel @p1 .LBB2_10-.Ltmp6, $4  }
0xd6: {  	s0 =	sadd.s32 $0x10, s0;
	s13 =	sand.u32 $0x380, s13;
	s5 =	sor.u32 s26, s5  }
0xd7: {  	s26 =	sand.u32 $0x70, s0;
	s5 =	sor.u32 s13, s5  }
0xd8: {  	s5 =	sor.u32 s26, s5  }
0xd9: {  	s24 =	sadd.s32 $0x80, s24;
	[tilespmem:s5+$0x8800] =	vst v0  }
0xda: {  	s0 =	simm.s32 $0x0  }
0xdb: {  	[tilespmem:s0], [sflag:$0x1] =	stream.linear.gather [hbm4b:s10+s0], $0x200, $0x38;
	[tilespmem:$0x18800] =	vst v63  }
0xdc: {  	_ = 	snop  }
0xdd: {  	[tilespmem:s18], [sflag:$0x1] =	stream.linear.gather [hbm4b:s11+s0], $0x1000, $0x38;
	[tilespmem:$0x18800] =	vst v63  }
0xde: {  	s2 =	sadd.s32 $0x4000, s11;
	s5 =	simm.s32 $0x2800  }
0xdf: {  	[tilespmem:s5], [sflag:$0x1] =	stream.linear.gather [hbm4b:s2+s0], $0x1000, $0x38;
	[tilespmem:$0x18800] =	vst v63  }
0xe0: {  	_ =	swait.ge [sflag:s19], $0x200  }
0xe1: {  	[sflag:s19] =	ssyncset.done $0x0  }
0xe2: {  	[sflag:s19] =	ssyncadd.s32 $0xFFFFFE00  }
0xe3: {  	_ =	swait.ge [sflag:s19], $0x2000  }
0xe4: {  	s28 =	sor.u32 s0, s0;
	[sflag:s19] =	ssyncset.done $0x0  }
0xe5: {  	s2 =	sor.u32 $0x380, s28;
	[sflag:s19] =	ssyncadd.s32 $0xFFFFE000  }
0xe6: {  	s30 =	sand.u32 $0x70, s0;
	s13 =	sand.u32 $0xC00, s0;
	v6 =	vld [tilespmem:s2+$0x800]  }
0xe7: {  	s31 =	sor.u32 s30, s13;
	v4 =	vld [tilespmem:s0+$0x0]  }
0xe8: {  	v1 =	vld [tilespmem:s31+$0x2B80]  }
0xe9: {  	v2 =	vld [tilespmem:s31+$0x2B00]  }
0xea: {  	v3 =	vld [tilespmem:s31+$0x2A80]  }
0xeb: {  	v7 =	vld [tilespmem:s31+$0xA00]  }
0xec: {  	v8 =	vld [tilespmem:s31+$0x980]  }
0xed: {  	v9 =	vld [tilespmem:s31+$0x900]  }
0xee: {  	v10 =	vld [tilespmem:s31+$0x880]  }
0xef: {  	v11 =	vld [tilespmem:s31+$0x800]  }
0xf0: {  	v12 =	vld [tilespmem:s31+$0xA80];
	v5 =	vshll.u32 v4, $0x3  }
0xf1: {  	v13 =	vld [tilespmem:s31+$0xB00];
	v4 =	vand.u32 $0x7F, v4;
	v5 =	vand.u32 $0xFFFFFC00, v5  }
0xf2: {  	v16 =	vld [tilespmem:s31+$0x2800];
	v14 =	vor.u32 v4, v5  }
0xf3: {  	v18 =	vld [tilespmem:s31+$0x2880];
	v15 =	vor.u32 $0x80, v14  }
0xf4: {  	v20 =	vld [tilespmem:s31+$0x2900];
	v17 =	vor.u32 $0x100, v14  }
0xf5: {  	v4 =	vld [tilespmem:s31+$0x2A00];
	v19 =	vor.u32 $0x180, v14  }
0xf6: {  	v5 =	vld [tilespmem:s31+$0x2980];
	v21 =	vor.u32 $0x200, v14  }
0xf7: {  	v22 =	vor.u32 $0x280, v14;
	[tilespmem:v14+s22+$0x0] =	vst.idx.add.f32.msk $0xffff, v11  }
0xf8: {  	v11 =	vor.u32 $0x300, v14;
	[tilespmem:v15+s22+$0x0] =	vst.idx.add.f32.msk $0xffff, v10  }
0xf9: {  	v10 =	vor.u32 $0x380, v14;
	[tilespmem:v17+s22+$0x0] =	vst.idx.add.f32.msk $0xffff, v9  }
0xfa: {  	v9 =	vadd.s32 $0x2000, v14;
	[tilespmem:v19+s22+$0x0] =	vst.idx.add.f32.msk $0xffff, v8  }
0xfb: {  	v8 =	vadd.s32 $0x2080, v14;
	[tilespmem:v21+s22+$0x0] =	vst.idx.add.f32.msk $0xffff, v7  }
0xfc: {  	[tilespmem:v22+s22+$0x0] =	vst.idx.add.f32.msk $0xffff, v12  }
0xfd: {  	v63 =	vadd.s32 $0x2100, v14;
	[tilespmem:v11+s22+$0x0] =	vst.idx.add.f32.msk $0xffff, v13  }
0xfe: {  	v7 =	vadd.s32 $0x2180, v14;
	[tilespmem:v10+s22+$0x0] =	vst.idx.add.f32.msk $0xffff, v6  }
0xff: {  	v6 =	vadd.s32 $0x2200, v14;
	[tilespmem:v9+s22+$0x0] =	vst.idx.add.f32.msk $0xffff, v16  }
0x100: {  	[tilespmem:v8+s22+$0x0] =	vst.idx.add.f32.msk $0xffff, v18;
	v8 =	vadd.s32 $0x2280, v14  }
0x101: {  	v9 =	vadd.s32 $0x2300, v14  }
0x102: {  	s24 =	simm.s32 $0x0;
	s2 =	simm.s32 $0x10;
	v10 =	vadd.s32 $0x2380, v14;
	[tilespmem:v63+s22+$0x0] =	vst.idx.add.f32.msk $0xffff, v20  }
.LBB2_12:
0x103: {  	p1 =	sne.s32 s2, $0x1F0;
	[tilespmem:v7+s22+$0x0] =	vst.idx.add.f32.msk $0xffff, v5;
	s0 =	sadd.s32 $0x80, s0;
	s24 =	sadd.s32 $0x10, s24  }
0x104: {  	s5 =	smov.u32 s2;
	s2 =	sadd.s32 $0x10, s2;
	[tilespmem:v6+s22+$0x0] =	vst.idx.add.f32.msk $0xffff, v4  }
0x105: {  	[tilespmem:v8+s22+$0x0] =	vst.idx.add.f32.msk $0xffff, v3  }
0x106: {  	s13 =	sor.u32 s0, s5;
	[tilespmem:v9+s22+$0x0] =	vst.idx.add.f32.msk $0xffff, v2  }
0x107: {  	s13 =	sor.u32 $0x380, s13;
	[tilespmem:v10+s22+$0x0] =	vst.idx.add.f32.msk $0xffff, v1  }
0x108: {  	s5 =	sand.u32 $0x70, s5;
	s26 =	sand.u32 $0xC00, s0;
	v8 =	vld [tilespmem:s13+$0x800]  }
0x109: {  	s5 =	sor.u32 s5, s26;
	v4 =	vld [tilespmem:s24+$0x0]  }
0x10a: {  	v1 =	vld [tilespmem:s5+$0x2B80]  }
0x10b: {  	v2 =	vld [tilespmem:s5+$0x2B00]  }
0x10c: {  	v3 =	vld [tilespmem:s5+$0x2A80]  }
0x10d: {  	v6 =	vld [tilespmem:s5+$0xA00]  }
0x10e: {  	v7 =	vld [tilespmem:s5+$0x980];
	v5 =	vshll.u32 v4, $0x3  }
0x10f: {  	v4 =	vand.u32 $0x7F, v4;
	v9 =	vld [tilespmem:s5+$0x900];
	v5 =	vand.u32 $0xFFFFFC00, v5  }
0x110: {  	v10 =	vld [tilespmem:s5+$0x880];
	v11 =	vor.u32 v4, v5  }
0x111: {  	v12 =	vld [tilespmem:s5+$0x800];
	v13 =	vor.u32 $0x80, v11  }
0x112: {  	v15 =	vor.u32 $0x100, v11;
	v14 =	vld [tilespmem:s5+$0xA80]  }
0x113: {  	v17 =	vor.u32 $0x180, v11;
	v16 =	vld [tilespmem:s5+$0xB00]  }
0x114: {  	v18 =	vor.u32 $0x200, v11;
	v4 =	vld [tilespmem:s5+$0x2A00]  }
0x115: {  	v20 =	vor.u32 $0x280, v11;
	v19 =	vld [tilespmem:s5+$0x2800]  }
0x116: {  	v22 =	vor.u32 $0x300, v11;
	v21 =	vld [tilespmem:s5+$0x2880]  }
0x117: {  	v23 =	vld [tilespmem:s5+$0x2900]  }
0x118: {  	v5 =	vld [tilespmem:s5+$0x2980]  }
0x119: {  	[tilespmem:v11+s22+$0x0] =	vst.idx.add.f32.msk $0xffff, v12  }
0x11a: {  	[tilespmem:v13+s22+$0x0] =	vst.idx.add.f32.msk $0xffff, v10;
	v10 =	vor.u32 $0x380, v11  }
0x11b: {  	[tilespmem:v15+s22+$0x0] =	vst.idx.add.f32.msk $0xffff, v9;
	v9 =	vadd.s32 $0x2000, v11  }
0x11c: {  	v12 =	vadd.s32 $0x2080, v11;
	[tilespmem:v17+s22+$0x0] =	vst.idx.add.f32.msk $0xffff, v7  }
0x11d: {  	v13 =	vadd.s32 $0x2100, v11;
	[tilespmem:v18+s22+$0x0] =	vst.idx.add.f32.msk $0xffff, v6  }
0x11e: {  	v7 =	vadd.s32 $0x2180, v11;
	[tilespmem:v20+s22+$0x0] =	vst.idx.add.f32.msk $0xffff, v14  }
.Ltmp7:
0x11f: {  	v6 =	vadd.s32 $0x2200, v11;
	[tilespmem:v22+s22+$0x0] =	vst.idx.add.f32.msk $0xffff, v16;
	(pc) =	sbr.rel @p1 .LBB2_12-.Ltmp7, $4  }
0x120: {  	[tilespmem:v10+s22+$0x0] =	vst.idx.add.f32.msk $0xffff, v8;
	v8 =	vadd.s32 $0x2280, v11  }
0x121: {  	[tilespmem:v9+s22+$0x0] =	vst.idx.add.f32.msk $0xffff, v19;
	v9 =	vadd.s32 $0x2300, v11  }
0x122: {  	v10 =	vadd.s32 $0x2380, v11;
	[tilespmem:v12+s22+$0x0] =	vst.idx.add.f32.msk $0xffff, v21  }
0x123: {  	[tilespmem:v13+s22+$0x0] =	vst.idx.add.f32.msk $0xffff, v23  }
0x124: {  	_ =	sdelay $0x3  }
0x125: {  	[tilespmem:v7+s22+$0x0] =	vst.idx.add.f32.msk $0xffff, v5  }
0x126: {  	[tilespmem:v6+s22+$0x0] =	vst.idx.add.f32.msk $0xffff, v4  }
0x127: {  	[tilespmem:v8+s22+$0x0] =	vst.idx.add.f32.msk $0xffff, v3  }
0x128: {  	[tilespmem:v9+s22+$0x0] =	vst.idx.add.f32.msk $0xffff, v2  }
0x129: {  	[tilespmem:v10+s22+$0x0] =	vst.idx.add.f32.msk $0xffff, v1  }
0x12a: {  	[spmem:s12] =	stream.linear.scatter [tilespmem:s22], [sflag:$0x3], $0x4000, $0x38;
	[tilespmem:$0x18800] =	vst v63  }
.Ltmp8:
0x12b: {  	_ =	swait.ge [sflag:s25], $0x4000;
	(pc) =	sbr.rel @p0 .LBB2_17-.Ltmp8, $3  }
0x12c: {  	[sflag:s25] =	ssyncset.done $0x0  }
0x12d: {  	[sflag:s25] =	ssyncadd.s32 $0xFFFFC000  }
0x12e: {  	[bflag:$0x0] =	sbarrier.arrive $0xFFFF;
	_ =	sdelay $0x1  }
0x12f: {  	s0 =	rddreg [dreg:$0x6];
	s2 =	simm.s32 $0xC800  }
0x130: {  	[tilespmem:s2], [sflag:$0x3] =	stream.strided.gather [spmem:s0], $0x8000, s16, s20, $0x38;
	[tilespmem:$0x18800] =	vst v63  }
0x131: {  	s24 =	simm.s32 $0x0;
	s5 =	simm.s32 $0x0;
	_ =	swait.ge [sflag:s25], $0x8000  }
0x132: {  	s30 =	sand.u32 $0x70, s24;
	s26 =	sand.u32 $0x3FFFFF80, s5;
	[sflag:s25] =	ssyncset.done $0x0  }
0x133: {  	s0 =	sor.u32 s30, s26;
	[sflag:s25] =	ssyncadd.s32 $0xFFFF8000  }
0x134: {  	v1 =	vld [tilespmem:s0+$0xC800];
	_ =	sdelay $0x1  }
0x135: {  	v2 =	vld [tilespmem:s0+$0xD000];
	_ =	sdelay $0x1  }
0x136: {  	v3 =	vld [tilespmem:s0+$0xD800]  }
0x137: {  	v1 =	vadd.f32 $0.0e+00, v1  }
0x138: {  	v4 =	vld [tilespmem:s0+$0xE000]  }
0x139: {  	v1 =	vadd.f32 v2, v1  }
0x13a: {  	v2 =	vld [tilespmem:s0+$0xE800]  }
0x13b: {  	v1 =	vadd.f32 v3, v1  }
0x13c: {  	v3 =	vld [tilespmem:s0+$0xF000]  }
0x13d: {  	v1 =	vadd.f32 v4, v1  }
0x13e: {  	v60 =	vld [tilespmem:s0+$0xF800]  }
0x13f: {  	s0 =	sadd.s32 $0xC800, s0;
	v1 =	vadd.f32 v2, v1  }
0x140: {  	v2 =	vld [tilespmem:s0+$0x3800]  }
0x141: {  	v1 =	vadd.f32 v3, v1  }
0x142: {  	v3 =	vld [tilespmem:s0+$0x4000]  }
0x143: {  	v1 =	vadd.f32 v60, v1  }
0x144: {  	v61 =	vld [tilespmem:s0+$0x4800]  }
0x145: {  	v1 =	vadd.f32 v2, v1  }
0x146: {  	v2 =	vld [tilespmem:s0+$0x5000]  }
0x147: {  	v1 =	vadd.f32 v3, v1  }
0x148: {  	v3 =	vld [tilespmem:s0+$0x5800]  }
0x149: {  	v1 =	vadd.f32 v61, v1  }
0x14a: {  	v62 =	vld [tilespmem:s0+$0x6000]  }
0x14b: {  	v1 =	vadd.f32 v2, v1  }
0x14c: {  	v2 =	vld [tilespmem:s0+$0x6800]  }
0x14d: {  	v1 =	vadd.f32 v3, v1  }
0x14e: {  	v3 =	vld [tilespmem:s0+$0x7000]  }
0x14f: {  	v1 =	vadd.f32 v62, v1  }
0x150: {  	v63 =	vld [tilespmem:s0+$0x7800]  }
0x151: {  	v1 =	vadd.f32 v2, v1;
	_ =	sdelay $0x1  }
0x152: {  	s13 =	simm.s32 $0x0;
	s28 =	simm.s32 $0x2;
	s24 =	simm.s32 $0x10;
	v1 =	vadd.f32 v3, v1  }
0x153: {  	s2 =	simm.s32 $0x10;
	s13 =	sand.u32 $0x2000, s13;
	s5 =	sand.u32 $0x380, s5  }
0x154: {  	s31 =	sand.u32 $0x70, s24;
	s13 =	sor.u32 s5, s13;
	s0 =	simm.s32 $0x1;
	v1 =	vadd.f32 v63, v1  }
.LBB2_15:
0x155: {  	p1 =	sne.s32 s28, $0x7F;
	s5 =	sand.u32 $0x3FFFFF80, s2;
	s13 =	sor.u32 s30, s13  }
0x156: {  	s30 =	smov.u32 s31;
	s5 =	sor.u32 s31, s5;
	[tilespmem:s13+$0x800] =	vst v1  }
0x157: {  	v1 =	vld [tilespmem:s5+$0xC800];
	_ =	sdelay $0x1  }
0x158: {  	v2 =	vld [tilespmem:s5+$0xD000];
	_ =	sdelay $0x1  }
0x159: {  	v3 =	vld [tilespmem:s5+$0xD800]  }
0x15a: {  	v1 =	vadd.f32 $0.0e+00, v1  }
0x15b: {  	v4 =	vld [tilespmem:s5+$0xE000]  }
0x15c: {  	v1 =	vadd.f32 v2, v1  }
0x15d: {  	v2 =	vld [tilespmem:s5+$0xE800]  }
0x15e: {  	v1 =	vadd.f32 v3, v1  }
0x15f: {  	v3 =	vld [tilespmem:s5+$0xF000]  }
0x160: {  	v1 =	vadd.f32 v4, v1  }
0x161: {  	v4 =	vld [tilespmem:s5+$0xF800]  }
0x162: {  	s5 =	sadd.s32 $0xC800, s5;
	v1 =	vadd.f32 v2, v1  }
0x163: {  	v2 =	vld [tilespmem:s5+$0x3800]  }
0x164: {  	v1 =	vadd.f32 v3, v1  }
0x165: {  	v3 =	vld [tilespmem:s5+$0x4000]  }
0x166: {  	v1 =	vadd.f32 v4, v1  }
0x167: {  	v4 =	vld [tilespmem:s5+$0x4800]  }
0x168: {  	v1 =	vadd.f32 v2, v1  }
0x169: {  	v2 =	vld [tilespmem:s5+$0x5000]  }
0x16a: {  	v1 =	vadd.f32 v3, v1  }
0x16b: {  	v3 =	vld [tilespmem:s5+$0x5800]  }
0x16c: {  	v1 =	vadd.f32 v4, v1  }
0x16d: {  	v4 =	vld [tilespmem:s5+$0x6000]  }
0x16e: {  	v1 =	vadd.f32 v2, v1  }
0x16f: {  	v2 =	vld [tilespmem:s5+$0x6800]  }
0x170: {  	v1 =	vadd.f32 v3, v1  }
0x171: {  	v3 =	vld [tilespmem:s5+$0x7000]  }
0x172: {  	v1 =	vadd.f32 v4, v1  }
0x173: {  	v4 =	vld [tilespmem:s5+$0x7800]  }
.Ltmp9:
0x174: {  	v1 =	vadd.f32 v2, v1;
	(pc) =	sbr.rel @p1 .LBB2_15-.Ltmp9, $4  }
0x175: {  	_ = 	snop  }
0x176: {  	s24 =	sadd.s32 $0x10, s24;
	s5 =	sshll.u32 s0, $0x7;
	s0 =	smov.u32 s28;
	v1 =	vadd.f32 v3, v1  }
0x177: {  	s13 =	sand.u32 $0x380, s2;
	s2 =	sshll.u32 s28, $0x4;
	s5 =	sand.u32 $0x2000, s5  }
0x178: {  	s31 =	sand.u32 $0x70, s24;
	s28 =	sadd.s32 $0x1, s28;
	s13 =	sor.u32 s13, s5;
	v1 =	vadd.f32 v4, v1  }
0x179: {  	s5 =	sand.u32 $0x3FFFFF80, s2;
	s13 =	sor.u32 s30, s13  }
0x17a: {  	s5 =	sor.u32 s31, s5;
	[tilespmem:s13+$0x800] =	vst v1  }
0x17b: {  	v1 =	vld [tilespmem:s5+$0xC800];
	_ =	sdelay $0x1  }
0x17c: {  	v2 =	vld [tilespmem:s5+$0xD000];
	_ =	sdelay $0x1  }
0x17d: {  	v3 =	vld [tilespmem:s5+$0xD800]  }
0x17e: {  	v1 =	vadd.f32 $0.0e+00, v1  }
0x17f: {  	v4 =	vld [tilespmem:s5+$0xE000]  }
0x180: {  	v1 =	vadd.f32 v2, v1  }
0x181: {  	v2 =	vld [tilespmem:s5+$0xE800]  }
0x182: {  	v1 =	vadd.f32 v3, v1  }
0x183: {  	v3 =	vld [tilespmem:s5+$0xF000]  }
0x184: {  	v1 =	vadd.f32 v4, v1  }
0x185: {  	v60 =	vld [tilespmem:s5+$0xF800]  }
0x186: {  	s5 =	sadd.s32 $0xC800, s5;
	v1 =	vadd.f32 v2, v1  }
0x187: {  	v2 =	vld [tilespmem:s5+$0x3800]  }
0x188: {  	v1 =	vadd.f32 v3, v1  }
0x189: {  	v3 =	vld [tilespmem:s5+$0x4000]  }
0x18a: {  	v1 =	vadd.f32 v60, v1  }
0x18b: {  	v61 =	vld [tilespmem:s5+$0x4800]  }
0x18c: {  	v1 =	vadd.f32 v2, v1  }
0x18d: {  	v2 =	vld [tilespmem:s5+$0x5000]  }
0x18e: {  	v1 =	vadd.f32 v3, v1  }
0x18f: {  	v3 =	vld [tilespmem:s5+$0x5800]  }
0x190: {  	v1 =	vadd.f32 v61, v1  }
0x191: {  	v62 =	vld [tilespmem:s5+$0x6000]  }
0x192: {  	v1 =	vadd.f32 v2, v1  }
0x193: {  	v2 =	vld [tilespmem:s5+$0x6800]  }
0x194: {  	v1 =	vadd.f32 v3, v1  }
0x195: {  	v3 =	vld [tilespmem:s5+$0x7000]  }
0x196: {  	v1 =	vadd.f32 v62, v1  }
0x197: {  	v63 =	vld [tilespmem:s5+$0x7800]  }
0x198: {  	v1 =	vadd.f32 v2, v1;
	_ =	sdelay $0x1  }
0x199: {  	s0 =	sshll.u32 s0, $0x7;
	v1 =	vadd.f32 v3, v1  }
0x19a: {  	s28 =	sand.u32 $0x380, s2;
	s0 =	sand.u32 $0x2000, s0  }
0x19b: {  	s0 =	sor.u32 s28, s0;
	v1 =	vadd.f32 v63, v1  }
0x19c: {  	s0 =	sor.u32 s31, s0  }
0x19d: {  	[tilespmem:s0+$0x800] =	vst v1  }
0x19e: {  	[hbm4b:s14+s3] =	stream.linear.scatter [tilespmem:s18], [sflag:$0x3], $0x400, $0x38;
	[tilespmem:$0x18800] =	vst v63  }
.Ltmp10:
0x19f: {  	s30 =	sadd.s32 $0x800, s14;
	s31 =	simm.s32 $0x2800;
	(pc) =	sbr.rel .LBB2_17-.Ltmp10, $4  }
0x1a0: {  	[hbm4b:s30+s3] =	stream.linear.scatter [tilespmem:s31], [sflag:$0x3], $0x400, $0x38;
	[tilespmem:$0x18800] =	vst v63  }
0x1a1: {  	_ =	swait.ge [sflag:s25], $0x800  }
0x1a2: {  	[sflag:s25] =	ssyncset.done $0x0  }
0x1a3: {  	[sflag:s25] =	ssyncadd.s32 $0xFFFFF800  }
.LBB2_18:
0x1a4: {  	_ =	sfence.sel $0x180000  }
0x1a5: {  	[bflag:$0x0] =	sbarrier.arrive $0xFFFF  }
0x1a6: {  	_ =	strace $0x90000050  }
0x1a7: {  	s0 =	stileid.u32;
	[bflag:$0x2] =	sbarrier.arrive $0xFFFF  }
0x1a8: {  	p0 =	sne.s32 s0, $0x0;
	s0 =	rddreg [dreg:$0x4]  }
0x1a9: {  	s0 =	sadd.s32 @!p0 $0x100000, s0  }
0x1aa: {  	[sflag:s0] =	ssyncadd.tile.s32 @!p0 $0x1;
	_ =	shalt  }
.Lfunc_end2:
_tile_overlayer_lowered:
.L_overlay_start_2:
0x1ab: {  	(tag) =	ssettag $0x2  }
0x1ac: {  	s0 =	rddreg [dreg:$0x0];
	s2 =	stileid.u32  }
0x1ad: {  	s1 =	rddreg [dreg:$0x1];
	p0 =	sne.s32 s2, $0x0  }
0x1ae: {  	s3 =	rddreg [dreg:$0x2];
	[bflag:$0x3] =	sbarrier.arrive $0xFFFF;
	s2 =	simm.s32 @!p0 $0x1C03  }
0x1af: {  	[timem:s3], [sflag:s2] =	dma.local @!p0 [hbm:s0], s1  }
0x1b0: {  	s0 =	simm.s32 @!p0 $0x3  }
0x1b1: {  	_ =	swait.ge @!p0 [sflag:s0], s1  }
0x1b2: {  	s1 =	ssub.s32 @!p0 $0x0, s1;
	[sflag:s0] =	ssyncset.done @!p0 $0x0  }
0x1b3: {  	[sflag:s0] =	ssyncadd.s32 @!p0 s1  }
0x1b4: {  	[bflag:$0x3] =	sbarrier.arrive $0xFFFF  }
0x1b5: {  	_ =	shalt  }

</sc_bundles>
